<compile_context>
chip_gen: v7x
topology: tpu7x:2x2x1
jax: 0.10.2.dev20260603
libtpu: 0.0.44.dev20260713+nightly
codegen_flags: <defaults>
</compile_context>

<pallas_src>
import functools

import jax
import jax.numpy as jnp
from jax import lax
from jax.experimental import pallas as pl
from jax.experimental.pallas import tpu as pltpu
from jax.experimental.pallas import tpu_sc as plsc

B = 4096
S = 200
D = 64
NCLS = 10
V = 1000000
CH = 100
NCH = S // CH
LANES = 16
GK = 8192
VP = 1000064
PROWS = V * LANES // 128


def _sc_info():
    try:
        info = plsc.get_sparse_core_info()
        return info.num_cores, info.num_subcores
    except Exception:
        return 2, 16


def _project(tt, wtp):
    ng = (V + GK - 1) // GK
    rem = VP - (ng - 1) * GK

    def body(wt_ref, tt_ref, o_hbm, y_v, sem):
        g = pl.program_id(0)
        y_v[...] = lax.dot_general(wt_ref[...], tt_ref[...],
                                   (((1,), (0,)), ((), ())),
                                   preferred_element_type=jnp.float32)

        @pl.when(g < ng - 1)
        def _():
            cps = [pltpu.make_async_copy(
                y_v.at[j], o_hbm.at[pl.ds(j * VP + g * GK, GK)], sem)
                for j in range(LANES)]
            for cp in cps:
                cp.start()
            for cp in cps:
                cp.wait()

        @pl.when(g == ng - 1)
        def _():
            cps = [pltpu.make_async_copy(
                y_v.at[j, pl.ds(0, rem)],
                o_hbm.at[pl.ds(j * VP + g * GK, rem)], sem)
                for j in range(LANES)]
            for cp in cps:
                cp.start()
            for cp in cps:
                cp.wait()

    return pl.pallas_call(
        body,
        grid=(ng,),
        in_specs=[pl.BlockSpec((LANES, D), lambda g: (0, 0)),
                  pl.BlockSpec((D, GK), lambda g: (0, g))],
        out_specs=pl.BlockSpec(memory_space=pl.ANY),
        out_shape=jax.ShapeDtypeStruct((LANES * VP,), jnp.float32),
        scratch_shapes=[pltpu.VMEM((LANES, GK), jnp.float32),
                        pltpu.SemaphoreType.DMA],
    )(wtp, tt)


CHK = 1600
NCHK = V // CHK
CUNR = 4


def _pack(ptf):
    ncores, nsub = _sc_info()
    nw = ncores * nsub
    tmax = (NCHK + nw - 1) // nw
    mesh = plsc.VectorSubcoreMesh(
        core_axis_name="c", subcore_axis_name="s",
        num_cores=ncores, num_subcores=nsub)

    @functools.partial(
        pl.kernel,
        out_type=jax.ShapeDtypeStruct((V, LANES), jnp.float32),
        mesh=mesh,
        compiler_params=pltpu.CompilerParams(use_tc_tiling_on_sc=False,
                                             needs_layout_passes=False),
        scratch_types=[
            pltpu.VMEM((LANES, CHK), jnp.float32),
            pltpu.VMEM((LANES, CHK), jnp.float32),
            pltpu.VMEM((CHK, LANES + 1), jnp.float32),
            pltpu.SemaphoreType.DMA,
            pltpu.SemaphoreType.DMA,
        ],
    )
    def k(ptf_hbm, out_hbm, ptv0, ptv1, outv, sem0, sem1):
        wid = lax.axis_index("s") * ncores + lax.axis_index("c")
        lanes_iota = lax.iota(jnp.int32, LANES)
        jcols = [jnp.full((LANES,), j, jnp.int32) for j in range(LANES)]
        bufs = (ptv0, ptv1)
        sems = (sem0, sem1)

        def descs(cid, buf, sem):
            e0 = cid * CHK
            return [pltpu.make_async_copy(
                ptf_hbm.at[pl.ds(j * VP + e0, CHK)], buf.at[j], sem)
                for j in range(LANES)]

        @pl.when(wid < NCHK)
        def _():
            for cp in descs(wid, ptv0, sem0):
                cp.start()

        def chunk(t, _):
            for par in range(2):
                buf, sem = bufs[par], sems[par]
                nbuf_, nsem = bufs[1 - par], sems[1 - par]

                @pl.when(lax.rem(t, 2) == par)
                def _():
                    cid = wid + nw * t

                    @pl.when(cid < NCHK)
                    def _():
                        @pl.when(cid + nw < NCHK)
                        def _():
                            for cp in descs(cid + nw, nbuf_, nsem):
                                cp.start()
                        for cp in descs(cid, buf, sem):
                            cp.wait()

                        def col(c, _):
                            for u in range(CUNR):
                                idx0 = ((c * CUNR + u) * LANES
                                        + lanes_iota)
                                for j in range(LANES):
                                    row = buf[j, pl.ds(
                                        (c * CUNR + u) * LANES, LANES)]
                                    plsc.store_scatter(
                                        outv, [idx0, jcols[j]], row)
                            return 0
                        lax.fori_loop(0, CHK // (LANES * CUNR), col, 0)
                        pltpu.sync_copy(
                            outv.at[:, pl.ds(0, LANES)],
                            out_hbm.at[pl.ds(cid * CHK, CHK)])
            return 0

        lax.fori_loop(0, tmax, chunk, 0)

    return k(ptf)


def _pooled_sum(idx2d, p4):
    ncores, nsub = _sc_info()
    nw = ncores * nsub
    bpw = B // nw
    mesh = plsc.VectorSubcoreMesh(
        core_axis_name="c", subcore_axis_name="s",
        num_cores=ncores, num_subcores=nsub)

    nbuf = 8
    nchunks = NCH * bpw
    rows_per_g = nbuf // NCH

    @functools.partial(
        pl.kernel,
        out_type=jax.ShapeDtypeStruct((B, LANES), jnp.float32),
        mesh=mesh,
        compiler_params=pltpu.CompilerParams(use_tc_tiling_on_sc=False),
        scratch_types=[
            pltpu.VMEM((NCH * bpw, CH), jnp.int32),
            [pltpu.VMEM((CH, LANES), jnp.float32) for _ in range(nbuf)],
            pltpu.VMEM((bpw, LANES), jnp.float32),
            [pltpu.SemaphoreType.DMA for _ in range(nbuf)],
        ],
    )
    def k(idx_hbm, p4_hbm, out_hbm, idx_v, bufs, acc_v, sems):
        wid = lax.axis_index("s") * ncores + lax.axis_index("c")
        irow = wid * nchunks
        pltpu.sync_copy(idx_hbm.at[pl.ds(irow, nchunks)], idx_v)

        def fire(j, slot):
            pltpu.async_copy(p4_hbm.at[idx_v.at[j]], bufs[slot], sems[slot])

        def drain(j, slot):
            pltpu.make_async_copy(
                p4_hbm.at[idx_v.at[j]], bufs[slot], sems[slot]).wait()

        def reduce_chunk(buf, acc):
            unroll = 4
            def body(t, acc):
                for u in range(unroll):
                    acc = acc + buf[t * unroll + u, pl.ds(0, LANES)]
                return acc
            return lax.fori_loop(0, CH // unroll, body, acc)

        for slot in range(nbuf):
            fire(slot, slot)

        def step(g, _):
            j0 = g * nbuf
            for r in range(rows_per_g):
                acc = jnp.zeros((LANES,), jnp.float32)
                for h in range(NCH):
                    slot = r * NCH + h
                    j = j0 + slot
                    drain(j, slot)
                    acc = reduce_chunk(bufs[slot], acc)

                    @pl.when(j + nbuf < nchunks)
                    def _():
                        fire(j + nbuf, slot)
                acc_v[g * rows_per_g + r, pl.ds(0, LANES)] = acc
            return 0

        lax.fori_loop(0, nchunks // nbuf, step, 0)
        pltpu.sync_copy(acc_v, out_hbm.at[pl.ds(wid * bpw, bpw)])

    return k(idx2d, p4)


def _tail(pp, b16):
    def body(pp_ref, b_ref, o_ref):
        logits = pp_ref[...][:, :NCLS] * (1.0 / S) + b_ref[...][:, :NCLS]
        m = jnp.max(logits, axis=1, keepdims=True)
        e = jnp.exp(logits - m)
        lse = jnp.log(jnp.sum(e, axis=1, keepdims=True)) + m
        o_ref[...] = logits - lse

    return pl.pallas_call(
        body,
        out_shape=jax.ShapeDtypeStruct((B, NCLS), jnp.float32),
    )(pp, b16)


def kernel(input, table, W, b):
    idx2d = input.astype(jnp.int32).reshape(B * NCH, CH)
    tt = table.T
    wtp = jnp.pad(W.T, ((0, LANES - NCLS), (0, 0)))
    b16 = jnp.pad(b, (0, LANES - NCLS)).reshape(1, LANES)
    ptf = _project(tt, wtp)
    p4 = _pack(ptf)
    pp = _pooled_sum(idx2d, p4)
    return _tail(pp, b16)

# --- scband reference (transcript-rebuilt; emitter-appended) ---
"""Pipeline reference for scband-word-classifier-base-20830591386318 (READ-ONLY COPY).

The authoritative reference and input builder live on the scoring server;
editing this copy changes nothing except your own understanding.
"""

import jax, jax.numpy as jnp
import numpy as np

VOCAB = 1000000
DSZ = 64
NC = 10
BATCH = 4096
SEQ = 200


def setup_inputs(seed: int = 0) -> dict:
    key = jax.random.key(seed)
    k1, k2, k3 = jax.random.split(key, 3)
    inp = jax.random.randint(k1, (BATCH, SEQ), 0, VOCAB, dtype=jnp.int64 if jax.config.jax_enable_x64 else jnp.int32)
    table = jax.random.normal(k2, (VOCAB, DSZ), dtype=jnp.float32) * 0.02
    W = jax.random.normal(k3, (DSZ, NC), dtype=jnp.float32) * (1.0 / np.sqrt(DSZ))
    b = jnp.zeros((NC,), dtype=jnp.float32)
    return {"input": inp, "table": table, "W": W, "b": b}


def reference(input, table, W, b):
    # lut: embedding lookup (gather)
    embeddings = jnp.take(table, input, axis=0)  # [B, S, dsz]
    # _pool: mean pooling over the sequence axis (concrete pool choice for the abstract base)
    pooled = jnp.mean(embeddings, axis=1)  # [B, dsz]
    # _stacked: identity in the base class
    stacked = pooled
    # output: Linear -> LogSoftmax(dim=1)
    logits = stacked @ W + b  # [B, nc]
    return jax.nn.log_softmax(logits, axis=1)

if __name__ == "__main__":
    import jax
    _d = setup_inputs()
    print(jax.jit(kernel)(*tuple(_d.values())))

</pallas_src>

<mosaic_0001>
#map = affine_map<(d0, d1) -> (0)>
#map1 = affine_map<(d0, d1) -> (0, 0)>
module attributes {stable_mosaic.version = 14 : i64} {
  func.func @k(%arg0: i32, %arg1: i32, %arg2: memref<16001024xf32, #tpu.memory_space<hbm>>, %arg3: memref<1000000x16xf32, #tpu.memory_space<hbm>>, %arg4: memref<16x1600xf32, #tpu.memory_space<vmem>>, %arg5: memref<16x1600xf32, #tpu.memory_space<vmem>>, %arg6: memref<1600x17xf32, #tpu.memory_space<vmem>>, %arg7: memref<!tpu.dma_semaphore, #tpu.memory_space<semaphore_mem>>, %arg8: memref<!tpu.dma_semaphore, #tpu.memory_space<semaphore_mem>>) attributes {dimension_semantics = [#tpu.dimension_semantics<core_parallel>, #tpu.dimension_semantics<subcore_parallel>], iteration_bounds = array<i64: 2, 16>, scalar_prefetch = 0 : i64, scratch_operands = 5 : i64, tpu.core_type = #tpu.core_type<sc_vector_subcore>, window_params = [{transform_indices = #map}, {transform_indices = #map1}]} {
    %mul3A = arith.constant 2 : i32
    %mul3A_0 = arith.muli %arg1, %mul3A : i32
    %add3A = arith.addi %mul3A_0, %arg0 : i32
    %iota3A = tpu.iota {dimensions = array<i32: 0>} : vector<16xi32>
    %broadcast_in_dim3A = arith.constant 0 : i32
    %broadcast_in_dim3A_1 = vector.broadcast %broadcast_in_dim3A : i32 to vector<16xi32>
    %broadcast_in_dim3A_2 = arith.constant 1 : i32
    %broadcast_in_dim3A_3 = vector.broadcast %broadcast_in_dim3A_2 : i32 to vector<16xi32>
    %broadcast_in_dim3A_4 = arith.constant 2 : i32
    %broadcast_in_dim3A_5 = vector.broadcast %broadcast_in_dim3A_4 : i32 to vector<16xi32>
    %broadcast_in_dim3A_6 = arith.constant 3 : i32
    %broadcast_in_dim3A_7 = vector.broadcast %broadcast_in_dim3A_6 : i32 to vector<16xi32>
    %broadcast_in_dim3A_8 = arith.constant 4 : i32
    %broadcast_in_dim3A_9 = vector.broadcast %broadcast_in_dim3A_8 : i32 to vector<16xi32>
    %broadcast_in_dim3A_10 = arith.constant 5 : i32
    %broadcast_in_dim3A_11 = vector.broadcast %broadcast_in_dim3A_10 : i32 to vector<16xi32>
    %broadcast_in_dim3A_12 = arith.constant 6 : i32
    %broadcast_in_dim3A_13 = vector.broadcast %broadcast_in_dim3A_12 : i32 to vector<16xi32>
    %broadcast_in_dim3A_14 = arith.constant 7 : i32
    %broadcast_in_dim3A_15 = vector.broadcast %broadcast_in_dim3A_14 : i32 to vector<16xi32>
    %broadcast_in_dim3A_16 = arith.constant 8 : i32
    %broadcast_in_dim3A_17 = vector.broadcast %broadcast_in_dim3A_16 : i32 to vector<16xi32>
    %broadcast_in_dim3A_18 = arith.constant 9 : i32
    %broadcast_in_dim3A_19 = vector.broadcast %broadcast_in_dim3A_18 : i32 to vector<16xi32>
    %broadcast_in_dim3A_20 = arith.constant 10 : i32
    %broadcast_in_dim3A_21 = vector.broadcast %broadcast_in_dim3A_20 : i32 to vector<16xi32>
    %broadcast_in_dim3A_22 = arith.constant 11 : i32
    %broadcast_in_dim3A_23 = vector.broadcast %broadcast_in_dim3A_22 : i32 to vector<16xi32>
    %broadcast_in_dim3A_24 = arith.constant 12 : i32
    %broadcast_in_dim3A_25 = vector.broadcast %broadcast_in_dim3A_24 : i32 to vector<16xi32>
    %broadcast_in_dim3A_26 = arith.constant 13 : i32
    %broadcast_in_dim3A_27 = vector.broadcast %broadcast_in_dim3A_26 : i32 to vector<16xi32>
    %broadcast_in_dim3A_28 = arith.constant 14 : i32
    %broadcast_in_dim3A_29 = vector.broadcast %broadcast_in_dim3A_28 : i32 to vector<16xi32>
    %broadcast_in_dim3A_30 = arith.constant 15 : i32
    %broadcast_in_dim3A_31 = vector.broadcast %broadcast_in_dim3A_30 : i32 to vector<16xi32>
    %lt3A = arith.constant 625 : i32
    %lt3A_32 = arith.cmpi slt, %add3A, %lt3A : i32
    %convert_element_type3A = arith.extui %lt3A_32 : i1 to i32
    %cond3A = arith.constant 0 : i32
    %cond3A_33 = arith.cmpi ne, %convert_element_type3A, %cond3A : i32
    scf.if %cond3A_33 {
      %mul3A_40 = arith.constant 1600 : i32
      %mul3A_41 = arith.muli %add3A, %mul3A_40 : i32
      %add3A_42 = arith.constant 0 : i32
      %add3A_43 = arith.addi %add3A_42, %mul3A_41 : i32
      %add3A_44 = arith.constant 1000064 : i32
      %add3A_45 = arith.addi %add3A_44, %mul3A_41 : i32
      %add3A_46 = arith.constant 2000128 : i32
      %add3A_47 = arith.addi %add3A_46, %mul3A_41 : i32
      %add3A_48 = arith.constant 3000192 : i32
      %add3A_49 = arith.addi %add3A_48, %mul3A_41 : i32
      %add3A_50 = arith.constant 4000256 : i32
      %add3A_51 = arith.addi %add3A_50, %mul3A_41 : i32
      %add3A_52 = arith.constant 5000320 : i32
      %add3A_53 = arith.addi %add3A_52, %mul3A_41 : i32
      %add3A_54 = arith.constant 6000384 : i32
      %add3A_55 = arith.addi %add3A_54, %mul3A_41 : i32
      %add3A_56 = arith.constant 7000448 : i32
      %add3A_57 = arith.addi %add3A_56, %mul3A_41 : i32
      %add3A_58 = arith.constant 8000512 : i32
      %add3A_59 = arith.addi %add3A_58, %mul3A_41 : i32
      %add3A_60 = arith.constant 9000576 : i32
      %add3A_61 = arith.addi %add3A_60, %mul3A_41 : i32
      %add3A_62 = arith.constant 10000640 : i32
      %add3A_63 = arith.addi %add3A_62, %mul3A_41 : i32
      %add3A_64 = arith.constant 11000704 : i32
      %add3A_65 = arith.addi %add3A_64, %mul3A_41 : i32
      %add3A_66 = arith.constant 12000768 : i32
      %add3A_67 = arith.addi %add3A_66, %mul3A_41 : i32
      %add3A_68 = arith.constant 13000832 : i32
      %add3A_69 = arith.addi %add3A_68, %mul3A_41 : i32
      %add3A_70 = arith.constant 14000896 : i32
      %add3A_71 = arith.addi %add3A_70, %mul3A_41 : i32
      %add3A_72 = arith.constant 15000960 : i32
      %add3A_73 = arith.addi %add3A_72, %mul3A_41 : i32
      %dma_start3A = arith.constant 0 : i32
      %dma_start3A_74 = arith.constant 0 : i32
      %dma_start3A_75 = tpu.memref_slice %arg4[%dma_start3A, %dma_start3A_74] : memref<16x1600xf32, #tpu.memory_space<vmem>> -> memref<1x1600xf32, #tpu.memory_space<vmem>>
      %dma_start3A_76 = tpu.memref_squeeze %dma_start3A_75 : memref<1x1600xf32, #tpu.memory_space<vmem>> -> memref<1600xf32, #tpu.memory_space<vmem>>
      %dma_start3A_77 = tpu.memref_slice %arg2[%add3A_43] : memref<16001024xf32, #tpu.memory_space<hbm>> -> memref<1600xf32, #tpu.memory_space<hbm>>
      %dma_start3A_78 = arith.constant 0 : i32
      %dma_start3A_79 = tpu.memref_slice %arg4[%dma_start3A, %dma_start3A_78] : memref<16x1600xf32, #tpu.memory_space<vmem>> -> memref<1x1600xf32, #tpu.memory_space<vmem>>
      %dma_start3A_80 = tpu.memref_squeeze %dma_start3A_79 : memref<1x1600xf32, #tpu.memory_space<vmem>> -> memref<1600xf32, #tpu.memory_space<vmem>>
      %dma_start3A_81 = tpu.memref_slice %arg2[%add3A_43] : memref<16001024xf32, #tpu.memory_space<hbm>> -> memref<1600xf32, #tpu.memory_space<hbm>>
      tpu.enqueue_dma source(%dma_start3A_81 : memref<1600xf32, #tpu.memory_space<hbm>>) target(%dma_start3A_80 : memref<1600xf32, #tpu.memory_space<vmem>>) target_semaphore(%arg7 : memref<!tpu.dma_semaphore, #tpu.memory_space<semaphore_mem>>)
      %dma_start3A_82 = arith.constant 1 : i32
      %dma_start3A_83 = arith.constant 0 : i32
      %dma_start3A_84 = tpu.memref_slice %arg4[%dma_start3A_82, %dma_start3A_83] : memref<16x1600xf32, #tpu.memory_space<vmem>> -> memref<1x1600xf32, #tpu.memory_space<vmem>>
      %dma_start3A_85 = tpu.memref_squeeze %dma_start3A_84 : memref<1x1600xf32, #tpu.memory_space<vmem>> -> memref<1600xf32, #tpu.memory_space<vmem>>
      %dma_start3A_86 = tpu.memref_slice %arg2[%add3A_45] : memref<16001024xf32, #tpu.memory_space<hbm>> -> memref<1600xf32, #tpu.memory_space<hbm>>
      %dma_start3A_87 = arith.constant 0 : i32
      %dma_start3A_88 = tpu.memref_slice %arg4[%dma_start3A_82, %dma_start3A_87] : memref<16x1600xf32, #tpu.memory_space<vmem>> -> memref<1x1600xf32, #tpu.memory_space<vmem>>
      %dma_start3A_89 = tpu.memref_squeeze %dma_start3A_88 : memref<1x1600xf32, #tpu.memory_space<vmem>> -> memref<1600xf32, #tpu.memory_space<vmem>>
      %dma_start3A_90 = tpu.memref_slice %arg2[%add3A_45] : memref<16001024xf32, #tpu.memory_space<hbm>> -> memref<1600xf32, #tpu.memory_space<hbm>>
      tpu.enqueue_dma source(%dma_start3A_90 : memref<1600xf32, #tpu.memory_space<hbm>>) target(%dma_start3A_89 : memref<1600xf32, #tpu.memory_space<vmem>>) target_semaphore(%arg7 : memref<!tpu.dma_semaphore, #tpu.memory_space<semaphore_mem>>)
      %dma_start3A_91 = arith.constant 2 : i32
      %dma_start3A_92 = arith.constant 0 : i32
      %dma_start3A_93 = tpu.memref_slice %arg4[%dma_start3A_91, %dma_start3A_92] : memref<16x1600xf32, #tpu.memory_space<vmem>> -> memref<1x1600xf32, #tpu.memory_space<vmem>>
      %dma_start3A_94 = tpu.memref_squeeze %dma_start3A_93 : memref<1x1600xf32, #tpu.memory_space<vmem>> -> memref<1600xf32, #tpu.memory_space<vmem>>
      %dma_start3A_95 = tpu.memref_slice %arg2[%add3A_47] : memref<16001024xf32, #tpu.memory_space<hbm>> -> memref<1600xf32, #tpu.memory_space<hbm>>
      %dma_start3A_96 = arith.constant 0 : i32
      %dma_start3A_97 = tpu.memref_slice %arg4[%dma_start3A_91, %dma_start3A_96] : memref<16x1600xf32, #tpu.memory_space<vmem>> -> memref<1x1600xf32, #tpu.memory_space<vmem>>
      %dma_start3A_98 = tpu.memref_squeeze %dma_start3A_97 : memref<1x1600xf32, #tpu.memory_space<vmem>> -> memref<1600xf32, #tpu.memory_space<vmem>>
      %dma_start3A_99 = tpu.memref_slice %arg2[%add3A_47] : memref<16001024xf32, #tpu.memory_space<hbm>> -> memref<1600xf32, #tpu.memory_space<hbm>>
      tpu.enqueue_dma source(%dma_start3A_99 : memref<1600xf32, #tpu.memory_space<hbm>>) target(%dma_start3A_98 : memref<1600xf32, #tpu.memory_space<vmem>>) target_semaphore(%arg7 : memref<!tpu.dma_semaphore, #tpu.memory_space<semaphore_mem>>)
      %dma_start3A_100 = arith.constant 3 : i32
      %dma_start3A_101 = arith.constant 0 : i32
      %dma_start3A_102 = tpu.memref_slice %arg4[%dma_start3A_100, %dma_start3A_101] : memref<16x1600xf32, #tpu.memory_space<vmem>> -> memref<1x1600xf32, #tpu.memory_space<vmem>>
      %dma_start3A_103 = tpu.memref_squeeze %dma_start3A_102 : memref<1x1600xf32, #tpu.memory_space<vmem>> -> memref<1600xf32, #tpu.memory_space<vmem>>
      %dma_start3A_104 = tpu.memref_slice %arg2[%add3A_49] : memref<16001024xf32, #tpu.memory_space<hbm>> -> memref<1600xf32, #tpu.memory_space<hbm>>
      %dma_start3A_105 = arith.constant 0 : i32
      %dma_start3A_106 = tpu.memref_slice %arg4[%dma_start3A_100, %dma_start3A_105] : memref<16x1600xf32, #tpu.memory_space<vmem>> -> memref<1x1600xf32, #tpu.memory_space<vmem>>
      %dma_start3A_107 = tpu.memref_squeeze %dma_start3A_106 : memref<1x1600xf32, #tpu.memory_space<vmem>> -> memref<1600xf32, #tpu.memory_space<vmem>>
      %dma_start3A_108 = tpu.memref_slice %arg2[%add3A_49] : memref<16001024xf32, #tpu.memory_space<hbm>> -> memref<1600xf32, #tpu.memory_space<hbm>>
      tpu.enqueue_dma source(%dma_start3A_108 : memref<1600xf32, #tpu.memory_space<hbm>>) target(%dma_start3A_107 : memref<1600xf32, #tpu.memory_space<vmem>>) target_semaphore(%arg7 : memref<!tpu.dma_semaphore, #tpu.memory_space<semaphore_mem>>)
      %dma_start3A_109 = arith.constant 4 : i32
      %dma_start3A_110 = arith.constant 0 : i32
      %dma_start3A_111 = tpu.memref_slice %arg4[%dma_start3A_109, %dma_start3A_110] : memref<16x1600xf32, #tpu.memory_space<vmem>> -> memref<1x1600xf32, #tpu.memory_space<vmem>>
      %dma_start3A_112 = tpu.memref_squeeze %dma_start3A_111 : memref<1x1600xf32, #tpu.memory_space<vmem>> -> memref<1600xf32, #tpu.memory_space<vmem>>
      %dma_start3A_113 = tpu.memref_slice %arg2[%add3A_51] : memref<16001024xf32, #tpu.memory_space<hbm>> -> memref<1600xf32, #tpu.memory_space<hbm>>
      %dma_start3A_114 = arith.constant 0 : i32
      %dma_start3A_115 = tpu.memref_slice %arg4[%dma_start3A_109, %dma_start3A_114] : memref<16x1600xf32, #tpu.memory_space<vmem>> -> memref<1x1600xf32, #tpu.memory_space<vmem>>
      %dma_start3A_116 = tpu.memref_squeeze %dma_start3A_115 : memref<1x1600xf32, #tpu.memory_space<vmem>> -> memref<1600xf32, #tpu.memory_space<vmem>>
      %dma_start3A_117 = tpu.memref_slice %arg2[%add3A_51] : memref<16001024xf32, #tpu.memory_space<hbm>> -> memref<1600xf32, #tpu.memory_space<hbm>>
      tpu.enqueue_dma source(%dma_start3A_117 : memref<1600xf32, #tpu.memory_space<hbm>>) target(%dma_start3A_116 : memref<1600xf32, #tpu.memory_space<vmem>>) target_semaphore(%arg7 : memref<!tpu.dma_semaphore, #tpu.memory_space<semaphore_mem>>)
      %dma_start3A_118 = arith.constant 5 : i32
      %dma_start3A_119 = arith.constant 0 : i32
      %dma_start3A_120 = tpu.memref_slice %arg4[%dma_start3A_118, %dma_start3A_119] : memref<16x1600xf32, #tpu.memory_space<vmem>> -> memref<1x1600xf32, #tpu.memory_space<vmem>>
      %dma_start3A_121 = tpu.memref_squeeze %dma_start3A_120 : memref<1x1600xf32, #tpu.memory_space<vmem>> -> memref<1600xf32, #tpu.memory_space<vmem>>
      %dma_start3A_122 = tpu.memref_slice %arg2[%add3A_53] : memref<16001024xf32, #tpu.memory_space<hbm>> -> memref<1600xf32, #tpu.memory_space<hbm>>
      %dma_start3A_123 = arith.constant 0 : i32
      %dma_start3A_124 = tpu.memref_slice %arg4[%dma_start3A_118, %dma_start3A_123] : memref<16x1600xf32, #tpu.memory_space<vmem>> -> memref<1x1600xf32, #tpu.memory_space<vmem>>
      %dma_start3A_125 = tpu.memref_squeeze %dma_start3A_124 : memref<1x1600xf32, #tpu.memory_space<vmem>> -> memref<1600xf32, #tpu.memory_space<vmem>>
      %dma_start3A_126 = tpu.memref_slice %arg2[%add3A_53] : memref<16001024xf32, #tpu.memory_space<hbm>> -> memref<1600xf32, #tpu.memory_space<hbm>>
      tpu.enqueue_dma source(%dma_start3A_126 : memref<1600xf32, #tpu.memory_space<hbm>>) target(%dma_start3A_125 : memref<1600xf32, #tpu.memory_space<vmem>>) target_semaphore(%arg7 : memref<!tpu.dma_semaphore, #tpu.memory_space<semaphore_mem>>)
      %dma_start3A_127 = arith.constant 6 : i32
      %dma_start3A_128 = arith.constant 0 : i32
      %dma_start3A_129 = tpu.memref_slice %arg4[%dma_start3A_127, %dma_start3A_128] : memref<16x1600xf32, #tpu.memory_space<vmem>> -> memref<1x1600xf32, #tpu.memory_space<vmem>>
      %dma_start3A_130 = tpu.memref_squeeze %dma_start3A_129 : memref<1x1600xf32, #tpu.memory_space<vmem>> -> memref<1600xf32, #tpu.memory_space<vmem>>
      %dma_start3A_131 = tpu.memref_slice %arg2[%add3A_55] : memref<16001024xf32, #tpu.memory_space<hbm>> -> memref<1600xf32, #tpu.memory_space<hbm>>
      %dma_start3A_132 = arith.constant 0 : i32
      %dma_start3A_133 = tpu.memref_slice %arg4[%dma_start3A_127, %dma_start3A_132] : memref<16x1600xf32, #tpu.memory_space<vmem>> -> memref<1x1600xf32, #tpu.memory_space<vmem>>
      %dma_start3A_134 = tpu.memref_squeeze %dma_start3A_133 : memref<1x1600xf32, #tpu.memory_space<vmem>> -> memref<1600xf32, #tpu.memory_space<vmem>>
      %dma_start3A_135 = tpu.memref_slice %arg2[%add3A_55] : memref<16001024xf32, #tpu.memory_space<hbm>> -> memref<1600xf32, #tpu.memory_space<hbm>>
      tpu.enqueue_dma source(%dma_start3A_135 : memref<1600xf32, #tpu.memory_space<hbm>>) target(%dma_start3A_134 : memref<1600xf32, #tpu.memory_space<vmem>>) target_semaphore(%arg7 : memref<!tpu.dma_semaphore, #tpu.memory_space<semaphore_mem>>)
      %dma_start3A_136 = arith.constant 7 : i32
      %dma_start3A_137 = arith.constant 0 : i32
      %dma_start3A_138 = tpu.memref_slice %arg4[%dma_start3A_136, %dma_start3A_137] : memref<16x1600xf32, #tpu.memory_space<vmem>> -> memref<1x1600xf32, #tpu.memory_space<vmem>>
      %dma_start3A_139 = tpu.memref_squeeze %dma_start3A_138 : memref<1x1600xf32, #tpu.memory_space<vmem>> -> memref<1600xf32, #tpu.memory_space<vmem>>
      %dma_start3A_140 = tpu.memref_slice %arg2[%add3A_57] : memref<16001024xf32, #tpu.memory_space<hbm>> -> memref<1600xf32, #tpu.memory_space<hbm>>
      %dma_start3A_141 = arith.constant 0 : i32
      %dma_start3A_142 = tpu.memref_slice %arg4[%dma_start3A_136, %dma_start3A_141] : memref<16x1600xf32, #tpu.memory_space<vmem>> -> memref<1x1600xf32, #tpu.memory_space<vmem>>
      %dma_start3A_143 = tpu.memref_squeeze %dma_start3A_142 : memref<1x1600xf32, #tpu.memory_space<vmem>> -> memref<1600xf32, #tpu.memory_space<vmem>>
      %dma_start3A_144 = tpu.memref_slice %arg2[%add3A_57] : memref<16001024xf32, #tpu.memory_space<hbm>> -> memref<1600xf32, #tpu.memory_space<hbm>>
      tpu.enqueue_dma source(%dma_start3A_144 : memref<1600xf32, #tpu.memory_space<hbm>>) target(%dma_start3A_143 : memref<1600xf32, #tpu.memory_space<vmem>>) target_semaphore(%arg7 : memref<!tpu.dma_semaphore, #tpu.memory_space<semaphore_mem>>)
      %dma_start3A_145 = arith.constant 8 : i32
      %dma_start3A_146 = arith.constant 0 : i32
      %dma_start3A_147 = tpu.memref_slice %arg4[%dma_start3A_145, %dma_start3A_146] : memref<16x1600xf32, #tpu.memory_space<vmem>> -> memref<1x1600xf32, #tpu.memory_space<vmem>>
      %dma_start3A_148 = tpu.memref_squeeze %dma_start3A_147 : memref<1x1600xf32, #tpu.memory_space<vmem>> -> memref<1600xf32, #tpu.memory_space<vmem>>
      %dma_start3A_149 = tpu.memref_slice %arg2[%add3A_59] : memref<16001024xf32, #tpu.memory_space<hbm>> -> memref<1600xf32, #tpu.memory_space<hbm>>
      %dma_start3A_150 = arith.constant 0 : i32
      %dma_start3A_151 = tpu.memref_slice %arg4[%dma_start3A_145, %dma_start3A_150] : memref<16x1600xf32, #tpu.memory_space<vmem>> -> memref<1x1600xf32, #tpu.memory_space<vmem>>
      %dma_start3A_152 = tpu.memref_squeeze %dma_start3A_151 : memref<1x1600xf32, #tpu.memory_space<vmem>> -> memref<1600xf32, #tpu.memory_space<vmem>>
      %dma_start3A_153 = tpu.memref_slice %arg2[%add3A_59] : memref<16001024xf32, #tpu.memory_space<hbm>> -> memref<1600xf32, #tpu.memory_space<hbm>>
      tpu.enqueue_dma source(%dma_start3A_153 : memref<1600xf32, #tpu.memory_space<hbm>>) target(%dma_start3A_152 : memref<1600xf32, #tpu.memory_space<vmem>>) target_semaphore(%arg7 : memref<!tpu.dma_semaphore, #tpu.memory_space<semaphore_mem>>)
      %dma_start3A_154 = arith.constant 9 : i32
      %dma_start3A_155 = arith.constant 0 : i32
      %dma_start3A_156 = tpu.memref_slice %arg4[%dma_start3A_154, %dma_start3A_155] : memref<16x1600xf32, #tpu.memory_space<vmem>> -> memref<1x1600xf32, #tpu.memory_space<vmem>>
      %dma_start3A_157 = tpu.memref_squeeze %dma_start3A_156 : memref<1x1600xf32, #tpu.memory_space<vmem>> -> memref<1600xf32, #tpu.memory_space<vmem>>
      %dma_start3A_158 = tpu.memref_slice %arg2[%add3A_61] : memref<16001024xf32, #tpu.memory_space<hbm>> -> memref<1600xf32, #tpu.memory_space<hbm>>
      %dma_start3A_159 = arith.constant 0 : i32
      %dma_start3A_160 = tpu.memref_slice %arg4[%dma_start3A_154, %dma_start3A_159] : memref<16x1600xf32, #tpu.memory_space<vmem>> -> memref<1x1600xf32, #tpu.memory_space<vmem>>
      %dma_start3A_161 = tpu.memref_squeeze %dma_start3A_160 : memref<1x1600xf32, #tpu.memory_space<vmem>> -> memref<1600xf32, #tpu.memory_space<vmem>>
      %dma_start3A_162 = tpu.memref_slice %arg2[%add3A_61] : memref<16001024xf32, #tpu.memory_space<hbm>> -> memref<1600xf32, #tpu.memory_space<hbm>>
      tpu.enqueue_dma source(%dma_start3A_162 : memref<1600xf32, #tpu.memory_space<hbm>>) target(%dma_start3A_161 : memref<1600xf32, #tpu.memory_space<vmem>>) target_semaphore(%arg7 : memref<!tpu.dma_semaphore, #tpu.memory_space<semaphore_mem>>)
      %dma_start3A_163 = arith.constant 10 : i32
      %dma_start3A_164 = arith.constant 0 : i32
      %dma_start3A_165 = tpu.memref_slice %arg4[%dma_start3A_163, %dma_start3A_164] : memref<16x1600xf32, #tpu.memory_space<vmem>> -> memref<1x1600xf32, #tpu.memory_space<vmem>>
      %dma_start3A_166 = tpu.memref_squeeze %dma_start3A_165 : memref<1x1600xf32, #tpu.memory_space<vmem>> -> memref<1600xf32, #tpu.memory_space<vmem>>
      %dma_start3A_167 = tpu.memref_slice %arg2[%add3A_63] : memref<16001024xf32, #tpu.memory_space<hbm>> -> memref<1600xf32, #tpu.memory_space<hbm>>
      %dma_start3A_168 = arith.constant 0 : i32
      %dma_start3A_169 = tpu.memref_slice %arg4[%dma_start3A_163, %dma_start3A_168] : memref<16x1600xf32, #tpu.memory_space<vmem>> -> memref<1x1600xf32, #tpu.memory_space<vmem>>
      %dma_start3A_170 = tpu.memref_squeeze %dma_start3A_169 : memref<1x1600xf32, #tpu.memory_space<vmem>> -> memref<1600xf32, #tpu.memory_space<vmem>>
      %dma_start3A_171 = tpu.memref_slice %arg2[%add3A_63] : memref<16001024xf32, #tpu.memory_space<hbm>> -> memref<1600xf32, #tpu.memory_space<hbm>>
      tpu.enqueue_dma source(%dma_start3A_171 : memref<1600xf32, #tpu.memory_space<hbm>>) target(%dma_start3A_170 : memref<1600xf32, #tpu.memory_space<vmem>>) target_semaphore(%arg7 : memref<!tpu.dma_semaphore, #tpu.memory_space<semaphore_mem>>)
      %dma_start3A_172 = arith.constant 11 : i32
      %dma_start3A_173 = arith.constant 0 : i32
      %dma_start3A_174 = tpu.memref_slice %arg4[%dma_start3A_172, %dma_start3A_173] : memref<16x1600xf32, #tpu.memory_space<vmem>> -> memref<1x1600xf32, #tpu.memory_space<vmem>>
      %dma_start3A_175 = tpu.memref_squeeze %dma_start3A_174 : memref<1x1600xf32, #tpu.memory_space<vmem>> -> memref<1600xf32, #tpu.memory_space<vmem>>
      %dma_start3A_176 = tpu.memref_slice %arg2[%add3A_65] : memref<16001024xf32, #tpu.memory_space<hbm>> -> memref<1600xf32, #tpu.memory_space<hbm>>
      %dma_start3A_177 = arith.constant 0 : i32
      %dma_start3A_178 = tpu.memref_slice %arg4[%dma_start3A_172, %dma_start3A_177] : memref<16x1600xf32, #tpu.memory_space<vmem>> -> memref<1x1600xf32, #tpu.memory_space<vmem>>
      %dma_start3A_179 = tpu.memref_squeeze %dma_start3A_178 : memref<1x1600xf32, #tpu.memory_space<vmem>> -> memref<1600xf32, #tpu.memory_space<vmem>>
      %dma_start3A_180 = tpu.memref_slice %arg2[%add3A_65] : memref<16001024xf32, #tpu.memory_space<hbm>> -> memref<1600xf32, #tpu.memory_space<hbm>>
      tpu.enqueue_dma source(%dma_start3A_180 : memref<1600xf32, #tpu.memory_space<hbm>>) target(%dma_start3A_179 : memref<1600xf32, #tpu.memory_space<vmem>>) target_semaphore(%arg7 : memref<!tpu.dma_semaphore, #tpu.memory_space<semaphore_mem>>)
      %dma_start3A_181 = arith.constant 12 : i32
      %dma_start3A_182 = arith.constant 0 : i32
      %dma_start3A_183 = tpu.memref_slice %arg4[%dma_start3A_181, %dma_start3A_182] : memref<16x1600xf32, #tpu.memory_space<vmem>> -> memref<1x1600xf32, #tpu.memory_space<vmem>>
      %dma_start3A_184 = tpu.memref_squeeze %dma_start3A_183 : memref<1x1600xf32, #tpu.memory_space<vmem>> -> memref<1600xf32, #tpu.memory_space<vmem>>
      %dma_start3A_185 = tpu.memref_slice %arg2[%add3A_67] : memref<16001024xf32, #tpu.memory_space<hbm>> -> memref<1600xf32, #tpu.memory_space<hbm>>
      %dma_start3A_186 = arith.constant 0 : i32
      %dma_start3A_187 = tpu.memref_slice %arg4[%dma_start3A_181, %dma_start3A_186] : memref<16x1600xf32, #tpu.memory_space<vmem>> -> memref<1x1600xf32, #tpu.memory_space<vmem>>
      %dma_start3A_188 = tpu.memref_squeeze %dma_start3A_187 : memref<1x1600xf32, #tpu.memory_space<vmem>> -> memref<1600xf32, #tpu.memory_space<vmem>>
      %dma_start3A_189 = tpu.memref_slice %arg2[%add3A_67] : memref<16001024xf32, #tpu.memory_space<hbm>> -> memref<1600xf32, #tpu.memory_space<hbm>>
      tpu.enqueue_dma source(%dma_start3A_189 : memref<1600xf32, #tpu.memory_space<hbm>>) target(%dma_start3A_188 : memref<1600xf32, #tpu.memory_space<vmem>>) target_semaphore(%arg7 : memref<!tpu.dma_semaphore, #tpu.memory_space<semaphore_mem>>)
      %dma_start3A_190 = arith.constant 13 : i32
      %dma_start3A_191 = arith.constant 0 : i32
      %dma_start3A_192 = tpu.memref_slice %arg4[%dma_start3A_190, %dma_start3A_191] : memref<16x1600xf32, #tpu.memory_space<vmem>> -> memref<1x1600xf32, #tpu.memory_space<vmem>>
      %dma_start3A_193 = tpu.memref_squeeze %dma_start3A_192 : memref<1x1600xf32, #tpu.memory_space<vmem>> -> memref<1600xf32, #tpu.memory_space<vmem>>
      %dma_start3A_194 = tpu.memref_slice %arg2[%add3A_69] : memref<16001024xf32, #tpu.memory_space<hbm>> -> memref<1600xf32, #tpu.memory_space<hbm>>
      %dma_start3A_195 = arith.constant 0 : i32
      %dma_start3A_196 = tpu.memref_slice %arg4[%dma_start3A_190, %dma_start3A_195] : memref<16x1600xf32, #tpu.memory_space<vmem>> -> memref<1x1600xf32, #tpu.memory_space<vmem>>
      %dma_start3A_197 = tpu.memref_squeeze %dma_start3A_196 : memref<1x1600xf32, #tpu.memory_space<vmem>> -> memref<1600xf32, #tpu.memory_space<vmem>>
      %dma_start3A_198 = tpu.memref_slice %arg2[%add3A_69] : memref<16001024xf32, #tpu.memory_space<hbm>> -> memref<1600xf32, #tpu.memory_space<hbm>>
      tpu.enqueue_dma source(%dma_start3A_198 : memref<1600xf32, #tpu.memory_space<hbm>>) target(%dma_start3A_197 : memref<1600xf32, #tpu.memory_space<vmem>>) target_semaphore(%arg7 : memref<!tpu.dma_semaphore, #tpu.memory_space<semaphore_mem>>)
      %dma_start3A_199 = arith.constant 14 : i32
      %dma_start3A_200 = arith.constant 0 : i32
      %dma_start3A_201 = tpu.memref_slice %arg4[%dma_start3A_199, %dma_start3A_200] : memref<16x1600xf32, #tpu.memory_space<vmem>> -> memref<1x1600xf32, #tpu.memory_space<vmem>>
      %dma_start3A_202 = tpu.memref_squeeze %dma_start3A_201 : memref<1x1600xf32, #tpu.memory_space<vmem>> -> memref<1600xf32, #tpu.memory_space<vmem>>
      %dma_start3A_203 = tpu.memref_slice %arg2[%add3A_71] : memref<16001024xf32, #tpu.memory_space<hbm>> -> memref<1600xf32, #tpu.memory_space<hbm>>
      %dma_start3A_204 = arith.constant 0 : i32
      %dma_start3A_205 = tpu.memref_slice %arg4[%dma_start3A_199, %dma_start3A_204] : memref<16x1600xf32, #tpu.memory_space<vmem>> -> memref<1x1600xf32, #tpu.memory_space<vmem>>
      %dma_start3A_206 = tpu.memref_squeeze %dma_start3A_205 : memref<1x1600xf32, #tpu.memory_space<vmem>> -> memref<1600xf32, #tpu.memory_space<vmem>>
      %dma_start3A_207 = tpu.memref_slice %arg2[%add3A_71] : memref<16001024xf32, #tpu.memory_space<hbm>> -> memref<1600xf32, #tpu.memory_space<hbm>>
      tpu.enqueue_dma source(%dma_start3A_207 : memref<1600xf32, #tpu.memory_space<hbm>>) target(%dma_start3A_206 : memref<1600xf32, #tpu.memory_space<vmem>>) target_semaphore(%arg7 : memref<!tpu.dma_semaphore, #tpu.memory_space<semaphore_mem>>)
      %dma_start3A_208 = arith.constant 15 : i32
      %dma_start3A_209 = arith.constant 0 : i32
      %dma_start3A_210 = tpu.memref_slice %arg4[%dma_start3A_208, %dma_start3A_209] : memref<16x1600xf32, #tpu.memory_space<vmem>> -> memref<1x1600xf32, #tpu.memory_space<vmem>>
      %dma_start3A_211 = tpu.memref_squeeze %dma_start3A_210 : memref<1x1600xf32, #tpu.memory_space<vmem>> -> memref<1600xf32, #tpu.memory_space<vmem>>
      %dma_start3A_212 = tpu.memref_slice %arg2[%add3A_73] : memref<16001024xf32, #tpu.memory_space<hbm>> -> memref<1600xf32, #tpu.memory_space<hbm>>
      %dma_start3A_213 = arith.constant 0 : i32
      %dma_start3A_214 = tpu.memref_slice %arg4[%dma_start3A_208, %dma_start3A_213] : memref<16x1600xf32, #tpu.memory_space<vmem>> -> memref<1x1600xf32, #tpu.memory_space<vmem>>
      %dma_start3A_215 = tpu.memref_squeeze %dma_start3A_214 : memref<1x1600xf32, #tpu.memory_space<vmem>> -> memref<1600xf32, #tpu.memory_space<vmem>>
      %dma_start3A_216 = tpu.memref_slice %arg2[%add3A_73] : memref<16001024xf32, #tpu.memory_space<hbm>> -> memref<1600xf32, #tpu.memory_space<hbm>>
      tpu.enqueue_dma source(%dma_start3A_216 : memref<1600xf32, #tpu.memory_space<hbm>>) target(%dma_start3A_215 : memref<1600xf32, #tpu.memory_space<vmem>>) target_semaphore(%arg7 : memref<!tpu.dma_semaphore, #tpu.memory_space<semaphore_mem>>)
    } else {
    }
    %scan3A = arith.constant 0 : i32
    %scan3A_34 = arith.constant 0 : i32
    %scan3A_35 = arith.constant 20 : i32
    %scan3A_36 = arith.addi %scan3A_34, %scan3A_35 : i32
    %scan3A_37 = arith.constant 1 : i32
    %scan3A_38 = scf.for %scan3A_40 = %scan3A_34 to %scan3A_36 step %scan3A_37 iter_args(%scan3A_41 = %scan3A) -> (i32)  : i32 {
      %rem3A = arith.constant 2 : i32
      %rem3A_42 = arith.remsi %scan3A_40, %rem3A : i32
      %eq3A = arith.constant 0 : i32
      %eq3A_43 = arith.cmpi eq, %rem3A_42, %eq3A : i32
      %convert_element_type3A_44 = arith.extui %eq3A_43 : i1 to i32
      %cond3A_45 = arith.constant 0 : i32
      %cond3A_46 = arith.cmpi ne, %convert_element_type3A_44, %cond3A_45 : i32
      scf.if %cond3A_46 {
        %mul3A_55 = arith.constant 32 : i32
        %mul3A_56 = arith.muli %mul3A_55, %scan3A_40 : i32
        %add3A_57 = arith.addi %add3A, %mul3A_56 : i32
        %lt3A_58 = arith.constant 625 : i32
        %lt3A_59 = arith.cmpi slt, %add3A_57, %lt3A_58 : i32
        %convert_element_type3A_60 = arith.extui %lt3A_59 : i1 to i32
        %cond3A_61 = arith.constant 0 : i32
        %cond3A_62 = arith.cmpi ne, %convert_element_type3A_60, %cond3A_61 : i32
        scf.if %cond3A_62 {
          %add3A_63 = arith.constant 32 : i32
          %add3A_64 = arith.addi %add3A_57, %add3A_63 : i32
          %lt3A_65 = arith.constant 625 : i32
          %lt3A_66 = arith.cmpi slt, %add3A_64, %lt3A_65 : i32
          %convert_element_type3A_67 = arith.extui %lt3A_66 : i1 to i32
          %cond3A_68 = arith.constant 0 : i32
          %cond3A_69 = arith.cmpi ne, %convert_element_type3A_67, %cond3A_68 : i32
          scf.if %cond3A_69 {
            %add3A_256 = arith.constant 32 : i32
            %add3A_257 = arith.addi %add3A_57, %add3A_256 : i32
            %mul3A_258 = arith.constant 1600 : i32
            %mul3A_259 = arith.muli %add3A_257, %mul3A_258 : i32
            %add3A_260 = arith.constant 0 : i32
            %add3A_261 = arith.addi %add3A_260, %mul3A_259 : i32
            %add3A_262 = arith.constant 1000064 : i32
            %add3A_263 = arith.addi %add3A_262, %mul3A_259 : i32
            %add3A_264 = arith.constant 2000128 : i32
            %add3A_265 = arith.addi %add3A_264, %mul3A_259 : i32
            %add3A_266 = arith.constant 3000192 : i32
            %add3A_267 = arith.addi %add3A_266, %mul3A_259 : i32
            %add3A_268 = arith.constant 4000256 : i32
            %add3A_269 = arith.addi %add3A_268, %mul3A_259 : i32
            %add3A_270 = arith.constant 5000320 : i32
            %add3A_271 = arith.addi %add3A_270, %mul3A_259 : i32
            %add3A_272 = arith.constant 6000384 : i32
            %add3A_273 = arith.addi %add3A_272, %mul3A_259 : i32
            %add3A_274 = arith.constant 7000448 : i32
            %add3A_275 = arith.addi %add3A_274, %mul3A_259 : i32
            %add3A_276 = arith.constant 8000512 : i32
            %add3A_277 = arith.addi %add3A_276, %mul3A_259 : i32
            %add3A_278 = arith.constant 9000576 : i32
            %add3A_279 = arith.addi %add3A_278, %mul3A_259 : i32
            %add3A_280 = arith.constant 10000640 : i32
            %add3A_281 = arith.addi %add3A_280, %mul3A_259 : i32
            %add3A_282 = arith.constant 11000704 : i32
            %add3A_283 = arith.addi %add3A_282, %mul3A_259 : i32
            %add3A_284 = arith.constant 12000768 : i32
            %add3A_285 = arith.addi %add3A_284, %mul3A_259 : i32
            %add3A_286 = arith.constant 13000832 : i32
            %add3A_287 = arith.addi %add3A_286, %mul3A_259 : i32
            %add3A_288 = arith.constant 14000896 : i32
            %add3A_289 = arith.addi %add3A_288, %mul3A_259 : i32
            %add3A_290 = arith.constant 15000960 : i32
            %add3A_291 = arith.addi %add3A_290, %mul3A_259 : i32
            %dma_start3A = arith.constant 0 : i32
            %dma_start3A_292 = arith.constant 0 : i32
            %dma_start3A_293 = tpu.memref_slice %arg5[%dma_start3A, %dma_start3A_292] : memref<16x1600xf32, #tpu.memory_space<vmem>> -> memref<1x1600xf32, #tpu.memory_space<vmem>>
            %dma_start3A_294 = tpu.memref_squeeze %dma_start3A_293 : memref<1x1600xf32, #tpu.memory_space<vmem>> -> memref<1600xf32, #tpu.memory_space<vmem>>
            %dma_start3A_295 = tpu.memref_slice %arg2[%add3A_261] : memref<16001024xf32, #tpu.memory_space<hbm>> -> memref<1600xf32, #tpu.memory_space<hbm>>
            %dma_start3A_296 = arith.constant 0 : i32
            %dma_start3A_297 = tpu.memref_slice %arg5[%dma_start3A, %dma_start3A_296] : memref<16x1600xf32, #tpu.memory_space<vmem>> -> memref<1x1600xf32, #tpu.memory_space<vmem>>
            %dma_start3A_298 = tpu.memref_squeeze %dma_start3A_297 : memref<1x1600xf32, #tpu.memory_space<vmem>> -> memref<1600xf32, #tpu.memory_space<vmem>>
            %dma_start3A_299 = tpu.memref_slice %arg2[%add3A_261] : memref<16001024xf32, #tpu.memory_space<hbm>> -> memref<1600xf32, #tpu.memory_space<hbm>>
            tpu.enqueue_dma source(%dma_start3A_299 : memref<1600xf32, #tpu.memory_space<hbm>>) target(%dma_start3A_298 : memref<1600xf32, #tpu.memory_space<vmem>>) target_semaphore(%arg8 : memref<!tpu.dma_semaphore, #tpu.memory_space<semaphore_mem>>)
            %dma_start3A_300 = arith.constant 1 : i32
            %dma_start3A_301 = arith.constant 0 : i32
            %dma_start3A_302 = tpu.memref_slice %arg5[%dma_start3A_300, %dma_start3A_301] : memref<16x1600xf32, #tpu.memory_space<vmem>> -> memref<1x1600xf32, #tpu.memory_space<vmem>>
            %dma_start3A_303 = tpu.memref_squeeze %dma_start3A_302 : memref<1x1600xf32, #tpu.memory_space<vmem>> -> memref<1600xf32, #tpu.memory_space<vmem>>
            %dma_start3A_304 = tpu.memref_slice %arg2[%add3A_263] : memref<16001024xf32, #tpu.memory_space<hbm>> -> memref<1600xf32, #tpu.memory_space<hbm>>
            %dma_start3A_305 = arith.constant 0 : i32
            %dma_start3A_306 = tpu.memref_slice %arg5[%dma_start3A_300, %dma_start3A_305] : memref<16x1600xf32, #tpu.memory_space<vmem>> -> memref<1x1600xf32, #tpu.memory_space<vmem>>
            %dma_start3A_307 = tpu.memref_squeeze %dma_start3A_306 : memref<1x1600xf32, #tpu.memory_space<vmem>> -> memref<1600xf32, #tpu.memory_space<vmem>>
            %dma_start3A_308 = tpu.memref_slice %arg2[%add3A_263] : memref<16001024xf32, #tpu.memory_space<hbm>> -> memref<1600xf32, #tpu.memory_space<hbm>>
            tpu.enqueue_dma source(%dma_start3A_308 : memref<1600xf32, #tpu.memory_space<hbm>>) target(%dma_start3A_307 : memref<1600xf32, #tpu.memory_space<vmem>>) target_semaphore(%arg8 : memref<!tpu.dma_semaphore, #tpu.memory_space<semaphore_mem>>)
            %dma_start3A_309 = arith.constant 2 : i32
            %dma_start3A_310 = arith.constant 0 : i32
            %dma_start3A_311 = tpu.memref_slice %arg5[%dma_start3A_309, %dma_start3A_310] : memref<16x1600xf32, #tpu.memory_space<vmem>> -> memref<1x1600xf32, #tpu.memory_space<vmem>>
            %dma_start3A_312 = tpu.memref_squeeze %dma_start3A_311 : memref<1x1600xf32, #tpu.memory_space<vmem>> -> memref<1600xf32, #tpu.memory_space<vmem>>
            %dma_start3A_313 = tpu.memref_slice %arg2[%add3A_265] : memref<16001024xf32, #tpu.memory_space<hbm>> -> memref<1600xf32, #tpu.memory_space<hbm>>
            %dma_start3A_314 = arith.constant 0 : i32
            %dma_start3A_315 = tpu.memref_slice %arg5[%dma_start3A_309, %dma_start3A_314] : memref<16x1600xf32, #tpu.memory_space<vmem>> -> memref<1x1600xf32, #tpu.memory_space<vmem>>
            %dma_start3A_316 = tpu.memref_squeeze %dma_start3A_315 : memref<1x1600xf32, #tpu.memory_space<vmem>> -> memref<1600xf32, #tpu.memory_space<vmem>>
            %dma_start3A_317 = tpu.memref_slice %arg2[%add3A_265] : memref<16001024xf32, #tpu.memory_space<hbm>> -> memref<1600xf32, #tpu.memory_space<hbm>>
            tpu.enqueue_dma source(%dma_start3A_317 : memref<1600xf32, #tpu.memory_space<hbm>>) target(%dma_start3A_316 : memref<1600xf32, #tpu.memory_space<vmem>>) target_semaphore(%arg8 : memref<!tpu.dma_semaphore, #tpu.memory_space<semaphore_mem>>)
            %dma_start3A_318 = arith.constant 3 : i32
            %dma_start3A_319 = arith.constant 0 : i32
            %dma_start3A_320 = tpu.memref_slice %arg5[%dma_start3A_318, %dma_start3A_319] : memref<16x1600xf32, #tpu.memory_space<vmem>> -> memref<1x1600xf32, #tpu.memory_space<vmem>>
            %dma_start3A_321 = tpu.memref_squeeze %dma_start3A_320 : memref<1x1600xf32, #tpu.memory_space<vmem>> -> memref<1600xf32, #tpu.memory_space<vmem>>
            %dma_start3A_322 = tpu.memref_slice %arg2[%add3A_267] : memref<16001024xf32, #tpu.memory_space<hbm>> -> memref<1600xf32, #tpu.memory_space<hbm>>
            %dma_start3A_323 = arith.constant 0 : i32
            %dma_start3A_324 = tpu.memref_slice %arg5[%dma_start3A_318, %dma_start3A_323] : memref<16x1600xf32, #tpu.memory_space<vmem>> -> memref<1x1600xf32, #tpu.memory_space<vmem>>
            %dma_start3A_325 = tpu.memref_squeeze %dma_start3A_324 : memref<1x1600xf32, #tpu.memory_space<vmem>> -> memref<1600xf32, #tpu.memory_space<vmem>>
            %dma_start3A_326 = tpu.memref_slice %arg2[%add3A_267] : memref<16001024xf32, #tpu.memory_space<hbm>> -> memref<1600xf32, #tpu.memory_space<hbm>>
            tpu.enqueue_dma source(%dma_start3A_326 : memref<1600xf32, #tpu.memory_space<hbm>>) target(%dma_start3A_325 : memref<1600xf32, #tpu.memory_space<vmem>>) target_semaphore(%arg8 : memref<!tpu.dma_semaphore, #tpu.memory_space<semaphore_mem>>)
            %dma_start3A_327 = arith.constant 4 : i32
            %dma_start3A_328 = arith.constant 0 : i32
            %dma_start3A_329 = tpu.memref_slice %arg5[%dma_start3A_327, %dma_start3A_328] : memref<16x1600xf32, #tpu.memory_space<vmem>> -> memref<1x1600xf32, #tpu.memory_space<vmem>>
            %dma_start3A_330 = tpu.memref_squeeze %dma_start3A_329 : memref<1x1600xf32, #tpu.memory_space<vmem>> -> memref<1600xf32, #tpu.memory_space<vmem>>
            %dma_start3A_331 = tpu.memref_slice %arg2[%add3A_269] : memref<16001024xf32, #tpu.memory_space<hbm>> -> memref<1600xf32, #tpu.memory_space<hbm>>
            %dma_start3A_332 = arith.constant 0 : i32
            %dma_start3A_333 = tpu.memref_slice %arg5[%dma_start3A_327, %dma_start3A_332] : memref<16x1600xf32, #tpu.memory_space<vmem>> -> memref<1x1600xf32, #tpu.memory_space<vmem>>
            %dma_start3A_334 = tpu.memref_squeeze %dma_start3A_333 : memref<1x1600xf32, #tpu.memory_space<vmem>> -> memref<1600xf32, #tpu.memory_space<vmem>>
            %dma_start3A_335 = tpu.memref_slice %arg2[%add3A_269] : memref<16001024xf32, #tpu.memory_space<hbm>> -> memref<1600xf32, #tpu.memory_space<hbm>>
            tpu.enqueue_dma source(%dma_start3A_335 : memref<1600xf32, #tpu.memory_space<hbm>>) target(%dma_start3A_334 : memref<1600xf32, #tpu.memory_space<vmem>>) target_semaphore(%arg8 : memref<!tpu.dma_semaphore, #tpu.memory_space<semaphore_mem>>)
            %dma_start3A_336 = arith.constant 5 : i32
            %dma_start3A_337 = arith.constant 0 : i32
            %dma_start3A_338 = tpu.memref_slice %arg5[%dma_start3A_336, %dma_start3A_337] : memref<16x1600xf32, #tpu.memory_space<vmem>> -> memref<1x1600xf32, #tpu.memory_space<vmem>>
            %dma_start3A_339 = tpu.memref_squeeze %dma_start3A_338 : memref<1x1600xf32, #tpu.memory_space<vmem>> -> memref<1600xf32, #tpu.memory_space<vmem>>
            %dma_start3A_340 = tpu.memref_slice %arg2[%add3A_271] : memref<16001024xf32, #tpu.memory_space<hbm>> -> memref<1600xf32, #tpu.memory_space<hbm>>
            %dma_start3A_341 = arith.constant 0 : i32
            %dma_start3A_342 = tpu.memref_slice %arg5[%dma_start3A_336, %dma_start3A_341] : memref<16x1600xf32, #tpu.memory_space<vmem>> -> memref<1x1600xf32, #tpu.memory_space<vmem>>
            %dma_start3A_343 = tpu.memref_squeeze %dma_start3A_342 : memref<1x1600xf32, #tpu.memory_space<vmem>> -> memref<1600xf32, #tpu.memory_space<vmem>>
            %dma_start3A_344 = tpu.memref_slice %arg2[%add3A_271] : memref<16001024xf32, #tpu.memory_space<hbm>> -> memref<1600xf32, #tpu.memory_space<hbm>>
            tpu.enqueue_dma source(%dma_start3A_344 : memref<1600xf32, #tpu.memory_space<hbm>>) target(%dma_start3A_343 : memref<1600xf32, #tpu.memory_space<vmem>>) target_semaphore(%arg8 : memref<!tpu.dma_semaphore, #tpu.memory_space<semaphore_mem>>)
            %dma_start3A_345 = arith.constant 6 : i32
            %dma_start3A_346 = arith.constant 0 : i32
            %dma_start3A_347 = tpu.memref_slice %arg5[%dma_start3A_345, %dma_start3A_346] : memref<16x1600xf32, #tpu.memory_space<vmem>> -> memref<1x1600xf32, #tpu.memory_space<vmem>>
            %dma_start3A_348 = tpu.memref_squeeze %dma_start3A_347 : memref<1x1600xf32, #tpu.memory_space<vmem>> -> memref<1600xf32, #tpu.memory_space<vmem>>
            %dma_start3A_349 = tpu.memref_slice %arg2[%add3A_273] : memref<16001024xf32, #tpu.memory_space<hbm>> -> memref<1600xf32, #tpu.memory_space<hbm>>
            %dma_start3A_350 = arith.constant 0 : i32
            %dma_start3A_351 = tpu.memref_slice %arg5[%dma_start3A_345, %dma_start3A_350] : memref<16x1600xf32, #tpu.memory_space<vmem>> -> memref<1x1600xf32, #tpu.memory_space<vmem>>
            %dma_start3A_352 = tpu.memref_squeeze %dma_start3A_351 : memref<1x1600xf32, #tpu.memory_space<vmem>> -> memref<1600xf32, #tpu.memory_space<vmem>>
            %dma_start3A_353 = tpu.memref_slice %arg2[%add3A_273] : memref<16001024xf32, #tpu.memory_space<hbm>> -> memref<1600xf32, #tpu.memory_space<hbm>>
            tpu.enqueue_dma source(%dma_start3A_353 : memref<1600xf32, #tpu.memory_space<hbm>>) target(%dma_start3A_352 : memref<1600xf32, #tpu.memory_space<vmem>>) target_semaphore(%arg8 : memref<!tpu.dma_semaphore, #tpu.memory_space<semaphore_mem>>)
            %dma_start3A_354 = arith.constant 7 : i32
            %dma_start3A_355 = arith.constant 0 : i32
            %dma_start3A_356 = tpu.memref_slice %arg5[%dma_start3A_354, %dma_start3A_355] : memref<16x1600xf32, #tpu.memory_space<vmem>> -> memref<1x1600xf32, #tpu.memory_space<vmem>>
            %dma_start3A_357 = tpu.memref_squeeze %dma_start3A_356 : memref<1x1600xf32, #tpu.memory_space<vmem>> -> memref<1600xf32, #tpu.memory_space<vmem>>
            %dma_start3A_358 = tpu.memref_slice %arg2[%add3A_275] : memref<16001024xf32, #tpu.memory_space<hbm>> -> memref<1600xf32, #tpu.memory_space<hbm>>
            %dma_start3A_359 = arith.constant 0 : i32
            %dma_start3A_360 = tpu.memref_slice %arg5[%dma_start3A_354, %dma_start3A_359] : memref<16x1600xf32, #tpu.memory_space<vmem>> -> memref<1x1600xf32, #tpu.memory_space<vmem>>
            %dma_start3A_361 = tpu.memref_squeeze %dma_start3A_360 : memref<1x1600xf32, #tpu.memory_space<vmem>> -> memref<1600xf32, #tpu.memory_space<vmem>>
            %dma_start3A_362 = tpu.memref_slice %arg2[%add3A_275] : memref<16001024xf32, #tpu.memory_space<hbm>> -> memref<1600xf32, #tpu.memory_space<hbm>>
            tpu.enqueue_dma source(%dma_start3A_362 : memref<1600xf32, #tpu.memory_space<hbm>>) target(%dma_start3A_361 : memref<1600xf32, #tpu.memory_space<vmem>>) target_semaphore(%arg8 : memref<!tpu.dma_semaphore, #tpu.memory_space<semaphore_mem>>)
            %dma_start3A_363 = arith.constant 8 : i32
            %dma_start3A_364 = arith.constant 0 : i32
            %dma_start3A_365 = tpu.memref_slice %arg5[%dma_start3A_363, %dma_start3A_364] : memref<16x1600xf32, #tpu.memory_space<vmem>> -> memref<1x1600xf32, #tpu.memory_space<vmem>>
            %dma_start3A_366 = tpu.memref_squeeze %dma_start3A_365 : memref<1x1600xf32, #tpu.memory_space<vmem>> -> memref<1600xf32, #tpu.memory_space<vmem>>
            %dma_start3A_367 = tpu.memref_slice %arg2[%add3A_277] : memref<16001024xf32, #tpu.memory_space<hbm>> -> memref<1600xf32, #tpu.memory_space<hbm>>
            %dma_start3A_368 = arith.constant 0 : i32
            %dma_start3A_369 = tpu.memref_slice %arg5[%dma_start3A_363, %dma_start3A_368] : memref<16x1600xf32, #tpu.memory_space<vmem>> -> memref<1x1600xf32, #tpu.memory_space<vmem>>
            %dma_start3A_370 = tpu.memref_squeeze %dma_start3A_369 : memref<1x1600xf32, #tpu.memory_space<vmem>> -> memref<1600xf32, #tpu.memory_space<vmem>>
            %dma_start3A_371 = tpu.memref_slice %arg2[%add3A_277] : memref<16001024xf32, #tpu.memory_space<hbm>> -> memref<1600xf32, #tpu.memory_space<hbm>>
            tpu.enqueue_dma source(%dma_start3A_371 : memref<1600xf32, #tpu.memory_space<hbm>>) target(%dma_start3A_370 : memref<1600xf32, #tpu.memory_space<vmem>>) target_semaphore(%arg8 : memref<!tpu.dma_semaphore, #tpu.memory_space<semaphore_mem>>)
            %dma_start3A_372 = arith.constant 9 : i32
            %dma_start3A_373 = arith.constant 0 : i32
            %dma_start3A_374 = tpu.memref_slice %arg5[%dma_start3A_372, %dma_start3A_373] : memref<16x1600xf32, #tpu.memory_space<vmem>> -> memref<1x1600xf32, #tpu.memory_space<vmem>>
            %dma_start3A_375 = tpu.memref_squeeze %dma_start3A_374 : memref<1x1600xf32, #tpu.memory_space<vmem>> -> memref<1600xf32, #tpu.memory_space<vmem>>
            %dma_start3A_376 = tpu.memref_slice %arg2[%add3A_279] : memref<16001024xf32, #tpu.memory_space<hbm>> -> memref<1600xf32, #tpu.memory_space<hbm>>
            %dma_start3A_377 = arith.constant 0 : i32
            %dma_start3A_378 = tpu.memref_slice %arg5[%dma_start3A_372, %dma_start3A_377] : memref<16x1600xf32, #tpu.memory_space<vmem>> -> memref<1x1600xf32, #tpu.memory_space<vmem>>
            %dma_start3A_379 = tpu.memref_squeeze %dma_start3A_378 : memref<1x1600xf32, #tpu.memory_space<vmem>> -> memref<1600xf32, #tpu.memory_space<vmem>>
            %dma_start3A_380 = tpu.memref_slice %arg2[%add3A_279] : memref<16001024xf32, #tpu.memory_space<hbm>> -> memref<1600xf32, #tpu.memory_space<hbm>>
            tpu.enqueue_dma source(%dma_start3A_380 : memref<1600xf32, #tpu.memory_space<hbm>>) target(%dma_start3A_379 : memref<1600xf32, #tpu.memory_space<vmem>>) target_semaphore(%arg8 : memref<!tpu.dma_semaphore, #tpu.memory_space<semaphore_mem>>)
            %dma_start3A_381 = arith.constant 10 : i32
            %dma_start3A_382 = arith.constant 0 : i32
            %dma_start3A_383 = tpu.memref_slice %arg5[%dma_start3A_381, %dma_start3A_382] : memref<16x1600xf32, #tpu.memory_space<vmem>> -> memref<1x1600xf32, #tpu.memory_space<vmem>>
            %dma_start3A_384 = tpu.memref_squeeze %dma_start3A_383 : memref<1x1600xf32, #tpu.memory_space<vmem>> -> memref<1600xf32, #tpu.memory_space<vmem>>
            %dma_start3A_385 = tpu.memref_slice %arg2[%add3A_281] : memref<16001024xf32, #tpu.memory_space<hbm>> -> memref<1600xf32, #tpu.memory_space<hbm>>
            %dma_start3A_386 = arith.constant 0 : i32
            %dma_start3A_387 = tpu.memref_slice %arg5[%dma_start3A_381, %dma_start3A_386] : memref<16x1600xf32, #tpu.memory_space<vmem>> -> memref<1x1600xf32, #tpu.memory_space<vmem>>
            %dma_start3A_388 = tpu.memref_squeeze %dma_start3A_387 : memref<1x1600xf32, #tpu.memory_space<vmem>> -> memref<1600xf32, #tpu.memory_space<vmem>>
            %dma_start3A_389 = tpu.memref_slice %arg2[%add3A_281] : memref<16001024xf32, #tpu.memory_space<hbm>> -> memref<1600xf32, #tpu.memory_space<hbm>>
            tpu.enqueue_dma source(%dma_start3A_389 : memref<1600xf32, #tpu.memory_space<hbm>>) target(%dma_start3A_388 : memref<1600xf32, #tpu.memory_space<vmem>>) target_semaphore(%arg8 : memref<!tpu.dma_semaphore, #tpu.memory_space<semaphore_mem>>)
            %dma_start3A_390 = arith.constant 11 : i32
            %dma_start3A_391 = arith.constant 0 : i32
            %dma_start3A_392 = tpu.memref_slice %arg5[%dma_start3A_390, %dma_start3A_391] : memref<16x1600xf32, #tpu.memory_space<vmem>> -> memref<1x1600xf32, #tpu.memory_space<vmem>>
            %dma_start3A_393 = tpu.memref_squeeze %dma_start3A_392 : memref<1x1600xf32, #tpu.memory_space<vmem>> -> memref<1600xf32, #tpu.memory_space<vmem>>
            %dma_start3A_394 = tpu.memref_slice %arg2[%add3A_283] : memref<16001024xf32, #tpu.memory_space<hbm>> -> memref<1600xf32, #tpu.memory_space<hbm>>
            %dma_start3A_395 = arith.constant 0 : i32
            %dma_start3A_396 = tpu.memref_slice %arg5[%dma_start3A_390, %dma_start3A_395] : memref<16x1600xf32, #tpu.memory_space<vmem>> -> memref<1x1600xf32, #tpu.memory_space<vmem>>
            %dma_start3A_397 = tpu.memref_squeeze %dma_start3A_396 : memref<1x1600xf32, #tpu.memory_space<vmem>> -> memref<1600xf32, #tpu.memory_space<vmem>>
            %dma_start3A_398 = tpu.memref_slice %arg2[%add3A_283] : memref<16001024xf32, #tpu.memory_space<hbm>> -> memref<1600xf32, #tpu.memory_space<hbm>>
            tpu.enqueue_dma source(%dma_start3A_398 : memref<1600xf32, #tpu.memory_space<hbm>>) target(%dma_start3A_397 : memref<1600xf32, #tpu.memory_space<vmem>>) target_semaphore(%arg8 : memref<!tpu.dma_semaphore, #tpu.memory_space<semaphore_mem>>)
            %dma_start3A_399 = arith.constant 12 : i32
            %dma_start3A_400 = arith.constant 0 : i32
            %dma_start3A_401 = tpu.memref_slice %arg5[%dma_start3A_399, %dma_start3A_400] : memref<16x1600xf32, #tpu.memory_space<vmem>> -> memref<1x1600xf32, #tpu.memory_space<vmem>>
            %dma_start3A_402 = tpu.memref_squeeze %dma_start3A_401 : memref<1x1600xf32, #tpu.memory_space<vmem>> -> memref<1600xf32, #tpu.memory_space<vmem>>
            %dma_start3A_403 = tpu.memref_slice %arg2[%add3A_285] : memref<16001024xf32, #tpu.memory_space<hbm>> -> memref<1600xf32, #tpu.memory_space<hbm>>
            %dma_start3A_404 = arith.constant 0 : i32
            %dma_start3A_405 = tpu.memref_slice %arg5[%dma_start3A_399, %dma_start3A_404] : memref<16x1600xf32, #tpu.memory_space<vmem>> -> memref<1x1600xf32, #tpu.memory_space<vmem>>
            %dma_start3A_406 = tpu.memref_squeeze %dma_start3A_405 : memref<1x1600xf32, #tpu.memory_space<vmem>> -> memref<1600xf32, #tpu.memory_space<vmem>>
            %dma_start3A_407 = tpu.memref_slice %arg2[%add3A_285] : memref<16001024xf32, #tpu.memory_space<hbm>> -> memref<1600xf32, #tpu.memory_space<hbm>>
            tpu.enqueue_dma source(%dma_start3A_407 : memref<1600xf32, #tpu.memory_space<hbm>>) target(%dma_start3A_406 : memref<1600xf32, #tpu.memory_space<vmem>>) target_semaphore(%arg8 : memref<!tpu.dma_semaphore, #tpu.memory_space<semaphore_mem>>)
            %dma_start3A_408 = arith.constant 13 : i32
            %dma_start3A_409 = arith.constant 0 : i32
            %dma_start3A_410 = tpu.memref_slice %arg5[%dma_start3A_408, %dma_start3A_409] : memref<16x1600xf32, #tpu.memory_space<vmem>> -> memref<1x1600xf32, #tpu.memory_space<vmem>>
            %dma_start3A_411 = tpu.memref_squeeze %dma_start3A_410 : memref<1x1600xf32, #tpu.memory_space<vmem>> -> memref<1600xf32, #tpu.memory_space<vmem>>
            %dma_start3A_412 = tpu.memref_slice %arg2[%add3A_287] : memref<16001024xf32, #tpu.memory_space<hbm>> -> memref<1600xf32, #tpu.memory_space<hbm>>
            %dma_start3A_413 = arith.constant 0 : i32
            %dma_start3A_414 = tpu.memref_slice %arg5[%dma_start3A_408, %dma_start3A_413] : memref<16x1600xf32, #tpu.memory_space<vmem>> -> memref<1x1600xf32, #tpu.memory_space<vmem>>
            %dma_start3A_415 = tpu.memref_squeeze %dma_start3A_414 : memref<1x1600xf32, #tpu.memory_space<vmem>> -> memref<1600xf32, #tpu.memory_space<vmem>>
            %dma_start3A_416 = tpu.memref_slice %arg2[%add3A_287] : memref<16001024xf32, #tpu.memory_space<hbm>> -> memref<1600xf32, #tpu.memory_space<hbm>>
            tpu.enqueue_dma source(%dma_start3A_416 : memref<1600xf32, #tpu.memory_space<hbm>>) target(%dma_start3A_415 : memref<1600xf32, #tpu.memory_space<vmem>>) target_semaphore(%arg8 : memref<!tpu.dma_semaphore, #tpu.memory_space<semaphore_mem>>)
            %dma_start3A_417 = arith.constant 14 : i32
            %dma_start3A_418 = arith.constant 0 : i32
            %dma_start3A_419 = tpu.memref_slice %arg5[%dma_start3A_417, %dma_start3A_418] : memref<16x1600xf32, #tpu.memory_space<vmem>> -> memref<1x1600xf32, #tpu.memory_space<vmem>>
            %dma_start3A_420 = tpu.memref_squeeze %dma_start3A_419 : memref<1x1600xf32, #tpu.memory_space<vmem>> -> memref<1600xf32, #tpu.memory_space<vmem>>
            %dma_start3A_421 = tpu.memref_slice %arg2[%add3A_289] : memref<16001024xf32, #tpu.memory_space<hbm>> -> memref<1600xf32, #tpu.memory_space<hbm>>
            %dma_start3A_422 = arith.constant 0 : i32
            %dma_start3A_423 = tpu.memref_slice %arg5[%dma_start3A_417, %dma_start3A_422] : memref<16x1600xf32, #tpu.memory_space<vmem>> -> memref<1x1600xf32, #tpu.memory_space<vmem>>
            %dma_start3A_424 = tpu.memref_squeeze %dma_start3A_423 : memref<1x1600xf32, #tpu.memory_space<vmem>> -> memref<1600xf32, #tpu.memory_space<vmem>>
            %dma_start3A_425 = tpu.memref_slice %arg2[%add3A_289] : memref<16001024xf32, #tpu.memory_space<hbm>> -> memref<1600xf32, #tpu.memory_space<hbm>>
            tpu.enqueue_dma source(%dma_start3A_425 : memref<1600xf32, #tpu.memory_space<hbm>>) target(%dma_start3A_424 : memref<1600xf32, #tpu.memory_space<vmem>>) target_semaphore(%arg8 : memref<!tpu.dma_semaphore, #tpu.memory_space<semaphore_mem>>)
            %dma_start3A_426 = arith.constant 15 : i32
            %dma_start3A_427 = arith.constant 0 : i32
            %dma_start3A_428 = tpu.memref_slice %arg5[%dma_start3A_426, %dma_start3A_427] : memref<16x1600xf32, #tpu.memory_space<vmem>> -> memref<1x1600xf32, #tpu.memory_space<vmem>>
            %dma_start3A_429 = tpu.memref_squeeze %dma_start3A_428 : memref<1x1600xf32, #tpu.memory_space<vmem>> -> memref<1600xf32, #tpu.memory_space<vmem>>
            %dma_start3A_430 = tpu.memref_slice %arg2[%add3A_291] : memref<16001024xf32, #tpu.memory_space<hbm>> -> memref<1600xf32, #tpu.memory_space<hbm>>
            %dma_start3A_431 = arith.constant 0 : i32
            %dma_start3A_432 = tpu.memref_slice %arg5[%dma_start3A_426, %dma_start3A_431] : memref<16x1600xf32, #tpu.memory_space<vmem>> -> memref<1x1600xf32, #tpu.memory_space<vmem>>
            %dma_start3A_433 = tpu.memref_squeeze %dma_start3A_432 : memref<1x1600xf32, #tpu.memory_space<vmem>> -> memref<1600xf32, #tpu.memory_space<vmem>>
            %dma_start3A_434 = tpu.memref_slice %arg2[%add3A_291] : memref<16001024xf32, #tpu.memory_space<hbm>> -> memref<1600xf32, #tpu.memory_space<hbm>>
            tpu.enqueue_dma source(%dma_start3A_434 : memref<1600xf32, #tpu.memory_space<hbm>>) target(%dma_start3A_433 : memref<1600xf32, #tpu.memory_space<vmem>>) target_semaphore(%arg8 : memref<!tpu.dma_semaphore, #tpu.memory_space<semaphore_mem>>)
          } else {
          }
          %mul3A_70 = arith.constant 1600 : i32
          %mul3A_71 = arith.muli %add3A_57, %mul3A_70 : i32
          %add3A_72 = arith.constant 0 : i32
          %add3A_73 = arith.addi %add3A_72, %mul3A_71 : i32
          %add3A_74 = arith.constant 1000064 : i32
          %add3A_75 = arith.addi %add3A_74, %mul3A_71 : i32
          %add3A_76 = arith.constant 2000128 : i32
          %add3A_77 = arith.addi %add3A_76, %mul3A_71 : i32
          %add3A_78 = arith.constant 3000192 : i32
          %add3A_79 = arith.addi %add3A_78, %mul3A_71 : i32
          %add3A_80 = arith.constant 4000256 : i32
          %add3A_81 = arith.addi %add3A_80, %mul3A_71 : i32
          %add3A_82 = arith.constant 5000320 : i32
          %add3A_83 = arith.addi %add3A_82, %mul3A_71 : i32
          %add3A_84 = arith.constant 6000384 : i32
          %add3A_85 = arith.addi %add3A_84, %mul3A_71 : i32
          %add3A_86 = arith.constant 7000448 : i32
          %add3A_87 = arith.addi %add3A_86, %mul3A_71 : i32
          %add3A_88 = arith.constant 8000512 : i32
          %add3A_89 = arith.addi %add3A_88, %mul3A_71 : i32
          %add3A_90 = arith.constant 9000576 : i32
          %add3A_91 = arith.addi %add3A_90, %mul3A_71 : i32
          %add3A_92 = arith.constant 10000640 : i32
          %add3A_93 = arith.addi %add3A_92, %mul3A_71 : i32
          %add3A_94 = arith.constant 11000704 : i32
          %add3A_95 = arith.addi %add3A_94, %mul3A_71 : i32
          %add3A_96 = arith.constant 12000768 : i32
          %add3A_97 = arith.addi %add3A_96, %mul3A_71 : i32
          %add3A_98 = arith.constant 13000832 : i32
          %add3A_99 = arith.addi %add3A_98, %mul3A_71 : i32
          %add3A_100 = arith.constant 14000896 : i32
          %add3A_101 = arith.addi %add3A_100, %mul3A_71 : i32
          %add3A_102 = arith.constant 15000960 : i32
          %add3A_103 = arith.addi %add3A_102, %mul3A_71 : i32
          %dma_wait3A = arith.constant 0 : i32
          %dma_wait3A_104 = arith.constant 0 : i32
          %dma_wait3A_105 = tpu.memref_slice %arg4[%dma_wait3A, %dma_wait3A_104] : memref<16x1600xf32, #tpu.memory_space<vmem>> -> memref<1x1600xf32, #tpu.memory_space<vmem>>
          %dma_wait3A_106 = tpu.memref_squeeze %dma_wait3A_105 : memref<1x1600xf32, #tpu.memory_space<vmem>> -> memref<1600xf32, #tpu.memory_space<vmem>>
          %dma_wait3A_107 = tpu.memref_slice %arg2[%add3A_73] : memref<16001024xf32, #tpu.memory_space<hbm>> -> memref<1600xf32, #tpu.memory_space<hbm>>
          %dma_wait3A_108 = arith.constant 0 : i32
          %dma_wait3A_109 = tpu.memref_slice %arg4[%dma_wait3A, %dma_wait3A_108] : memref<16x1600xf32, #tpu.memory_space<vmem>> -> memref<1x1600xf32, #tpu.memory_space<vmem>>
          %dma_wait3A_110 = tpu.memref_squeeze %dma_wait3A_109 : memref<1x1600xf32, #tpu.memory_space<vmem>> -> memref<1600xf32, #tpu.memory_space<vmem>>
          %dma_wait3A_111 = tpu.memref_slice %arg2[%add3A_73] : memref<16001024xf32, #tpu.memory_space<hbm>> -> memref<1600xf32, #tpu.memory_space<hbm>>
          tpu.wait_dma2 semaphore(%arg7 : memref<!tpu.dma_semaphore, #tpu.memory_space<semaphore_mem>>) src(%dma_wait3A_111 : memref<1600xf32, #tpu.memory_space<hbm>>) dst(%dma_wait3A_110 : memref<1600xf32, #tpu.memory_space<vmem>>)
          %dma_wait3A_112 = arith.constant 1 : i32
          %dma_wait3A_113 = arith.constant 0 : i32
          %dma_wait3A_114 = tpu.memref_slice %arg4[%dma_wait3A_112, %dma_wait3A_113] : memref<16x1600xf32, #tpu.memory_space<vmem>> -> memref<1x1600xf32, #tpu.memory_space<vmem>>
          %dma_wait3A_115 = tpu.memref_squeeze %dma_wait3A_114 : memref<1x1600xf32, #tpu.memory_space<vmem>> -> memref<1600xf32, #tpu.memory_space<vmem>>
          %dma_wait3A_116 = tpu.memref_slice %arg2[%add3A_75] : memref<16001024xf32, #tpu.memory_space<hbm>> -> memref<1600xf32, #tpu.memory_space<hbm>>
          %dma_wait3A_117 = arith.constant 0 : i32
          %dma_wait3A_118 = tpu.memref_slice %arg4[%dma_wait3A_112, %dma_wait3A_117] : memref<16x1600xf32, #tpu.memory_space<vmem>> -> memref<1x1600xf32, #tpu.memory_space<vmem>>
          %dma_wait3A_119 = tpu.memref_squeeze %dma_wait3A_118 : memref<1x1600xf32, #tpu.memory_space<vmem>> -> memref<1600xf32, #tpu.memory_space<vmem>>
          %dma_wait3A_120 = tpu.memref_slice %arg2[%add3A_75] : memref<16001024xf32, #tpu.memory_space<hbm>> -> memref<1600xf32, #tpu.memory_space<hbm>>
          tpu.wait_dma2 semaphore(%arg7 : memref<!tpu.dma_semaphore, #tpu.memory_space<semaphore_mem>>) src(%dma_wait3A_120 : memref<1600xf32, #tpu.memory_space<hbm>>) dst(%dma_wait3A_119 : memref<1600xf32, #tpu.memory_space<vmem>>)
          %dma_wait3A_121 = arith.constant 2 : i32
          %dma_wait3A_122 = arith.constant 0 : i32
          %dma_wait3A_123 = tpu.memref_slice %arg4[%dma_wait3A_121, %dma_wait3A_122] : memref<16x1600xf32, #tpu.memory_space<vmem>> -> memref<1x1600xf32, #tpu.memory_space<vmem>>
          %dma_wait3A_124 = tpu.memref_squeeze %dma_wait3A_123 : memref<1x1600xf32, #tpu.memory_space<vmem>> -> memref<1600xf32, #tpu.memory_space<vmem>>
          %dma_wait3A_125 = tpu.memref_slice %arg2[%add3A_77] : memref<16001024xf32, #tpu.memory_space<hbm>> -> memref<1600xf32, #tpu.memory_space<hbm>>
          %dma_wait3A_126 = arith.constant 0 : i32
          %dma_wait3A_127 = tpu.memref_slice %arg4[%dma_wait3A_121, %dma_wait3A_126] : memref<16x1600xf32, #tpu.memory_space<vmem>> -> memref<1x1600xf32, #tpu.memory_space<vmem>>
          %dma_wait3A_128 = tpu.memref_squeeze %dma_wait3A_127 : memref<1x1600xf32, #tpu.memory_space<vmem>> -> memref<1600xf32, #tpu.memory_space<vmem>>
          %dma_wait3A_129 = tpu.memref_slice %arg2[%add3A_77] : memref<16001024xf32, #tpu.memory_space<hbm>> -> memref<1600xf32, #tpu.memory_space<hbm>>
          tpu.wait_dma2 semaphore(%arg7 : memref<!tpu.dma_semaphore, #tpu.memory_space<semaphore_mem>>) src(%dma_wait3A_129 : memref<1600xf32, #tpu.memory_space<hbm>>) dst(%dma_wait3A_128 : memref<1600xf32, #tpu.memory_space<vmem>>)
          %dma_wait3A_130 = arith.constant 3 : i32
          %dma_wait3A_131 = arith.constant 0 : i32
          %dma_wait3A_132 = tpu.memref_slice %arg4[%dma_wait3A_130, %dma_wait3A_131] : memref<16x1600xf32, #tpu.memory_space<vmem>> -> memref<1x1600xf32, #tpu.memory_space<vmem>>
          %dma_wait3A_133 = tpu.memref_squeeze %dma_wait3A_132 : memref<1x1600xf32, #tpu.memory_space<vmem>> -> memref<1600xf32, #tpu.memory_space<vmem>>
          %dma_wait3A_134 = tpu.memref_slice %arg2[%add3A_79] : memref<16001024xf32, #tpu.memory_space<hbm>> -> memref<1600xf32, #tpu.memory_space<hbm>>
          %dma_wait3A_135 = arith.constant 0 : i32
          %dma_wait3A_136 = tpu.memref_slice %arg4[%dma_wait3A_130, %dma_wait3A_135] : memref<16x1600xf32, #tpu.memory_space<vmem>> -> memref<1x1600xf32, #tpu.memory_space<vmem>>
          %dma_wait3A_137 = tpu.memref_squeeze %dma_wait3A_136 : memref<1x1600xf32, #tpu.memory_space<vmem>> -> memref<1600xf32, #tpu.memory_space<vmem>>
          %dma_wait3A_138 = tpu.memref_slice %arg2[%add3A_79] : memref<16001024xf32, #tpu.memory_space<hbm>> -> memref<1600xf32, #tpu.memory_space<hbm>>
          tpu.wait_dma2 semaphore(%arg7 : memref<!tpu.dma_semaphore, #tpu.memory_space<semaphore_mem>>) src(%dma_wait3A_138 : memref<1600xf32, #tpu.memory_space<hbm>>) dst(%dma_wait3A_137 : memref<1600xf32, #tpu.memory_space<vmem>>)
          %dma_wait3A_139 = arith.constant 4 : i32
          %dma_wait3A_140 = arith.constant 0 : i32
          %dma_wait3A_141 = tpu.memref_slice %arg4[%dma_wait3A_139, %dma_wait3A_140] : memref<16x1600xf32, #tpu.memory_space<vmem>> -> memref<1x1600xf32, #tpu.memory_space<vmem>>
          %dma_wait3A_142 = tpu.memref_squeeze %dma_wait3A_141 : memref<1x1600xf32, #tpu.memory_space<vmem>> -> memref<1600xf32, #tpu.memory_space<vmem>>
          %dma_wait3A_143 = tpu.memref_slice %arg2[%add3A_81] : memref<16001024xf32, #tpu.memory_space<hbm>> -> memref<1600xf32, #tpu.memory_space<hbm>>
          %dma_wait3A_144 = arith.constant 0 : i32
          %dma_wait3A_145 = tpu.memref_slice %arg4[%dma_wait3A_139, %dma_wait3A_144] : memref<16x1600xf32, #tpu.memory_space<vmem>> -> memref<1x1600xf32, #tpu.memory_space<vmem>>
          %dma_wait3A_146 = tpu.memref_squeeze %dma_wait3A_145 : memref<1x1600xf32, #tpu.memory_space<vmem>> -> memref<1600xf32, #tpu.memory_space<vmem>>
          %dma_wait3A_147 = tpu.memref_slice %arg2[%add3A_81] : memref<16001024xf32, #tpu.memory_space<hbm>> -> memref<1600xf32, #tpu.memory_space<hbm>>
          tpu.wait_dma2 semaphore(%arg7 : memref<!tpu.dma_semaphore, #tpu.memory_space<semaphore_mem>>) src(%dma_wait3A_147 : memref<1600xf32, #tpu.memory_space<hbm>>) dst(%dma_wait3A_146 : memref<1600xf32, #tpu.memory_space<vmem>>)
          %dma_wait3A_148 = arith.constant 5 : i32
          %dma_wait3A_149 = arith.constant 0 : i32
          %dma_wait3A_150 = tpu.memref_slice %arg4[%dma_wait3A_148, %dma_wait3A_149] : memref<16x1600xf32, #tpu.memory_space<vmem>> -> memref<1x1600xf32, #tpu.memory_space<vmem>>
          %dma_wait3A_151 = tpu.memref_squeeze %dma_wait3A_150 : memref<1x1600xf32, #tpu.memory_space<vmem>> -> memref<1600xf32, #tpu.memory_space<vmem>>
          %dma_wait3A_152 = tpu.memref_slice %arg2[%add3A_83] : memref<16001024xf32, #tpu.memory_space<hbm>> -> memref<1600xf32, #tpu.memory_space<hbm>>
          %dma_wait3A_153 = arith.constant 0 : i32
          %dma_wait3A_154 = tpu.memref_slice %arg4[%dma_wait3A_148, %dma_wait3A_153] : memref<16x1600xf32, #tpu.memory_space<vmem>> -> memref<1x1600xf32, #tpu.memory_space<vmem>>
          %dma_wait3A_155 = tpu.memref_squeeze %dma_wait3A_154 : memref<1x1600xf32, #tpu.memory_space<vmem>> -> memref<1600xf32, #tpu.memory_space<vmem>>
          %dma_wait3A_156 = tpu.memref_slice %arg2[%add3A_83] : memref<16001024xf32, #tpu.memory_space<hbm>> -> memref<1600xf32, #tpu.memory_space<hbm>>
          tpu.wait_dma2 semaphore(%arg7 : memref<!tpu.dma_semaphore, #tpu.memory_space<semaphore_mem>>) src(%dma_wait3A_156 : memref<1600xf32, #tpu.memory_space<hbm>>) dst(%dma_wait3A_155 : memref<1600xf32, #tpu.memory_space<vmem>>)
          %dma_wait3A_157 = arith.constant 6 : i32
          %dma_wait3A_158 = arith.constant 0 : i32
          %dma_wait3A_159 = tpu.memref_slice %arg4[%dma_wait3A_157, %dma_wait3A_158] : memref<16x1600xf32, #tpu.memory_space<vmem>> -> memref<1x1600xf32, #tpu.memory_space<vmem>>
          %dma_wait3A_160 = tpu.memref_squeeze %dma_wait3A_159 : memref<1x1600xf32, #tpu.memory_space<vmem>> -> memref<1600xf32, #tpu.memory_space<vmem>>
          %dma_wait3A_161 = tpu.memref_slice %arg2[%add3A_85] : memref<16001024xf32, #tpu.memory_space<hbm>> -> memref<1600xf32, #tpu.memory_space<hbm>>
          %dma_wait3A_162 = arith.constant 0 : i32
          %dma_wait3A_163 = tpu.memref_slice %arg4[%dma_wait3A_157, %dma_wait3A_162] : memref<16x1600xf32, #tpu.memory_space<vmem>> -> memref<1x1600xf32, #tpu.memory_space<vmem>>
          %dma_wait3A_164 = tpu.memref_squeeze %dma_wait3A_163 : memref<1x1600xf32, #tpu.memory_space<vmem>> -> memref<1600xf32, #tpu.memory_space<vmem>>
          %dma_wait3A_165 = tpu.memref_slice %arg2[%add3A_85] : memref<16001024xf32, #tpu.memory_space<hbm>> -> memref<1600xf32, #tpu.memory_space<hbm>>
          tpu.wait_dma2 semaphore(%arg7 : memref<!tpu.dma_semaphore, #tpu.memory_space<semaphore_mem>>) src(%dma_wait3A_165 : memref<1600xf32, #tpu.memory_space<hbm>>) dst(%dma_wait3A_164 : memref<1600xf32, #tpu.memory_space<vmem>>)
          %dma_wait3A_166 = arith.constant 7 : i32
          %dma_wait3A_167 = arith.constant 0 : i32
          %dma_wait3A_168 = tpu.memref_slice %arg4[%dma_wait3A_166, %dma_wait3A_167] : memref<16x1600xf32, #tpu.memory_space<vmem>> -> memref<1x1600xf32, #tpu.memory_space<vmem>>
          %dma_wait3A_169 = tpu.memref_squeeze %dma_wait3A_168 : memref<1x1600xf32, #tpu.memory_space<vmem>> -> memref<1600xf32, #tpu.memory_space<vmem>>
          %dma_wait3A_170 = tpu.memref_slice %arg2[%add3A_87] : memref<16001024xf32, #tpu.memory_space<hbm>> -> memref<1600xf32, #tpu.memory_space<hbm>>
          %dma_wait3A_171 = arith.constant 0 : i32
          %dma_wait3A_172 = tpu.memref_slice %arg4[%dma_wait3A_166, %dma_wait3A_171] : memref<16x1600xf32, #tpu.memory_space<vmem>> -> memref<1x1600xf32, #tpu.memory_space<vmem>>
          %dma_wait3A_173 = tpu.memref_squeeze %dma_wait3A_172 : memref<1x1600xf32, #tpu.memory_space<vmem>> -> memref<1600xf32, #tpu.memory_space<vmem>>
          %dma_wait3A_174 = tpu.memref_slice %arg2[%add3A_87] : memref<16001024xf32, #tpu.memory_space<hbm>> -> memref<1600xf32, #tpu.memory_space<hbm>>
          tpu.wait_dma2 semaphore(%arg7 : memref<!tpu.dma_semaphore, #tpu.memory_space<semaphore_mem>>) src(%dma_wait3A_174 : memref<1600xf32, #tpu.memory_space<hbm>>) dst(%dma_wait3A_173 : memref<1600xf32, #tpu.memory_space<vmem>>)
          %dma_wait3A_175 = arith.constant 8 : i32
          %dma_wait3A_176 = arith.constant 0 : i32
          %dma_wait3A_177 = tpu.memref_slice %arg4[%dma_wait3A_175, %dma_wait3A_176] : memref<16x1600xf32, #tpu.memory_space<vmem>> -> memref<1x1600xf32, #tpu.memory_space<vmem>>
          %dma_wait3A_178 = tpu.memref_squeeze %dma_wait3A_177 : memref<1x1600xf32, #tpu.memory_space<vmem>> -> memref<1600xf32, #tpu.memory_space<vmem>>
          %dma_wait3A_179 = tpu.memref_slice %arg2[%add3A_89] : memref<16001024xf32, #tpu.memory_space<hbm>> -> memref<1600xf32, #tpu.memory_space<hbm>>
          %dma_wait3A_180 = arith.constant 0 : i32
          %dma_wait3A_181 = tpu.memref_slice %arg4[%dma_wait3A_175, %dma_wait3A_180] : memref<16x1600xf32, #tpu.memory_space<vmem>> -> memref<1x1600xf32, #tpu.memory_space<vmem>>
          %dma_wait3A_182 = tpu.memref_squeeze %dma_wait3A_181 : memref<1x1600xf32, #tpu.memory_space<vmem>> -> memref<1600xf32, #tpu.memory_space<vmem>>
          %dma_wait3A_183 = tpu.memref_slice %arg2[%add3A_89] : memref<16001024xf32, #tpu.memory_space<hbm>> -> memref<1600xf32, #tpu.memory_space<hbm>>
          tpu.wait_dma2 semaphore(%arg7 : memref<!tpu.dma_semaphore, #tpu.memory_space<semaphore_mem>>) src(%dma_wait3A_183 : memref<1600xf32, #tpu.memory_space<hbm>>) dst(%dma_wait3A_182 : memref<1600xf32, #tpu.memory_space<vmem>>)
          %dma_wait3A_184 = arith.constant 9 : i32
          %dma_wait3A_185 = arith.constant 0 : i32
          %dma_wait3A_186 = tpu.memref_slice %arg4[%dma_wait3A_184, %dma_wait3A_185] : memref<16x1600xf32, #tpu.memory_space<vmem>> -> memref<1x1600xf32, #tpu.memory_space<vmem>>
          %dma_wait3A_187 = tpu.memref_squeeze %dma_wait3A_186 : memref<1x1600xf32, #tpu.memory_space<vmem>> -> memref<1600xf32, #tpu.memory_space<vmem>>
          %dma_wait3A_188 = tpu.memref_slice %arg2[%add3A_91] : memref<16001024xf32, #tpu.memory_space<hbm>> -> memref<1600xf32, #tpu.memory_space<hbm>>
          %dma_wait3A_189 = arith.constant 0 : i32
          %dma_wait3A_190 = tpu.memref_slice %arg4[%dma_wait3A_184, %dma_wait3A_189] : memref<16x1600xf32, #tpu.memory_space<vmem>> -> memref<1x1600xf32, #tpu.memory_space<vmem>>
          %dma_wait3A_191 = tpu.memref_squeeze %dma_wait3A_190 : memref<1x1600xf32, #tpu.memory_space<vmem>> -> memref<1600xf32, #tpu.memory_space<vmem>>
          %dma_wait3A_192 = tpu.memref_slice %arg2[%add3A_91] : memref<16001024xf32, #tpu.memory_space<hbm>> -> memref<1600xf32, #tpu.memory_space<hbm>>
          tpu.wait_dma2 semaphore(%arg7 : memref<!tpu.dma_semaphore, #tpu.memory_space<semaphore_mem>>) src(%dma_wait3A_192 : memref<1600xf32, #tpu.memory_space<hbm>>) dst(%dma_wait3A_191 : memref<1600xf32, #tpu.memory_space<vmem>>)
          %dma_wait3A_193 = arith.constant 10 : i32
          %dma_wait3A_194 = arith.constant 0 : i32
          %dma_wait3A_195 = tpu.memref_slice %arg4[%dma_wait3A_193, %dma_wait3A_194] : memref<16x1600xf32, #tpu.memory_space<vmem>> -> memref<1x1600xf32, #tpu.memory_space<vmem>>
          %dma_wait3A_196 = tpu.memref_squeeze %dma_wait3A_195 : memref<1x1600xf32, #tpu.memory_space<vmem>> -> memref<1600xf32, #tpu.memory_space<vmem>>
          %dma_wait3A_197 = tpu.memref_slice %arg2[%add3A_93] : memref<16001024xf32, #tpu.memory_space<hbm>> -> memref<1600xf32, #tpu.memory_space<hbm>>
          %dma_wait3A_198 = arith.constant 0 : i32
          %dma_wait3A_199 = tpu.memref_slice %arg4[%dma_wait3A_193, %dma_wait3A_198] : memref<16x1600xf32, #tpu.memory_space<vmem>> -> memref<1x1600xf32, #tpu.memory_space<vmem>>
          %dma_wait3A_200 = tpu.memref_squeeze %dma_wait3A_199 : memref<1x1600xf32, #tpu.memory_space<vmem>> -> memref<1600xf32, #tpu.memory_space<vmem>>
          %dma_wait3A_201 = tpu.memref_slice %arg2[%add3A_93] : memref<16001024xf32, #tpu.memory_space<hbm>> -> memref<1600xf32, #tpu.memory_space<hbm>>
          tpu.wait_dma2 semaphore(%arg7 : memref<!tpu.dma_semaphore, #tpu.memory_space<semaphore_mem>>) src(%dma_wait3A_201 : memref<1600xf32, #tpu.memory_space<hbm>>) dst(%dma_wait3A_200 : memref<1600xf32, #tpu.memory_space<vmem>>)
          %dma_wait3A_202 = arith.constant 11 : i32
          %dma_wait3A_203 = arith.constant 0 : i32
          %dma_wait3A_204 = tpu.memref_slice %arg4[%dma_wait3A_202, %dma_wait3A_203] : memref<16x1600xf32, #tpu.memory_space<vmem>> -> memref<1x1600xf32, #tpu.memory_space<vmem>>
          %dma_wait3A_205 = tpu.memref_squeeze %dma_wait3A_204 : memref<1x1600xf32, #tpu.memory_space<vmem>> -> memref<1600xf32, #tpu.memory_space<vmem>>
          %dma_wait3A_206 = tpu.memref_slice %arg2[%add3A_95] : memref<16001024xf32, #tpu.memory_space<hbm>> -> memref<1600xf32, #tpu.memory_space<hbm>>
          %dma_wait3A_207 = arith.constant 0 : i32
          %dma_wait3A_208 = tpu.memref_slice %arg4[%dma_wait3A_202, %dma_wait3A_207] : memref<16x1600xf32, #tpu.memory_space<vmem>> -> memref<1x1600xf32, #tpu.memory_space<vmem>>
          %dma_wait3A_209 = tpu.memref_squeeze %dma_wait3A_208 : memref<1x1600xf32, #tpu.memory_space<vmem>> -> memref<1600xf32, #tpu.memory_space<vmem>>
          %dma_wait3A_210 = tpu.memref_slice %arg2[%add3A_95] : memref<16001024xf32, #tpu.memory_space<hbm>> -> memref<1600xf32, #tpu.memory_space<hbm>>
          tpu.wait_dma2 semaphore(%arg7 : memref<!tpu.dma_semaphore, #tpu.memory_space<semaphore_mem>>) src(%dma_wait3A_210 : memref<1600xf32, #tpu.memory_space<hbm>>) dst(%dma_wait3A_209 : memref<1600xf32, #tpu.memory_space<vmem>>)
          %dma_wait3A_211 = arith.constant 12 : i32
          %dma_wait3A_212 = arith.constant 0 : i32
          %dma_wait3A_213 = tpu.memref_slice %arg4[%dma_wait3A_211, %dma_wait3A_212] : memref<16x1600xf32, #tpu.memory_space<vmem>> -> memref<1x1600xf32, #tpu.memory_space<vmem>>
          %dma_wait3A_214 = tpu.memref_squeeze %dma_wait3A_213 : memref<1x1600xf32, #tpu.memory_space<vmem>> -> memref<1600xf32, #tpu.memory_space<vmem>>
          %dma_wait3A_215 = tpu.memref_slice %arg2[%add3A_97] : memref<16001024xf32, #tpu.memory_space<hbm>> -> memref<1600xf32, #tpu.memory_space<hbm>>
          %dma_wait3A_216 = arith.constant 0 : i32
          %dma_wait3A_217 = tpu.memref_slice %arg4[%dma_wait3A_211, %dma_wait3A_216] : memref<16x1600xf32, #tpu.memory_space<vmem>> -> memref<1x1600xf32, #tpu.memory_space<vmem>>
          %dma_wait3A_218 = tpu.memref_squeeze %dma_wait3A_217 : memref<1x1600xf32, #tpu.memory_space<vmem>> -> memref<1600xf32, #tpu.memory_space<vmem>>
          %dma_wait3A_219 = tpu.memref_slice %arg2[%add3A_97] : memref<16001024xf32, #tpu.memory_space<hbm>> -> memref<1600xf32, #tpu.memory_space<hbm>>
          tpu.wait_dma2 semaphore(%arg7 : memref<!tpu.dma_semaphore, #tpu.memory_space<semaphore_mem>>) src(%dma_wait3A_219 : memref<1600xf32, #tpu.memory_space<hbm>>) dst(%dma_wait3A_218 : memref<1600xf32, #tpu.memory_space<vmem>>)
          %dma_wait3A_220 = arith.constant 13 : i32
          %dma_wait3A_221 = arith.constant 0 : i32
          %dma_wait3A_222 = tpu.memref_slice %arg4[%dma_wait3A_220, %dma_wait3A_221] : memref<16x1600xf32, #tpu.memory_space<vmem>> -> memref<1x1600xf32, #tpu.memory_space<vmem>>
          %dma_wait3A_223 = tpu.memref_squeeze %dma_wait3A_222 : memref<1x1600xf32, #tpu.memory_space<vmem>> -> memref<1600xf32, #tpu.memory_space<vmem>>
          %dma_wait3A_224 = tpu.memref_slice %arg2[%add3A_99] : memref<16001024xf32, #tpu.memory_space<hbm>> -> memref<1600xf32, #tpu.memory_space<hbm>>
          %dma_wait3A_225 = arith.constant 0 : i32
          %dma_wait3A_226 = tpu.memref_slice %arg4[%dma_wait3A_220, %dma_wait3A_225] : memref<16x1600xf32, #tpu.memory_space<vmem>> -> memref<1x1600xf32, #tpu.memory_space<vmem>>
          %dma_wait3A_227 = tpu.memref_squeeze %dma_wait3A_226 : memref<1x1600xf32, #tpu.memory_space<vmem>> -> memref<1600xf32, #tpu.memory_space<vmem>>
          %dma_wait3A_228 = tpu.memref_slice %arg2[%add3A_99] : memref<16001024xf32, #tpu.memory_space<hbm>> -> memref<1600xf32, #tpu.memory_space<hbm>>
          tpu.wait_dma2 semaphore(%arg7 : memref<!tpu.dma_semaphore, #tpu.memory_space<semaphore_mem>>) src(%dma_wait3A_228 : memref<1600xf32, #tpu.memory_space<hbm>>) dst(%dma_wait3A_227 : memref<1600xf32, #tpu.memory_space<vmem>>)
          %dma_wait3A_229 = arith.constant 14 : i32
          %dma_wait3A_230 = arith.constant 0 : i32
          %dma_wait3A_231 = tpu.memref_slice %arg4[%dma_wait3A_229, %dma_wait3A_230] : memref<16x1600xf32, #tpu.memory_space<vmem>> -> memref<1x1600xf32, #tpu.memory_space<vmem>>
          %dma_wait3A_232 = tpu.memref_squeeze %dma_wait3A_231 : memref<1x1600xf32, #tpu.memory_space<vmem>> -> memref<1600xf32, #tpu.memory_space<vmem>>
          %dma_wait3A_233 = tpu.memref_slice %arg2[%add3A_101] : memref<16001024xf32, #tpu.memory_space<hbm>> -> memref<1600xf32, #tpu.memory_space<hbm>>
          %dma_wait3A_234 = arith.constant 0 : i32
          %dma_wait3A_235 = tpu.memref_slice %arg4[%dma_wait3A_229, %dma_wait3A_234] : memref<16x1600xf32, #tpu.memory_space<vmem>> -> memref<1x1600xf32, #tpu.memory_space<vmem>>
          %dma_wait3A_236 = tpu.memref_squeeze %dma_wait3A_235 : memref<1x1600xf32, #tpu.memory_space<vmem>> -> memref<1600xf32, #tpu.memory_space<vmem>>
          %dma_wait3A_237 = tpu.memref_slice %arg2[%add3A_101] : memref<16001024xf32, #tpu.memory_space<hbm>> -> memref<1600xf32, #tpu.memory_space<hbm>>
          tpu.wait_dma2 semaphore(%arg7 : memref<!tpu.dma_semaphore, #tpu.memory_space<semaphore_mem>>) src(%dma_wait3A_237 : memref<1600xf32, #tpu.memory_space<hbm>>) dst(%dma_wait3A_236 : memref<1600xf32, #tpu.memory_space<vmem>>)
          %dma_wait3A_238 = arith.constant 15 : i32
          %dma_wait3A_239 = arith.constant 0 : i32
          %dma_wait3A_240 = tpu.memref_slice %arg4[%dma_wait3A_238, %dma_wait3A_239] : memref<16x1600xf32, #tpu.memory_space<vmem>> -> memref<1x1600xf32, #tpu.memory_space<vmem>>
          %dma_wait3A_241 = tpu.memref_squeeze %dma_wait3A_240 : memref<1x1600xf32, #tpu.memory_space<vmem>> -> memref<1600xf32, #tpu.memory_space<vmem>>
          %dma_wait3A_242 = tpu.memref_slice %arg2[%add3A_103] : memref<16001024xf32, #tpu.memory_space<hbm>> -> memref<1600xf32, #tpu.memory_space<hbm>>
          %dma_wait3A_243 = arith.constant 0 : i32
          %dma_wait3A_244 = tpu.memref_slice %arg4[%dma_wait3A_238, %dma_wait3A_243] : memref<16x1600xf32, #tpu.memory_space<vmem>> -> memref<1x1600xf32, #tpu.memory_space<vmem>>
          %dma_wait3A_245 = tpu.memref_squeeze %dma_wait3A_244 : memref<1x1600xf32, #tpu.memory_space<vmem>> -> memref<1600xf32, #tpu.memory_space<vmem>>
          %dma_wait3A_246 = tpu.memref_slice %arg2[%add3A_103] : memref<16001024xf32, #tpu.memory_space<hbm>> -> memref<1600xf32, #tpu.memory_space<hbm>>
          tpu.wait_dma2 semaphore(%arg7 : memref<!tpu.dma_semaphore, #tpu.memory_space<semaphore_mem>>) src(%dma_wait3A_246 : memref<1600xf32, #tpu.memory_space<hbm>>) dst(%dma_wait3A_245 : memref<1600xf32, #tpu.memory_space<vmem>>)
          %scan3A_247 = arith.constant 0 : i32
          %scan3A_248 = arith.constant 0 : i32
          %scan3A_249 = arith.constant 25 : i32
          %scan3A_250 = arith.addi %scan3A_248, %scan3A_249 : i32
          %scan3A_251 = arith.constant 1 : i32
          %scan3A_252 = scf.for %scan3A_256 = %scan3A_248 to %scan3A_250 step %scan3A_251 iter_args(%scan3A_257 = %scan3A_247) -> (i32)  : i32 {
            %mul3A_258 = arith.constant 4 : i32
            %mul3A_259 = arith.muli %scan3A_256, %mul3A_258 : i32
            %add3A_260 = arith.constant 0 : i32
            %add3A_261 = arith.addi %mul3A_259, %add3A_260 : i32
            %mul3A_262 = arith.constant 16 : i32
            %mul3A_263 = arith.muli %add3A_261, %mul3A_262 : i32
            %add3A_264 = vector.broadcast %mul3A_263 : i32 to vector<16xi32>
            %add3A_265 = arith.addi %add3A_264, %iota3A : vector<16xi32>
            %mul3A_266 = arith.constant 4 : i32
            %mul3A_267 = arith.muli %scan3A_256, %mul3A_266 : i32
            %add3A_268 = arith.constant 0 : i32
            %add3A_269 = arith.addi %mul3A_267, %add3A_268 : i32
            %mul3A_270 = arith.constant 16 : i32
            %mul3A_271 = arith.muli %add3A_269, %mul3A_270 : i32
            %get3A = arith.constant 0 : i32
            %get3A_272 = arith.index_cast %get3A : i32 to index
            %get3A_273 = arith.index_cast %mul3A_271 : i32 to index
            %get3A_274 = tpu.vector_load %arg4[%get3A_272, %get3A_273] {strides = array<i32>} : memref<16x1600xf32, #tpu.memory_space<vmem>>, vector<16xf32>,
            tpu.vector_store_idx %arg6[%add3A_265, %broadcast_in_dim3A_1], %get3A_274 : memref<1600x17xf32, #tpu.memory_space<vmem>>[vector<16xi32>, vector<16xi32>], vector<16xf32>,
            %mul3A_275 = arith.constant 4 : i32
            %mul3A_276 = arith.muli %scan3A_256, %mul3A_275 : i32
            %add3A_277 = arith.constant 0 : i32
            %add3A_278 = arith.addi %mul3A_276, %add3A_277 : i32
            %mul3A_279 = arith.constant 16 : i32
            %mul3A_280 = arith.muli %add3A_278, %mul3A_279 : i32
            %get3A_281 = arith.constant 1 : i32
            %get3A_282 = arith.index_cast %get3A_281 : i32 to index
            %get3A_283 = arith.index_cast %mul3A_280 : i32 to index
            %get3A_284 = tpu.vector_load %arg4[%get3A_282, %get3A_283] {strides = array<i32>} : memref<16x1600xf32, #tpu.memory_space<vmem>>, vector<16xf32>,
            tpu.vector_store_idx %arg6[%add3A_265, %broadcast_in_dim3A_3], %get3A_284 : memref<1600x17xf32, #tpu.memory_space<vmem>>[vector<16xi32>, vector<16xi32>], vector<16xf32>,
            %mul3A_285 = arith.constant 4 : i32
            %mul3A_286 = arith.muli %scan3A_256, %mul3A_285 : i32
            %add3A_287 = arith.constant 0 : i32
            %add3A_288 = arith.addi %mul3A_286, %add3A_287 : i32
            %mul3A_289 = arith.constant 16 : i32
            %mul3A_290 = arith.muli %add3A_288, %mul3A_289 : i32
            %get3A_291 = arith.constant 2 : i32
            %get3A_292 = arith.index_cast %get3A_291 : i32 to index
            %get3A_293 = arith.index_cast %mul3A_290 : i32 to index
            %get3A_294 = tpu.vector_load %arg4[%get3A_292, %get3A_293] {strides = array<i32>} : memref<16x1600xf32, #tpu.memory_space<vmem>>, vector<16xf32>,
            tpu.vector_store_idx %arg6[%add3A_265, %broadcast_in_dim3A_5], %get3A_294 : memref<1600x17xf32, #tpu.memory_space<vmem>>[vector<16xi32>, vector<16xi32>], vector<16xf32>,
            %mul3A_295 = arith.constant 4 : i32
            %mul3A_296 = arith.muli %scan3A_256, %mul3A_295 : i32
            %add3A_297 = arith.constant 0 : i32
            %add3A_298 = arith.addi %mul3A_296, %add3A_297 : i32
            %mul3A_299 = arith.constant 16 : i32
            %mul3A_300 = arith.muli %add3A_298, %mul3A_299 : i32
            %get3A_301 = arith.constant 3 : i32
            %get3A_302 = arith.index_cast %get3A_301 : i32 to index
            %get3A_303 = arith.index_cast %mul3A_300 : i32 to index
            %get3A_304 = tpu.vector_load %arg4[%get3A_302, %get3A_303] {strides = array<i32>} : memref<16x1600xf32, #tpu.memory_space<vmem>>, vector<16xf32>,
            tpu.vector_store_idx %arg6[%add3A_265, %broadcast_in_dim3A_7], %get3A_304 : memref<1600x17xf32, #tpu.memory_space<vmem>>[vector<16xi32>, vector<16xi32>], vector<16xf32>,
            %mul3A_305 = arith.constant 4 : i32
            %mul3A_306 = arith.muli %scan3A_256, %mul3A_305 : i32
            %add3A_307 = arith.constant 0 : i32
            %add3A_308 = arith.addi %mul3A_306, %add3A_307 : i32
            %mul3A_309 = arith.constant 16 : i32
            %mul3A_310 = arith.muli %add3A_308, %mul3A_309 : i32
            %get3A_311 = arith.constant 4 : i32
            %get3A_312 = arith.index_cast %get3A_311 : i32 to index
            %get3A_313 = arith.index_cast %mul3A_310 : i32 to index
            %get3A_314 = tpu.vector_load %arg4[%get3A_312, %get3A_313] {strides = array<i32>} : memref<16x1600xf32, #tpu.memory_space<vmem>>, vector<16xf32>,
            tpu.vector_store_idx %arg6[%add3A_265, %broadcast_in_dim3A_9], %get3A_314 : memref<1600x17xf32, #tpu.memory_space<vmem>>[vector<16xi32>, vector<16xi32>], vector<16xf32>,
            %mul3A_315 = arith.constant 4 : i32
            %mul3A_316 = arith.muli %scan3A_256, %mul3A_315 : i32
            %add3A_317 = arith.constant 0 : i32
            %add3A_318 = arith.addi %mul3A_316, %add3A_317 : i32
            %mul3A_319 = arith.constant 16 : i32
            %mul3A_320 = arith.muli %add3A_318, %mul3A_319 : i32
            %get3A_321 = arith.constant 5 : i32
            %get3A_322 = arith.index_cast %get3A_321 : i32 to index
            %get3A_323 = arith.index_cast %mul3A_320 : i32 to index
            %get3A_324 = tpu.vector_load %arg4[%get3A_322, %get3A_323] {strides = array<i32>} : memref<16x1600xf32, #tpu.memory_space<vmem>>, vector<16xf32>,
            tpu.vector_store_idx %arg6[%add3A_265, %broadcast_in_dim3A_11], %get3A_324 : memref<1600x17xf32, #tpu.memory_space<vmem>>[vector<16xi32>, vector<16xi32>], vector<16xf32>,
            %mul3A_325 = arith.constant 4 : i32
            %mul3A_326 = arith.muli %scan3A_256, %mul3A_325 : i32
            %add3A_327 = arith.constant 0 : i32
            %add3A_328 = arith.addi %mul3A_326, %add3A_327 : i32
            %mul3A_329 = arith.constant 16 : i32
            %mul3A_330 = arith.muli %add3A_328, %mul3A_329 : i32
            %get3A_331 = arith.constant 6 : i32
            %get3A_332 = arith.index_cast %get3A_331 : i32 to index
            %get3A_333 = arith.index_cast %mul3A_330 : i32 to index
            %get3A_334 = tpu.vector_load %arg4[%get3A_332, %get3A_333] {strides = array<i32>} : memref<16x1600xf32, #tpu.memory_space<vmem>>, vector<16xf32>,
            tpu.vector_store_idx %arg6[%add3A_265, %broadcast_in_dim3A_13], %get3A_334 : memref<1600x17xf32, #tpu.memory_space<vmem>>[vector<16xi32>, vector<16xi32>], vector<16xf32>,
            %mul3A_335 = arith.constant 4 : i32
            %mul3A_336 = arith.muli %scan3A_256, %mul3A_335 : i32
            %add3A_337 = arith.constant 0 : i32
            %add3A_338 = arith.addi %mul3A_336, %add3A_337 : i32
            %mul3A_339 = arith.constant 16 : i32
            %mul3A_340 = arith.muli %add3A_338, %mul3A_339 : i32
            %get3A_341 = arith.constant 7 : i32
            %get3A_342 = arith.index_cast %get3A_341 : i32 to index
            %get3A_343 = arith.index_cast %mul3A_340 : i32 to index
            %get3A_344 = tpu.vector_load %arg4[%get3A_342, %get3A_343] {strides = array<i32>} : memref<16x1600xf32, #tpu.memory_space<vmem>>, vector<16xf32>,
            tpu.vector_store_idx %arg6[%add3A_265, %broadcast_in_dim3A_15], %get3A_344 : memref<1600x17xf32, #tpu.memory_space<vmem>>[vector<16xi32>, vector<16xi32>], vector<16xf32>,
            %mul3A_345 = arith.constant 4 : i32
            %mul3A_346 = arith.muli %scan3A_256, %mul3A_345 : i32
            %add3A_347 = arith.constant 0 : i32
            %add3A_348 = arith.addi %mul3A_346, %add3A_347 : i32
            %mul3A_349 = arith.constant 16 : i32
            %mul3A_350 = arith.muli %add3A_348, %mul3A_349 : i32
            %get3A_351 = arith.constant 8 : i32
            %get3A_352 = arith.index_cast %get3A_351 : i32 to index
            %get3A_353 = arith.index_cast %mul3A_350 : i32 to index
            %get3A_354 = tpu.vector_load %arg4[%get3A_352, %get3A_353] {strides = array<i32>} : memref<16x1600xf32, #tpu.memory_space<vmem>>, vector<16xf32>,
            tpu.vector_store_idx %arg6[%add3A_265, %broadcast_in_dim3A_17], %get3A_354 : memref<1600x17xf32, #tpu.memory_space<vmem>>[vector<16xi32>, vector<16xi32>], vector<16xf32>,
            %mul3A_355 = arith.constant 4 : i32
            %mul3A_356 = arith.muli %scan3A_256, %mul3A_355 : i32
            %add3A_357 = arith.constant 0 : i32
            %add3A_358 = arith.addi %mul3A_356, %add3A_357 : i32
            %mul3A_359 = arith.constant 16 : i32
            %mul3A_360 = arith.muli %add3A_358, %mul3A_359 : i32
            %get3A_361 = arith.constant 9 : i32
            %get3A_362 = arith.index_cast %get3A_361 : i32 to index
            %get3A_363 = arith.index_cast %mul3A_360 : i32 to index
            %get3A_364 = tpu.vector_load %arg4[%get3A_362, %get3A_363] {strides = array<i32>} : memref<16x1600xf32, #tpu.memory_space<vmem>>, vector<16xf32>,
            tpu.vector_store_idx %arg6[%add3A_265, %broadcast_in_dim3A_19], %get3A_364 : memref<1600x17xf32, #tpu.memory_space<vmem>>[vector<16xi32>, vector<16xi32>], vector<16xf32>,
            %mul3A_365 = arith.constant 4 : i32
            %mul3A_366 = arith.muli %scan3A_256, %mul3A_365 : i32
            %add3A_367 = arith.constant 0 : i32
            %add3A_368 = arith.addi %mul3A_366, %add3A_367 : i32
            %mul3A_369 = arith.constant 16 : i32
            %mul3A_370 = arith.muli %add3A_368, %mul3A_369 : i32
            %get3A_371 = arith.constant 10 : i32
            %get3A_372 = arith.index_cast %get3A_371 : i32 to index
            %get3A_373 = arith.index_cast %mul3A_370 : i32 to index
            %get3A_374 = tpu.vector_load %arg4[%get3A_372, %get3A_373] {strides = array<i32>} : memref<16x1600xf32, #tpu.memory_space<vmem>>, vector<16xf32>,
            tpu.vector_store_idx %arg6[%add3A_265, %broadcast_in_dim3A_21], %get3A_374 : memref<1600x17xf32, #tpu.memory_space<vmem>>[vector<16xi32>, vector<16xi32>], vector<16xf32>,
            %mul3A_375 = arith.constant 4 : i32
            %mul3A_376 = arith.muli %scan3A_256, %mul3A_375 : i32
            %add3A_377 = arith.constant 0 : i32
            %add3A_378 = arith.addi %mul3A_376, %add3A_377 : i32
            %mul3A_379 = arith.constant 16 : i32
            %mul3A_380 = arith.muli %add3A_378, %mul3A_379 : i32
            %get3A_381 = arith.constant 11 : i32
            %get3A_382 = arith.index_cast %get3A_381 : i32 to index
            %get3A_383 = arith.index_cast %mul3A_380 : i32 to index
            %get3A_384 = tpu.vector_load %arg4[%get3A_382, %get3A_383] {strides = array<i32>} : memref<16x1600xf32, #tpu.memory_space<vmem>>, vector<16xf32>,
            tpu.vector_store_idx %arg6[%add3A_265, %broadcast_in_dim3A_23], %get3A_384 : memref<1600x17xf32, #tpu.memory_space<vmem>>[vector<16xi32>, vector<16xi32>], vector<16xf32>,
            %mul3A_385 = arith.constant 4 : i32
            %mul3A_386 = arith.muli %scan3A_256, %mul3A_385 : i32
            %add3A_387 = arith.constant 0 : i32
            %add3A_388 = arith.addi %mul3A_386, %add3A_387 : i32
            %mul3A_389 = arith.constant 16 : i32
            %mul3A_390 = arith.muli %add3A_388, %mul3A_389 : i32
            %get3A_391 = arith.constant 12 : i32
            %get3A_392 = arith.index_cast %get3A_391 : i32 to index
            %get3A_393 = arith.index_cast %mul3A_390 : i32 to index
            %get3A_394 = tpu.vector_load %arg4[%get3A_392, %get3A_393] {strides = array<i32>} : memref<16x1600xf32, #tpu.memory_space<vmem>>, vector<16xf32>,
            tpu.vector_store_idx %arg6[%add3A_265, %broadcast_in_dim3A_25], %get3A_394 : memref<1600x17xf32, #tpu.memory_space<vmem>>[vector<16xi32>, vector<16xi32>], vector<16xf32>,
            %mul3A_395 = arith.constant 4 : i32
            %mul3A_396 = arith.muli %scan3A_256, %mul3A_395 : i32
            %add3A_397 = arith.constant 0 : i32
            %add3A_398 = arith.addi %mul3A_396, %add3A_397 : i32
            %mul3A_399 = arith.constant 16 : i32
            %mul3A_400 = arith.muli %add3A_398, %mul3A_399 : i32
            %get3A_401 = arith.constant 13 : i32
            %get3A_402 = arith.index_cast %get3A_401 : i32 to index
            %get3A_403 = arith.index_cast %mul3A_400 : i32 to index
            %get3A_404 = tpu.vector_load %arg4[%get3A_402, %get3A_403] {strides = array<i32>} : memref<16x1600xf32, #tpu.memory_space<vmem>>, vector<16xf32>,
            tpu.vector_store_idx %arg6[%add3A_265, %broadcast_in_dim3A_27], %get3A_404 : memref<1600x17xf32, #tpu.memory_space<vmem>>[vector<16xi32>, vector<16xi32>], vector<16xf32>,
            %mul3A_405 = arith.constant 4 : i32
            %mul3A_406 = arith.muli %scan3A_256, %mul3A_405 : i32
            %add3A_407 = arith.constant 0 : i32
            %add3A_408 = arith.addi %mul3A_406, %add3A_407 : i32
            %mul3A_409 = arith.constant 16 : i32
            %mul3A_410 = arith.muli %add3A_408, %mul3A_409 : i32
            %get3A_411 = arith.constant 14 : i32
            %get3A_412 = arith.index_cast %get3A_411 : i32 to index
            %get3A_413 = arith.index_cast %mul3A_410 : i32 to index
            %get3A_414 = tpu.vector_load %arg4[%get3A_412, %get3A_413] {strides = array<i32>} : memref<16x1600xf32, #tpu.memory_space<vmem>>, vector<16xf32>,
            tpu.vector_store_idx %arg6[%add3A_265, %broadcast_in_dim3A_29], %get3A_414 : memref<1600x17xf32, #tpu.memory_space<vmem>>[vector<16xi32>, vector<16xi32>], vector<16xf32>,
            %mul3A_415 = arith.constant 4 : i32
            %mul3A_416 = arith.muli %scan3A_256, %mul3A_415 : i32
            %add3A_417 = arith.constant 0 : i32
            %add3A_418 = arith.addi %mul3A_416, %add3A_417 : i32
            %mul3A_419 = arith.constant 16 : i32
            %mul3A_420 = arith.muli %add3A_418, %mul3A_419 : i32
            %get3A_421 = arith.constant 15 : i32
            %get3A_422 = arith.index_cast %get3A_421 : i32 to index
            %get3A_423 = arith.index_cast %mul3A_420 : i32 to index
            %get3A_424 = tpu.vector_load %arg4[%get3A_422, %get3A_423] {strides = array<i32>} : memref<16x1600xf32, #tpu.memory_space<vmem>>, vector<16xf32>,
            tpu.vector_store_idx %arg6[%add3A_265, %broadcast_in_dim3A_31], %get3A_424 : memref<1600x17xf32, #tpu.memory_space<vmem>>[vector<16xi32>, vector<16xi32>], vector<16xf32>,
            %mul3A_425 = arith.constant 4 : i32
            %mul3A_426 = arith.muli %scan3A_256, %mul3A_425 : i32
            %add3A_427 = arith.constant 1 : i32
            %add3A_428 = arith.addi %mul3A_426, %add3A_427 : i32
            %mul3A_429 = arith.constant 16 : i32
            %mul3A_430 = arith.muli %add3A_428, %mul3A_429 : i32
            %add3A_431 = vector.broadcast %mul3A_430 : i32 to vector<16xi32>
            %add3A_432 = arith.addi %add3A_431, %iota3A : vector<16xi32>
            %mul3A_433 = arith.constant 4 : i32
            %mul3A_434 = arith.muli %scan3A_256, %mul3A_433 : i32
            %add3A_435 = arith.constant 1 : i32
            %add3A_436 = arith.addi %mul3A_434, %add3A_435 : i32
            %mul3A_437 = arith.constant 16 : i32
            %mul3A_438 = arith.muli %add3A_436, %mul3A_437 : i32
            %get3A_439 = arith.constant 0 : i32
            %get3A_440 = arith.index_cast %get3A_439 : i32 to index
            %get3A_441 = arith.index_cast %mul3A_438 : i32 to index
            %get3A_442 = tpu.vector_load %arg4[%get3A_440, %get3A_441] {strides = array<i32>} : memref<16x1600xf32, #tpu.memory_space<vmem>>, vector<16xf32>,
            tpu.vector_store_idx %arg6[%add3A_432, %broadcast_in_dim3A_1], %get3A_442 : memref<1600x17xf32, #tpu.memory_space<vmem>>[vector<16xi32>, vector<16xi32>], vector<16xf32>,
            %mul3A_443 = arith.constant 4 : i32
            %mul3A_444 = arith.muli %scan3A_256, %mul3A_443 : i32
            %add3A_445 = arith.constant 1 : i32
            %add3A_446 = arith.addi %mul3A_444, %add3A_445 : i32
            %mul3A_447 = arith.constant 16 : i32
            %mul3A_448 = arith.muli %add3A_446, %mul3A_447 : i32
            %get3A_449 = arith.constant 1 : i32
            %get3A_450 = arith.index_cast %get3A_449 : i32 to index
            %get3A_451 = arith.index_cast %mul3A_448 : i32 to index
            %get3A_452 = tpu.vector_load %arg4[%get3A_450, %get3A_451] {strides = array<i32>} : memref<16x1600xf32, #tpu.memory_space<vmem>>, vector<16xf32>,
            tpu.vector_store_idx %arg6[%add3A_432, %broadcast_in_dim3A_3], %get3A_452 : memref<1600x17xf32, #tpu.memory_space<vmem>>[vector<16xi32>, vector<16xi32>], vector<16xf32>,
            %mul3A_453 = arith.constant 4 : i32
            %mul3A_454 = arith.muli %scan3A_256, %mul3A_453 : i32
            %add3A_455 = arith.constant 1 : i32
            %add3A_456 = arith.addi %mul3A_454, %add3A_455 : i32
            %mul3A_457 = arith.constant 16 : i32
            %mul3A_458 = arith.muli %add3A_456, %mul3A_457 : i32
            %get3A_459 = arith.constant 2 : i32
            %get3A_460 = arith.index_cast %get3A_459 : i32 to index
            %get3A_461 = arith.index_cast %mul3A_458 : i32 to index
            %get3A_462 = tpu.vector_load %arg4[%get3A_460, %get3A_461] {strides = array<i32>} : memref<16x1600xf32, #tpu.memory_space<vmem>>, vector<16xf32>,
            tpu.vector_store_idx %arg6[%add3A_432, %broadcast_in_dim3A_5], %get3A_462 : memref<1600x17xf32, #tpu.memory_space<vmem>>[vector<16xi32>, vector<16xi32>], vector<16xf32>,
            %mul3A_463 = arith.constant 4 : i32
            %mul3A_464 = arith.muli %scan3A_256, %mul3A_463 : i32
            %add3A_465 = arith.constant 1 : i32
            %add3A_466 = arith.addi %mul3A_464, %add3A_465 : i32
            %mul3A_467 = arith.constant 16 : i32
            %mul3A_468 = arith.muli %add3A_466, %mul3A_467 : i32
            %get3A_469 = arith.constant 3 : i32
            %get3A_470 = arith.index_cast %get3A_469 : i32 to index
            %get3A_471 = arith.index_cast %mul3A_468 : i32 to index
            %get3A_472 = tpu.vector_load %arg4[%get3A_470, %get3A_471] {strides = array<i32>} : memref<16x1600xf32, #tpu.memory_space<vmem>>, vector<16xf32>,
            tpu.vector_store_idx %arg6[%add3A_432, %broadcast_in_dim3A_7], %get3A_472 : memref<1600x17xf32, #tpu.memory_space<vmem>>[vector<16xi32>, vector<16xi32>], vector<16xf32>,
            %mul3A_473 = arith.constant 4 : i32
            %mul3A_474 = arith.muli %scan3A_256, %mul3A_473 : i32
            %add3A_475 = arith.constant 1 : i32
            %add3A_476 = arith.addi %mul3A_474, %add3A_475 : i32
            %mul3A_477 = arith.constant 16 : i32
            %mul3A_478 = arith.muli %add3A_476, %mul3A_477 : i32
            %get3A_479 = arith.constant 4 : i32
            %get3A_480 = arith.index_cast %get3A_479 : i32 to index
            %get3A_481 = arith.index_cast %mul3A_478 : i32 to index
            %get3A_482 = tpu.vector_load %arg4[%get3A_480, %get3A_481] {strides = array<i32>} : memref<16x1600xf32, #tpu.memory_space<vmem>>, vector<16xf32>,
            tpu.vector_store_idx %arg6[%add3A_432, %broadcast_in_dim3A_9], %get3A_482 : memref<1600x17xf32, #tpu.memory_space<vmem>>[vector<16xi32>, vector<16xi32>], vector<16xf32>,
            %mul3A_483 = arith.constant 4 : i32
            %mul3A_484 = arith.muli %scan3A_256, %mul3A_483 : i32
            %add3A_485 = arith.constant 1 : i32
            %add3A_486 = arith.addi %mul3A_484, %add3A_485 : i32
            %mul3A_487 = arith.constant 16 : i32
            %mul3A_488 = arith.muli %add3A_486, %mul3A_487 : i32
            %get3A_489 = arith.constant 5 : i32
            %get3A_490 = arith.index_cast %get3A_489 : i32 to index
            %get3A_491 = arith.index_cast %mul3A_488 : i32 to index
            %get3A_492 = tpu.vector_load %arg4[%get3A_490, %get3A_491] {strides = array<i32>} : memref<16x1600xf32, #tpu.memory_space<vmem>>, vector<16xf32>,
            tpu.vector_store_idx %arg6[%add3A_432, %broadcast_in_dim3A_11], %get3A_492 : memref<1600x17xf32, #tpu.memory_space<vmem>>[vector<16xi32>, vector<16xi32>], vector<16xf32>,
            %mul3A_493 = arith.constant 4 : i32
            %mul3A_494 = arith.muli %scan3A_256, %mul3A_493 : i32
            %add3A_495 = arith.constant 1 : i32
            %add3A_496 = arith.addi %mul3A_494, %add3A_495 : i32
            %mul3A_497 = arith.constant 16 : i32
            %mul3A_498 = arith.muli %add3A_496, %mul3A_497 : i32
            %get3A_499 = arith.constant 6 : i32
            %get3A_500 = arith.index_cast %get3A_499 : i32 to index
            %get3A_501 = arith.index_cast %mul3A_498 : i32 to index
            %get3A_502 = tpu.vector_load %arg4[%get3A_500, %get3A_501] {strides = array<i32>} : memref<16x1600xf32, #tpu.memory_space<vmem>>, vector<16xf32>,
            tpu.vector_store_idx %arg6[%add3A_432, %broadcast_in_dim3A_13], %get3A_502 : memref<1600x17xf32, #tpu.memory_space<vmem>>[vector<16xi32>, vector<16xi32>], vector<16xf32>,
            %mul3A_503 = arith.constant 4 : i32
            %mul3A_504 = arith.muli %scan3A_256, %mul3A_503 : i32
            %add3A_505 = arith.constant 1 : i32
            %add3A_506 = arith.addi %mul3A_504, %add3A_505 : i32
            %mul3A_507 = arith.constant 16 : i32
            %mul3A_508 = arith.muli %add3A_506, %mul3A_507 : i32
            %get3A_509 = arith.constant 7 : i32
            %get3A_510 = arith.index_cast %get3A_509 : i32 to index
            %get3A_511 = arith.index_cast %mul3A_508 : i32 to index
            %get3A_512 = tpu.vector_load %arg4[%get3A_510, %get3A_511] {strides = array<i32>} : memref<16x1600xf32, #tpu.memory_space<vmem>>, vector<16xf32>,
            tpu.vector_store_idx %arg6[%add3A_432, %broadcast_in_dim3A_15], %get3A_512 : memref<1600x17xf32, #tpu.memory_space<vmem>>[vector<16xi32>, vector<16xi32>], vector<16xf32>,
            %mul3A_513 = arith.constant 4 : i32
            %mul3A_514 = arith.muli %scan3A_256, %mul3A_513 : i32
            %add3A_515 = arith.constant 1 : i32
            %add3A_516 = arith.addi %mul3A_514, %add3A_515 : i32
            %mul3A_517 = arith.constant 16 : i32
            %mul3A_518 = arith.muli %add3A_516, %mul3A_517 : i32
            %get3A_519 = arith.constant 8 : i32
            %get3A_520 = arith.index_cast %get3A_519 : i32 to index
            %get3A_521 = arith.index_cast %mul3A_518 : i32 to index
            %get3A_522 = tpu.vector_load %arg4[%get3A_520, %get3A_521] {strides = array<i32>} : memref<16x1600xf32, #tpu.memory_space<vmem>>, vector<16xf32>,
            tpu.vector_store_idx %arg6[%add3A_432, %broadcast_in_dim3A_17], %get3A_522 : memref<1600x17xf32, #tpu.memory_space<vmem>>[vector<16xi32>, vector<16xi32>], vector<16xf32>,
            %mul3A_523 = arith.constant 4 : i32
            %mul3A_524 = arith.muli %scan3A_256, %mul3A_523 : i32
            %add3A_525 = arith.constant 1 : i32
            %add3A_526 = arith.addi %mul3A_524, %add3A_525 : i32
            %mul3A_527 = arith.constant 16 : i32
            %mul3A_528 = arith.muli %add3A_526, %mul3A_527 : i32
            %get3A_529 = arith.constant 9 : i32
            %get3A_530 = arith.index_cast %get3A_529 : i32 to index
            %get3A_531 = arith.index_cast %mul3A_528 : i32 to index
            %get3A_532 = tpu.vector_load %arg4[%get3A_530, %get3A_531] {strides = array<i32>} : memref<16x1600xf32, #tpu.memory_space<vmem>>, vector<16xf32>,
            tpu.vector_store_idx %arg6[%add3A_432, %broadcast_in_dim3A_19], %get3A_532 : memref<1600x17xf32, #tpu.memory_space<vmem>>[vector<16xi32>, vector<16xi32>], vector<16xf32>,
            %mul3A_533 = arith.constant 4 : i32
            %mul3A_534 = arith.muli %scan3A_256, %mul3A_533 : i32
            %add3A_535 = arith.constant 1 : i32
            %add3A_536 = arith.addi %mul3A_534, %add3A_535 : i32
            %mul3A_537 = arith.constant 16 : i32
            %mul3A_538 = arith.muli %add3A_536, %mul3A_537 : i32
            %get3A_539 = arith.constant 10 : i32
            %get3A_540 = arith.index_cast %get3A_539 : i32 to index
            %get3A_541 = arith.index_cast %mul3A_538 : i32 to index
            %get3A_542 = tpu.vector_load %arg4[%get3A_540, %get3A_541] {strides = array<i32>} : memref<16x1600xf32, #tpu.memory_space<vmem>>, vector<16xf32>,
            tpu.vector_store_idx %arg6[%add3A_432, %broadcast_in_dim3A_21], %get3A_542 : memref<1600x17xf32, #tpu.memory_space<vmem>>[vector<16xi32>, vector<16xi32>], vector<16xf32>,
            %mul3A_543 = arith.constant 4 : i32
            %mul3A_544 = arith.muli %scan3A_256, %mul3A_543 : i32
            %add3A_545 = arith.constant 1 : i32
            %add3A_546 = arith.addi %mul3A_544, %add3A_545 : i32
            %mul3A_547 = arith.constant 16 : i32
            %mul3A_548 = arith.muli %add3A_546, %mul3A_547 : i32
            %get3A_549 = arith.constant 11 : i32
            %get3A_550 = arith.index_cast %get3A_549 : i32 to index
            %get3A_551 = arith.index_cast %mul3A_548 : i32 to index
            %get3A_552 = tpu.vector_load %arg4[%get3A_550, %get3A_551] {strides = array<i32>} : memref<16x1600xf32, #tpu.memory_space<vmem>>, vector<16xf32>,
            tpu.vector_store_idx %arg6[%add3A_432, %broadcast_in_dim3A_23], %get3A_552 : memref<1600x17xf32, #tpu.memory_space<vmem>>[vector<16xi32>, vector<16xi32>], vector<16xf32>,
            %mul3A_553 = arith.constant 4 : i32
            %mul3A_554 = arith.muli %scan3A_256, %mul3A_553 : i32
            %add3A_555 = arith.constant 1 : i32
            %add3A_556 = arith.addi %mul3A_554, %add3A_555 : i32
            %mul3A_557 = arith.constant 16 : i32
            %mul3A_558 = arith.muli %add3A_556, %mul3A_557 : i32
            %get3A_559 = arith.constant 12 : i32
            %get3A_560 = arith.index_cast %get3A_559 : i32 to index
            %get3A_561 = arith.index_cast %mul3A_558 : i32 to index
            %get3A_562 = tpu.vector_load %arg4[%get3A_560, %get3A_561] {strides = array<i32>} : memref<16x1600xf32, #tpu.memory_space<vmem>>, vector<16xf32>,
            tpu.vector_store_idx %arg6[%add3A_432, %broadcast_in_dim3A_25], %get3A_562 : memref<1600x17xf32, #tpu.memory_space<vmem>>[vector<16xi32>, vector<16xi32>], vector<16xf32>,
            %mul3A_563 = arith.constant 4 : i32
            %mul3A_564 = arith.muli %scan3A_256, %mul3A_563 : i32
            %add3A_565 = arith.constant 1 : i32
            %add3A_566 = arith.addi %mul3A_564, %add3A_565 : i32
            %mul3A_567 = arith.constant 16 : i32
            %mul3A_568 = arith.muli %add3A_566, %mul3A_567 : i32
            %get3A_569 = arith.constant 13 : i32
            %get3A_570 = arith.index_cast %get3A_569 : i32 to index
            %get3A_571 = arith.index_cast %mul3A_568 : i32 to index
            %get3A_572 = tpu.vector_load %arg4[%get3A_570, %get3A_571] {strides = array<i32>} : memref<16x1600xf32, #tpu.memory_space<vmem>>, vector<16xf32>,
            tpu.vector_store_idx %arg6[%add3A_432, %broadcast_in_dim3A_27], %get3A_572 : memref<1600x17xf32, #tpu.memory_space<vmem>>[vector<16xi32>, vector<16xi32>], vector<16xf32>,
            %mul3A_573 = arith.constant 4 : i32
            %mul3A_574 = arith.muli %scan3A_256, %mul3A_573 : i32
            %add3A_575 = arith.constant 1 : i32
            %add3A_576 = arith.addi %mul3A_574, %add3A_575 : i32
            %mul3A_577 = arith.constant 16 : i32
            %mul3A_578 = arith.muli %add3A_576, %mul3A_577 : i32
            %get3A_579 = arith.constant 14 : i32
            %get3A_580 = arith.index_cast %get3A_579 : i32 to index
            %get3A_581 = arith.index_cast %mul3A_578 : i32 to index
            %get3A_582 = tpu.vector_load %arg4[%get3A_580, %get3A_581] {strides = array<i32>} : memref<16x1600xf32, #tpu.memory_space<vmem>>, vector<16xf32>,
            tpu.vector_store_idx %arg6[%add3A_432, %broadcast_in_dim3A_29], %get3A_582 : memref<1600x17xf32, #tpu.memory_space<vmem>>[vector<16xi32>, vector<16xi32>], vector<16xf32>,
            %mul3A_583 = arith.constant 4 : i32
            %mul3A_584 = arith.muli %scan3A_256, %mul3A_583 : i32
            %add3A_585 = arith.constant 1 : i32
            %add3A_586 = arith.addi %mul3A_584, %add3A_585 : i32
            %mul3A_587 = arith.constant 16 : i32
            %mul3A_588 = arith.muli %add3A_586, %mul3A_587 : i32
            %get3A_589 = arith.constant 15 : i32
            %get3A_590 = arith.index_cast %get3A_589 : i32 to index
            %get3A_591 = arith.index_cast %mul3A_588 : i32 to index
            %get3A_592 = tpu.vector_load %arg4[%get3A_590, %get3A_591] {strides = array<i32>} : memref<16x1600xf32, #tpu.memory_space<vmem>>, vector<16xf32>,
            tpu.vector_store_idx %arg6[%add3A_432, %broadcast_in_dim3A_31], %get3A_592 : memref<1600x17xf32, #tpu.memory_space<vmem>>[vector<16xi32>, vector<16xi32>], vector<16xf32>,
            %mul3A_593 = arith.constant 4 : i32
            %mul3A_594 = arith.muli %scan3A_256, %mul3A_593 : i32
            %add3A_595 = arith.constant 2 : i32
            %add3A_596 = arith.addi %mul3A_594, %add3A_595 : i32
            %mul3A_597 = arith.constant 16 : i32
            %mul3A_598 = arith.muli %add3A_596, %mul3A_597 : i32
            %add3A_599 = vector.broadcast %mul3A_598 : i32 to vector<16xi32>
            %add3A_600 = arith.addi %add3A_599, %iota3A : vector<16xi32>
            %mul3A_601 = arith.constant 4 : i32
            %mul3A_602 = arith.muli %scan3A_256, %mul3A_601 : i32
            %add3A_603 = arith.constant 2 : i32
            %add3A_604 = arith.addi %mul3A_602, %add3A_603 : i32
            %mul3A_605 = arith.constant 16 : i32
            %mul3A_606 = arith.muli %add3A_604, %mul3A_605 : i32
            %get3A_607 = arith.constant 0 : i32
            %get3A_608 = arith.index_cast %get3A_607 : i32 to index
            %get3A_609 = arith.index_cast %mul3A_606 : i32 to index
            %get3A_610 = tpu.vector_load %arg4[%get3A_608, %get3A_609] {strides = array<i32>} : memref<16x1600xf32, #tpu.memory_space<vmem>>, vector<16xf32>,
            tpu.vector_store_idx %arg6[%add3A_600, %broadcast_in_dim3A_1], %get3A_610 : memref<1600x17xf32, #tpu.memory_space<vmem>>[vector<16xi32>, vector<16xi32>], vector<16xf32>,
            %mul3A_611 = arith.constant 4 : i32
            %mul3A_612 = arith.muli %scan3A_256, %mul3A_611 : i32
            %add3A_613 = arith.constant 2 : i32
            %add3A_614 = arith.addi %mul3A_612, %add3A_613 : i32
            %mul3A_615 = arith.constant 16 : i32
            %mul3A_616 = arith.muli %add3A_614, %mul3A_615 : i32
            %get3A_617 = arith.constant 1 : i32
            %get3A_618 = arith.index_cast %get3A_617 : i32 to index
            %get3A_619 = arith.index_cast %mul3A_616 : i32 to index
            %get3A_620 = tpu.vector_load %arg4[%get3A_618, %get3A_619] {strides = array<i32>} : memref<16x1600xf32, #tpu.memory_space<vmem>>, vector<16xf32>,
            tpu.vector_store_idx %arg6[%add3A_600, %broadcast_in_dim3A_3], %get3A_620 : memref<1600x17xf32, #tpu.memory_space<vmem>>[vector<16xi32>, vector<16xi32>], vector<16xf32>,
            %mul3A_621 = arith.constant 4 : i32
            %mul3A_622 = arith.muli %scan3A_256, %mul3A_621 : i32
            %add3A_623 = arith.constant 2 : i32
            %add3A_624 = arith.addi %mul3A_622, %add3A_623 : i32
            %mul3A_625 = arith.constant 16 : i32
            %mul3A_626 = arith.muli %add3A_624, %mul3A_625 : i32
            %get3A_627 = arith.constant 2 : i32
            %get3A_628 = arith.index_cast %get3A_627 : i32 to index
            %get3A_629 = arith.index_cast %mul3A_626 : i32 to index
            %get3A_630 = tpu.vector_load %arg4[%get3A_628, %get3A_629] {strides = array<i32>} : memref<16x1600xf32, #tpu.memory_space<vmem>>, vector<16xf32>,
            tpu.vector_store_idx %arg6[%add3A_600, %broadcast_in_dim3A_5], %get3A_630 : memref<1600x17xf32, #tpu.memory_space<vmem>>[vector<16xi32>, vector<16xi32>], vector<16xf32>,
            %mul3A_631 = arith.constant 4 : i32
            %mul3A_632 = arith.muli %scan3A_256, %mul3A_631 : i32
            %add3A_633 = arith.constant 2 : i32
            %add3A_634 = arith.addi %mul3A_632, %add3A_633 : i32
            %mul3A_635 = arith.constant 16 : i32
            %mul3A_636 = arith.muli %add3A_634, %mul3A_635 : i32
            %get3A_637 = arith.constant 3 : i32
            %get3A_638 = arith.index_cast %get3A_637 : i32 to index
            %get3A_639 = arith.index_cast %mul3A_636 : i32 to index
            %get3A_640 = tpu.vector_load %arg4[%get3A_638, %get3A_639] {strides = array<i32>} : memref<16x1600xf32, #tpu.memory_space<vmem>>, vector<16xf32>,
            tpu.vector_store_idx %arg6[%add3A_600, %broadcast_in_dim3A_7], %get3A_640 : memref<1600x17xf32, #tpu.memory_space<vmem>>[vector<16xi32>, vector<16xi32>], vector<16xf32>,
            %mul3A_641 = arith.constant 4 : i32
            %mul3A_642 = arith.muli %scan3A_256, %mul3A_641 : i32
            %add3A_643 = arith.constant 2 : i32
            %add3A_644 = arith.addi %mul3A_642, %add3A_643 : i32
            %mul3A_645 = arith.constant 16 : i32
            %mul3A_646 = arith.muli %add3A_644, %mul3A_645 : i32
            %get3A_647 = arith.constant 4 : i32
            %get3A_648 = arith.index_cast %get3A_647 : i32 to index
            %get3A_649 = arith.index_cast %mul3A_646 : i32 to index
            %get3A_650 = tpu.vector_load %arg4[%get3A_648, %get3A_649] {strides = array<i32>} : memref<16x1600xf32, #tpu.memory_space<vmem>>, vector<16xf32>,
            tpu.vector_store_idx %arg6[%add3A_600, %broadcast_in_dim3A_9], %get3A_650 : memref<1600x17xf32, #tpu.memory_space<vmem>>[vector<16xi32>, vector<16xi32>], vector<16xf32>,
            %mul3A_651 = arith.constant 4 : i32
            %mul3A_652 = arith.muli %scan3A_256, %mul3A_651 : i32
            %add3A_653 = arith.constant 2 : i32
            %add3A_654 = arith.addi %mul3A_652, %add3A_653 : i32
            %mul3A_655 = arith.constant 16 : i32
            %mul3A_656 = arith.muli %add3A_654, %mul3A_655 : i32
            %get3A_657 = arith.constant 5 : i32
            %get3A_658 = arith.index_cast %get3A_657 : i32 to index
            %get3A_659 = arith.index_cast %mul3A_656 : i32 to index
            %get3A_660 = tpu.vector_load %arg4[%get3A_658, %get3A_659] {strides = array<i32>} : memref<16x1600xf32, #tpu.memory_space<vmem>>, vector<16xf32>,
            tpu.vector_store_idx %arg6[%add3A_600, %broadcast_in_dim3A_11], %get3A_660 : memref<1600x17xf32, #tpu.memory_space<vmem>>[vector<16xi32>, vector<16xi32>], vector<16xf32>,
            %mul3A_661 = arith.constant 4 : i32
            %mul3A_662 = arith.muli %scan3A_256, %mul3A_661 : i32
            %add3A_663 = arith.constant 2 : i32
            %add3A_664 = arith.addi %mul3A_662, %add3A_663 : i32
            %mul3A_665 = arith.constant 16 : i32
            %mul3A_666 = arith.muli %add3A_664, %mul3A_665 : i32
            %get3A_667 = arith.constant 6 : i32
            %get3A_668 = arith.index_cast %get3A_667 : i32 to index
            %get3A_669 = arith.index_cast %mul3A_666 : i32 to index
            %get3A_670 = tpu.vector_load %arg4[%get3A_668, %get3A_669] {strides = array<i32>} : memref<16x1600xf32, #tpu.memory_space<vmem>>, vector<16xf32>,
            tpu.vector_store_idx %arg6[%add3A_600, %broadcast_in_dim3A_13], %get3A_670 : memref<1600x17xf32, #tpu.memory_space<vmem>>[vector<16xi32>, vector<16xi32>], vector<16xf32>,
            %mul3A_671 = arith.constant 4 : i32
            %mul3A_672 = arith.muli %scan3A_256, %mul3A_671 : i32
            %add3A_673 = arith.constant 2 : i32
            %add3A_674 = arith.addi %mul3A_672, %add3A_673 : i32
            %mul3A_675 = arith.constant 16 : i32
            %mul3A_676 = arith.muli %add3A_674, %mul3A_675 : i32
            %get3A_677 = arith.constant 7 : i32
            %get3A_678 = arith.index_cast %get3A_677 : i32 to index
            %get3A_679 = arith.index_cast %mul3A_676 : i32 to index
            %get3A_680 = tpu.vector_load %arg4[%get3A_678, %get3A_679] {strides = array<i32>} : memref<16x1600xf32, #tpu.memory_space<vmem>>, vector<16xf32>,
            tpu.vector_store_idx %arg6[%add3A_600, %broadcast_in_dim3A_15], %get3A_680 : memref<1600x17xf32, #tpu.memory_space<vmem>>[vector<16xi32>, vector<16xi32>], vector<16xf32>,
            %mul3A_681 = arith.constant 4 : i32
            %mul3A_682 = arith.muli %scan3A_256, %mul3A_681 : i32
            %add3A_683 = arith.constant 2 : i32
            %add3A_684 = arith.addi %mul3A_682, %add3A_683 : i32
            %mul3A_685 = arith.constant 16 : i32
            %mul3A_686 = arith.muli %add3A_684, %mul3A_685 : i32
            %get3A_687 = arith.constant 8 : i32
            %get3A_688 = arith.index_cast %get3A_687 : i32 to index
            %get3A_689 = arith.index_cast %mul3A_686 : i32 to index
            %get3A_690 = tpu.vector_load %arg4[%get3A_688, %get3A_689] {strides = array<i32>} : memref<16x1600xf32, #tpu.memory_space<vmem>>, vector<16xf32>,
            tpu.vector_store_idx %arg6[%add3A_600, %broadcast_in_dim3A_17], %get3A_690 : memref<1600x17xf32, #tpu.memory_space<vmem>>[vector<16xi32>, vector<16xi32>], vector<16xf32>,
            %mul3A_691 = arith.constant 4 : i32
            %mul3A_692 = arith.muli %scan3A_256, %mul3A_691 : i32
            %add3A_693 = arith.constant 2 : i32
            %add3A_694 = arith.addi %mul3A_692, %add3A_693 : i32
            %mul3A_695 = arith.constant 16 : i32
            %mul3A_696 = arith.muli %add3A_694, %mul3A_695 : i32
            %get3A_697 = arith.constant 9 : i32
            %get3A_698 = arith.index_cast %get3A_697 : i32 to index
            %get3A_699 = arith.index_cast %mul3A_696 : i32 to index
            %get3A_700 = tpu.vector_load %arg4[%get3A_698, %get3A_699] {strides = array<i32>} : memref<16x1600xf32, #tpu.memory_space<vmem>>, vector<16xf32>,
            tpu.vector_store_idx %arg6[%add3A_600, %broadcast_in_dim3A_19], %get3A_700 : memref<1600x17xf32, #tpu.memory_space<vmem>>[vector<16xi32>, vector<16xi32>], vector<16xf32>,
            %mul3A_701 = arith.constant 4 : i32
            %mul3A_702 = arith.muli %scan3A_256, %mul3A_701 : i32
            %add3A_703 = arith.constant 2 : i32
            %add3A_704 = arith.addi %mul3A_702, %add3A_703 : i32
            %mul3A_705 = arith.constant 16 : i32
            %mul3A_706 = arith.muli %add3A_704, %mul3A_705 : i32
            %get3A_707 = arith.constant 10 : i32
            %get3A_708 = arith.index_cast %get3A_707 : i32 to index
            %get3A_709 = arith.index_cast %mul3A_706 : i32 to index
            %get3A_710 = tpu.vector_load %arg4[%get3A_708, %get3A_709] {strides = array<i32>} : memref<16x1600xf32, #tpu.memory_space<vmem>>, vector<16xf32>,
            tpu.vector_store_idx %arg6[%add3A_600, %broadcast_in_dim3A_21], %get3A_710 : memref<1600x17xf32, #tpu.memory_space<vmem>>[vector<16xi32>, vector<16xi32>], vector<16xf32>,
            %mul3A_711 = arith.constant 4 : i32
            %mul3A_712 = arith.muli %scan3A_256, %mul3A_711 : i32
            %add3A_713 = arith.constant 2 : i32
            %add3A_714 = arith.addi %mul3A_712, %add3A_713 : i32
            %mul3A_715 = arith.constant 16 : i32
            %mul3A_716 = arith.muli %add3A_714, %mul3A_715 : i32
            %get3A_717 = arith.constant 11 : i32
            %get3A_718 = arith.index_cast %get3A_717 : i32 to index
            %get3A_719 = arith.index_cast %mul3A_716 : i32 to index
            %get3A_720 = tpu.vector_load %arg4[%get3A_718, %get3A_719] {strides = array<i32>} : memref<16x1600xf32, #tpu.memory_space<vmem>>, vector<16xf32>,
            tpu.vector_store_idx %arg6[%add3A_600, %broadcast_in_dim3A_23], %get3A_720 : memref<1600x17xf32, #tpu.memory_space<vmem>>[vector<16xi32>, vector<16xi32>], vector<16xf32>,
            %mul3A_721 = arith.constant 4 : i32
            %mul3A_722 = arith.muli %scan3A_256, %mul3A_721 : i32
            %add3A_723 = arith.constant 2 : i32
            %add3A_724 = arith.addi %mul3A_722, %add3A_723 : i32
            %mul3A_725 = arith.constant 16 : i32
            %mul3A_726 = arith.muli %add3A_724, %mul3A_725 : i32
            %get3A_727 = arith.constant 12 : i32
            %get3A_728 = arith.index_cast %get3A_727 : i32 to index
            %get3A_729 = arith.index_cast %mul3A_726 : i32 to index
            %get3A_730 = tpu.vector_load %arg4[%get3A_728, %get3A_729] {strides = array<i32>} : memref<16x1600xf32, #tpu.memory_space<vmem>>, vector<16xf32>,
            tpu.vector_store_idx %arg6[%add3A_600, %broadcast_in_dim3A_25], %get3A_730 : memref<1600x17xf32, #tpu.memory_space<vmem>>[vector<16xi32>, vector<16xi32>], vector<16xf32>,
            %mul3A_731 = arith.constant 4 : i32
            %mul3A_732 = arith.muli %scan3A_256, %mul3A_731 : i32
            %add3A_733 = arith.constant 2 : i32
            %add3A_734 = arith.addi %mul3A_732, %add3A_733 : i32
            %mul3A_735 = arith.constant 16 : i32
            %mul3A_736 = arith.muli %add3A_734, %mul3A_735 : i32
            %get3A_737 = arith.constant 13 : i32
            %get3A_738 = arith.index_cast %get3A_737 : i32 to index
            %get3A_739 = arith.index_cast %mul3A_736 : i32 to index
            %get3A_740 = tpu.vector_load %arg4[%get3A_738, %get3A_739] {strides = array<i32>} : memref<16x1600xf32, #tpu.memory_space<vmem>>, vector<16xf32>,
            tpu.vector_store_idx %arg6[%add3A_600, %broadcast_in_dim3A_27], %get3A_740 : memref<1600x17xf32, #tpu.memory_space<vmem>>[vector<16xi32>, vector<16xi32>], vector<16xf32>,
            %mul3A_741 = arith.constant 4 : i32
            %mul3A_742 = arith.muli %scan3A_256, %mul3A_741 : i32
            %add3A_743 = arith.constant 2 : i32
            %add3A_744 = arith.addi %mul3A_742, %add3A_743 : i32
            %mul3A_745 = arith.constant 16 : i32
            %mul3A_746 = arith.muli %add3A_744, %mul3A_745 : i32
            %get3A_747 = arith.constant 14 : i32
            %get3A_748 = arith.index_cast %get3A_747 : i32 to index
            %get3A_749 = arith.index_cast %mul3A_746 : i32 to index
            %get3A_750 = tpu.vector_load %arg4[%get3A_748, %get3A_749] {strides = array<i32>} : memref<16x1600xf32, #tpu.memory_space<vmem>>, vector<16xf32>,
            tpu.vector_store_idx %arg6[%add3A_600, %broadcast_in_dim3A_29], %get3A_750 : memref<1600x17xf32, #tpu.memory_space<vmem>>[vector<16xi32>, vector<16xi32>], vector<16xf32>,
            %mul3A_751 = arith.constant 4 : i32
            %mul3A_752 = arith.muli %scan3A_256, %mul3A_751 : i32
            %add3A_753 = arith.constant 2 : i32
            %add3A_754 = arith.addi %mul3A_752, %add3A_753 : i32
            %mul3A_755 = arith.constant 16 : i32
            %mul3A_756 = arith.muli %add3A_754, %mul3A_755 : i32
            %get3A_757 = arith.constant 15 : i32
            %get3A_758 = arith.index_cast %get3A_757 : i32 to index
            %get3A_759 = arith.index_cast %mul3A_756 : i32 to index
            %get3A_760 = tpu.vector_load %arg4[%get3A_758, %get3A_759] {strides = array<i32>} : memref<16x1600xf32, #tpu.memory_space<vmem>>, vector<16xf32>,
            tpu.vector_store_idx %arg6[%add3A_600, %broadcast_in_dim3A_31], %get3A_760 : memref<1600x17xf32, #tpu.memory_space<vmem>>[vector<16xi32>, vector<16xi32>], vector<16xf32>,
            %mul3A_761 = arith.constant 4 : i32
            %mul3A_762 = arith.muli %scan3A_256, %mul3A_761 : i32
            %add3A_763 = arith.constant 3 : i32
            %add3A_764 = arith.addi %mul3A_762, %add3A_763 : i32
            %mul3A_765 = arith.constant 16 : i32
            %mul3A_766 = arith.muli %add3A_764, %mul3A_765 : i32
            %add3A_767 = vector.broadcast %mul3A_766 : i32 to vector<16xi32>
            %add3A_768 = arith.addi %add3A_767, %iota3A : vector<16xi32>
            %mul3A_769 = arith.constant 4 : i32
            %mul3A_770 = arith.muli %scan3A_256, %mul3A_769 : i32
            %add3A_771 = arith.constant 3 : i32
            %add3A_772 = arith.addi %mul3A_770, %add3A_771 : i32
            %mul3A_773 = arith.constant 16 : i32
            %mul3A_774 = arith.muli %add3A_772, %mul3A_773 : i32
            %get3A_775 = arith.constant 0 : i32
            %get3A_776 = arith.index_cast %get3A_775 : i32 to index
            %get3A_777 = arith.index_cast %mul3A_774 : i32 to index
            %get3A_778 = tpu.vector_load %arg4[%get3A_776, %get3A_777] {strides = array<i32>} : memref<16x1600xf32, #tpu.memory_space<vmem>>, vector<16xf32>,
            tpu.vector_store_idx %arg6[%add3A_768, %broadcast_in_dim3A_1], %get3A_778 : memref<1600x17xf32, #tpu.memory_space<vmem>>[vector<16xi32>, vector<16xi32>], vector<16xf32>,
            %mul3A_779 = arith.constant 4 : i32
            %mul3A_780 = arith.muli %scan3A_256, %mul3A_779 : i32
            %add3A_781 = arith.constant 3 : i32
            %add3A_782 = arith.addi %mul3A_780, %add3A_781 : i32
            %mul3A_783 = arith.constant 16 : i32
            %mul3A_784 = arith.muli %add3A_782, %mul3A_783 : i32
            %get3A_785 = arith.constant 1 : i32
            %get3A_786 = arith.index_cast %get3A_785 : i32 to index
            %get3A_787 = arith.index_cast %mul3A_784 : i32 to index
            %get3A_788 = tpu.vector_load %arg4[%get3A_786, %get3A_787] {strides = array<i32>} : memref<16x1600xf32, #tpu.memory_space<vmem>>, vector<16xf32>,
            tpu.vector_store_idx %arg6[%add3A_768, %broadcast_in_dim3A_3], %get3A_788 : memref<1600x17xf32, #tpu.memory_space<vmem>>[vector<16xi32>, vector<16xi32>], vector<16xf32>,
            %mul3A_789 = arith.constant 4 : i32
            %mul3A_790 = arith.muli %scan3A_256, %mul3A_789 : i32
            %add3A_791 = arith.constant 3 : i32
            %add3A_792 = arith.addi %mul3A_790, %add3A_791 : i32
            %mul3A_793 = arith.constant 16 : i32
            %mul3A_794 = arith.muli %add3A_792, %mul3A_793 : i32
            %get3A_795 = arith.constant 2 : i32
            %get3A_796 = arith.index_cast %get3A_795 : i32 to index
            %get3A_797 = arith.index_cast %mul3A_794 : i32 to index
            %get3A_798 = tpu.vector_load %arg4[%get3A_796, %get3A_797] {strides = array<i32>} : memref<16x1600xf32, #tpu.memory_space<vmem>>, vector<16xf32>,
            tpu.vector_store_idx %arg6[%add3A_768, %broadcast_in_dim3A_5], %get3A_798 : memref<1600x17xf32, #tpu.memory_space<vmem>>[vector<16xi32>, vector<16xi32>], vector<16xf32>,
            %mul3A_799 = arith.constant 4 : i32
            %mul3A_800 = arith.muli %scan3A_256, %mul3A_799 : i32
            %add3A_801 = arith.constant 3 : i32
            %add3A_802 = arith.addi %mul3A_800, %add3A_801 : i32
            %mul3A_803 = arith.constant 16 : i32
            %mul3A_804 = arith.muli %add3A_802, %mul3A_803 : i32
            %get3A_805 = arith.constant 3 : i32
            %get3A_806 = arith.index_cast %get3A_805 : i32 to index
            %get3A_807 = arith.index_cast %mul3A_804 : i32 to index
            %get3A_808 = tpu.vector_load %arg4[%get3A_806, %get3A_807] {strides = array<i32>} : memref<16x1600xf32, #tpu.memory_space<vmem>>, vector<16xf32>,
            tpu.vector_store_idx %arg6[%add3A_768, %broadcast_in_dim3A_7], %get3A_808 : memref<1600x17xf32, #tpu.memory_space<vmem>>[vector<16xi32>, vector<16xi32>], vector<16xf32>,
            %mul3A_809 = arith.constant 4 : i32
            %mul3A_810 = arith.muli %scan3A_256, %mul3A_809 : i32
            %add3A_811 = arith.constant 3 : i32
            %add3A_812 = arith.addi %mul3A_810, %add3A_811 : i32
            %mul3A_813 = arith.constant 16 : i32
            %mul3A_814 = arith.muli %add3A_812, %mul3A_813 : i32
            %get3A_815 = arith.constant 4 : i32
            %get3A_816 = arith.index_cast %get3A_815 : i32 to index
            %get3A_817 = arith.index_cast %mul3A_814 : i32 to index
            %get3A_818 = tpu.vector_load %arg4[%get3A_816, %get3A_817] {strides = array<i32>} : memref<16x1600xf32, #tpu.memory_space<vmem>>, vector<16xf32>,
            tpu.vector_store_idx %arg6[%add3A_768, %broadcast_in_dim3A_9], %get3A_818 : memref<1600x17xf32, #tpu.memory_space<vmem>>[vector<16xi32>, vector<16xi32>], vector<16xf32>,
            %mul3A_819 = arith.constant 4 : i32
            %mul3A_820 = arith.muli %scan3A_256, %mul3A_819 : i32
            %add3A_821 = arith.constant 3 : i32
            %add3A_822 = arith.addi %mul3A_820, %add3A_821 : i32
            %mul3A_823 = arith.constant 16 : i32
            %mul3A_824 = arith.muli %add3A_822, %mul3A_823 : i32
            %get3A_825 = arith.constant 5 : i32
            %get3A_826 = arith.index_cast %get3A_825 : i32 to index
            %get3A_827 = arith.index_cast %mul3A_824 : i32 to index
            %get3A_828 = tpu.vector_load %arg4[%get3A_826, %get3A_827] {strides = array<i32>} : memref<16x1600xf32, #tpu.memory_space<vmem>>, vector<16xf32>,
            tpu.vector_store_idx %arg6[%add3A_768, %broadcast_in_dim3A_11], %get3A_828 : memref<1600x17xf32, #tpu.memory_space<vmem>>[vector<16xi32>, vector<16xi32>], vector<16xf32>,
            %mul3A_829 = arith.constant 4 : i32
            %mul3A_830 = arith.muli %scan3A_256, %mul3A_829 : i32
            %add3A_831 = arith.constant 3 : i32
            %add3A_832 = arith.addi %mul3A_830, %add3A_831 : i32
            %mul3A_833 = arith.constant 16 : i32
            %mul3A_834 = arith.muli %add3A_832, %mul3A_833 : i32
            %get3A_835 = arith.constant 6 : i32
            %get3A_836 = arith.index_cast %get3A_835 : i32 to index
            %get3A_837 = arith.index_cast %mul3A_834 : i32 to index
            %get3A_838 = tpu.vector_load %arg4[%get3A_836, %get3A_837] {strides = array<i32>} : memref<16x1600xf32, #tpu.memory_space<vmem>>, vector<16xf32>,
            tpu.vector_store_idx %arg6[%add3A_768, %broadcast_in_dim3A_13], %get3A_838 : memref<1600x17xf32, #tpu.memory_space<vmem>>[vector<16xi32>, vector<16xi32>], vector<16xf32>,
            %mul3A_839 = arith.constant 4 : i32
            %mul3A_840 = arith.muli %scan3A_256, %mul3A_839 : i32
            %add3A_841 = arith.constant 3 : i32
            %add3A_842 = arith.addi %mul3A_840, %add3A_841 : i32
            %mul3A_843 = arith.constant 16 : i32
            %mul3A_844 = arith.muli %add3A_842, %mul3A_843 : i32
            %get3A_845 = arith.constant 7 : i32
            %get3A_846 = arith.index_cast %get3A_845 : i32 to index
            %get3A_847 = arith.index_cast %mul3A_844 : i32 to index
            %get3A_848 = tpu.vector_load %arg4[%get3A_846, %get3A_847] {strides = array<i32>} : memref<16x1600xf32, #tpu.memory_space<vmem>>, vector<16xf32>,
            tpu.vector_store_idx %arg6[%add3A_768, %broadcast_in_dim3A_15], %get3A_848 : memref<1600x17xf32, #tpu.memory_space<vmem>>[vector<16xi32>, vector<16xi32>], vector<16xf32>,
            %mul3A_849 = arith.constant 4 : i32
            %mul3A_850 = arith.muli %scan3A_256, %mul3A_849 : i32
            %add3A_851 = arith.constant 3 : i32
            %add3A_852 = arith.addi %mul3A_850, %add3A_851 : i32
            %mul3A_853 = arith.constant 16 : i32
            %mul3A_854 = arith.muli %add3A_852, %mul3A_853 : i32
            %get3A_855 = arith.constant 8 : i32
            %get3A_856 = arith.index_cast %get3A_855 : i32 to index
            %get3A_857 = arith.index_cast %mul3A_854 : i32 to index
            %get3A_858 = tpu.vector_load %arg4[%get3A_856, %get3A_857] {strides = array<i32>} : memref<16x1600xf32, #tpu.memory_space<vmem>>, vector<16xf32>,
            tpu.vector_store_idx %arg6[%add3A_768, %broadcast_in_dim3A_17], %get3A_858 : memref<1600x17xf32, #tpu.memory_space<vmem>>[vector<16xi32>, vector<16xi32>], vector<16xf32>,
            %mul3A_859 = arith.constant 4 : i32
            %mul3A_860 = arith.muli %scan3A_256, %mul3A_859 : i32
            %add3A_861 = arith.constant 3 : i32
            %add3A_862 = arith.addi %mul3A_860, %add3A_861 : i32
            %mul3A_863 = arith.constant 16 : i32
            %mul3A_864 = arith.muli %add3A_862, %mul3A_863 : i32
            %get3A_865 = arith.constant 9 : i32
            %get3A_866 = arith.index_cast %get3A_865 : i32 to index
            %get3A_867 = arith.index_cast %mul3A_864 : i32 to index
            %get3A_868 = tpu.vector_load %arg4[%get3A_866, %get3A_867] {strides = array<i32>} : memref<16x1600xf32, #tpu.memory_space<vmem>>, vector<16xf32>,
            tpu.vector_store_idx %arg6[%add3A_768, %broadcast_in_dim3A_19], %get3A_868 : memref<1600x17xf32, #tpu.memory_space<vmem>>[vector<16xi32>, vector<16xi32>], vector<16xf32>,
            %mul3A_869 = arith.constant 4 : i32
            %mul3A_870 = arith.muli %scan3A_256, %mul3A_869 : i32
            %add3A_871 = arith.constant 3 : i32
            %add3A_872 = arith.addi %mul3A_870, %add3A_871 : i32
            %mul3A_873 = arith.constant 16 : i32
            %mul3A_874 = arith.muli %add3A_872, %mul3A_873 : i32
            %get3A_875 = arith.constant 10 : i32
            %get3A_876 = arith.index_cast %get3A_875 : i32 to index
            %get3A_877 = arith.index_cast %mul3A_874 : i32 to index
            %get3A_878 = tpu.vector_load %arg4[%get3A_876, %get3A_877] {strides = array<i32>} : memref<16x1600xf32, #tpu.memory_space<vmem>>, vector<16xf32>,
            tpu.vector_store_idx %arg6[%add3A_768, %broadcast_in_dim3A_21], %get3A_878 : memref<1600x17xf32, #tpu.memory_space<vmem>>[vector<16xi32>, vector<16xi32>], vector<16xf32>,
            %mul3A_879 = arith.constant 4 : i32
            %mul3A_880 = arith.muli %scan3A_256, %mul3A_879 : i32
            %add3A_881 = arith.constant 3 : i32
            %add3A_882 = arith.addi %mul3A_880, %add3A_881 : i32
            %mul3A_883 = arith.constant 16 : i32
            %mul3A_884 = arith.muli %add3A_882, %mul3A_883 : i32
            %get3A_885 = arith.constant 11 : i32
            %get3A_886 = arith.index_cast %get3A_885 : i32 to index
            %get3A_887 = arith.index_cast %mul3A_884 : i32 to index
            %get3A_888 = tpu.vector_load %arg4[%get3A_886, %get3A_887] {strides = array<i32>} : memref<16x1600xf32, #tpu.memory_space<vmem>>, vector<16xf32>,
            tpu.vector_store_idx %arg6[%add3A_768, %broadcast_in_dim3A_23], %get3A_888 : memref<1600x17xf32, #tpu.memory_space<vmem>>[vector<16xi32>, vector<16xi32>], vector<16xf32>,
            %mul3A_889 = arith.constant 4 : i32
            %mul3A_890 = arith.muli %scan3A_256, %mul3A_889 : i32
            %add3A_891 = arith.constant 3 : i32
            %add3A_892 = arith.addi %mul3A_890, %add3A_891 : i32
            %mul3A_893 = arith.constant 16 : i32
            %mul3A_894 = arith.muli %add3A_892, %mul3A_893 : i32
            %get3A_895 = arith.constant 12 : i32
            %get3A_896 = arith.index_cast %get3A_895 : i32 to index
            %get3A_897 = arith.index_cast %mul3A_894 : i32 to index
            %get3A_898 = tpu.vector_load %arg4[%get3A_896, %get3A_897] {strides = array<i32>} : memref<16x1600xf32, #tpu.memory_space<vmem>>, vector<16xf32>,
            tpu.vector_store_idx %arg6[%add3A_768, %broadcast_in_dim3A_25], %get3A_898 : memref<1600x17xf32, #tpu.memory_space<vmem>>[vector<16xi32>, vector<16xi32>], vector<16xf32>,
            %mul3A_899 = arith.constant 4 : i32
            %mul3A_900 = arith.muli %scan3A_256, %mul3A_899 : i32
            %add3A_901 = arith.constant 3 : i32
            %add3A_902 = arith.addi %mul3A_900, %add3A_901 : i32
            %mul3A_903 = arith.constant 16 : i32
            %mul3A_904 = arith.muli %add3A_902, %mul3A_903 : i32
            %get3A_905 = arith.constant 13 : i32
            %get3A_906 = arith.index_cast %get3A_905 : i32 to index
            %get3A_907 = arith.index_cast %mul3A_904 : i32 to index
            %get3A_908 = tpu.vector_load %arg4[%get3A_906, %get3A_907] {strides = array<i32>} : memref<16x1600xf32, #tpu.memory_space<vmem>>, vector<16xf32>,
            tpu.vector_store_idx %arg6[%add3A_768, %broadcast_in_dim3A_27], %get3A_908 : memref<1600x17xf32, #tpu.memory_space<vmem>>[vector<16xi32>, vector<16xi32>], vector<16xf32>,
            %mul3A_909 = arith.constant 4 : i32
            %mul3A_910 = arith.muli %scan3A_256, %mul3A_909 : i32
            %add3A_911 = arith.constant 3 : i32
            %add3A_912 = arith.addi %mul3A_910, %add3A_911 : i32
            %mul3A_913 = arith.constant 16 : i32
            %mul3A_914 = arith.muli %add3A_912, %mul3A_913 : i32
            %get3A_915 = arith.constant 14 : i32
            %get3A_916 = arith.index_cast %get3A_915 : i32 to index
            %get3A_917 = arith.index_cast %mul3A_914 : i32 to index
            %get3A_918 = tpu.vector_load %arg4[%get3A_916, %get3A_917] {strides = array<i32>} : memref<16x1600xf32, #tpu.memory_space<vmem>>, vector<16xf32>,
            tpu.vector_store_idx %arg6[%add3A_768, %broadcast_in_dim3A_29], %get3A_918 : memref<1600x17xf32, #tpu.memory_space<vmem>>[vector<16xi32>, vector<16xi32>], vector<16xf32>,
            %mul3A_919 = arith.constant 4 : i32
            %mul3A_920 = arith.muli %scan3A_256, %mul3A_919 : i32
            %add3A_921 = arith.constant 3 : i32
            %add3A_922 = arith.addi %mul3A_920, %add3A_921 : i32
            %mul3A_923 = arith.constant 16 : i32
            %mul3A_924 = arith.muli %add3A_922, %mul3A_923 : i32
            %get3A_925 = arith.constant 15 : i32
            %get3A_926 = arith.index_cast %get3A_925 : i32 to index
            %get3A_927 = arith.index_cast %mul3A_924 : i32 to index
            %get3A_928 = tpu.vector_load %arg4[%get3A_926, %get3A_927] {strides = array<i32>} : memref<16x1600xf32, #tpu.memory_space<vmem>>, vector<16xf32>,
            tpu.vector_store_idx %arg6[%add3A_768, %broadcast_in_dim3A_31], %get3A_928 : memref<1600x17xf32, #tpu.memory_space<vmem>>[vector<16xi32>, vector<16xi32>], vector<16xf32>,
            %scan3A_929 = arith.constant 0 : i32
            scf.yield %scan3A_929 : i32
          }
          %scan3A_253 = arith.constant 25 : i32
          %mul3A_254 = arith.constant 1600 : i32
          %mul3A_255 = arith.muli %add3A_57, %mul3A_254 : i32
          "tpu.region"() ({
            %run_scoped3A = tpu.sem_alloc : memref<!tpu.dma_semaphore, #tpu.memory_space<semaphore_mem>>
            %dma_start3A = arith.constant 0 : i32
            %dma_start3A_256 = arith.constant 0 : i32
            %dma_start3A_257 = tpu.memref_slice %arg6[%dma_start3A, %dma_start3A_256] : memref<1600x17xf32, #tpu.memory_space<vmem>> -> memref<1600x16xf32, #tpu.memory_space<vmem>>
            %dma_start3A_258 = arith.constant 0 : i32
            %dma_start3A_259 = tpu.memref_slice %arg3[%mul3A_255, %dma_start3A_258] : memref<1000000x16xf32, #tpu.memory_space<hbm>> -> memref<1600x16xf32, #tpu.memory_space<hbm>>
            %dma_start3A_260 = arith.constant 0 : i32
            %dma_start3A_261 = tpu.memref_slice %arg3[%mul3A_255, %dma_start3A_260] : memref<1000000x16xf32, #tpu.memory_space<hbm>> -> memref<1600x16xf32, #tpu.memory_space<hbm>>
            %dma_start3A_262 = arith.constant 0 : i32
            %dma_start3A_263 = arith.constant 0 : i32
            %dma_start3A_264 = tpu.memref_slice %arg6[%dma_start3A_262, %dma_start3A_263] : memref<1600x17xf32, #tpu.memory_space<vmem>> -> memref<1600x16xf32, #tpu.memory_space<vmem>>
            tpu.enqueue_dma source(%dma_start3A_264 : memref<1600x16xf32, #tpu.memory_space<vmem>>) target(%dma_start3A_261 : memref<1600x16xf32, #tpu.memory_space<hbm>>) target_semaphore(%run_scoped3A : memref<!tpu.dma_semaphore, #tpu.memory_space<semaphore_mem>>)
            %dma_wait3A_265 = arith.constant 0 : i32
            %dma_wait3A_266 = arith.constant 0 : i32
            %dma_wait3A_267 = tpu.memref_slice %arg6[%dma_wait3A_265, %dma_wait3A_266] : memref<1600x17xf32, #tpu.memory_space<vmem>> -> memref<1600x16xf32, #tpu.memory_space<vmem>>
            %dma_wait3A_268 = arith.constant 0 : i32
            %dma_wait3A_269 = tpu.memref_slice %arg3[%mul3A_255, %dma_wait3A_268] : memref<1000000x16xf32, #tpu.memory_space<hbm>> -> memref<1600x16xf32, #tpu.memory_space<hbm>>
            %dma_wait3A_270 = arith.constant 0 : i32
            %dma_wait3A_271 = tpu.memref_slice %arg3[%mul3A_255, %dma_wait3A_270] : memref<1000000x16xf32, #tpu.memory_space<hbm>> -> memref<1600x16xf32, #tpu.memory_space<hbm>>
            %dma_wait3A_272 = arith.constant 0 : i32
            %dma_wait3A_273 = arith.constant 0 : i32
            %dma_wait3A_274 = tpu.memref_slice %arg6[%dma_wait3A_272, %dma_wait3A_273] : memref<1600x17xf32, #tpu.memory_space<vmem>> -> memref<1600x16xf32, #tpu.memory_space<vmem>>
            tpu.wait_dma2 semaphore(%run_scoped3A : memref<!tpu.dma_semaphore, #tpu.memory_space<semaphore_mem>>) src(%dma_wait3A_274 : memref<1600x16xf32, #tpu.memory_space<vmem>>) dst(%dma_wait3A_271 : memref<1600x16xf32, #tpu.memory_space<hbm>>)
            tpu.yield
          }) : () -> ()
        } else {
        }
      } else {
      }
      %rem3A_47 = arith.constant 2 : i32
      %rem3A_48 = arith.remsi %scan3A_40, %rem3A_47 : i32
      %eq3A_49 = arith.constant 1 : i32
      %eq3A_50 = arith.cmpi eq, %rem3A_48, %eq3A_49 : i32
      %convert_element_type3A_51 = arith.extui %eq3A_50 : i1 to i32
      %cond3A_52 = arith.constant 0 : i32
      %cond3A_53 = arith.cmpi ne, %convert_element_type3A_51, %cond3A_52 : i32
      scf.if %cond3A_53 {
        %mul3A_55 = arith.constant 32 : i32
        %mul3A_56 = arith.muli %mul3A_55, %scan3A_40 : i32
        %add3A_57 = arith.addi %add3A, %mul3A_56 : i32
        %lt3A_58 = arith.constant 625 : i32
        %lt3A_59 = arith.cmpi slt, %add3A_57, %lt3A_58 : i32
        %convert_element_type3A_60 = arith.extui %lt3A_59 : i1 to i32
        %cond3A_61 = arith.constant 0 : i32
        %cond3A_62 = arith.cmpi ne, %convert_element_type3A_60, %cond3A_61 : i32
        scf.if %cond3A_62 {
          %add3A_63 = arith.constant 32 : i32
          %add3A_64 = arith.addi %add3A_57, %add3A_63 : i32
          %lt3A_65 = arith.constant 625 : i32
          %lt3A_66 = arith.cmpi slt, %add3A_64, %lt3A_65 : i32
          %convert_element_type3A_67 = arith.extui %lt3A_66 : i1 to i32
          %cond3A_68 = arith.constant 0 : i32
          %cond3A_69 = arith.cmpi ne, %convert_element_type3A_67, %cond3A_68 : i32
          scf.if %cond3A_69 {
            %add3A_256 = arith.constant 32 : i32
            %add3A_257 = arith.addi %add3A_57, %add3A_256 : i32
            %mul3A_258 = arith.constant 1600 : i32
            %mul3A_259 = arith.muli %add3A_257, %mul3A_258 : i32
            %add3A_260 = arith.constant 0 : i32
            %add3A_261 = arith.addi %add3A_260, %mul3A_259 : i32
            %add3A_262 = arith.constant 1000064 : i32
            %add3A_263 = arith.addi %add3A_262, %mul3A_259 : i32
            %add3A_264 = arith.constant 2000128 : i32
            %add3A_265 = arith.addi %add3A_264, %mul3A_259 : i32
            %add3A_266 = arith.constant 3000192 : i32
            %add3A_267 = arith.addi %add3A_266, %mul3A_259 : i32
            %add3A_268 = arith.constant 4000256 : i32
            %add3A_269 = arith.addi %add3A_268, %mul3A_259 : i32
            %add3A_270 = arith.constant 5000320 : i32
            %add3A_271 = arith.addi %add3A_270, %mul3A_259 : i32
            %add3A_272 = arith.constant 6000384 : i32
            %add3A_273 = arith.addi %add3A_272, %mul3A_259 : i32
            %add3A_274 = arith.constant 7000448 : i32
            %add3A_275 = arith.addi %add3A_274, %mul3A_259 : i32
            %add3A_276 = arith.constant 8000512 : i32
            %add3A_277 = arith.addi %add3A_276, %mul3A_259 : i32
            %add3A_278 = arith.constant 9000576 : i32
            %add3A_279 = arith.addi %add3A_278, %mul3A_259 : i32
            %add3A_280 = arith.constant 10000640 : i32
            %add3A_281 = arith.addi %add3A_280, %mul3A_259 : i32
            %add3A_282 = arith.constant 11000704 : i32
            %add3A_283 = arith.addi %add3A_282, %mul3A_259 : i32
            %add3A_284 = arith.constant 12000768 : i32
            %add3A_285 = arith.addi %add3A_284, %mul3A_259 : i32
            %add3A_286 = arith.constant 13000832 : i32
            %add3A_287 = arith.addi %add3A_286, %mul3A_259 : i32
            %add3A_288 = arith.constant 14000896 : i32
            %add3A_289 = arith.addi %add3A_288, %mul3A_259 : i32
            %add3A_290 = arith.constant 15000960 : i32
            %add3A_291 = arith.addi %add3A_290, %mul3A_259 : i32
            %dma_start3A = arith.constant 0 : i32
            %dma_start3A_292 = arith.constant 0 : i32
            %dma_start3A_293 = tpu.memref_slice %arg4[%dma_start3A, %dma_start3A_292] : memref<16x1600xf32, #tpu.memory_space<vmem>> -> memref<1x1600xf32, #tpu.memory_space<vmem>>
            %dma_start3A_294 = tpu.memref_squeeze %dma_start3A_293 : memref<1x1600xf32, #tpu.memory_space<vmem>> -> memref<1600xf32, #tpu.memory_space<vmem>>
            %dma_start3A_295 = tpu.memref_slice %arg2[%add3A_261] : memref<16001024xf32, #tpu.memory_space<hbm>> -> memref<1600xf32, #tpu.memory_space<hbm>>
            %dma_start3A_296 = arith.constant 0 : i32
            %dma_start3A_297 = tpu.memref_slice %arg4[%dma_start3A, %dma_start3A_296] : memref<16x1600xf32, #tpu.memory_space<vmem>> -> memref<1x1600xf32, #tpu.memory_space<vmem>>
            %dma_start3A_298 = tpu.memref_squeeze %dma_start3A_297 : memref<1x1600xf32, #tpu.memory_space<vmem>> -> memref<1600xf32, #tpu.memory_space<vmem>>
            %dma_start3A_299 = tpu.memref_slice %arg2[%add3A_261] : memref<16001024xf32, #tpu.memory_space<hbm>> -> memref<1600xf32, #tpu.memory_space<hbm>>
            tpu.enqueue_dma source(%dma_start3A_299 : memref<1600xf32, #tpu.memory_space<hbm>>) target(%dma_start3A_298 : memref<1600xf32, #tpu.memory_space<vmem>>) target_semaphore(%arg7 : memref<!tpu.dma_semaphore, #tpu.memory_space<semaphore_mem>>)
            %dma_start3A_300 = arith.constant 1 : i32
            %dma_start3A_301 = arith.constant 0 : i32
            %dma_start3A_302 = tpu.memref_slice %arg4[%dma_start3A_300, %dma_start3A_301] : memref<16x1600xf32, #tpu.memory_space<vmem>> -> memref<1x1600xf32, #tpu.memory_space<vmem>>
            %dma_start3A_303 = tpu.memref_squeeze %dma_start3A_302 : memref<1x1600xf32, #tpu.memory_space<vmem>> -> memref<1600xf32, #tpu.memory_space<vmem>>
            %dma_start3A_304 = tpu.memref_slice %arg2[%add3A_263] : memref<16001024xf32, #tpu.memory_space<hbm>> -> memref<1600xf32, #tpu.memory_space<hbm>>
            %dma_start3A_305 = arith.constant 0 : i32
            %dma_start3A_306 = tpu.memref_slice %arg4[%dma_start3A_300, %dma_start3A_305] : memref<16x1600xf32, #tpu.memory_space<vmem>> -> memref<1x1600xf32, #tpu.memory_space<vmem>>
            %dma_start3A_307 = tpu.memref_squeeze %dma_start3A_306 : memref<1x1600xf32, #tpu.memory_space<vmem>> -> memref<1600xf32, #tpu.memory_space<vmem>>
            %dma_start3A_308 = tpu.memref_slice %arg2[%add3A_263] : memref<16001024xf32, #tpu.memory_space<hbm>> -> memref<1600xf32, #tpu.memory_space<hbm>>
            tpu.enqueue_dma source(%dma_start3A_308 : memref<1600xf32, #tpu.memory_space<hbm>>) target(%dma_start3A_307 : memref<1600xf32, #tpu.memory_space<vmem>>) target_semaphore(%arg7 : memref<!tpu.dma_semaphore, #tpu.memory_space<semaphore_mem>>)
            %dma_start3A_309 = arith.constant 2 : i32
            %dma_start3A_310 = arith.constant 0 : i32
            %dma_start3A_311 = tpu.memref_slice %arg4[%dma_start3A_309, %dma_start3A_310] : memref<16x1600xf32, #tpu.memory_space<vmem>> -> memref<1x1600xf32, #tpu.memory_space<vmem>>
            %dma_start3A_312 = tpu.memref_squeeze %dma_start3A_311 : memref<1x1600xf32, #tpu.memory_space<vmem>> -> memref<1600xf32, #tpu.memory_space<vmem>>
            %dma_start3A_313 = tpu.memref_slice %arg2[%add3A_265] : memref<16001024xf32, #tpu.memory_space<hbm>> -> memref<1600xf32, #tpu.memory_space<hbm>>
            %dma_start3A_314 = arith.constant 0 : i32
            %dma_start3A_315 = tpu.memref_slice %arg4[%dma_start3A_309, %dma_start3A_314] : memref<16x1600xf32, #tpu.memory_space<vmem>> -> memref<1x1600xf32, #tpu.memory_space<vmem>>
            %dma_start3A_316 = tpu.memref_squeeze %dma_start3A_315 : memref<1x1600xf32, #tpu.memory_space<vmem>> -> memref<1600xf32, #tpu.memory_space<vmem>>
            %dma_start3A_317 = tpu.memref_slice %arg2[%add3A_265] : memref<16001024xf32, #tpu.memory_space<hbm>> -> memref<1600xf32, #tpu.memory_space<hbm>>
            tpu.enqueue_dma source(%dma_start3A_317 : memref<1600xf32, #tpu.memory_space<hbm>>) target(%dma_start3A_316 : memref<1600xf32, #tpu.memory_space<vmem>>) target_semaphore(%arg7 : memref<!tpu.dma_semaphore, #tpu.memory_space<semaphore_mem>>)
            %dma_start3A_318 = arith.constant 3 : i32
            %dma_start3A_319 = arith.constant 0 : i32
            %dma_start3A_320 = tpu.memref_slice %arg4[%dma_start3A_318, %dma_start3A_319] : memref<16x1600xf32, #tpu.memory_space<vmem>> -> memref<1x1600xf32, #tpu.memory_space<vmem>>
            %dma_start3A_321 = tpu.memref_squeeze %dma_start3A_320 : memref<1x1600xf32, #tpu.memory_space<vmem>> -> memref<1600xf32, #tpu.memory_space<vmem>>
            %dma_start3A_322 = tpu.memref_slice %arg2[%add3A_267] : memref<16001024xf32, #tpu.memory_space<hbm>> -> memref<1600xf32, #tpu.memory_space<hbm>>
            %dma_start3A_323 = arith.constant 0 : i32
            %dma_start3A_324 = tpu.memref_slice %arg4[%dma_start3A_318, %dma_start3A_323] : memref<16x1600xf32, #tpu.memory_space<vmem>> -> memref<1x1600xf32, #tpu.memory_space<vmem>>
            %dma_start3A_325 = tpu.memref_squeeze %dma_start3A_324 : memref<1x1600xf32, #tpu.memory_space<vmem>> -> memref<1600xf32, #tpu.memory_space<vmem>>
            %dma_start3A_326 = tpu.memref_slice %arg2[%add3A_267] : memref<16001024xf32, #tpu.memory_space<hbm>> -> memref<1600xf32, #tpu.memory_space<hbm>>
            tpu.enqueue_dma source(%dma_start3A_326 : memref<1600xf32, #tpu.memory_space<hbm>>) target(%dma_start3A_325 : memref<1600xf32, #tpu.memory_space<vmem>>) target_semaphore(%arg7 : memref<!tpu.dma_semaphore, #tpu.memory_space<semaphore_mem>>)
            %dma_start3A_327 = arith.constant 4 : i32
            %dma_start3A_328 = arith.constant 0 : i32
            %dma_start3A_329 = tpu.memref_slice %arg4[%dma_start3A_327, %dma_start3A_328] : memref<16x1600xf32, #tpu.memory_space<vmem>> -> memref<1x1600xf32, #tpu.memory_space<vmem>>
            %dma_start3A_330 = tpu.memref_squeeze %dma_start3A_329 : memref<1x1600xf32, #tpu.memory_space<vmem>> -> memref<1600xf32, #tpu.memory_space<vmem>>
            %dma_start3A_331 = tpu.memref_slice %arg2[%add3A_269] : memref<16001024xf32, #tpu.memory_space<hbm>> -> memref<1600xf32, #tpu.memory_space<hbm>>
            %dma_start3A_332 = arith.constant 0 : i32
            %dma_start3A_333 = tpu.memref_slice %arg4[%dma_start3A_327, %dma_start3A_332] : memref<16x1600xf32, #tpu.memory_space<vmem>> -> memref<1x1600xf32, #tpu.memory_space<vmem>>
            %dma_start3A_334 = tpu.memref_squeeze %dma_start3A_333 : memref<1x1600xf32, #tpu.memory_space<vmem>> -> memref<1600xf32, #tpu.memory_space<vmem>>
            %dma_start3A_335 = tpu.memref_slice %arg2[%add3A_269] : memref<16001024xf32, #tpu.memory_space<hbm>> -> memref<1600xf32, #tpu.memory_space<hbm>>
            tpu.enqueue_dma source(%dma_start3A_335 : memref<1600xf32, #tpu.memory_space<hbm>>) target(%dma_start3A_334 : memref<1600xf32, #tpu.memory_space<vmem>>) target_semaphore(%arg7 : memref<!tpu.dma_semaphore, #tpu.memory_space<semaphore_mem>>)
            %dma_start3A_336 = arith.constant 5 : i32
            %dma_start3A_337 = arith.constant 0 : i32
            %dma_start3A_338 = tpu.memref_slice %arg4[%dma_start3A_336, %dma_start3A_337] : memref<16x1600xf32, #tpu.memory_space<vmem>> -> memref<1x1600xf32, #tpu.memory_space<vmem>>
            %dma_start3A_339 = tpu.memref_squeeze %dma_start3A_338 : memref<1x1600xf32, #tpu.memory_space<vmem>> -> memref<1600xf32, #tpu.memory_space<vmem>>
            %dma_start3A_340 = tpu.memref_slice %arg2[%add3A_271] : memref<16001024xf32, #tpu.memory_space<hbm>> -> memref<1600xf32, #tpu.memory_space<hbm>>
            %dma_start3A_341 = arith.constant 0 : i32
            %dma_start3A_342 = tpu.memref_slice %arg4[%dma_start3A_336, %dma_start3A_341] : memref<16x1600xf32, #tpu.memory_space<vmem>> -> memref<1x1600xf32, #tpu.memory_space<vmem>>
            %dma_start3A_343 = tpu.memref_squeeze %dma_start3A_342 : memref<1x1600xf32, #tpu.memory_space<vmem>> -> memref<1600xf32, #tpu.memory_space<vmem>>
            %dma_start3A_344 = tpu.memref_slice %arg2[%add3A_271] : memref<16001024xf32, #tpu.memory_space<hbm>> -> memref<1600xf32, #tpu.memory_space<hbm>>
            tpu.enqueue_dma source(%dma_start3A_344 : memref<1600xf32, #tpu.memory_space<hbm>>) target(%dma_start3A_343 : memref<1600xf32, #tpu.memory_space<vmem>>) target_semaphore(%arg7 : memref<!tpu.dma_semaphore, #tpu.memory_space<semaphore_mem>>)
            %dma_start3A_345 = arith.constant 6 : i32
            %dma_start3A_346 = arith.constant 0 : i32
            %dma_start3A_347 = tpu.memref_slice %arg4[%dma_start3A_345, %dma_start3A_346] : memref<16x1600xf32, #tpu.memory_space<vmem>> -> memref<1x1600xf32, #tpu.memory_space<vmem>>
            %dma_start3A_348 = tpu.memref_squeeze %dma_start3A_347 : memref<1x1600xf32, #tpu.memory_space<vmem>> -> memref<1600xf32, #tpu.memory_space<vmem>>
            %dma_start3A_349 = tpu.memref_slice %arg2[%add3A_273] : memref<16001024xf32, #tpu.memory_space<hbm>> -> memref<1600xf32, #tpu.memory_space<hbm>>
            %dma_start3A_350 = arith.constant 0 : i32
            %dma_start3A_351 = tpu.memref_slice %arg4[%dma_start3A_345, %dma_start3A_350] : memref<16x1600xf32, #tpu.memory_space<vmem>> -> memref<1x1600xf32, #tpu.memory_space<vmem>>
            %dma_start3A_352 = tpu.memref_squeeze %dma_start3A_351 : memref<1x1600xf32, #tpu.memory_space<vmem>> -> memref<1600xf32, #tpu.memory_space<vmem>>
            %dma_start3A_353 = tpu.memref_slice %arg2[%add3A_273] : memref<16001024xf32, #tpu.memory_space<hbm>> -> memref<1600xf32, #tpu.memory_space<hbm>>
            tpu.enqueue_dma source(%dma_start3A_353 : memref<1600xf32, #tpu.memory_space<hbm>>) target(%dma_start3A_352 : memref<1600xf32, #tpu.memory_space<vmem>>) target_semaphore(%arg7 : memref<!tpu.dma_semaphore, #tpu.memory_space<semaphore_mem>>)
            %dma_start3A_354 = arith.constant 7 : i32
            %dma_start3A_355 = arith.constant 0 : i32
            %dma_start3A_356 = tpu.memref_slice %arg4[%dma_start3A_354, %dma_start3A_355] : memref<16x1600xf32, #tpu.memory_space<vmem>> -> memref<1x1600xf32, #tpu.memory_space<vmem>>
            %dma_start3A_357 = tpu.memref_squeeze %dma_start3A_356 : memref<1x1600xf32, #tpu.memory_space<vmem>> -> memref<1600xf32, #tpu.memory_space<vmem>>
            %dma_start3A_358 = tpu.memref_slice %arg2[%add3A_275] : memref<16001024xf32, #tpu.memory_space<hbm>> -> memref<1600xf32, #tpu.memory_space<hbm>>
            %dma_start3A_359 = arith.constant 0 : i32
            %dma_start3A_360 = tpu.memref_slice %arg4[%dma_start3A_354, %dma_start3A_359] : memref<16x1600xf32, #tpu.memory_space<vmem>> -> memref<1x1600xf32, #tpu.memory_space<vmem>>
            %dma_start3A_361 = tpu.memref_squeeze %dma_start3A_360 : memref<1x1600xf32, #tpu.memory_space<vmem>> -> memref<1600xf32, #tpu.memory_space<vmem>>
            %dma_start3A_362 = tpu.memref_slice %arg2[%add3A_275] : memref<16001024xf32, #tpu.memory_space<hbm>> -> memref<1600xf32, #tpu.memory_space<hbm>>
            tpu.enqueue_dma source(%dma_start3A_362 : memref<1600xf32, #tpu.memory_space<hbm>>) target(%dma_start3A_361 : memref<1600xf32, #tpu.memory_space<vmem>>) target_semaphore(%arg7 : memref<!tpu.dma_semaphore, #tpu.memory_space<semaphore_mem>>)
            %dma_start3A_363 = arith.constant 8 : i32
            %dma_start3A_364 = arith.constant 0 : i32
            %dma_start3A_365 = tpu.memref_slice %arg4[%dma_start3A_363, %dma_start3A_364] : memref<16x1600xf32, #tpu.memory_space<vmem>> -> memref<1x1600xf32, #tpu.memory_space<vmem>>
            %dma_start3A_366 = tpu.memref_squeeze %dma_start3A_365 : memref<1x1600xf32, #tpu.memory_space<vmem>> -> memref<1600xf32, #tpu.memory_space<vmem>>
            %dma_start3A_367 = tpu.memref_slice %arg2[%add3A_277] : memref<16001024xf32, #tpu.memory_space<hbm>> -> memref<1600xf32, #tpu.memory_space<hbm>>
            %dma_start3A_368 = arith.constant 0 : i32
            %dma_start3A_369 = tpu.memref_slice %arg4[%dma_start3A_363, %dma_start3A_368] : memref<16x1600xf32, #tpu.memory_space<vmem>> -> memref<1x1600xf32, #tpu.memory_space<vmem>>
            %dma_start3A_370 = tpu.memref_squeeze %dma_start3A_369 : memref<1x1600xf32, #tpu.memory_space<vmem>> -> memref<1600xf32, #tpu.memory_space<vmem>>
            %dma_start3A_371 = tpu.memref_slice %arg2[%add3A_277] : memref<16001024xf32, #tpu.memory_space<hbm>> -> memref<1600xf32, #tpu.memory_space<hbm>>
            tpu.enqueue_dma source(%dma_start3A_371 : memref<1600xf32, #tpu.memory_space<hbm>>) target(%dma_start3A_370 : memref<1600xf32, #tpu.memory_space<vmem>>) target_semaphore(%arg7 : memref<!tpu.dma_semaphore, #tpu.memory_space<semaphore_mem>>)
            %dma_start3A_372 = arith.constant 9 : i32
            %dma_start3A_373 = arith.constant 0 : i32
            %dma_start3A_374 = tpu.memref_slice %arg4[%dma_start3A_372, %dma_start3A_373] : memref<16x1600xf32, #tpu.memory_space<vmem>> -> memref<1x1600xf32, #tpu.memory_space<vmem>>
            %dma_start3A_375 = tpu.memref_squeeze %dma_start3A_374 : memref<1x1600xf32, #tpu.memory_space<vmem>> -> memref<1600xf32, #tpu.memory_space<vmem>>
            %dma_start3A_376 = tpu.memref_slice %arg2[%add3A_279] : memref<16001024xf32, #tpu.memory_space<hbm>> -> memref<1600xf32, #tpu.memory_space<hbm>>
            %dma_start3A_377 = arith.constant 0 : i32
            %dma_start3A_378 = tpu.memref_slice %arg4[%dma_start3A_372, %dma_start3A_377] : memref<16x1600xf32, #tpu.memory_space<vmem>> -> memref<1x1600xf32, #tpu.memory_space<vmem>>
            %dma_start3A_379 = tpu.memref_squeeze %dma_start3A_378 : memref<1x1600xf32, #tpu.memory_space<vmem>> -> memref<1600xf32, #tpu.memory_space<vmem>>
            %dma_start3A_380 = tpu.memref_slice %arg2[%add3A_279] : memref<16001024xf32, #tpu.memory_space<hbm>> -> memref<1600xf32, #tpu.memory_space<hbm>>
            tpu.enqueue_dma source(%dma_start3A_380 : memref<1600xf32, #tpu.memory_space<hbm>>) target(%dma_start3A_379 : memref<1600xf32, #tpu.memory_space<vmem>>) target_semaphore(%arg7 : memref<!tpu.dma_semaphore, #tpu.memory_space<semaphore_mem>>)
            %dma_start3A_381 = arith.constant 10 : i32
            %dma_start3A_382 = arith.constant 0 : i32
            %dma_start3A_383 = tpu.memref_slice %arg4[%dma_start3A_381, %dma_start3A_382] : memref<16x1600xf32, #tpu.memory_space<vmem>> -> memref<1x1600xf32, #tpu.memory_space<vmem>>
            %dma_start3A_384 = tpu.memref_squeeze %dma_start3A_383 : memref<1x1600xf32, #tpu.memory_space<vmem>> -> memref<1600xf32, #tpu.memory_space<vmem>>
            %dma_start3A_385 = tpu.memref_slice %arg2[%add3A_281] : memref<16001024xf32, #tpu.memory_space<hbm>> -> memref<1600xf32, #tpu.memory_space<hbm>>
            %dma_start3A_386 = arith.constant 0 : i32
            %dma_start3A_387 = tpu.memref_slice %arg4[%dma_start3A_381, %dma_start3A_386] : memref<16x1600xf32, #tpu.memory_space<vmem>> -> memref<1x1600xf32, #tpu.memory_space<vmem>>
            %dma_start3A_388 = tpu.memref_squeeze %dma_start3A_387 : memref<1x1600xf32, #tpu.memory_space<vmem>> -> memref<1600xf32, #tpu.memory_space<vmem>>
            %dma_start3A_389 = tpu.memref_slice %arg2[%add3A_281] : memref<16001024xf32, #tpu.memory_space<hbm>> -> memref<1600xf32, #tpu.memory_space<hbm>>
            tpu.enqueue_dma source(%dma_start3A_389 : memref<1600xf32, #tpu.memory_space<hbm>>) target(%dma_start3A_388 : memref<1600xf32, #tpu.memory_space<vmem>>) target_semaphore(%arg7 : memref<!tpu.dma_semaphore, #tpu.memory_space<semaphore_mem>>)
            %dma_start3A_390 = arith.constant 11 : i32
            %dma_start3A_391 = arith.constant 0 : i32
            %dma_start3A_392 = tpu.memref_slice %arg4[%dma_start3A_390, %dma_start3A_391] : memref<16x1600xf32, #tpu.memory_space<vmem>> -> memref<1x1600xf32, #tpu.memory_space<vmem>>
            %dma_start3A_393 = tpu.memref_squeeze %dma_start3A_392 : memref<1x1600xf32, #tpu.memory_space<vmem>> -> memref<1600xf32, #tpu.memory_space<vmem>>
            %dma_start3A_394 = tpu.memref_slice %arg2[%add3A_283] : memref<16001024xf32, #tpu.memory_space<hbm>> -> memref<1600xf32, #tpu.memory_space<hbm>>
            %dma_start3A_395 = arith.constant 0 : i32
            %dma_start3A_396 = tpu.memref_slice %arg4[%dma_start3A_390, %dma_start3A_395] : memref<16x1600xf32, #tpu.memory_space<vmem>> -> memref<1x1600xf32, #tpu.memory_space<vmem>>
            %dma_start3A_397 = tpu.memref_squeeze %dma_start3A_396 : memref<1x1600xf32, #tpu.memory_space<vmem>> -> memref<1600xf32, #tpu.memory_space<vmem>>
            %dma_start3A_398 = tpu.memref_slice %arg2[%add3A_283] : memref<16001024xf32, #tpu.memory_space<hbm>> -> memref<1600xf32, #tpu.memory_space<hbm>>
            tpu.enqueue_dma source(%dma_start3A_398 : memref<1600xf32, #tpu.memory_space<hbm>>) target(%dma_start3A_397 : memref<1600xf32, #tpu.memory_space<vmem>>) target_semaphore(%arg7 : memref<!tpu.dma_semaphore, #tpu.memory_space<semaphore_mem>>)
            %dma_start3A_399 = arith.constant 12 : i32
            %dma_start3A_400 = arith.constant 0 : i32
            %dma_start3A_401 = tpu.memref_slice %arg4[%dma_start3A_399, %dma_start3A_400] : memref<16x1600xf32, #tpu.memory_space<vmem>> -> memref<1x1600xf32, #tpu.memory_space<vmem>>
            %dma_start3A_402 = tpu.memref_squeeze %dma_start3A_401 : memref<1x1600xf32, #tpu.memory_space<vmem>> -> memref<1600xf32, #tpu.memory_space<vmem>>
            %dma_start3A_403 = tpu.memref_slice %arg2[%add3A_285] : memref<16001024xf32, #tpu.memory_space<hbm>> -> memref<1600xf32, #tpu.memory_space<hbm>>
            %dma_start3A_404 = arith.constant 0 : i32
            %dma_start3A_405 = tpu.memref_slice %arg4[%dma_start3A_399, %dma_start3A_404] : memref<16x1600xf32, #tpu.memory_space<vmem>> -> memref<1x1600xf32, #tpu.memory_space<vmem>>
            %dma_start3A_406 = tpu.memref_squeeze %dma_start3A_405 : memref<1x1600xf32, #tpu.memory_space<vmem>> -> memref<1600xf32, #tpu.memory_space<vmem>>
            %dma_start3A_407 = tpu.memref_slice %arg2[%add3A_285] : memref<16001024xf32, #tpu.memory_space<hbm>> -> memref<1600xf32, #tpu.memory_space<hbm>>
            tpu.enqueue_dma source(%dma_start3A_407 : memref<1600xf32, #tpu.memory_space<hbm>>) target(%dma_start3A_406 : memref<1600xf32, #tpu.memory_space<vmem>>) target_semaphore(%arg7 : memref<!tpu.dma_semaphore, #tpu.memory_space<semaphore_mem>>)
            %dma_start3A_408 = arith.constant 13 : i32
            %dma_start3A_409 = arith.constant 0 : i32
            %dma_start3A_410 = tpu.memref_slice %arg4[%dma_start3A_408, %dma_start3A_409] : memref<16x1600xf32, #tpu.memory_space<vmem>> -> memref<1x1600xf32, #tpu.memory_space<vmem>>
            %dma_start3A_411 = tpu.memref_squeeze %dma_start3A_410 : memref<1x1600xf32, #tpu.memory_space<vmem>> -> memref<1600xf32, #tpu.memory_space<vmem>>
            %dma_start3A_412 = tpu.memref_slice %arg2[%add3A_287] : memref<16001024xf32, #tpu.memory_space<hbm>> -> memref<1600xf32, #tpu.memory_space<hbm>>
            %dma_start3A_413 = arith.constant 0 : i32
            %dma_start3A_414 = tpu.memref_slice %arg4[%dma_start3A_408, %dma_start3A_413] : memref<16x1600xf32, #tpu.memory_space<vmem>> -> memref<1x1600xf32, #tpu.memory_space<vmem>>
            %dma_start3A_415 = tpu.memref_squeeze %dma_start3A_414 : memref<1x1600xf32, #tpu.memory_space<vmem>> -> memref<1600xf32, #tpu.memory_space<vmem>>
            %dma_start3A_416 = tpu.memref_slice %arg2[%add3A_287] : memref<16001024xf32, #tpu.memory_space<hbm>> -> memref<1600xf32, #tpu.memory_space<hbm>>
            tpu.enqueue_dma source(%dma_start3A_416 : memref<1600xf32, #tpu.memory_space<hbm>>) target(%dma_start3A_415 : memref<1600xf32, #tpu.memory_space<vmem>>) target_semaphore(%arg7 : memref<!tpu.dma_semaphore, #tpu.memory_space<semaphore_mem>>)
            %dma_start3A_417 = arith.constant 14 : i32
            %dma_start3A_418 = arith.constant 0 : i32
            %dma_start3A_419 = tpu.memref_slice %arg4[%dma_start3A_417, %dma_start3A_418] : memref<16x1600xf32, #tpu.memory_space<vmem>> -> memref<1x1600xf32, #tpu.memory_space<vmem>>
            %dma_start3A_420 = tpu.memref_squeeze %dma_start3A_419 : memref<1x1600xf32, #tpu.memory_space<vmem>> -> memref<1600xf32, #tpu.memory_space<vmem>>
            %dma_start3A_421 = tpu.memref_slice %arg2[%add3A_289] : memref<16001024xf32, #tpu.memory_space<hbm>> -> memref<1600xf32, #tpu.memory_space<hbm>>
            %dma_start3A_422 = arith.constant 0 : i32
            %dma_start3A_423 = tpu.memref_slice %arg4[%dma_start3A_417, %dma_start3A_422] : memref<16x1600xf32, #tpu.memory_space<vmem>> -> memref<1x1600xf32, #tpu.memory_space<vmem>>
            %dma_start3A_424 = tpu.memref_squeeze %dma_start3A_423 : memref<1x1600xf32, #tpu.memory_space<vmem>> -> memref<1600xf32, #tpu.memory_space<vmem>>
            %dma_start3A_425 = tpu.memref_slice %arg2[%add3A_289] : memref<16001024xf32, #tpu.memory_space<hbm>> -> memref<1600xf32, #tpu.memory_space<hbm>>
            tpu.enqueue_dma source(%dma_start3A_425 : memref<1600xf32, #tpu.memory_space<hbm>>) target(%dma_start3A_424 : memref<1600xf32, #tpu.memory_space<vmem>>) target_semaphore(%arg7 : memref<!tpu.dma_semaphore, #tpu.memory_space<semaphore_mem>>)
            %dma_start3A_426 = arith.constant 15 : i32
            %dma_start3A_427 = arith.constant 0 : i32
            %dma_start3A_428 = tpu.memref_slice %arg4[%dma_start3A_426, %dma_start3A_427] : memref<16x1600xf32, #tpu.memory_space<vmem>> -> memref<1x1600xf32, #tpu.memory_space<vmem>>
            %dma_start3A_429 = tpu.memref_squeeze %dma_start3A_428 : memref<1x1600xf32, #tpu.memory_space<vmem>> -> memref<1600xf32, #tpu.memory_space<vmem>>
            %dma_start3A_430 = tpu.memref_slice %arg2[%add3A_291] : memref<16001024xf32, #tpu.memory_space<hbm>> -> memref<1600xf32, #tpu.memory_space<hbm>>
            %dma_start3A_431 = arith.constant 0 : i32
            %dma_start3A_432 = tpu.memref_slice %arg4[%dma_start3A_426, %dma_start3A_431] : memref<16x1600xf32, #tpu.memory_space<vmem>> -> memref<1x1600xf32, #tpu.memory_space<vmem>>
            %dma_start3A_433 = tpu.memref_squeeze %dma_start3A_432 : memref<1x1600xf32, #tpu.memory_space<vmem>> -> memref<1600xf32, #tpu.memory_space<vmem>>
            %dma_start3A_434 = tpu.memref_slice %arg2[%add3A_291] : memref<16001024xf32, #tpu.memory_space<hbm>> -> memref<1600xf32, #tpu.memory_space<hbm>>
            tpu.enqueue_dma source(%dma_start3A_434 : memref<1600xf32, #tpu.memory_space<hbm>>) target(%dma_start3A_433 : memref<1600xf32, #tpu.memory_space<vmem>>) target_semaphore(%arg7 : memref<!tpu.dma_semaphore, #tpu.memory_space<semaphore_mem>>)
          } else {
          }
          %mul3A_70 = arith.constant 1600 : i32
          %mul3A_71 = arith.muli %add3A_57, %mul3A_70 : i32
          %add3A_72 = arith.constant 0 : i32
          %add3A_73 = arith.addi %add3A_72, %mul3A_71 : i32
          %add3A_74 = arith.constant 1000064 : i32
          %add3A_75 = arith.addi %add3A_74, %mul3A_71 : i32
          %add3A_76 = arith.constant 2000128 : i32
          %add3A_77 = arith.addi %add3A_76, %mul3A_71 : i32
          %add3A_78 = arith.constant 3000192 : i32
          %add3A_79 = arith.addi %add3A_78, %mul3A_71 : i32
          %add3A_80 = arith.constant 4000256 : i32
          %add3A_81 = arith.addi %add3A_80, %mul3A_71 : i32
          %add3A_82 = arith.constant 5000320 : i32
          %add3A_83 = arith.addi %add3A_82, %mul3A_71 : i32
          %add3A_84 = arith.constant 6000384 : i32
          %add3A_85 = arith.addi %add3A_84, %mul3A_71 : i32
          %add3A_86 = arith.constant 7000448 : i32
          %add3A_87 = arith.addi %add3A_86, %mul3A_71 : i32
          %add3A_88 = arith.constant 8000512 : i32
          %add3A_89 = arith.addi %add3A_88, %mul3A_71 : i32
          %add3A_90 = arith.constant 9000576 : i32
          %add3A_91 = arith.addi %add3A_90, %mul3A_71 : i32
          %add3A_92 = arith.constant 10000640 : i32
          %add3A_93 = arith.addi %add3A_92, %mul3A_71 : i32
          %add3A_94 = arith.constant 11000704 : i32
          %add3A_95 = arith.addi %add3A_94, %mul3A_71 : i32
          %add3A_96 = arith.constant 12000768 : i32
          %add3A_97 = arith.addi %add3A_96, %mul3A_71 : i32
          %add3A_98 = arith.constant 13000832 : i32
          %add3A_99 = arith.addi %add3A_98, %mul3A_71 : i32
          %add3A_100 = arith.constant 14000896 : i32
          %add3A_101 = arith.addi %add3A_100, %mul3A_71 : i32
          %add3A_102 = arith.constant 15000960 : i32
          %add3A_103 = arith.addi %add3A_102, %mul3A_71 : i32
          %dma_wait3A = arith.constant 0 : i32
          %dma_wait3A_104 = arith.constant 0 : i32
          %dma_wait3A_105 = tpu.memref_slice %arg5[%dma_wait3A, %dma_wait3A_104] : memref<16x1600xf32, #tpu.memory_space<vmem>> -> memref<1x1600xf32, #tpu.memory_space<vmem>>
          %dma_wait3A_106 = tpu.memref_squeeze %dma_wait3A_105 : memref<1x1600xf32, #tpu.memory_space<vmem>> -> memref<1600xf32, #tpu.memory_space<vmem>>
          %dma_wait3A_107 = tpu.memref_slice %arg2[%add3A_73] : memref<16001024xf32, #tpu.memory_space<hbm>> -> memref<1600xf32, #tpu.memory_space<hbm>>
          %dma_wait3A_108 = arith.constant 0 : i32
          %dma_wait3A_109 = tpu.memref_slice %arg5[%dma_wait3A, %dma_wait3A_108] : memref<16x1600xf32, #tpu.memory_space<vmem>> -> memref<1x1600xf32, #tpu.memory_space<vmem>>
          %dma_wait3A_110 = tpu.memref_squeeze %dma_wait3A_109 : memref<1x1600xf32, #tpu.memory_space<vmem>> -> memref<1600xf32, #tpu.memory_space<vmem>>
          %dma_wait3A_111 = tpu.memref_slice %arg2[%add3A_73] : memref<16001024xf32, #tpu.memory_space<hbm>> -> memref<1600xf32, #tpu.memory_space<hbm>>
          tpu.wait_dma2 semaphore(%arg8 : memref<!tpu.dma_semaphore, #tpu.memory_space<semaphore_mem>>) src(%dma_wait3A_111 : memref<1600xf32, #tpu.memory_space<hbm>>) dst(%dma_wait3A_110 : memref<1600xf32, #tpu.memory_space<vmem>>)
          %dma_wait3A_112 = arith.constant 1 : i32
          %dma_wait3A_113 = arith.constant 0 : i32
          %dma_wait3A_114 = tpu.memref_slice %arg5[%dma_wait3A_112, %dma_wait3A_113] : memref<16x1600xf32, #tpu.memory_space<vmem>> -> memref<1x1600xf32, #tpu.memory_space<vmem>>
          %dma_wait3A_115 = tpu.memref_squeeze %dma_wait3A_114 : memref<1x1600xf32, #tpu.memory_space<vmem>> -> memref<1600xf32, #tpu.memory_space<vmem>>
          %dma_wait3A_116 = tpu.memref_slice %arg2[%add3A_75] : memref<16001024xf32, #tpu.memory_space<hbm>> -> memref<1600xf32, #tpu.memory_space<hbm>>
          %dma_wait3A_117 = arith.constant 0 : i32
          %dma_wait3A_118 = tpu.memref_slice %arg5[%dma_wait3A_112, %dma_wait3A_117] : memref<16x1600xf32, #tpu.memory_space<vmem>> -> memref<1x1600xf32, #tpu.memory_space<vmem>>
          %dma_wait3A_119 = tpu.memref_squeeze %dma_wait3A_118 : memref<1x1600xf32, #tpu.memory_space<vmem>> -> memref<1600xf32, #tpu.memory_space<vmem>>
          %dma_wait3A_120 = tpu.memref_slice %arg2[%add3A_75] : memref<16001024xf32, #tpu.memory_space<hbm>> -> memref<1600xf32, #tpu.memory_space<hbm>>
          tpu.wait_dma2 semaphore(%arg8 : memref<!tpu.dma_semaphore, #tpu.memory_space<semaphore_mem>>) src(%dma_wait3A_120 : memref<1600xf32, #tpu.memory_space<hbm>>) dst(%dma_wait3A_119 : memref<1600xf32, #tpu.memory_space<vmem>>)
          %dma_wait3A_121 = arith.constant 2 : i32
          %dma_wait3A_122 = arith.constant 0 : i32
          %dma_wait3A_123 = tpu.memref_slice %arg5[%dma_wait3A_121, %dma_wait3A_122] : memref<16x1600xf32, #tpu.memory_space<vmem>> -> memref<1x1600xf32, #tpu.memory_space<vmem>>
          %dma_wait3A_124 = tpu.memref_squeeze %dma_wait3A_123 : memref<1x1600xf32, #tpu.memory_space<vmem>> -> memref<1600xf32, #tpu.memory_space<vmem>>
          %dma_wait3A_125 = tpu.memref_slice %arg2[%add3A_77] : memref<16001024xf32, #tpu.memory_space<hbm>> -> memref<1600xf32, #tpu.memory_space<hbm>>
          %dma_wait3A_126 = arith.constant 0 : i32
          %dma_wait3A_127 = tpu.memref_slice %arg5[%dma_wait3A_121, %dma_wait3A_126] : memref<16x1600xf32, #tpu.memory_space<vmem>> -> memref<1x1600xf32, #tpu.memory_space<vmem>>
          %dma_wait3A_128 = tpu.memref_squeeze %dma_wait3A_127 : memref<1x1600xf32, #tpu.memory_space<vmem>> -> memref<1600xf32, #tpu.memory_space<vmem>>
          %dma_wait3A_129 = tpu.memref_slice %arg2[%add3A_77] : memref<16001024xf32, #tpu.memory_space<hbm>> -> memref<1600xf32, #tpu.memory_space<hbm>>
          tpu.wait_dma2 semaphore(%arg8 : memref<!tpu.dma_semaphore, #tpu.memory_space<semaphore_mem>>) src(%dma_wait3A_129 : memref<1600xf32, #tpu.memory_space<hbm>>) dst(%dma_wait3A_128 : memref<1600xf32, #tpu.memory_space<vmem>>)
          %dma_wait3A_130 = arith.constant 3 : i32
          %dma_wait3A_131 = arith.constant 0 : i32
          %dma_wait3A_132 = tpu.memref_slice %arg5[%dma_wait3A_130, %dma_wait3A_131] : memref<16x1600xf32, #tpu.memory_space<vmem>> -> memref<1x1600xf32, #tpu.memory_space<vmem>>
          %dma_wait3A_133 = tpu.memref_squeeze %dma_wait3A_132 : memref<1x1600xf32, #tpu.memory_space<vmem>> -> memref<1600xf32, #tpu.memory_space<vmem>>
          %dma_wait3A_134 = tpu.memref_slice %arg2[%add3A_79] : memref<16001024xf32, #tpu.memory_space<hbm>> -> memref<1600xf32, #tpu.memory_space<hbm>>
          %dma_wait3A_135 = arith.constant 0 : i32
          %dma_wait3A_136 = tpu.memref_slice %arg5[%dma_wait3A_130, %dma_wait3A_135] : memref<16x1600xf32, #tpu.memory_space<vmem>> -> memref<1x1600xf32, #tpu.memory_space<vmem>>
          %dma_wait3A_137 = tpu.memref_squeeze %dma_wait3A_136 : memref<1x1600xf32, #tpu.memory_space<vmem>> -> memref<1600xf32, #tpu.memory_space<vmem>>
          %dma_wait3A_138 = tpu.memref_slice %arg2[%add3A_79] : memref<16001024xf32, #tpu.memory_space<hbm>> -> memref<1600xf32, #tpu.memory_space<hbm>>
          tpu.wait_dma2 semaphore(%arg8 : memref<!tpu.dma_semaphore, #tpu.memory_space<semaphore_mem>>) src(%dma_wait3A_138 : memref<1600xf32, #tpu.memory_space<hbm>>) dst(%dma_wait3A_137 : memref<1600xf32, #tpu.memory_space<vmem>>)
          %dma_wait3A_139 = arith.constant 4 : i32
          %dma_wait3A_140 = arith.constant 0 : i32
          %dma_wait3A_141 = tpu.memref_slice %arg5[%dma_wait3A_139, %dma_wait3A_140] : memref<16x1600xf32, #tpu.memory_space<vmem>> -> memref<1x1600xf32, #tpu.memory_space<vmem>>
          %dma_wait3A_142 = tpu.memref_squeeze %dma_wait3A_141 : memref<1x1600xf32, #tpu.memory_space<vmem>> -> memref<1600xf32, #tpu.memory_space<vmem>>
          %dma_wait3A_143 = tpu.memref_slice %arg2[%add3A_81] : memref<16001024xf32, #tpu.memory_space<hbm>> -> memref<1600xf32, #tpu.memory_space<hbm>>
          %dma_wait3A_144 = arith.constant 0 : i32
          %dma_wait3A_145 = tpu.memref_slice %arg5[%dma_wait3A_139, %dma_wait3A_144] : memref<16x1600xf32, #tpu.memory_space<vmem>> -> memref<1x1600xf32, #tpu.memory_space<vmem>>
          %dma_wait3A_146 = tpu.memref_squeeze %dma_wait3A_145 : memref<1x1600xf32, #tpu.memory_space<vmem>> -> memref<1600xf32, #tpu.memory_space<vmem>>
          %dma_wait3A_147 = tpu.memref_slice %arg2[%add3A_81] : memref<16001024xf32, #tpu.memory_space<hbm>> -> memref<1600xf32, #tpu.memory_space<hbm>>
          tpu.wait_dma2 semaphore(%arg8 : memref<!tpu.dma_semaphore, #tpu.memory_space<semaphore_mem>>) src(%dma_wait3A_147 : memref<1600xf32, #tpu.memory_space<hbm>>) dst(%dma_wait3A_146 : memref<1600xf32, #tpu.memory_space<vmem>>)
          %dma_wait3A_148 = arith.constant 5 : i32
          %dma_wait3A_149 = arith.constant 0 : i32
          %dma_wait3A_150 = tpu.memref_slice %arg5[%dma_wait3A_148, %dma_wait3A_149] : memref<16x1600xf32, #tpu.memory_space<vmem>> -> memref<1x1600xf32, #tpu.memory_space<vmem>>
          %dma_wait3A_151 = tpu.memref_squeeze %dma_wait3A_150 : memref<1x1600xf32, #tpu.memory_space<vmem>> -> memref<1600xf32, #tpu.memory_space<vmem>>
          %dma_wait3A_152 = tpu.memref_slice %arg2[%add3A_83] : memref<16001024xf32, #tpu.memory_space<hbm>> -> memref<1600xf32, #tpu.memory_space<hbm>>
          %dma_wait3A_153 = arith.constant 0 : i32
          %dma_wait3A_154 = tpu.memref_slice %arg5[%dma_wait3A_148, %dma_wait3A_153] : memref<16x1600xf32, #tpu.memory_space<vmem>> -> memref<1x1600xf32, #tpu.memory_space<vmem>>
          %dma_wait3A_155 = tpu.memref_squeeze %dma_wait3A_154 : memref<1x1600xf32, #tpu.memory_space<vmem>> -> memref<1600xf32, #tpu.memory_space<vmem>>
          %dma_wait3A_156 = tpu.memref_slice %arg2[%add3A_83] : memref<16001024xf32, #tpu.memory_space<hbm>> -> memref<1600xf32, #tpu.memory_space<hbm>>
          tpu.wait_dma2 semaphore(%arg8 : memref<!tpu.dma_semaphore, #tpu.memory_space<semaphore_mem>>) src(%dma_wait3A_156 : memref<1600xf32, #tpu.memory_space<hbm>>) dst(%dma_wait3A_155 : memref<1600xf32, #tpu.memory_space<vmem>>)
          %dma_wait3A_157 = arith.constant 6 : i32
          %dma_wait3A_158 = arith.constant 0 : i32
          %dma_wait3A_159 = tpu.memref_slice %arg5[%dma_wait3A_157, %dma_wait3A_158] : memref<16x1600xf32, #tpu.memory_space<vmem>> -> memref<1x1600xf32, #tpu.memory_space<vmem>>
          %dma_wait3A_160 = tpu.memref_squeeze %dma_wait3A_159 : memref<1x1600xf32, #tpu.memory_space<vmem>> -> memref<1600xf32, #tpu.memory_space<vmem>>
          %dma_wait3A_161 = tpu.memref_slice %arg2[%add3A_85] : memref<16001024xf32, #tpu.memory_space<hbm>> -> memref<1600xf32, #tpu.memory_space<hbm>>
          %dma_wait3A_162 = arith.constant 0 : i32
          %dma_wait3A_163 = tpu.memref_slice %arg5[%dma_wait3A_157, %dma_wait3A_162] : memref<16x1600xf32, #tpu.memory_space<vmem>> -> memref<1x1600xf32, #tpu.memory_space<vmem>>
          %dma_wait3A_164 = tpu.memref_squeeze %dma_wait3A_163 : memref<1x1600xf32, #tpu.memory_space<vmem>> -> memref<1600xf32, #tpu.memory_space<vmem>>
          %dma_wait3A_165 = tpu.memref_slice %arg2[%add3A_85] : memref<16001024xf32, #tpu.memory_space<hbm>> -> memref<1600xf32, #tpu.memory_space<hbm>>
          tpu.wait_dma2 semaphore(%arg8 : memref<!tpu.dma_semaphore, #tpu.memory_space<semaphore_mem>>) src(%dma_wait3A_165 : memref<1600xf32, #tpu.memory_space<hbm>>) dst(%dma_wait3A_164 : memref<1600xf32, #tpu.memory_space<vmem>>)
          %dma_wait3A_166 = arith.constant 7 : i32
          %dma_wait3A_167 = arith.constant 0 : i32
          %dma_wait3A_168 = tpu.memref_slice %arg5[%dma_wait3A_166, %dma_wait3A_167] : memref<16x1600xf32, #tpu.memory_space<vmem>> -> memref<1x1600xf32, #tpu.memory_space<vmem>>
          %dma_wait3A_169 = tpu.memref_squeeze %dma_wait3A_168 : memref<1x1600xf32, #tpu.memory_space<vmem>> -> memref<1600xf32, #tpu.memory_space<vmem>>
          %dma_wait3A_170 = tpu.memref_slice %arg2[%add3A_87] : memref<16001024xf32, #tpu.memory_space<hbm>> -> memref<1600xf32, #tpu.memory_space<hbm>>
          %dma_wait3A_171 = arith.constant 0 : i32
          %dma_wait3A_172 = tpu.memref_slice %arg5[%dma_wait3A_166, %dma_wait3A_171] : memref<16x1600xf32, #tpu.memory_space<vmem>> -> memref<1x1600xf32, #tpu.memory_space<vmem>>
          %dma_wait3A_173 = tpu.memref_squeeze %dma_wait3A_172 : memref<1x1600xf32, #tpu.memory_space<vmem>> -> memref<1600xf32, #tpu.memory_space<vmem>>
          %dma_wait3A_174 = tpu.memref_slice %arg2[%add3A_87] : memref<16001024xf32, #tpu.memory_space<hbm>> -> memref<1600xf32, #tpu.memory_space<hbm>>
          tpu.wait_dma2 semaphore(%arg8 : memref<!tpu.dma_semaphore, #tpu.memory_space<semaphore_mem>>) src(%dma_wait3A_174 : memref<1600xf32, #tpu.memory_space<hbm>>) dst(%dma_wait3A_173 : memref<1600xf32, #tpu.memory_space<vmem>>)
          %dma_wait3A_175 = arith.constant 8 : i32
          %dma_wait3A_176 = arith.constant 0 : i32
          %dma_wait3A_177 = tpu.memref_slice %arg5[%dma_wait3A_175, %dma_wait3A_176] : memref<16x1600xf32, #tpu.memory_space<vmem>> -> memref<1x1600xf32, #tpu.memory_space<vmem>>
          %dma_wait3A_178 = tpu.memref_squeeze %dma_wait3A_177 : memref<1x1600xf32, #tpu.memory_space<vmem>> -> memref<1600xf32, #tpu.memory_space<vmem>>
          %dma_wait3A_179 = tpu.memref_slice %arg2[%add3A_89] : memref<16001024xf32, #tpu.memory_space<hbm>> -> memref<1600xf32, #tpu.memory_space<hbm>>
          %dma_wait3A_180 = arith.constant 0 : i32
          %dma_wait3A_181 = tpu.memref_slice %arg5[%dma_wait3A_175, %dma_wait3A_180] : memref<16x1600xf32, #tpu.memory_space<vmem>> -> memref<1x1600xf32, #tpu.memory_space<vmem>>
          %dma_wait3A_182 = tpu.memref_squeeze %dma_wait3A_181 : memref<1x1600xf32, #tpu.memory_space<vmem>> -> memref<1600xf32, #tpu.memory_space<vmem>>
          %dma_wait3A_183 = tpu.memref_slice %arg2[%add3A_89] : memref<16001024xf32, #tpu.memory_space<hbm>> -> memref<1600xf32, #tpu.memory_space<hbm>>
          tpu.wait_dma2 semaphore(%arg8 : memref<!tpu.dma_semaphore, #tpu.memory_space<semaphore_mem>>) src(%dma_wait3A_183 : memref<1600xf32, #tpu.memory_space<hbm>>) dst(%dma_wait3A_182 : memref<1600xf32, #tpu.memory_space<vmem>>)
          %dma_wait3A_184 = arith.constant 9 : i32
          %dma_wait3A_185 = arith.constant 0 : i32
          %dma_wait3A_186 = tpu.memref_slice %arg5[%dma_wait3A_184, %dma_wait3A_185] : memref<16x1600xf32, #tpu.memory_space<vmem>> -> memref<1x1600xf32, #tpu.memory_space<vmem>>
          %dma_wait3A_187 = tpu.memref_squeeze %dma_wait3A_186 : memref<1x1600xf32, #tpu.memory_space<vmem>> -> memref<1600xf32, #tpu.memory_space<vmem>>
          %dma_wait3A_188 = tpu.memref_slice %arg2[%add3A_91] : memref<16001024xf32, #tpu.memory_space<hbm>> -> memref<1600xf32, #tpu.memory_space<hbm>>
          %dma_wait3A_189 = arith.constant 0 : i32
          %dma_wait3A_190 = tpu.memref_slice %arg5[%dma_wait3A_184, %dma_wait3A_189] : memref<16x1600xf32, #tpu.memory_space<vmem>> -> memref<1x1600xf32, #tpu.memory_space<vmem>>
          %dma_wait3A_191 = tpu.memref_squeeze %dma_wait3A_190 : memref<1x1600xf32, #tpu.memory_space<vmem>> -> memref<1600xf32, #tpu.memory_space<vmem>>
          %dma_wait3A_192 = tpu.memref_slice %arg2[%add3A_91] : memref<16001024xf32, #tpu.memory_space<hbm>> -> memref<1600xf32, #tpu.memory_space<hbm>>
          tpu.wait_dma2 semaphore(%arg8 : memref<!tpu.dma_semaphore, #tpu.memory_space<semaphore_mem>>) src(%dma_wait3A_192 : memref<1600xf32, #tpu.memory_space<hbm>>) dst(%dma_wait3A_191 : memref<1600xf32, #tpu.memory_space<vmem>>)
          %dma_wait3A_193 = arith.constant 10 : i32
          %dma_wait3A_194 = arith.constant 0 : i32
          %dma_wait3A_195 = tpu.memref_slice %arg5[%dma_wait3A_193, %dma_wait3A_194] : memref<16x1600xf32, #tpu.memory_space<vmem>> -> memref<1x1600xf32, #tpu.memory_space<vmem>>
          %dma_wait3A_196 = tpu.memref_squeeze %dma_wait3A_195 : memref<1x1600xf32, #tpu.memory_space<vmem>> -> memref<1600xf32, #tpu.memory_space<vmem>>
          %dma_wait3A_197 = tpu.memref_slice %arg2[%add3A_93] : memref<16001024xf32, #tpu.memory_space<hbm>> -> memref<1600xf32, #tpu.memory_space<hbm>>
          %dma_wait3A_198 = arith.constant 0 : i32
          %dma_wait3A_199 = tpu.memref_slice %arg5[%dma_wait3A_193, %dma_wait3A_198] : memref<16x1600xf32, #tpu.memory_space<vmem>> -> memref<1x1600xf32, #tpu.memory_space<vmem>>
          %dma_wait3A_200 = tpu.memref_squeeze %dma_wait3A_199 : memref<1x1600xf32, #tpu.memory_space<vmem>> -> memref<1600xf32, #tpu.memory_space<vmem>>
          %dma_wait3A_201 = tpu.memref_slice %arg2[%add3A_93] : memref<16001024xf32, #tpu.memory_space<hbm>> -> memref<1600xf32, #tpu.memory_space<hbm>>
          tpu.wait_dma2 semaphore(%arg8 : memref<!tpu.dma_semaphore, #tpu.memory_space<semaphore_mem>>) src(%dma_wait3A_201 : memref<1600xf32, #tpu.memory_space<hbm>>) dst(%dma_wait3A_200 : memref<1600xf32, #tpu.memory_space<vmem>>)
          %dma_wait3A_202 = arith.constant 11 : i32
          %dma_wait3A_203 = arith.constant 0 : i32
          %dma_wait3A_204 = tpu.memref_slice %arg5[%dma_wait3A_202, %dma_wait3A_203] : memref<16x1600xf32, #tpu.memory_space<vmem>> -> memref<1x1600xf32, #tpu.memory_space<vmem>>
          %dma_wait3A_205 = tpu.memref_squeeze %dma_wait3A_204 : memref<1x1600xf32, #tpu.memory_space<vmem>> -> memref<1600xf32, #tpu.memory_space<vmem>>
          %dma_wait3A_206 = tpu.memref_slice %arg2[%add3A_95] : memref<16001024xf32, #tpu.memory_space<hbm>> -> memref<1600xf32, #tpu.memory_space<hbm>>
          %dma_wait3A_207 = arith.constant 0 : i32
          %dma_wait3A_208 = tpu.memref_slice %arg5[%dma_wait3A_202, %dma_wait3A_207] : memref<16x1600xf32, #tpu.memory_space<vmem>> -> memref<1x1600xf32, #tpu.memory_space<vmem>>
          %dma_wait3A_209 = tpu.memref_squeeze %dma_wait3A_208 : memref<1x1600xf32, #tpu.memory_space<vmem>> -> memref<1600xf32, #tpu.memory_space<vmem>>
          %dma_wait3A_210 = tpu.memref_slice %arg2[%add3A_95] : memref<16001024xf32, #tpu.memory_space<hbm>> -> memref<1600xf32, #tpu.memory_space<hbm>>
          tpu.wait_dma2 semaphore(%arg8 : memref<!tpu.dma_semaphore, #tpu.memory_space<semaphore_mem>>) src(%dma_wait3A_210 : memref<1600xf32, #tpu.memory_space<hbm>>) dst(%dma_wait3A_209 : memref<1600xf32, #tpu.memory_space<vmem>>)
          %dma_wait3A_211 = arith.constant 12 : i32
          %dma_wait3A_212 = arith.constant 0 : i32
          %dma_wait3A_213 = tpu.memref_slice %arg5[%dma_wait3A_211, %dma_wait3A_212] : memref<16x1600xf32, #tpu.memory_space<vmem>> -> memref<1x1600xf32, #tpu.memory_space<vmem>>
          %dma_wait3A_214 = tpu.memref_squeeze %dma_wait3A_213 : memref<1x1600xf32, #tpu.memory_space<vmem>> -> memref<1600xf32, #tpu.memory_space<vmem>>
          %dma_wait3A_215 = tpu.memref_slice %arg2[%add3A_97] : memref<16001024xf32, #tpu.memory_space<hbm>> -> memref<1600xf32, #tpu.memory_space<hbm>>
          %dma_wait3A_216 = arith.constant 0 : i32
          %dma_wait3A_217 = tpu.memref_slice %arg5[%dma_wait3A_211, %dma_wait3A_216] : memref<16x1600xf32, #tpu.memory_space<vmem>> -> memref<1x1600xf32, #tpu.memory_space<vmem>>
          %dma_wait3A_218 = tpu.memref_squeeze %dma_wait3A_217 : memref<1x1600xf32, #tpu.memory_space<vmem>> -> memref<1600xf32, #tpu.memory_space<vmem>>
          %dma_wait3A_219 = tpu.memref_slice %arg2[%add3A_97] : memref<16001024xf32, #tpu.memory_space<hbm>> -> memref<1600xf32, #tpu.memory_space<hbm>>
          tpu.wait_dma2 semaphore(%arg8 : memref<!tpu.dma_semaphore, #tpu.memory_space<semaphore_mem>>) src(%dma_wait3A_219 : memref<1600xf32, #tpu.memory_space<hbm>>) dst(%dma_wait3A_218 : memref<1600xf32, #tpu.memory_space<vmem>>)
          %dma_wait3A_220 = arith.constant 13 : i32
          %dma_wait3A_221 = arith.constant 0 : i32
          %dma_wait3A_222 = tpu.memref_slice %arg5[%dma_wait3A_220, %dma_wait3A_221] : memref<16x1600xf32, #tpu.memory_space<vmem>> -> memref<1x1600xf32, #tpu.memory_space<vmem>>
          %dma_wait3A_223 = tpu.memref_squeeze %dma_wait3A_222 : memref<1x1600xf32, #tpu.memory_space<vmem>> -> memref<1600xf32, #tpu.memory_space<vmem>>
          %dma_wait3A_224 = tpu.memref_slice %arg2[%add3A_99] : memref<16001024xf32, #tpu.memory_space<hbm>> -> memref<1600xf32, #tpu.memory_space<hbm>>
          %dma_wait3A_225 = arith.constant 0 : i32
          %dma_wait3A_226 = tpu.memref_slice %arg5[%dma_wait3A_220, %dma_wait3A_225] : memref<16x1600xf32, #tpu.memory_space<vmem>> -> memref<1x1600xf32, #tpu.memory_space<vmem>>
          %dma_wait3A_227 = tpu.memref_squeeze %dma_wait3A_226 : memref<1x1600xf32, #tpu.memory_space<vmem>> -> memref<1600xf32, #tpu.memory_space<vmem>>
          %dma_wait3A_228 = tpu.memref_slice %arg2[%add3A_99] : memref<16001024xf32, #tpu.memory_space<hbm>> -> memref<1600xf32, #tpu.memory_space<hbm>>
          tpu.wait_dma2 semaphore(%arg8 : memref<!tpu.dma_semaphore, #tpu.memory_space<semaphore_mem>>) src(%dma_wait3A_228 : memref<1600xf32, #tpu.memory_space<hbm>>) dst(%dma_wait3A_227 : memref<1600xf32, #tpu.memory_space<vmem>>)
          %dma_wait3A_229 = arith.constant 14 : i32
          %dma_wait3A_230 = arith.constant 0 : i32
          %dma_wait3A_231 = tpu.memref_slice %arg5[%dma_wait3A_229, %dma_wait3A_230] : memref<16x1600xf32, #tpu.memory_space<vmem>> -> memref<1x1600xf32, #tpu.memory_space<vmem>>
          %dma_wait3A_232 = tpu.memref_squeeze %dma_wait3A_231 : memref<1x1600xf32, #tpu.memory_space<vmem>> -> memref<1600xf32, #tpu.memory_space<vmem>>
          %dma_wait3A_233 = tpu.memref_slice %arg2[%add3A_101] : memref<16001024xf32, #tpu.memory_space<hbm>> -> memref<1600xf32, #tpu.memory_space<hbm>>
          %dma_wait3A_234 = arith.constant 0 : i32
          %dma_wait3A_235 = tpu.memref_slice %arg5[%dma_wait3A_229, %dma_wait3A_234] : memref<16x1600xf32, #tpu.memory_space<vmem>> -> memref<1x1600xf32, #tpu.memory_space<vmem>>
          %dma_wait3A_236 = tpu.memref_squeeze %dma_wait3A_235 : memref<1x1600xf32, #tpu.memory_space<vmem>> -> memref<1600xf32, #tpu.memory_space<vmem>>
          %dma_wait3A_237 = tpu.memref_slice %arg2[%add3A_101] : memref<16001024xf32, #tpu.memory_space<hbm>> -> memref<1600xf32, #tpu.memory_space<hbm>>
          tpu.wait_dma2 semaphore(%arg8 : memref<!tpu.dma_semaphore, #tpu.memory_space<semaphore_mem>>) src(%dma_wait3A_237 : memref<1600xf32, #tpu.memory_space<hbm>>) dst(%dma_wait3A_236 : memref<1600xf32, #tpu.memory_space<vmem>>)
          %dma_wait3A_238 = arith.constant 15 : i32
          %dma_wait3A_239 = arith.constant 0 : i32
          %dma_wait3A_240 = tpu.memref_slice %arg5[%dma_wait3A_238, %dma_wait3A_239] : memref<16x1600xf32, #tpu.memory_space<vmem>> -> memref<1x1600xf32, #tpu.memory_space<vmem>>
          %dma_wait3A_241 = tpu.memref_squeeze %dma_wait3A_240 : memref<1x1600xf32, #tpu.memory_space<vmem>> -> memref<1600xf32, #tpu.memory_space<vmem>>
          %dma_wait3A_242 = tpu.memref_slice %arg2[%add3A_103] : memref<16001024xf32, #tpu.memory_space<hbm>> -> memref<1600xf32, #tpu.memory_space<hbm>>
          %dma_wait3A_243 = arith.constant 0 : i32
          %dma_wait3A_244 = tpu.memref_slice %arg5[%dma_wait3A_238, %dma_wait3A_243] : memref<16x1600xf32, #tpu.memory_space<vmem>> -> memref<1x1600xf32, #tpu.memory_space<vmem>>
          %dma_wait3A_245 = tpu.memref_squeeze %dma_wait3A_244 : memref<1x1600xf32, #tpu.memory_space<vmem>> -> memref<1600xf32, #tpu.memory_space<vmem>>
          %dma_wait3A_246 = tpu.memref_slice %arg2[%add3A_103] : memref<16001024xf32, #tpu.memory_space<hbm>> -> memref<1600xf32, #tpu.memory_space<hbm>>
          tpu.wait_dma2 semaphore(%arg8 : memref<!tpu.dma_semaphore, #tpu.memory_space<semaphore_mem>>) src(%dma_wait3A_246 : memref<1600xf32, #tpu.memory_space<hbm>>) dst(%dma_wait3A_245 : memref<1600xf32, #tpu.memory_space<vmem>>)
          %scan3A_247 = arith.constant 0 : i32
          %scan3A_248 = arith.constant 0 : i32
          %scan3A_249 = arith.constant 25 : i32
          %scan3A_250 = arith.addi %scan3A_248, %scan3A_249 : i32
          %scan3A_251 = arith.constant 1 : i32
          %scan3A_252 = scf.for %scan3A_256 = %scan3A_248 to %scan3A_250 step %scan3A_251 iter_args(%scan3A_257 = %scan3A_247) -> (i32)  : i32 {
            %mul3A_258 = arith.constant 4 : i32
            %mul3A_259 = arith.muli %scan3A_256, %mul3A_258 : i32
            %add3A_260 = arith.constant 0 : i32
            %add3A_261 = arith.addi %mul3A_259, %add3A_260 : i32
            %mul3A_262 = arith.constant 16 : i32
            %mul3A_263 = arith.muli %add3A_261, %mul3A_262 : i32
            %add3A_264 = vector.broadcast %mul3A_263 : i32 to vector<16xi32>
            %add3A_265 = arith.addi %add3A_264, %iota3A : vector<16xi32>
            %mul3A_266 = arith.constant 4 : i32
            %mul3A_267 = arith.muli %scan3A_256, %mul3A_266 : i32
            %add3A_268 = arith.constant 0 : i32
            %add3A_269 = arith.addi %mul3A_267, %add3A_268 : i32
            %mul3A_270 = arith.constant 16 : i32
            %mul3A_271 = arith.muli %add3A_269, %mul3A_270 : i32
            %get3A = arith.constant 0 : i32
            %get3A_272 = arith.index_cast %get3A : i32 to index
            %get3A_273 = arith.index_cast %mul3A_271 : i32 to index
            %get3A_274 = tpu.vector_load %arg5[%get3A_272, %get3A_273] {strides = array<i32>} : memref<16x1600xf32, #tpu.memory_space<vmem>>, vector<16xf32>,
            tpu.vector_store_idx %arg6[%add3A_265, %broadcast_in_dim3A_1], %get3A_274 : memref<1600x17xf32, #tpu.memory_space<vmem>>[vector<16xi32>, vector<16xi32>], vector<16xf32>,
            %mul3A_275 = arith.constant 4 : i32
            %mul3A_276 = arith.muli %scan3A_256, %mul3A_275 : i32
            %add3A_277 = arith.constant 0 : i32
            %add3A_278 = arith.addi %mul3A_276, %add3A_277 : i32
            %mul3A_279 = arith.constant 16 : i32
            %mul3A_280 = arith.muli %add3A_278, %mul3A_279 : i32
            %get3A_281 = arith.constant 1 : i32
            %get3A_282 = arith.index_cast %get3A_281 : i32 to index
            %get3A_283 = arith.index_cast %mul3A_280 : i32 to index
            %get3A_284 = tpu.vector_load %arg5[%get3A_282, %get3A_283] {strides = array<i32>} : memref<16x1600xf32, #tpu.memory_space<vmem>>, vector<16xf32>,
            tpu.vector_store_idx %arg6[%add3A_265, %broadcast_in_dim3A_3], %get3A_284 : memref<1600x17xf32, #tpu.memory_space<vmem>>[vector<16xi32>, vector<16xi32>], vector<16xf32>,
            %mul3A_285 = arith.constant 4 : i32
            %mul3A_286 = arith.muli %scan3A_256, %mul3A_285 : i32
            %add3A_287 = arith.constant 0 : i32
            %add3A_288 = arith.addi %mul3A_286, %add3A_287 : i32
            %mul3A_289 = arith.constant 16 : i32
            %mul3A_290 = arith.muli %add3A_288, %mul3A_289 : i32
            %get3A_291 = arith.constant 2 : i32
            %get3A_292 = arith.index_cast %get3A_291 : i32 to index
            %get3A_293 = arith.index_cast %mul3A_290 : i32 to index
            %get3A_294 = tpu.vector_load %arg5[%get3A_292, %get3A_293] {strides = array<i32>} : memref<16x1600xf32, #tpu.memory_space<vmem>>, vector<16xf32>,
            tpu.vector_store_idx %arg6[%add3A_265, %broadcast_in_dim3A_5], %get3A_294 : memref<1600x17xf32, #tpu.memory_space<vmem>>[vector<16xi32>, vector<16xi32>], vector<16xf32>,
            %mul3A_295 = arith.constant 4 : i32
            %mul3A_296 = arith.muli %scan3A_256, %mul3A_295 : i32
            %add3A_297 = arith.constant 0 : i32
            %add3A_298 = arith.addi %mul3A_296, %add3A_297 : i32
            %mul3A_299 = arith.constant 16 : i32
            %mul3A_300 = arith.muli %add3A_298, %mul3A_299 : i32
            %get3A_301 = arith.constant 3 : i32
            %get3A_302 = arith.index_cast %get3A_301 : i32 to index
            %get3A_303 = arith.index_cast %mul3A_300 : i32 to index
            %get3A_304 = tpu.vector_load %arg5[%get3A_302, %get3A_303] {strides = array<i32>} : memref<16x1600xf32, #tpu.memory_space<vmem>>, vector<16xf32>,
            tpu.vector_store_idx %arg6[%add3A_265, %broadcast_in_dim3A_7], %get3A_304 : memref<1600x17xf32, #tpu.memory_space<vmem>>[vector<16xi32>, vector<16xi32>], vector<16xf32>,
            %mul3A_305 = arith.constant 4 : i32
            %mul3A_306 = arith.muli %scan3A_256, %mul3A_305 : i32
            %add3A_307 = arith.constant 0 : i32
            %add3A_308 = arith.addi %mul3A_306, %add3A_307 : i32
            %mul3A_309 = arith.constant 16 : i32
            %mul3A_310 = arith.muli %add3A_308, %mul3A_309 : i32
            %get3A_311 = arith.constant 4 : i32
            %get3A_312 = arith.index_cast %get3A_311 : i32 to index
            %get3A_313 = arith.index_cast %mul3A_310 : i32 to index
            %get3A_314 = tpu.vector_load %arg5[%get3A_312, %get3A_313] {strides = array<i32>} : memref<16x1600xf32, #tpu.memory_space<vmem>>, vector<16xf32>,
            tpu.vector_store_idx %arg6[%add3A_265, %broadcast_in_dim3A_9], %get3A_314 : memref<1600x17xf32, #tpu.memory_space<vmem>>[vector<16xi32>, vector<16xi32>], vector<16xf32>,
            %mul3A_315 = arith.constant 4 : i32
            %mul3A_316 = arith.muli %scan3A_256, %mul3A_315 : i32
            %add3A_317 = arith.constant 0 : i32
            %add3A_318 = arith.addi %mul3A_316, %add3A_317 : i32
            %mul3A_319 = arith.constant 16 : i32
            %mul3A_320 = arith.muli %add3A_318, %mul3A_319 : i32
            %get3A_321 = arith.constant 5 : i32
            %get3A_322 = arith.index_cast %get3A_321 : i32 to index
            %get3A_323 = arith.index_cast %mul3A_320 : i32 to index
            %get3A_324 = tpu.vector_load %arg5[%get3A_322, %get3A_323] {strides = array<i32>} : memref<16x1600xf32, #tpu.memory_space<vmem>>, vector<16xf32>,
            tpu.vector_store_idx %arg6[%add3A_265, %broadcast_in_dim3A_11], %get3A_324 : memref<1600x17xf32, #tpu.memory_space<vmem>>[vector<16xi32>, vector<16xi32>], vector<16xf32>,
            %mul3A_325 = arith.constant 4 : i32
            %mul3A_326 = arith.muli %scan3A_256, %mul3A_325 : i32
            %add3A_327 = arith.constant 0 : i32
            %add3A_328 = arith.addi %mul3A_326, %add3A_327 : i32
            %mul3A_329 = arith.constant 16 : i32
            %mul3A_330 = arith.muli %add3A_328, %mul3A_329 : i32
            %get3A_331 = arith.constant 6 : i32
            %get3A_332 = arith.index_cast %get3A_331 : i32 to index
            %get3A_333 = arith.index_cast %mul3A_330 : i32 to index
            %get3A_334 = tpu.vector_load %arg5[%get3A_332, %get3A_333] {strides = array<i32>} : memref<16x1600xf32, #tpu.memory_space<vmem>>, vector<16xf32>,
            tpu.vector_store_idx %arg6[%add3A_265, %broadcast_in_dim3A_13], %get3A_334 : memref<1600x17xf32, #tpu.memory_space<vmem>>[vector<16xi32>, vector<16xi32>], vector<16xf32>,
            %mul3A_335 = arith.constant 4 : i32
            %mul3A_336 = arith.muli %scan3A_256, %mul3A_335 : i32
            %add3A_337 = arith.constant 0 : i32
            %add3A_338 = arith.addi %mul3A_336, %add3A_337 : i32
            %mul3A_339 = arith.constant 16 : i32
            %mul3A_340 = arith.muli %add3A_338, %mul3A_339 : i32
            %get3A_341 = arith.constant 7 : i32
            %get3A_342 = arith.index_cast %get3A_341 : i32 to index
            %get3A_343 = arith.index_cast %mul3A_340 : i32 to index
            %get3A_344 = tpu.vector_load %arg5[%get3A_342, %get3A_343] {strides = array<i32>} : memref<16x1600xf32, #tpu.memory_space<vmem>>, vector<16xf32>,
            tpu.vector_store_idx %arg6[%add3A_265, %broadcast_in_dim3A_15], %get3A_344 : memref<1600x17xf32, #tpu.memory_space<vmem>>[vector<16xi32>, vector<16xi32>], vector<16xf32>,
            %mul3A_345 = arith.constant 4 : i32
            %mul3A_346 = arith.muli %scan3A_256, %mul3A_345 : i32
            %add3A_347 = arith.constant 0 : i32
            %add3A_348 = arith.addi %mul3A_346, %add3A_347 : i32
            %mul3A_349 = arith.constant 16 : i32
            %mul3A_350 = arith.muli %add3A_348, %mul3A_349 : i32
            %get3A_351 = arith.constant 8 : i32
            %get3A_352 = arith.index_cast %get3A_351 : i32 to index
            %get3A_353 = arith.index_cast %mul3A_350 : i32 to index
            %get3A_354 = tpu.vector_load %arg5[%get3A_352, %get3A_353] {strides = array<i32>} : memref<16x1600xf32, #tpu.memory_space<vmem>>, vector<16xf32>,
            tpu.vector_store_idx %arg6[%add3A_265, %broadcast_in_dim3A_17], %get3A_354 : memref<1600x17xf32, #tpu.memory_space<vmem>>[vector<16xi32>, vector<16xi32>], vector<16xf32>,
            %mul3A_355 = arith.constant 4 : i32
            %mul3A_356 = arith.muli %scan3A_256, %mul3A_355 : i32
            %add3A_357 = arith.constant 0 : i32
            %add3A_358 = arith.addi %mul3A_356, %add3A_357 : i32
            %mul3A_359 = arith.constant 16 : i32
            %mul3A_360 = arith.muli %add3A_358, %mul3A_359 : i32
            %get3A_361 = arith.constant 9 : i32
            %get3A_362 = arith.index_cast %get3A_361 : i32 to index
            %get3A_363 = arith.index_cast %mul3A_360 : i32 to index
            %get3A_364 = tpu.vector_load %arg5[%get3A_362, %get3A_363] {strides = array<i32>} : memref<16x1600xf32, #tpu.memory_space<vmem>>, vector<16xf32>,
            tpu.vector_store_idx %arg6[%add3A_265, %broadcast_in_dim3A_19], %get3A_364 : memref<1600x17xf32, #tpu.memory_space<vmem>>[vector<16xi32>, vector<16xi32>], vector<16xf32>,
            %mul3A_365 = arith.constant 4 : i32
            %mul3A_366 = arith.muli %scan3A_256, %mul3A_365 : i32
            %add3A_367 = arith.constant 0 : i32
            %add3A_368 = arith.addi %mul3A_366, %add3A_367 : i32
            %mul3A_369 = arith.constant 16 : i32
            %mul3A_370 = arith.muli %add3A_368, %mul3A_369 : i32
            %get3A_371 = arith.constant 10 : i32
            %get3A_372 = arith.index_cast %get3A_371 : i32 to index
            %get3A_373 = arith.index_cast %mul3A_370 : i32 to index
            %get3A_374 = tpu.vector_load %arg5[%get3A_372, %get3A_373] {strides = array<i32>} : memref<16x1600xf32, #tpu.memory_space<vmem>>, vector<16xf32>,
            tpu.vector_store_idx %arg6[%add3A_265, %broadcast_in_dim3A_21], %get3A_374 : memref<1600x17xf32, #tpu.memory_space<vmem>>[vector<16xi32>, vector<16xi32>], vector<16xf32>,
            %mul3A_375 = arith.constant 4 : i32
            %mul3A_376 = arith.muli %scan3A_256, %mul3A_375 : i32
            %add3A_377 = arith.constant 0 : i32
            %add3A_378 = arith.addi %mul3A_376, %add3A_377 : i32
            %mul3A_379 = arith.constant 16 : i32
            %mul3A_380 = arith.muli %add3A_378, %mul3A_379 : i32
            %get3A_381 = arith.constant 11 : i32
            %get3A_382 = arith.index_cast %get3A_381 : i32 to index
            %get3A_383 = arith.index_cast %mul3A_380 : i32 to index
            %get3A_384 = tpu.vector_load %arg5[%get3A_382, %get3A_383] {strides = array<i32>} : memref<16x1600xf32, #tpu.memory_space<vmem>>, vector<16xf32>,
            tpu.vector_store_idx %arg6[%add3A_265, %broadcast_in_dim3A_23], %get3A_384 : memref<1600x17xf32, #tpu.memory_space<vmem>>[vector<16xi32>, vector<16xi32>], vector<16xf32>,
            %mul3A_385 = arith.constant 4 : i32
            %mul3A_386 = arith.muli %scan3A_256, %mul3A_385 : i32
            %add3A_387 = arith.constant 0 : i32
            %add3A_388 = arith.addi %mul3A_386, %add3A_387 : i32
            %mul3A_389 = arith.constant 16 : i32
            %mul3A_390 = arith.muli %add3A_388, %mul3A_389 : i32
            %get3A_391 = arith.constant 12 : i32
            %get3A_392 = arith.index_cast %get3A_391 : i32 to index
            %get3A_393 = arith.index_cast %mul3A_390 : i32 to index
            %get3A_394 = tpu.vector_load %arg5[%get3A_392, %get3A_393] {strides = array<i32>} : memref<16x1600xf32, #tpu.memory_space<vmem>>, vector<16xf32>,
            tpu.vector_store_idx %arg6[%add3A_265, %broadcast_in_dim3A_25], %get3A_394 : memref<1600x17xf32, #tpu.memory_space<vmem>>[vector<16xi32>, vector<16xi32>], vector<16xf32>,
            %mul3A_395 = arith.constant 4 : i32
            %mul3A_396 = arith.muli %scan3A_256, %mul3A_395 : i32
            %add3A_397 = arith.constant 0 : i32
            %add3A_398 = arith.addi %mul3A_396, %add3A_397 : i32
            %mul3A_399 = arith.constant 16 : i32
            %mul3A_400 = arith.muli %add3A_398, %mul3A_399 : i32
            %get3A_401 = arith.constant 13 : i32
            %get3A_402 = arith.index_cast %get3A_401 : i32 to index
            %get3A_403 = arith.index_cast %mul3A_400 : i32 to index
            %get3A_404 = tpu.vector_load %arg5[%get3A_402, %get3A_403] {strides = array<i32>} : memref<16x1600xf32, #tpu.memory_space<vmem>>, vector<16xf32>,
            tpu.vector_store_idx %arg6[%add3A_265, %broadcast_in_dim3A_27], %get3A_404 : memref<1600x17xf32, #tpu.memory_space<vmem>>[vector<16xi32>, vector<16xi32>], vector<16xf32>,
            %mul3A_405 = arith.constant 4 : i32
            %mul3A_406 = arith.muli %scan3A_256, %mul3A_405 : i32
            %add3A_407 = arith.constant 0 : i32
            %add3A_408 = arith.addi %mul3A_406, %add3A_407 : i32
            %mul3A_409 = arith.constant 16 : i32
            %mul3A_410 = arith.muli %add3A_408, %mul3A_409 : i32
            %get3A_411 = arith.constant 14 : i32
            %get3A_412 = arith.index_cast %get3A_411 : i32 to index
            %get3A_413 = arith.index_cast %mul3A_410 : i32 to index
            %get3A_414 = tpu.vector_load %arg5[%get3A_412, %get3A_413] {strides = array<i32>} : memref<16x1600xf32, #tpu.memory_space<vmem>>, vector<16xf32>,
            tpu.vector_store_idx %arg6[%add3A_265, %broadcast_in_dim3A_29], %get3A_414 : memref<1600x17xf32, #tpu.memory_space<vmem>>[vector<16xi32>, vector<16xi32>], vector<16xf32>,
            %mul3A_415 = arith.constant 4 : i32
            %mul3A_416 = arith.muli %scan3A_256, %mul3A_415 : i32
            %add3A_417 = arith.constant 0 : i32
            %add3A_418 = arith.addi %mul3A_416, %add3A_417 : i32
            %mul3A_419 = arith.constant 16 : i32
            %mul3A_420 = arith.muli %add3A_418, %mul3A_419 : i32
            %get3A_421 = arith.constant 15 : i32
            %get3A_422 = arith.index_cast %get3A_421 : i32 to index
            %get3A_423 = arith.index_cast %mul3A_420 : i32 to index
            %get3A_424 = tpu.vector_load %arg5[%get3A_422, %get3A_423] {strides = array<i32>} : memref<16x1600xf32, #tpu.memory_space<vmem>>, vector<16xf32>,
            tpu.vector_store_idx %arg6[%add3A_265, %broadcast_in_dim3A_31], %get3A_424 : memref<1600x17xf32, #tpu.memory_space<vmem>>[vector<16xi32>, vector<16xi32>], vector<16xf32>,
            %mul3A_425 = arith.constant 4 : i32
            %mul3A_426 = arith.muli %scan3A_256, %mul3A_425 : i32
            %add3A_427 = arith.constant 1 : i32
            %add3A_428 = arith.addi %mul3A_426, %add3A_427 : i32
            %mul3A_429 = arith.constant 16 : i32
            %mul3A_430 = arith.muli %add3A_428, %mul3A_429 : i32
            %add3A_431 = vector.broadcast %mul3A_430 : i32 to vector<16xi32>
            %add3A_432 = arith.addi %add3A_431, %iota3A : vector<16xi32>
            %mul3A_433 = arith.constant 4 : i32
            %mul3A_434 = arith.muli %scan3A_256, %mul3A_433 : i32
            %add3A_435 = arith.constant 1 : i32
            %add3A_436 = arith.addi %mul3A_434, %add3A_435 : i32
            %mul3A_437 = arith.constant 16 : i32
            %mul3A_438 = arith.muli %add3A_436, %mul3A_437 : i32
            %get3A_439 = arith.constant 0 : i32
            %get3A_440 = arith.index_cast %get3A_439 : i32 to index
            %get3A_441 = arith.index_cast %mul3A_438 : i32 to index
            %get3A_442 = tpu.vector_load %arg5[%get3A_440, %get3A_441] {strides = array<i32>} : memref<16x1600xf32, #tpu.memory_space<vmem>>, vector<16xf32>,
            tpu.vector_store_idx %arg6[%add3A_432, %broadcast_in_dim3A_1], %get3A_442 : memref<1600x17xf32, #tpu.memory_space<vmem>>[vector<16xi32>, vector<16xi32>], vector<16xf32>,
            %mul3A_443 = arith.constant 4 : i32
            %mul3A_444 = arith.muli %scan3A_256, %mul3A_443 : i32
            %add3A_445 = arith.constant 1 : i32
            %add3A_446 = arith.addi %mul3A_444, %add3A_445 : i32
            %mul3A_447 = arith.constant 16 : i32
            %mul3A_448 = arith.muli %add3A_446, %mul3A_447 : i32
            %get3A_449 = arith.constant 1 : i32
            %get3A_450 = arith.index_cast %get3A_449 : i32 to index
            %get3A_451 = arith.index_cast %mul3A_448 : i32 to index
            %get3A_452 = tpu.vector_load %arg5[%get3A_450, %get3A_451] {strides = array<i32>} : memref<16x1600xf32, #tpu.memory_space<vmem>>, vector<16xf32>,
            tpu.vector_store_idx %arg6[%add3A_432, %broadcast_in_dim3A_3], %get3A_452 : memref<1600x17xf32, #tpu.memory_space<vmem>>[vector<16xi32>, vector<16xi32>], vector<16xf32>,
            %mul3A_453 = arith.constant 4 : i32
            %mul3A_454 = arith.muli %scan3A_256, %mul3A_453 : i32
            %add3A_455 = arith.constant 1 : i32
            %add3A_456 = arith.addi %mul3A_454, %add3A_455 : i32
            %mul3A_457 = arith.constant 16 : i32
            %mul3A_458 = arith.muli %add3A_456, %mul3A_457 : i32
            %get3A_459 = arith.constant 2 : i32
            %get3A_460 = arith.index_cast %get3A_459 : i32 to index
            %get3A_461 = arith.index_cast %mul3A_458 : i32 to index
            %get3A_462 = tpu.vector_load %arg5[%get3A_460, %get3A_461] {strides = array<i32>} : memref<16x1600xf32, #tpu.memory_space<vmem>>, vector<16xf32>,
            tpu.vector_store_idx %arg6[%add3A_432, %broadcast_in_dim3A_5], %get3A_462 : memref<1600x17xf32, #tpu.memory_space<vmem>>[vector<16xi32>, vector<16xi32>], vector<16xf32>,
            %mul3A_463 = arith.constant 4 : i32
            %mul3A_464 = arith.muli %scan3A_256, %mul3A_463 : i32
            %add3A_465 = arith.constant 1 : i32
            %add3A_466 = arith.addi %mul3A_464, %add3A_465 : i32
            %mul3A_467 = arith.constant 16 : i32
            %mul3A_468 = arith.muli %add3A_466, %mul3A_467 : i32
            %get3A_469 = arith.constant 3 : i32
            %get3A_470 = arith.index_cast %get3A_469 : i32 to index
            %get3A_471 = arith.index_cast %mul3A_468 : i32 to index
            %get3A_472 = tpu.vector_load %arg5[%get3A_470, %get3A_471] {strides = array<i32>} : memref<16x1600xf32, #tpu.memory_space<vmem>>, vector<16xf32>,
            tpu.vector_store_idx %arg6[%add3A_432, %broadcast_in_dim3A_7], %get3A_472 : memref<1600x17xf32, #tpu.memory_space<vmem>>[vector<16xi32>, vector<16xi32>], vector<16xf32>,
            %mul3A_473 = arith.constant 4 : i32
            %mul3A_474 = arith.muli %scan3A_256, %mul3A_473 : i32
            %add3A_475 = arith.constant 1 : i32
            %add3A_476 = arith.addi %mul3A_474, %add3A_475 : i32
            %mul3A_477 = arith.constant 16 : i32
            %mul3A_478 = arith.muli %add3A_476, %mul3A_477 : i32
            %get3A_479 = arith.constant 4 : i32
            %get3A_480 = arith.index_cast %get3A_479 : i32 to index
            %get3A_481 = arith.index_cast %mul3A_478 : i32 to index
            %get3A_482 = tpu.vector_load %arg5[%get3A_480, %get3A_481] {strides = array<i32>} : memref<16x1600xf32, #tpu.memory_space<vmem>>, vector<16xf32>,
            tpu.vector_store_idx %arg6[%add3A_432, %broadcast_in_dim3A_9], %get3A_482 : memref<1600x17xf32, #tpu.memory_space<vmem>>[vector<16xi32>, vector<16xi32>], vector<16xf32>,
            %mul3A_483 = arith.constant 4 : i32
            %mul3A_484 = arith.muli %scan3A_256, %mul3A_483 : i32
            %add3A_485 = arith.constant 1 : i32
            %add3A_486 = arith.addi %mul3A_484, %add3A_485 : i32
            %mul3A_487 = arith.constant 16 : i32
            %mul3A_488 = arith.muli %add3A_486, %mul3A_487 : i32
            %get3A_489 = arith.constant 5 : i32
            %get3A_490 = arith.index_cast %get3A_489 : i32 to index
            %get3A_491 = arith.index_cast %mul3A_488 : i32 to index
            %get3A_492 = tpu.vector_load %arg5[%get3A_490, %get3A_491] {strides = array<i32>} : memref<16x1600xf32, #tpu.memory_space<vmem>>, vector<16xf32>,
            tpu.vector_store_idx %arg6[%add3A_432, %broadcast_in_dim3A_11], %get3A_492 : memref<1600x17xf32, #tpu.memory_space<vmem>>[vector<16xi32>, vector<16xi32>], vector<16xf32>,
            %mul3A_493 = arith.constant 4 : i32
            %mul3A_494 = arith.muli %scan3A_256, %mul3A_493 : i32
            %add3A_495 = arith.constant 1 : i32
            %add3A_496 = arith.addi %mul3A_494, %add3A_495 : i32
            %mul3A_497 = arith.constant 16 : i32
            %mul3A_498 = arith.muli %add3A_496, %mul3A_497 : i32
            %get3A_499 = arith.constant 6 : i32
            %get3A_500 = arith.index_cast %get3A_499 : i32 to index
            %get3A_501 = arith.index_cast %mul3A_498 : i32 to index
            %get3A_502 = tpu.vector_load %arg5[%get3A_500, %get3A_501] {strides = array<i32>} : memref<16x1600xf32, #tpu.memory_space<vmem>>, vector<16xf32>,
            tpu.vector_store_idx %arg6[%add3A_432, %broadcast_in_dim3A_13], %get3A_502 : memref<1600x17xf32, #tpu.memory_space<vmem>>[vector<16xi32>, vector<16xi32>], vector<16xf32>,
            %mul3A_503 = arith.constant 4 : i32
            %mul3A_504 = arith.muli %scan3A_256, %mul3A_503 : i32
            %add3A_505 = arith.constant 1 : i32
            %add3A_506 = arith.addi %mul3A_504, %add3A_505 : i32
            %mul3A_507 = arith.constant 16 : i32
            %mul3A_508 = arith.muli %add3A_506, %mul3A_507 : i32
            %get3A_509 = arith.constant 7 : i32
            %get3A_510 = arith.index_cast %get3A_509 : i32 to index
            %get3A_511 = arith.index_cast %mul3A_508 : i32 to index
            %get3A_512 = tpu.vector_load %arg5[%get3A_510, %get3A_511] {strides = array<i32>} : memref<16x1600xf32, #tpu.memory_space<vmem>>, vector<16xf32>,
            tpu.vector_store_idx %arg6[%add3A_432, %broadcast_in_dim3A_15], %get3A_512 : memref<1600x17xf32, #tpu.memory_space<vmem>>[vector<16xi32>, vector<16xi32>], vector<16xf32>,
            %mul3A_513 = arith.constant 4 : i32
            %mul3A_514 = arith.muli %scan3A_256, %mul3A_513 : i32
            %add3A_515 = arith.constant 1 : i32
            %add3A_516 = arith.addi %mul3A_514, %add3A_515 : i32
            %mul3A_517 = arith.constant 16 : i32
            %mul3A_518 = arith.muli %add3A_516, %mul3A_517 : i32
            %get3A_519 = arith.constant 8 : i32
            %get3A_520 = arith.index_cast %get3A_519 : i32 to index
            %get3A_521 = arith.index_cast %mul3A_518 : i32 to index
            %get3A_522 = tpu.vector_load %arg5[%get3A_520, %get3A_521] {strides = array<i32>} : memref<16x1600xf32, #tpu.memory_space<vmem>>, vector<16xf32>,
            tpu.vector_store_idx %arg6[%add3A_432, %broadcast_in_dim3A_17], %get3A_522 : memref<1600x17xf32, #tpu.memory_space<vmem>>[vector<16xi32>, vector<16xi32>], vector<16xf32>,
            %mul3A_523 = arith.constant 4 : i32
            %mul3A_524 = arith.muli %scan3A_256, %mul3A_523 : i32
            %add3A_525 = arith.constant 1 : i32
            %add3A_526 = arith.addi %mul3A_524, %add3A_525 : i32
            %mul3A_527 = arith.constant 16 : i32
            %mul3A_528 = arith.muli %add3A_526, %mul3A_527 : i32
            %get3A_529 = arith.constant 9 : i32
            %get3A_530 = arith.index_cast %get3A_529 : i32 to index
            %get3A_531 = arith.index_cast %mul3A_528 : i32 to index
            %get3A_532 = tpu.vector_load %arg5[%get3A_530, %get3A_531] {strides = array<i32>} : memref<16x1600xf32, #tpu.memory_space<vmem>>, vector<16xf32>,
            tpu.vector_store_idx %arg6[%add3A_432, %broadcast_in_dim3A_19], %get3A_532 : memref<1600x17xf32, #tpu.memory_space<vmem>>[vector<16xi32>, vector<16xi32>], vector<16xf32>,
            %mul3A_533 = arith.constant 4 : i32
            %mul3A_534 = arith.muli %scan3A_256, %mul3A_533 : i32
            %add3A_535 = arith.constant 1 : i32
            %add3A_536 = arith.addi %mul3A_534, %add3A_535 : i32
            %mul3A_537 = arith.constant 16 : i32
            %mul3A_538 = arith.muli %add3A_536, %mul3A_537 : i32
            %get3A_539 = arith.constant 10 : i32
            %get3A_540 = arith.index_cast %get3A_539 : i32 to index
            %get3A_541 = arith.index_cast %mul3A_538 : i32 to index
            %get3A_542 = tpu.vector_load %arg5[%get3A_540, %get3A_541] {strides = array<i32>} : memref<16x1600xf32, #tpu.memory_space<vmem>>, vector<16xf32>,
            tpu.vector_store_idx %arg6[%add3A_432, %broadcast_in_dim3A_21], %get3A_542 : memref<1600x17xf32, #tpu.memory_space<vmem>>[vector<16xi32>, vector<16xi32>], vector<16xf32>,
            %mul3A_543 = arith.constant 4 : i32
            %mul3A_544 = arith.muli %scan3A_256, %mul3A_543 : i32
            %add3A_545 = arith.constant 1 : i32
            %add3A_546 = arith.addi %mul3A_544, %add3A_545 : i32
            %mul3A_547 = arith.constant 16 : i32
            %mul3A_548 = arith.muli %add3A_546, %mul3A_547 : i32
            %get3A_549 = arith.constant 11 : i32
            %get3A_550 = arith.index_cast %get3A_549 : i32 to index
            %get3A_551 = arith.index_cast %mul3A_548 : i32 to index
            %get3A_552 = tpu.vector_load %arg5[%get3A_550, %get3A_551] {strides = array<i32>} : memref<16x1600xf32, #tpu.memory_space<vmem>>, vector<16xf32>,
            tpu.vector_store_idx %arg6[%add3A_432, %broadcast_in_dim3A_23], %get3A_552 : memref<1600x17xf32, #tpu.memory_space<vmem>>[vector<16xi32>, vector<16xi32>], vector<16xf32>,
            %mul3A_553 = arith.constant 4 : i32
            %mul3A_554 = arith.muli %scan3A_256, %mul3A_553 : i32
            %add3A_555 = arith.constant 1 : i32
            %add3A_556 = arith.addi %mul3A_554, %add3A_555 : i32
            %mul3A_557 = arith.constant 16 : i32
            %mul3A_558 = arith.muli %add3A_556, %mul3A_557 : i32
            %get3A_559 = arith.constant 12 : i32
            %get3A_560 = arith.index_cast %get3A_559 : i32 to index
            %get3A_561 = arith.index_cast %mul3A_558 : i32 to index
            %get3A_562 = tpu.vector_load %arg5[%get3A_560, %get3A_561] {strides = array<i32>} : memref<16x1600xf32, #tpu.memory_space<vmem>>, vector<16xf32>,
            tpu.vector_store_idx %arg6[%add3A_432, %broadcast_in_dim3A_25], %get3A_562 : memref<1600x17xf32, #tpu.memory_space<vmem>>[vector<16xi32>, vector<16xi32>], vector<16xf32>,
            %mul3A_563 = arith.constant 4 : i32
            %mul3A_564 = arith.muli %scan3A_256, %mul3A_563 : i32
            %add3A_565 = arith.constant 1 : i32
            %add3A_566 = arith.addi %mul3A_564, %add3A_565 : i32
            %mul3A_567 = arith.constant 16 : i32
            %mul3A_568 = arith.muli %add3A_566, %mul3A_567 : i32
            %get3A_569 = arith.constant 13 : i32
            %get3A_570 = arith.index_cast %get3A_569 : i32 to index
            %get3A_571 = arith.index_cast %mul3A_568 : i32 to index
            %get3A_572 = tpu.vector_load %arg5[%get3A_570, %get3A_571] {strides = array<i32>} : memref<16x1600xf32, #tpu.memory_space<vmem>>, vector<16xf32>,
            tpu.vector_store_idx %arg6[%add3A_432, %broadcast_in_dim3A_27], %get3A_572 : memref<1600x17xf32, #tpu.memory_space<vmem>>[vector<16xi32>, vector<16xi32>], vector<16xf32>,
            %mul3A_573 = arith.constant 4 : i32
            %mul3A_574 = arith.muli %scan3A_256, %mul3A_573 : i32
            %add3A_575 = arith.constant 1 : i32
            %add3A_576 = arith.addi %mul3A_574, %add3A_575 : i32
            %mul3A_577 = arith.constant 16 : i32
            %mul3A_578 = arith.muli %add3A_576, %mul3A_577 : i32
            %get3A_579 = arith.constant 14 : i32
            %get3A_580 = arith.index_cast %get3A_579 : i32 to index
            %get3A_581 = arith.index_cast %mul3A_578 : i32 to index
            %get3A_582 = tpu.vector_load %arg5[%get3A_580, %get3A_581] {strides = array<i32>} : memref<16x1600xf32, #tpu.memory_space<vmem>>, vector<16xf32>,
            tpu.vector_store_idx %arg6[%add3A_432, %broadcast_in_dim3A_29], %get3A_582 : memref<1600x17xf32, #tpu.memory_space<vmem>>[vector<16xi32>, vector<16xi32>], vector<16xf32>,
            %mul3A_583 = arith.constant 4 : i32
            %mul3A_584 = arith.muli %scan3A_256, %mul3A_583 : i32
            %add3A_585 = arith.constant 1 : i32
            %add3A_586 = arith.addi %mul3A_584, %add3A_585 : i32
            %mul3A_587 = arith.constant 16 : i32
            %mul3A_588 = arith.muli %add3A_586, %mul3A_587 : i32
            %get3A_589 = arith.constant 15 : i32
            %get3A_590 = arith.index_cast %get3A_589 : i32 to index
            %get3A_591 = arith.index_cast %mul3A_588 : i32 to index
            %get3A_592 = tpu.vector_load %arg5[%get3A_590, %get3A_591] {strides = array<i32>} : memref<16x1600xf32, #tpu.memory_space<vmem>>, vector<16xf32>,
            tpu.vector_store_idx %arg6[%add3A_432, %broadcast_in_dim3A_31], %get3A_592 : memref<1600x17xf32, #tpu.memory_space<vmem>>[vector<16xi32>, vector<16xi32>], vector<16xf32>,
            %mul3A_593 = arith.constant 4 : i32
            %mul3A_594 = arith.muli %scan3A_256, %mul3A_593 : i32
            %add3A_595 = arith.constant 2 : i32
            %add3A_596 = arith.addi %mul3A_594, %add3A_595 : i32
            %mul3A_597 = arith.constant 16 : i32
            %mul3A_598 = arith.muli %add3A_596, %mul3A_597 : i32
            %add3A_599 = vector.broadcast %mul3A_598 : i32 to vector<16xi32>
            %add3A_600 = arith.addi %add3A_599, %iota3A : vector<16xi32>
            %mul3A_601 = arith.constant 4 : i32
            %mul3A_602 = arith.muli %scan3A_256, %mul3A_601 : i32
            %add3A_603 = arith.constant 2 : i32
            %add3A_604 = arith.addi %mul3A_602, %add3A_603 : i32
            %mul3A_605 = arith.constant 16 : i32
            %mul3A_606 = arith.muli %add3A_604, %mul3A_605 : i32
            %get3A_607 = arith.constant 0 : i32
            %get3A_608 = arith.index_cast %get3A_607 : i32 to index
            %get3A_609 = arith.index_cast %mul3A_606 : i32 to index
            %get3A_610 = tpu.vector_load %arg5[%get3A_608, %get3A_609] {strides = array<i32>} : memref<16x1600xf32, #tpu.memory_space<vmem>>, vector<16xf32>,
            tpu.vector_store_idx %arg6[%add3A_600, %broadcast_in_dim3A_1], %get3A_610 : memref<1600x17xf32, #tpu.memory_space<vmem>>[vector<16xi32>, vector<16xi32>], vector<16xf32>,
            %mul3A_611 = arith.constant 4 : i32
            %mul3A_612 = arith.muli %scan3A_256, %mul3A_611 : i32
            %add3A_613 = arith.constant 2 : i32
            %add3A_614 = arith.addi %mul3A_612, %add3A_613 : i32
            %mul3A_615 = arith.constant 16 : i32
            %mul3A_616 = arith.muli %add3A_614, %mul3A_615 : i32
            %get3A_617 = arith.constant 1 : i32
            %get3A_618 = arith.index_cast %get3A_617 : i32 to index
            %get3A_619 = arith.index_cast %mul3A_616 : i32 to index
            %get3A_620 = tpu.vector_load %arg5[%get3A_618, %get3A_619] {strides = array<i32>} : memref<16x1600xf32, #tpu.memory_space<vmem>>, vector<16xf32>,
            tpu.vector_store_idx %arg6[%add3A_600, %broadcast_in_dim3A_3], %get3A_620 : memref<1600x17xf32, #tpu.memory_space<vmem>>[vector<16xi32>, vector<16xi32>], vector<16xf32>,
            %mul3A_621 = arith.constant 4 : i32
            %mul3A_622 = arith.muli %scan3A_256, %mul3A_621 : i32
            %add3A_623 = arith.constant 2 : i32
            %add3A_624 = arith.addi %mul3A_622, %add3A_623 : i32
            %mul3A_625 = arith.constant 16 : i32
            %mul3A_626 = arith.muli %add3A_624, %mul3A_625 : i32
            %get3A_627 = arith.constant 2 : i32
            %get3A_628 = arith.index_cast %get3A_627 : i32 to index
            %get3A_629 = arith.index_cast %mul3A_626 : i32 to index
            %get3A_630 = tpu.vector_load %arg5[%get3A_628, %get3A_629] {strides = array<i32>} : memref<16x1600xf32, #tpu.memory_space<vmem>>, vector<16xf32>,
            tpu.vector_store_idx %arg6[%add3A_600, %broadcast_in_dim3A_5], %get3A_630 : memref<1600x17xf32, #tpu.memory_space<vmem>>[vector<16xi32>, vector<16xi32>], vector<16xf32>,
            %mul3A_631 = arith.constant 4 : i32
            %mul3A_632 = arith.muli %scan3A_256, %mul3A_631 : i32
            %add3A_633 = arith.constant 2 : i32
            %add3A_634 = arith.addi %mul3A_632, %add3A_633 : i32
            %mul3A_635 = arith.constant 16 : i32
            %mul3A_636 = arith.muli %add3A_634, %mul3A_635 : i32
            %get3A_637 = arith.constant 3 : i32
            %get3A_638 = arith.index_cast %get3A_637 : i32 to index
            %get3A_639 = arith.index_cast %mul3A_636 : i32 to index
            %get3A_640 = tpu.vector_load %arg5[%get3A_638, %get3A_639] {strides = array<i32>} : memref<16x1600xf32, #tpu.memory_space<vmem>>, vector<16xf32>,
            tpu.vector_store_idx %arg6[%add3A_600, %broadcast_in_dim3A_7], %get3A_640 : memref<1600x17xf32, #tpu.memory_space<vmem>>[vector<16xi32>, vector<16xi32>], vector<16xf32>,
            %mul3A_641 = arith.constant 4 : i32
            %mul3A_642 = arith.muli %scan3A_256, %mul3A_641 : i32
            %add3A_643 = arith.constant 2 : i32
            %add3A_644 = arith.addi %mul3A_642, %add3A_643 : i32
            %mul3A_645 = arith.constant 16 : i32
            %mul3A_646 = arith.muli %add3A_644, %mul3A_645 : i32
            %get3A_647 = arith.constant 4 : i32
            %get3A_648 = arith.index_cast %get3A_647 : i32 to index
            %get3A_649 = arith.index_cast %mul3A_646 : i32 to index
            %get3A_650 = tpu.vector_load %arg5[%get3A_648, %get3A_649] {strides = array<i32>} : memref<16x1600xf32, #tpu.memory_space<vmem>>, vector<16xf32>,
            tpu.vector_store_idx %arg6[%add3A_600, %broadcast_in_dim3A_9], %get3A_650 : memref<1600x17xf32, #tpu.memory_space<vmem>>[vector<16xi32>, vector<16xi32>], vector<16xf32>,
            %mul3A_651 = arith.constant 4 : i32
            %mul3A_652 = arith.muli %scan3A_256, %mul3A_651 : i32
            %add3A_653 = arith.constant 2 : i32
            %add3A_654 = arith.addi %mul3A_652, %add3A_653 : i32
            %mul3A_655 = arith.constant 16 : i32
            %mul3A_656 = arith.muli %add3A_654, %mul3A_655 : i32
            %get3A_657 = arith.constant 5 : i32
            %get3A_658 = arith.index_cast %get3A_657 : i32 to index
            %get3A_659 = arith.index_cast %mul3A_656 : i32 to index
            %get3A_660 = tpu.vector_load %arg5[%get3A_658, %get3A_659] {strides = array<i32>} : memref<16x1600xf32, #tpu.memory_space<vmem>>, vector<16xf32>,
            tpu.vector_store_idx %arg6[%add3A_600, %broadcast_in_dim3A_11], %get3A_660 : memref<1600x17xf32, #tpu.memory_space<vmem>>[vector<16xi32>, vector<16xi32>], vector<16xf32>,
            %mul3A_661 = arith.constant 4 : i32
            %mul3A_662 = arith.muli %scan3A_256, %mul3A_661 : i32
            %add3A_663 = arith.constant 2 : i32
            %add3A_664 = arith.addi %mul3A_662, %add3A_663 : i32
            %mul3A_665 = arith.constant 16 : i32
            %mul3A_666 = arith.muli %add3A_664, %mul3A_665 : i32
            %get3A_667 = arith.constant 6 : i32
            %get3A_668 = arith.index_cast %get3A_667 : i32 to index
            %get3A_669 = arith.index_cast %mul3A_666 : i32 to index
            %get3A_670 = tpu.vector_load %arg5[%get3A_668, %get3A_669] {strides = array<i32>} : memref<16x1600xf32, #tpu.memory_space<vmem>>, vector<16xf32>,
            tpu.vector_store_idx %arg6[%add3A_600, %broadcast_in_dim3A_13], %get3A_670 : memref<1600x17xf32, #tpu.memory_space<vmem>>[vector<16xi32>, vector<16xi32>], vector<16xf32>,
            %mul3A_671 = arith.constant 4 : i32
            %mul3A_672 = arith.muli %scan3A_256, %mul3A_671 : i32
            %add3A_673 = arith.constant 2 : i32
            %add3A_674 = arith.addi %mul3A_672, %add3A_673 : i32
            %mul3A_675 = arith.constant 16 : i32
            %mul3A_676 = arith.muli %add3A_674, %mul3A_675 : i32
            %get3A_677 = arith.constant 7 : i32
            %get3A_678 = arith.index_cast %get3A_677 : i32 to index
            %get3A_679 = arith.index_cast %mul3A_676 : i32 to index
            %get3A_680 = tpu.vector_load %arg5[%get3A_678, %get3A_679] {strides = array<i32>} : memref<16x1600xf32, #tpu.memory_space<vmem>>, vector<16xf32>,
            tpu.vector_store_idx %arg6[%add3A_600, %broadcast_in_dim3A_15], %get3A_680 : memref<1600x17xf32, #tpu.memory_space<vmem>>[vector<16xi32>, vector<16xi32>], vector<16xf32>,
            %mul3A_681 = arith.constant 4 : i32
            %mul3A_682 = arith.muli %scan3A_256, %mul3A_681 : i32
            %add3A_683 = arith.constant 2 : i32
            %add3A_684 = arith.addi %mul3A_682, %add3A_683 : i32
            %mul3A_685 = arith.constant 16 : i32
            %mul3A_686 = arith.muli %add3A_684, %mul3A_685 : i32
            %get3A_687 = arith.constant 8 : i32
            %get3A_688 = arith.index_cast %get3A_687 : i32 to index
            %get3A_689 = arith.index_cast %mul3A_686 : i32 to index
            %get3A_690 = tpu.vector_load %arg5[%get3A_688, %get3A_689] {strides = array<i32>} : memref<16x1600xf32, #tpu.memory_space<vmem>>, vector<16xf32>,
            tpu.vector_store_idx %arg6[%add3A_600, %broadcast_in_dim3A_17], %get3A_690 : memref<1600x17xf32, #tpu.memory_space<vmem>>[vector<16xi32>, vector<16xi32>], vector<16xf32>,
            %mul3A_691 = arith.constant 4 : i32
            %mul3A_692 = arith.muli %scan3A_256, %mul3A_691 : i32
            %add3A_693 = arith.constant 2 : i32
            %add3A_694 = arith.addi %mul3A_692, %add3A_693 : i32
            %mul3A_695 = arith.constant 16 : i32
            %mul3A_696 = arith.muli %add3A_694, %mul3A_695 : i32
            %get3A_697 = arith.constant 9 : i32
            %get3A_698 = arith.index_cast %get3A_697 : i32 to index
            %get3A_699 = arith.index_cast %mul3A_696 : i32 to index
            %get3A_700 = tpu.vector_load %arg5[%get3A_698, %get3A_699] {strides = array<i32>} : memref<16x1600xf32, #tpu.memory_space<vmem>>, vector<16xf32>,
            tpu.vector_store_idx %arg6[%add3A_600, %broadcast_in_dim3A_19], %get3A_700 : memref<1600x17xf32, #tpu.memory_space<vmem>>[vector<16xi32>, vector<16xi32>], vector<16xf32>,
            %mul3A_701 = arith.constant 4 : i32
            %mul3A_702 = arith.muli %scan3A_256, %mul3A_701 : i32
            %add3A_703 = arith.constant 2 : i32
            %add3A_704 = arith.addi %mul3A_702, %add3A_703 : i32
            %mul3A_705 = arith.constant 16 : i32
            %mul3A_706 = arith.muli %add3A_704, %mul3A_705 : i32
            %get3A_707 = arith.constant 10 : i32
            %get3A_708 = arith.index_cast %get3A_707 : i32 to index
            %get3A_709 = arith.index_cast %mul3A_706 : i32 to index
            %get3A_710 = tpu.vector_load %arg5[%get3A_708, %get3A_709] {strides = array<i32>} : memref<16x1600xf32, #tpu.memory_space<vmem>>, vector<16xf32>,
            tpu.vector_store_idx %arg6[%add3A_600, %broadcast_in_dim3A_21], %get3A_710 : memref<1600x17xf32, #tpu.memory_space<vmem>>[vector<16xi32>, vector<16xi32>], vector<16xf32>,
            %mul3A_711 = arith.constant 4 : i32
            %mul3A_712 = arith.muli %scan3A_256, %mul3A_711 : i32
            %add3A_713 = arith.constant 2 : i32
            %add3A_714 = arith.addi %mul3A_712, %add3A_713 : i32
            %mul3A_715 = arith.constant 16 : i32
            %mul3A_716 = arith.muli %add3A_714, %mul3A_715 : i32
            %get3A_717 = arith.constant 11 : i32
            %get3A_718 = arith.index_cast %get3A_717 : i32 to index
            %get3A_719 = arith.index_cast %mul3A_716 : i32 to index
            %get3A_720 = tpu.vector_load %arg5[%get3A_718, %get3A_719] {strides = array<i32>} : memref<16x1600xf32, #tpu.memory_space<vmem>>, vector<16xf32>,
            tpu.vector_store_idx %arg6[%add3A_600, %broadcast_in_dim3A_23], %get3A_720 : memref<1600x17xf32, #tpu.memory_space<vmem>>[vector<16xi32>, vector<16xi32>], vector<16xf32>,
            %mul3A_721 = arith.constant 4 : i32
            %mul3A_722 = arith.muli %scan3A_256, %mul3A_721 : i32
            %add3A_723 = arith.constant 2 : i32
            %add3A_724 = arith.addi %mul3A_722, %add3A_723 : i32
            %mul3A_725 = arith.constant 16 : i32
            %mul3A_726 = arith.muli %add3A_724, %mul3A_725 : i32
            %get3A_727 = arith.constant 12 : i32
            %get3A_728 = arith.index_cast %get3A_727 : i32 to index
            %get3A_729 = arith.index_cast %mul3A_726 : i32 to index
            %get3A_730 = tpu.vector_load %arg5[%get3A_728, %get3A_729] {strides = array<i32>} : memref<16x1600xf32, #tpu.memory_space<vmem>>, vector<16xf32>,
            tpu.vector_store_idx %arg6[%add3A_600, %broadcast_in_dim3A_25], %get3A_730 : memref<1600x17xf32, #tpu.memory_space<vmem>>[vector<16xi32>, vector<16xi32>], vector<16xf32>,
            %mul3A_731 = arith.constant 4 : i32
            %mul3A_732 = arith.muli %scan3A_256, %mul3A_731 : i32
            %add3A_733 = arith.constant 2 : i32
            %add3A_734 = arith.addi %mul3A_732, %add3A_733 : i32
            %mul3A_735 = arith.constant 16 : i32
            %mul3A_736 = arith.muli %add3A_734, %mul3A_735 : i32
            %get3A_737 = arith.constant 13 : i32
            %get3A_738 = arith.index_cast %get3A_737 : i32 to index
            %get3A_739 = arith.index_cast %mul3A_736 : i32 to index
            %get3A_740 = tpu.vector_load %arg5[%get3A_738, %get3A_739] {strides = array<i32>} : memref<16x1600xf32, #tpu.memory_space<vmem>>, vector<16xf32>,
            tpu.vector_store_idx %arg6[%add3A_600, %broadcast_in_dim3A_27], %get3A_740 : memref<1600x17xf32, #tpu.memory_space<vmem>>[vector<16xi32>, vector<16xi32>], vector<16xf32>,
            %mul3A_741 = arith.constant 4 : i32
            %mul3A_742 = arith.muli %scan3A_256, %mul3A_741 : i32
            %add3A_743 = arith.constant 2 : i32
            %add3A_744 = arith.addi %mul3A_742, %add3A_743 : i32
            %mul3A_745 = arith.constant 16 : i32
            %mul3A_746 = arith.muli %add3A_744, %mul3A_745 : i32
            %get3A_747 = arith.constant 14 : i32
            %get3A_748 = arith.index_cast %get3A_747 : i32 to index
            %get3A_749 = arith.index_cast %mul3A_746 : i32 to index
            %get3A_750 = tpu.vector_load %arg5[%get3A_748, %get3A_749] {strides = array<i32>} : memref<16x1600xf32, #tpu.memory_space<vmem>>, vector<16xf32>,
            tpu.vector_store_idx %arg6[%add3A_600, %broadcast_in_dim3A_29], %get3A_750 : memref<1600x17xf32, #tpu.memory_space<vmem>>[vector<16xi32>, vector<16xi32>], vector<16xf32>,
            %mul3A_751 = arith.constant 4 : i32
            %mul3A_752 = arith.muli %scan3A_256, %mul3A_751 : i32
            %add3A_753 = arith.constant 2 : i32
            %add3A_754 = arith.addi %mul3A_752, %add3A_753 : i32
            %mul3A_755 = arith.constant 16 : i32
            %mul3A_756 = arith.muli %add3A_754, %mul3A_755 : i32
            %get3A_757 = arith.constant 15 : i32
            %get3A_758 = arith.index_cast %get3A_757 : i32 to index
            %get3A_759 = arith.index_cast %mul3A_756 : i32 to index
            %get3A_760 = tpu.vector_load %arg5[%get3A_758, %get3A_759] {strides = array<i32>} : memref<16x1600xf32, #tpu.memory_space<vmem>>, vector<16xf32>,
            tpu.vector_store_idx %arg6[%add3A_600, %broadcast_in_dim3A_31], %get3A_760 : memref<1600x17xf32, #tpu.memory_space<vmem>>[vector<16xi32>, vector<16xi32>], vector<16xf32>,
            %mul3A_761 = arith.constant 4 : i32
            %mul3A_762 = arith.muli %scan3A_256, %mul3A_761 : i32
            %add3A_763 = arith.constant 3 : i32
            %add3A_764 = arith.addi %mul3A_762, %add3A_763 : i32
            %mul3A_765 = arith.constant 16 : i32
            %mul3A_766 = arith.muli %add3A_764, %mul3A_765 : i32
            %add3A_767 = vector.broadcast %mul3A_766 : i32 to vector<16xi32>
            %add3A_768 = arith.addi %add3A_767, %iota3A : vector<16xi32>
            %mul3A_769 = arith.constant 4 : i32
            %mul3A_770 = arith.muli %scan3A_256, %mul3A_769 : i32
            %add3A_771 = arith.constant 3 : i32
            %add3A_772 = arith.addi %mul3A_770, %add3A_771 : i32
            %mul3A_773 = arith.constant 16 : i32
            %mul3A_774 = arith.muli %add3A_772, %mul3A_773 : i32
            %get3A_775 = arith.constant 0 : i32
            %get3A_776 = arith.index_cast %get3A_775 : i32 to index
            %get3A_777 = arith.index_cast %mul3A_774 : i32 to index
            %get3A_778 = tpu.vector_load %arg5[%get3A_776, %get3A_777] {strides = array<i32>} : memref<16x1600xf32, #tpu.memory_space<vmem>>, vector<16xf32>,
            tpu.vector_store_idx %arg6[%add3A_768, %broadcast_in_dim3A_1], %get3A_778 : memref<1600x17xf32, #tpu.memory_space<vmem>>[vector<16xi32>, vector<16xi32>], vector<16xf32>,
            %mul3A_779 = arith.constant 4 : i32
            %mul3A_780 = arith.muli %scan3A_256, %mul3A_779 : i32
            %add3A_781 = arith.constant 3 : i32
            %add3A_782 = arith.addi %mul3A_780, %add3A_781 : i32
            %mul3A_783 = arith.constant 16 : i32
            %mul3A_784 = arith.muli %add3A_782, %mul3A_783 : i32
            %get3A_785 = arith.constant 1 : i32
            %get3A_786 = arith.index_cast %get3A_785 : i32 to index
            %get3A_787 = arith.index_cast %mul3A_784 : i32 to index
            %get3A_788 = tpu.vector_load %arg5[%get3A_786, %get3A_787] {strides = array<i32>} : memref<16x1600xf32, #tpu.memory_space<vmem>>, vector<16xf32>,
            tpu.vector_store_idx %arg6[%add3A_768, %broadcast_in_dim3A_3], %get3A_788 : memref<1600x17xf32, #tpu.memory_space<vmem>>[vector<16xi32>, vector<16xi32>], vector<16xf32>,
            %mul3A_789 = arith.constant 4 : i32
            %mul3A_790 = arith.muli %scan3A_256, %mul3A_789 : i32
            %add3A_791 = arith.constant 3 : i32
            %add3A_792 = arith.addi %mul3A_790, %add3A_791 : i32
            %mul3A_793 = arith.constant 16 : i32
            %mul3A_794 = arith.muli %add3A_792, %mul3A_793 : i32
            %get3A_795 = arith.constant 2 : i32
            %get3A_796 = arith.index_cast %get3A_795 : i32 to index
            %get3A_797 = arith.index_cast %mul3A_794 : i32 to index
            %get3A_798 = tpu.vector_load %arg5[%get3A_796, %get3A_797] {strides = array<i32>} : memref<16x1600xf32, #tpu.memory_space<vmem>>, vector<16xf32>,
            tpu.vector_store_idx %arg6[%add3A_768, %broadcast_in_dim3A_5], %get3A_798 : memref<1600x17xf32, #tpu.memory_space<vmem>>[vector<16xi32>, vector<16xi32>], vector<16xf32>,
            %mul3A_799 = arith.constant 4 : i32
            %mul3A_800 = arith.muli %scan3A_256, %mul3A_799 : i32
            %add3A_801 = arith.constant 3 : i32
            %add3A_802 = arith.addi %mul3A_800, %add3A_801 : i32
            %mul3A_803 = arith.constant 16 : i32
            %mul3A_804 = arith.muli %add3A_802, %mul3A_803 : i32
            %get3A_805 = arith.constant 3 : i32
            %get3A_806 = arith.index_cast %get3A_805 : i32 to index
            %get3A_807 = arith.index_cast %mul3A_804 : i32 to index
            %get3A_808 = tpu.vector_load %arg5[%get3A_806, %get3A_807] {strides = array<i32>} : memref<16x1600xf32, #tpu.memory_space<vmem>>, vector<16xf32>,
            tpu.vector_store_idx %arg6[%add3A_768, %broadcast_in_dim3A_7], %get3A_808 : memref<1600x17xf32, #tpu.memory_space<vmem>>[vector<16xi32>, vector<16xi32>], vector<16xf32>,
            %mul3A_809 = arith.constant 4 : i32
            %mul3A_810 = arith.muli %scan3A_256, %mul3A_809 : i32
            %add3A_811 = arith.constant 3 : i32
            %add3A_812 = arith.addi %mul3A_810, %add3A_811 : i32
            %mul3A_813 = arith.constant 16 : i32
            %mul3A_814 = arith.muli %add3A_812, %mul3A_813 : i32
            %get3A_815 = arith.constant 4 : i32
            %get3A_816 = arith.index_cast %get3A_815 : i32 to index
            %get3A_817 = arith.index_cast %mul3A_814 : i32 to index
            %get3A_818 = tpu.vector_load %arg5[%get3A_816, %get3A_817] {strides = array<i32>} : memref<16x1600xf32, #tpu.memory_space<vmem>>, vector<16xf32>,
            tpu.vector_store_idx %arg6[%add3A_768, %broadcast_in_dim3A_9], %get3A_818 : memref<1600x17xf32, #tpu.memory_space<vmem>>[vector<16xi32>, vector<16xi32>], vector<16xf32>,
            %mul3A_819 = arith.constant 4 : i32
            %mul3A_820 = arith.muli %scan3A_256, %mul3A_819 : i32
            %add3A_821 = arith.constant 3 : i32
            %add3A_822 = arith.addi %mul3A_820, %add3A_821 : i32
            %mul3A_823 = arith.constant 16 : i32
            %mul3A_824 = arith.muli %add3A_822, %mul3A_823 : i32
            %get3A_825 = arith.constant 5 : i32
            %get3A_826 = arith.index_cast %get3A_825 : i32 to index
            %get3A_827 = arith.index_cast %mul3A_824 : i32 to index
            %get3A_828 = tpu.vector_load %arg5[%get3A_826, %get3A_827] {strides = array<i32>} : memref<16x1600xf32, #tpu.memory_space<vmem>>, vector<16xf32>,
            tpu.vector_store_idx %arg6[%add3A_768, %broadcast_in_dim3A_11], %get3A_828 : memref<1600x17xf32, #tpu.memory_space<vmem>>[vector<16xi32>, vector<16xi32>], vector<16xf32>,
            %mul3A_829 = arith.constant 4 : i32
            %mul3A_830 = arith.muli %scan3A_256, %mul3A_829 : i32
            %add3A_831 = arith.constant 3 : i32
            %add3A_832 = arith.addi %mul3A_830, %add3A_831 : i32
            %mul3A_833 = arith.constant 16 : i32
            %mul3A_834 = arith.muli %add3A_832, %mul3A_833 : i32
            %get3A_835 = arith.constant 6 : i32
            %get3A_836 = arith.index_cast %get3A_835 : i32 to index
            %get3A_837 = arith.index_cast %mul3A_834 : i32 to index
            %get3A_838 = tpu.vector_load %arg5[%get3A_836, %get3A_837] {strides = array<i32>} : memref<16x1600xf32, #tpu.memory_space<vmem>>, vector<16xf32>,
            tpu.vector_store_idx %arg6[%add3A_768, %broadcast_in_dim3A_13], %get3A_838 : memref<1600x17xf32, #tpu.memory_space<vmem>>[vector<16xi32>, vector<16xi32>], vector<16xf32>,
            %mul3A_839 = arith.constant 4 : i32
            %mul3A_840 = arith.muli %scan3A_256, %mul3A_839 : i32
            %add3A_841 = arith.constant 3 : i32
            %add3A_842 = arith.addi %mul3A_840, %add3A_841 : i32
            %mul3A_843 = arith.constant 16 : i32
            %mul3A_844 = arith.muli %add3A_842, %mul3A_843 : i32
            %get3A_845 = arith.constant 7 : i32
            %get3A_846 = arith.index_cast %get3A_845 : i32 to index
            %get3A_847 = arith.index_cast %mul3A_844 : i32 to index
            %get3A_848 = tpu.vector_load %arg5[%get3A_846, %get3A_847] {strides = array<i32>} : memref<16x1600xf32, #tpu.memory_space<vmem>>, vector<16xf32>,
            tpu.vector_store_idx %arg6[%add3A_768, %broadcast_in_dim3A_15], %get3A_848 : memref<1600x17xf32, #tpu.memory_space<vmem>>[vector<16xi32>, vector<16xi32>], vector<16xf32>,
            %mul3A_849 = arith.constant 4 : i32
            %mul3A_850 = arith.muli %scan3A_256, %mul3A_849 : i32
            %add3A_851 = arith.constant 3 : i32
            %add3A_852 = arith.addi %mul3A_850, %add3A_851 : i32
            %mul3A_853 = arith.constant 16 : i32
            %mul3A_854 = arith.muli %add3A_852, %mul3A_853 : i32
            %get3A_855 = arith.constant 8 : i32
            %get3A_856 = arith.index_cast %get3A_855 : i32 to index
            %get3A_857 = arith.index_cast %mul3A_854 : i32 to index
            %get3A_858 = tpu.vector_load %arg5[%get3A_856, %get3A_857] {strides = array<i32>} : memref<16x1600xf32, #tpu.memory_space<vmem>>, vector<16xf32>,
            tpu.vector_store_idx %arg6[%add3A_768, %broadcast_in_dim3A_17], %get3A_858 : memref<1600x17xf32, #tpu.memory_space<vmem>>[vector<16xi32>, vector<16xi32>], vector<16xf32>,
            %mul3A_859 = arith.constant 4 : i32
            %mul3A_860 = arith.muli %scan3A_256, %mul3A_859 : i32
            %add3A_861 = arith.constant 3 : i32
            %add3A_862 = arith.addi %mul3A_860, %add3A_861 : i32
            %mul3A_863 = arith.constant 16 : i32
            %mul3A_864 = arith.muli %add3A_862, %mul3A_863 : i32
            %get3A_865 = arith.constant 9 : i32
            %get3A_866 = arith.index_cast %get3A_865 : i32 to index
            %get3A_867 = arith.index_cast %mul3A_864 : i32 to index
            %get3A_868 = tpu.vector_load %arg5[%get3A_866, %get3A_867] {strides = array<i32>} : memref<16x1600xf32, #tpu.memory_space<vmem>>, vector<16xf32>,
            tpu.vector_store_idx %arg6[%add3A_768, %broadcast_in_dim3A_19], %get3A_868 : memref<1600x17xf32, #tpu.memory_space<vmem>>[vector<16xi32>, vector<16xi32>], vector<16xf32>,
            %mul3A_869 = arith.constant 4 : i32
            %mul3A_870 = arith.muli %scan3A_256, %mul3A_869 : i32
            %add3A_871 = arith.constant 3 : i32
            %add3A_872 = arith.addi %mul3A_870, %add3A_871 : i32
            %mul3A_873 = arith.constant 16 : i32
            %mul3A_874 = arith.muli %add3A_872, %mul3A_873 : i32
            %get3A_875 = arith.constant 10 : i32
            %get3A_876 = arith.index_cast %get3A_875 : i32 to index
            %get3A_877 = arith.index_cast %mul3A_874 : i32 to index
            %get3A_878 = tpu.vector_load %arg5[%get3A_876, %get3A_877] {strides = array<i32>} : memref<16x1600xf32, #tpu.memory_space<vmem>>, vector<16xf32>,
            tpu.vector_store_idx %arg6[%add3A_768, %broadcast_in_dim3A_21], %get3A_878 : memref<1600x17xf32, #tpu.memory_space<vmem>>[vector<16xi32>, vector<16xi32>], vector<16xf32>,
            %mul3A_879 = arith.constant 4 : i32
            %mul3A_880 = arith.muli %scan3A_256, %mul3A_879 : i32
            %add3A_881 = arith.constant 3 : i32
            %add3A_882 = arith.addi %mul3A_880, %add3A_881 : i32
            %mul3A_883 = arith.constant 16 : i32
            %mul3A_884 = arith.muli %add3A_882, %mul3A_883 : i32
            %get3A_885 = arith.constant 11 : i32
            %get3A_886 = arith.index_cast %get3A_885 : i32 to index
            %get3A_887 = arith.index_cast %mul3A_884 : i32 to index
            %get3A_888 = tpu.vector_load %arg5[%get3A_886, %get3A_887] {strides = array<i32>} : memref<16x1600xf32, #tpu.memory_space<vmem>>, vector<16xf32>,
            tpu.vector_store_idx %arg6[%add3A_768, %broadcast_in_dim3A_23], %get3A_888 : memref<1600x17xf32, #tpu.memory_space<vmem>>[vector<16xi32>, vector<16xi32>], vector<16xf32>,
            %mul3A_889 = arith.constant 4 : i32
            %mul3A_890 = arith.muli %scan3A_256, %mul3A_889 : i32
            %add3A_891 = arith.constant 3 : i32
            %add3A_892 = arith.addi %mul3A_890, %add3A_891 : i32
            %mul3A_893 = arith.constant 16 : i32
            %mul3A_894 = arith.muli %add3A_892, %mul3A_893 : i32
            %get3A_895 = arith.constant 12 : i32
            %get3A_896 = arith.index_cast %get3A_895 : i32 to index
            %get3A_897 = arith.index_cast %mul3A_894 : i32 to index
            %get3A_898 = tpu.vector_load %arg5[%get3A_896, %get3A_897] {strides = array<i32>} : memref<16x1600xf32, #tpu.memory_space<vmem>>, vector<16xf32>,
            tpu.vector_store_idx %arg6[%add3A_768, %broadcast_in_dim3A_25], %get3A_898 : memref<1600x17xf32, #tpu.memory_space<vmem>>[vector<16xi32>, vector<16xi32>], vector<16xf32>,
            %mul3A_899 = arith.constant 4 : i32
            %mul3A_900 = arith.muli %scan3A_256, %mul3A_899 : i32
            %add3A_901 = arith.constant 3 : i32
            %add3A_902 = arith.addi %mul3A_900, %add3A_901 : i32
            %mul3A_903 = arith.constant 16 : i32
            %mul3A_904 = arith.muli %add3A_902, %mul3A_903 : i32
            %get3A_905 = arith.constant 13 : i32
            %get3A_906 = arith.index_cast %get3A_905 : i32 to index
            %get3A_907 = arith.index_cast %mul3A_904 : i32 to index
            %get3A_908 = tpu.vector_load %arg5[%get3A_906, %get3A_907] {strides = array<i32>} : memref<16x1600xf32, #tpu.memory_space<vmem>>, vector<16xf32>,
            tpu.vector_store_idx %arg6[%add3A_768, %broadcast_in_dim3A_27], %get3A_908 : memref<1600x17xf32, #tpu.memory_space<vmem>>[vector<16xi32>, vector<16xi32>], vector<16xf32>,
            %mul3A_909 = arith.constant 4 : i32
            %mul3A_910 = arith.muli %scan3A_256, %mul3A_909 : i32
            %add3A_911 = arith.constant 3 : i32
            %add3A_912 = arith.addi %mul3A_910, %add3A_911 : i32
            %mul3A_913 = arith.constant 16 : i32
            %mul3A_914 = arith.muli %add3A_912, %mul3A_913 : i32
            %get3A_915 = arith.constant 14 : i32
            %get3A_916 = arith.index_cast %get3A_915 : i32 to index
            %get3A_917 = arith.index_cast %mul3A_914 : i32 to index
            %get3A_918 = tpu.vector_load %arg5[%get3A_916, %get3A_917] {strides = array<i32>} : memref<16x1600xf32, #tpu.memory_space<vmem>>, vector<16xf32>,
            tpu.vector_store_idx %arg6[%add3A_768, %broadcast_in_dim3A_29], %get3A_918 : memref<1600x17xf32, #tpu.memory_space<vmem>>[vector<16xi32>, vector<16xi32>], vector<16xf32>,
            %mul3A_919 = arith.constant 4 : i32
            %mul3A_920 = arith.muli %scan3A_256, %mul3A_919 : i32
            %add3A_921 = arith.constant 3 : i32
            %add3A_922 = arith.addi %mul3A_920, %add3A_921 : i32
            %mul3A_923 = arith.constant 16 : i32
            %mul3A_924 = arith.muli %add3A_922, %mul3A_923 : i32
            %get3A_925 = arith.constant 15 : i32
            %get3A_926 = arith.index_cast %get3A_925 : i32 to index
            %get3A_927 = arith.index_cast %mul3A_924 : i32 to index
            %get3A_928 = tpu.vector_load %arg5[%get3A_926, %get3A_927] {strides = array<i32>} : memref<16x1600xf32, #tpu.memory_space<vmem>>, vector<16xf32>,
            tpu.vector_store_idx %arg6[%add3A_768, %broadcast_in_dim3A_31], %get3A_928 : memref<1600x17xf32, #tpu.memory_space<vmem>>[vector<16xi32>, vector<16xi32>], vector<16xf32>,
            %scan3A_929 = arith.constant 0 : i32
            scf.yield %scan3A_929 : i32
          }
          %scan3A_253 = arith.constant 25 : i32
          %mul3A_254 = arith.constant 1600 : i32
          %mul3A_255 = arith.muli %add3A_57, %mul3A_254 : i32
          "tpu.region"() ({
            %run_scoped3A = tpu.sem_alloc : memref<!tpu.dma_semaphore, #tpu.memory_space<semaphore_mem>>
            %dma_start3A = arith.constant 0 : i32
            %dma_start3A_256 = arith.constant 0 : i32
            %dma_start3A_257 = tpu.memref_slice %arg6[%dma_start3A, %dma_start3A_256] : memref<1600x17xf32, #tpu.memory_space<vmem>> -> memref<1600x16xf32, #tpu.memory_space<vmem>>
            %dma_start3A_258 = arith.constant 0 : i32
            %dma_start3A_259 = tpu.memref_slice %arg3[%mul3A_255, %dma_start3A_258] : memref<1000000x16xf32, #tpu.memory_space<hbm>> -> memref<1600x16xf32, #tpu.memory_space<hbm>>
            %dma_start3A_260 = arith.constant 0 : i32
            %dma_start3A_261 = tpu.memref_slice %arg3[%mul3A_255, %dma_start3A_260] : memref<1000000x16xf32, #tpu.memory_space<hbm>> -> memref<1600x16xf32, #tpu.memory_space<hbm>>
            %dma_start3A_262 = arith.constant 0 : i32
            %dma_start3A_263 = arith.constant 0 : i32
            %dma_start3A_264 = tpu.memref_slice %arg6[%dma_start3A_262, %dma_start3A_263] : memref<1600x17xf32, #tpu.memory_space<vmem>> -> memref<1600x16xf32, #tpu.memory_space<vmem>>
            tpu.enqueue_dma source(%dma_start3A_264 : memref<1600x16xf32, #tpu.memory_space<vmem>>) target(%dma_start3A_261 : memref<1600x16xf32, #tpu.memory_space<hbm>>) target_semaphore(%run_scoped3A : memref<!tpu.dma_semaphore, #tpu.memory_space<semaphore_mem>>)
            %dma_wait3A_265 = arith.constant 0 : i32
            %dma_wait3A_266 = arith.constant 0 : i32
            %dma_wait3A_267 = tpu.memref_slice %arg6[%dma_wait3A_265, %dma_wait3A_266] : memref<1600x17xf32, #tpu.memory_space<vmem>> -> memref<1600x16xf32, #tpu.memory_space<vmem>>
            %dma_wait3A_268 = arith.constant 0 : i32
            %dma_wait3A_269 = tpu.memref_slice %arg3[%mul3A_255, %dma_wait3A_268] : memref<1000000x16xf32, #tpu.memory_space<hbm>> -> memref<1600x16xf32, #tpu.memory_space<hbm>>
            %dma_wait3A_270 = arith.constant 0 : i32
            %dma_wait3A_271 = tpu.memref_slice %arg3[%mul3A_255, %dma_wait3A_270] : memref<1000000x16xf32, #tpu.memory_space<hbm>> -> memref<1600x16xf32, #tpu.memory_space<hbm>>
            %dma_wait3A_272 = arith.constant 0 : i32
            %dma_wait3A_273 = arith.constant 0 : i32
            %dma_wait3A_274 = tpu.memref_slice %arg6[%dma_wait3A_272, %dma_wait3A_273] : memref<1600x17xf32, #tpu.memory_space<vmem>> -> memref<1600x16xf32, #tpu.memory_space<vmem>>
            tpu.wait_dma2 semaphore(%run_scoped3A : memref<!tpu.dma_semaphore, #tpu.memory_space<semaphore_mem>>) src(%dma_wait3A_274 : memref<1600x16xf32, #tpu.memory_space<vmem>>) dst(%dma_wait3A_271 : memref<1600x16xf32, #tpu.memory_space<hbm>>)
            tpu.yield
          }) : () -> ()
        } else {
        }
      } else {
      }
      %scan3A_54 = arith.constant 0 : i32
      scf.yield %scan3A_54 : i32
    }
    %scan3A_39 = arith.constant 20 : i32
    return
  }
}

#map = affine_map<(d0, d1) -> (0, 0)>
module attributes {stable_mosaic.version = 14 : i64} {
  func.func @k(%arg0: i32, %arg1: i32, %arg2: memref<8192x100xi32, #tpu.memory_space<hbm>>, %arg3: memref<1000000x16xf32, #tpu.memory_space<hbm>>, %arg4: memref<4096x16xf32, #tpu.memory_space<hbm>>, %arg5: memref<256x100xi32, #tpu.memory_space<vmem>>, %arg6: memref<100x16xf32, #tpu.memory_space<vmem>>, %arg7: memref<100x16xf32, #tpu.memory_space<vmem>>, %arg8: memref<100x16xf32, #tpu.memory_space<vmem>>, %arg9: memref<100x16xf32, #tpu.memory_space<vmem>>, %arg10: memref<100x16xf32, #tpu.memory_space<vmem>>, %arg11: memref<100x16xf32, #tpu.memory_space<vmem>>, %arg12: memref<100x16xf32, #tpu.memory_space<vmem>>, %arg13: memref<100x16xf32, #tpu.memory_space<vmem>>, %arg14: memref<128x16xf32, #tpu.memory_space<vmem>>, %arg15: memref<!tpu.dma_semaphore, #tpu.memory_space<semaphore_mem>>, %arg16: memref<!tpu.dma_semaphore, #tpu.memory_space<semaphore_mem>>, %arg17: memref<!tpu.dma_semaphore, #tpu.memory_space<semaphore_mem>>, %arg18: memref<!tpu.dma_semaphore, #tpu.memory_space<semaphore_mem>>, %arg19: memref<!tpu.dma_semaphore, #tpu.memory_space<semaphore_mem>>, %arg20: memref<!tpu.dma_semaphore, #tpu.memory_space<semaphore_mem>>, %arg21: memref<!tpu.dma_semaphore, #tpu.memory_space<semaphore_mem>>, %arg22: memref<!tpu.dma_semaphore, #tpu.memory_space<semaphore_mem>>) attributes {dimension_semantics = [#tpu.dimension_semantics<core_parallel>, #tpu.dimension_semantics<subcore_parallel>], iteration_bounds = array<i64: 2, 16>, scalar_prefetch = 0 : i64, scratch_operands = 18 : i64, tpu.core_type = #tpu.core_type<sc_vector_subcore>, window_params = [{transform_indices = #map}, {transform_indices = #map}, {transform_indices = #map}]} {
    %mul3A = arith.constant 2 : i32
    %mul3A_0 = arith.muli %arg1, %mul3A : i32
    %add3A = arith.addi %mul3A_0, %arg0 : i32
    %mul3A_1 = arith.constant 256 : i32
    %mul3A_2 = arith.muli %add3A, %mul3A_1 : i32
    "tpu.region"() ({
      %run_scoped3A = tpu.sem_alloc : memref<!tpu.dma_semaphore, #tpu.memory_space<semaphore_mem>>
      %dma_start3A_66 = arith.constant 0 : i32
      %dma_start3A_67 = tpu.memref_slice %arg2[%mul3A_2, %dma_start3A_66] : memref<8192x100xi32, #tpu.memory_space<hbm>> -> memref<256x100xi32, #tpu.memory_space<hbm>>
      %dma_start3A_68 = arith.constant 0 : i32
      %dma_start3A_69 = tpu.memref_slice %arg2[%mul3A_2, %dma_start3A_68] : memref<8192x100xi32, #tpu.memory_space<hbm>> -> memref<256x100xi32, #tpu.memory_space<hbm>>
      tpu.enqueue_dma source(%dma_start3A_69 : memref<256x100xi32, #tpu.memory_space<hbm>>) target(%arg5 : memref<256x100xi32, #tpu.memory_space<vmem>>) target_semaphore(%run_scoped3A : memref<!tpu.dma_semaphore, #tpu.memory_space<semaphore_mem>>)
      %dma_wait3A = arith.constant 0 : i32
      %dma_wait3A_70 = tpu.memref_slice %arg2[%mul3A_2, %dma_wait3A] : memref<8192x100xi32, #tpu.memory_space<hbm>> -> memref<256x100xi32, #tpu.memory_space<hbm>>
      %dma_wait3A_71 = arith.constant 0 : i32
      %dma_wait3A_72 = tpu.memref_slice %arg2[%mul3A_2, %dma_wait3A_71] : memref<8192x100xi32, #tpu.memory_space<hbm>> -> memref<256x100xi32, #tpu.memory_space<hbm>>
      tpu.wait_dma2 semaphore(%run_scoped3A : memref<!tpu.dma_semaphore, #tpu.memory_space<semaphore_mem>>) src(%dma_wait3A_72 : memref<256x100xi32, #tpu.memory_space<hbm>>) dst(%arg5 : memref<256x100xi32, #tpu.memory_space<vmem>>)
      tpu.yield
    }) : () -> ()
    %dma_start3A = arith.constant 0 : i32
    %dma_start3A_3 = arith.constant 0 : i32
    %dma_start3A_4 = tpu.memref_slice %arg5[%dma_start3A, %dma_start3A_3] : memref<256x100xi32, #tpu.memory_space<vmem>> -> memref<1x100xi32, #tpu.memory_space<vmem>>
    %dma_start3A_5 = tpu.memref_squeeze %dma_start3A_4 : memref<1x100xi32, #tpu.memory_space<vmem>> -> memref<100xi32, #tpu.memory_space<vmem>>
    %dma_start3A_6 = arith.constant 0 : i32
    %dma_start3A_7 = arith.constant 0 : i32
    %dma_start3A_8 = tpu.memref_slice %arg3[%dma_start3A_6, %dma_start3A_7] : memref<1000000x16xf32, #tpu.memory_space<hbm>> -> memref<1000000x16xf32, #tpu.memory_space<hbm>>
    tpu.enqueue_indirect_dma source(%dma_start3A_8 : memref<1000000x16xf32, #tpu.memory_space<hbm>>) target(%arg6 : memref<100x16xf32, #tpu.memory_space<vmem>>) offsets(%dma_start3A_5 : memref<100xi32, #tpu.memory_space<vmem>>) semaphore(%arg15 : memref<!tpu.dma_semaphore, #tpu.memory_space<semaphore_mem>>)
    %dma_start3A_9 = arith.constant 1 : i32
    %dma_start3A_10 = arith.constant 0 : i32
    %dma_start3A_11 = tpu.memref_slice %arg5[%dma_start3A_9, %dma_start3A_10] : memref<256x100xi32, #tpu.memory_space<vmem>> -> memref<1x100xi32, #tpu.memory_space<vmem>>
    %dma_start3A_12 = tpu.memref_squeeze %dma_start3A_11 : memref<1x100xi32, #tpu.memory_space<vmem>> -> memref<100xi32, #tpu.memory_space<vmem>>
    %dma_start3A_13 = arith.constant 0 : i32
    %dma_start3A_14 = arith.constant 0 : i32
    %dma_start3A_15 = tpu.memref_slice %arg3[%dma_start3A_13, %dma_start3A_14] : memref<1000000x16xf32, #tpu.memory_space<hbm>> -> memref<1000000x16xf32, #tpu.memory_space<hbm>>
    tpu.enqueue_indirect_dma source(%dma_start3A_15 : memref<1000000x16xf32, #tpu.memory_space<hbm>>) target(%arg7 : memref<100x16xf32, #tpu.memory_space<vmem>>) offsets(%dma_start3A_12 : memref<100xi32, #tpu.memory_space<vmem>>) semaphore(%arg16 : memref<!tpu.dma_semaphore, #tpu.memory_space<semaphore_mem>>)
    %dma_start3A_16 = arith.constant 2 : i32
    %dma_start3A_17 = arith.constant 0 : i32
    %dma_start3A_18 = tpu.memref_slice %arg5[%dma_start3A_16, %dma_start3A_17] : memref<256x100xi32, #tpu.memory_space<vmem>> -> memref<1x100xi32, #tpu.memory_space<vmem>>
    %dma_start3A_19 = tpu.memref_squeeze %dma_start3A_18 : memref<1x100xi32, #tpu.memory_space<vmem>> -> memref<100xi32, #tpu.memory_space<vmem>>
    %dma_start3A_20 = arith.constant 0 : i32
    %dma_start3A_21 = arith.constant 0 : i32
    %dma_start3A_22 = tpu.memref_slice %arg3[%dma_start3A_20, %dma_start3A_21] : memref<1000000x16xf32, #tpu.memory_space<hbm>> -> memref<1000000x16xf32, #tpu.memory_space<hbm>>
    tpu.enqueue_indirect_dma source(%dma_start3A_22 : memref<1000000x16xf32, #tpu.memory_space<hbm>>) target(%arg8 : memref<100x16xf32, #tpu.memory_space<vmem>>) offsets(%dma_start3A_19 : memref<100xi32, #tpu.memory_space<vmem>>) semaphore(%arg17 : memref<!tpu.dma_semaphore, #tpu.memory_space<semaphore_mem>>)
    %dma_start3A_23 = arith.constant 3 : i32
    %dma_start3A_24 = arith.constant 0 : i32
    %dma_start3A_25 = tpu.memref_slice %arg5[%dma_start3A_23, %dma_start3A_24] : memref<256x100xi32, #tpu.memory_space<vmem>> -> memref<1x100xi32, #tpu.memory_space<vmem>>
    %dma_start3A_26 = tpu.memref_squeeze %dma_start3A_25 : memref<1x100xi32, #tpu.memory_space<vmem>> -> memref<100xi32, #tpu.memory_space<vmem>>
    %dma_start3A_27 = arith.constant 0 : i32
    %dma_start3A_28 = arith.constant 0 : i32
    %dma_start3A_29 = tpu.memref_slice %arg3[%dma_start3A_27, %dma_start3A_28] : memref<1000000x16xf32, #tpu.memory_space<hbm>> -> memref<1000000x16xf32, #tpu.memory_space<hbm>>
    tpu.enqueue_indirect_dma source(%dma_start3A_29 : memref<1000000x16xf32, #tpu.memory_space<hbm>>) target(%arg9 : memref<100x16xf32, #tpu.memory_space<vmem>>) offsets(%dma_start3A_26 : memref<100xi32, #tpu.memory_space<vmem>>) semaphore(%arg18 : memref<!tpu.dma_semaphore, #tpu.memory_space<semaphore_mem>>)
    %dma_start3A_30 = arith.constant 4 : i32
    %dma_start3A_31 = arith.constant 0 : i32
    %dma_start3A_32 = tpu.memref_slice %arg5[%dma_start3A_30, %dma_start3A_31] : memref<256x100xi32, #tpu.memory_space<vmem>> -> memref<1x100xi32, #tpu.memory_space<vmem>>
    %dma_start3A_33 = tpu.memref_squeeze %dma_start3A_32 : memref<1x100xi32, #tpu.memory_space<vmem>> -> memref<100xi32, #tpu.memory_space<vmem>>
    %dma_start3A_34 = arith.constant 0 : i32
    %dma_start3A_35 = arith.constant 0 : i32
    %dma_start3A_36 = tpu.memref_slice %arg3[%dma_start3A_34, %dma_start3A_35] : memref<1000000x16xf32, #tpu.memory_space<hbm>> -> memref<1000000x16xf32, #tpu.memory_space<hbm>>
    tpu.enqueue_indirect_dma source(%dma_start3A_36 : memref<1000000x16xf32, #tpu.memory_space<hbm>>) target(%arg10 : memref<100x16xf32, #tpu.memory_space<vmem>>) offsets(%dma_start3A_33 : memref<100xi32, #tpu.memory_space<vmem>>) semaphore(%arg19 : memref<!tpu.dma_semaphore, #tpu.memory_space<semaphore_mem>>)
    %dma_start3A_37 = arith.constant 5 : i32
    %dma_start3A_38 = arith.constant 0 : i32
    %dma_start3A_39 = tpu.memref_slice %arg5[%dma_start3A_37, %dma_start3A_38] : memref<256x100xi32, #tpu.memory_space<vmem>> -> memref<1x100xi32, #tpu.memory_space<vmem>>
    %dma_start3A_40 = tpu.memref_squeeze %dma_start3A_39 : memref<1x100xi32, #tpu.memory_space<vmem>> -> memref<100xi32, #tpu.memory_space<vmem>>
    %dma_start3A_41 = arith.constant 0 : i32
    %dma_start3A_42 = arith.constant 0 : i32
    %dma_start3A_43 = tpu.memref_slice %arg3[%dma_start3A_41, %dma_start3A_42] : memref<1000000x16xf32, #tpu.memory_space<hbm>> -> memref<1000000x16xf32, #tpu.memory_space<hbm>>
    tpu.enqueue_indirect_dma source(%dma_start3A_43 : memref<1000000x16xf32, #tpu.memory_space<hbm>>) target(%arg11 : memref<100x16xf32, #tpu.memory_space<vmem>>) offsets(%dma_start3A_40 : memref<100xi32, #tpu.memory_space<vmem>>) semaphore(%arg20 : memref<!tpu.dma_semaphore, #tpu.memory_space<semaphore_mem>>)
    %dma_start3A_44 = arith.constant 6 : i32
    %dma_start3A_45 = arith.constant 0 : i32
    %dma_start3A_46 = tpu.memref_slice %arg5[%dma_start3A_44, %dma_start3A_45] : memref<256x100xi32, #tpu.memory_space<vmem>> -> memref<1x100xi32, #tpu.memory_space<vmem>>
    %dma_start3A_47 = tpu.memref_squeeze %dma_start3A_46 : memref<1x100xi32, #tpu.memory_space<vmem>> -> memref<100xi32, #tpu.memory_space<vmem>>
    %dma_start3A_48 = arith.constant 0 : i32
    %dma_start3A_49 = arith.constant 0 : i32
    %dma_start3A_50 = tpu.memref_slice %arg3[%dma_start3A_48, %dma_start3A_49] : memref<1000000x16xf32, #tpu.memory_space<hbm>> -> memref<1000000x16xf32, #tpu.memory_space<hbm>>
    tpu.enqueue_indirect_dma source(%dma_start3A_50 : memref<1000000x16xf32, #tpu.memory_space<hbm>>) target(%arg12 : memref<100x16xf32, #tpu.memory_space<vmem>>) offsets(%dma_start3A_47 : memref<100xi32, #tpu.memory_space<vmem>>) semaphore(%arg21 : memref<!tpu.dma_semaphore, #tpu.memory_space<semaphore_mem>>)
    %dma_start3A_51 = arith.constant 7 : i32
    %dma_start3A_52 = arith.constant 0 : i32
    %dma_start3A_53 = tpu.memref_slice %arg5[%dma_start3A_51, %dma_start3A_52] : memref<256x100xi32, #tpu.memory_space<vmem>> -> memref<1x100xi32, #tpu.memory_space<vmem>>
    %dma_start3A_54 = tpu.memref_squeeze %dma_start3A_53 : memref<1x100xi32, #tpu.memory_space<vmem>> -> memref<100xi32, #tpu.memory_space<vmem>>
    %dma_start3A_55 = arith.constant 0 : i32
    %dma_start3A_56 = arith.constant 0 : i32
    %dma_start3A_57 = tpu.memref_slice %arg3[%dma_start3A_55, %dma_start3A_56] : memref<1000000x16xf32, #tpu.memory_space<hbm>> -> memref<1000000x16xf32, #tpu.memory_space<hbm>>
    tpu.enqueue_indirect_dma source(%dma_start3A_57 : memref<1000000x16xf32, #tpu.memory_space<hbm>>) target(%arg13 : memref<100x16xf32, #tpu.memory_space<vmem>>) offsets(%dma_start3A_54 : memref<100xi32, #tpu.memory_space<vmem>>) semaphore(%arg22 : memref<!tpu.dma_semaphore, #tpu.memory_space<semaphore_mem>>)
    %scan3A = arith.constant 0 : i32
    %scan3A_58 = arith.constant 0 : i32
    %scan3A_59 = arith.constant 32 : i32
    %scan3A_60 = arith.addi %scan3A_58, %scan3A_59 : i32
    %scan3A_61 = arith.constant 1 : i32
    %scan3A_62 = scf.for %scan3A_66 = %scan3A_58 to %scan3A_60 step %scan3A_61 iter_args(%scan3A_67 = %scan3A) -> (i32)  : i32 {
      %mul3A_68 = arith.constant 8 : i32
      %mul3A_69 = arith.muli %scan3A_66, %mul3A_68 : i32
      %broadcast_in_dim3A = arith.constant 0.000000e+00 : f32
      %broadcast_in_dim3A_70 = vector.broadcast %broadcast_in_dim3A : f32 to vector<16xf32>
      %add3A_71 = arith.constant 0 : i32
      %add3A_72 = arith.addi %mul3A_69, %add3A_71 : i32
      %dma_wait3A = arith.constant 0 : i32
      %dma_wait3A_73 = tpu.memref_slice %arg5[%add3A_72, %dma_wait3A] : memref<256x100xi32, #tpu.memory_space<vmem>> -> memref<1x100xi32, #tpu.memory_space<vmem>>
      %dma_wait3A_74 = tpu.memref_squeeze %dma_wait3A_73 : memref<1x100xi32, #tpu.memory_space<vmem>> -> memref<100xi32, #tpu.memory_space<vmem>>
      %dma_wait3A_75 = arith.constant 0 : i32
      %dma_wait3A_76 = arith.constant 0 : i32
      %dma_wait3A_77 = tpu.memref_slice %arg3[%dma_wait3A_75, %dma_wait3A_76] : memref<1000000x16xf32, #tpu.memory_space<hbm>> -> memref<1000000x16xf32, #tpu.memory_space<hbm>>
      tpu.wait_indirect_dma semaphore(%arg15 : memref<!tpu.dma_semaphore, #tpu.memory_space<semaphore_mem>>) src(%dma_wait3A_77 : memref<1000000x16xf32, #tpu.memory_space<hbm>>) dst(%arg6 : memref<100x16xf32, #tpu.memory_space<vmem>>)
      %scan3A_78 = arith.constant 0 : i32
      %scan3A_79 = arith.constant 25 : i32
      %scan3A_80 = arith.addi %scan3A_78, %scan3A_79 : i32
      %scan3A_81 = arith.constant 1 : i32
      %scan3A_82 = scf.for %scan3A_277 = %scan3A_78 to %scan3A_80 step %scan3A_81 iter_args(%scan3A_278 = %broadcast_in_dim3A_70) -> (vector<16xf32>)  : i32 {
        %mul3A_279 = arith.constant 4 : i32
        %mul3A_280 = arith.muli %scan3A_277, %mul3A_279 : i32
        %add3A_281 = arith.constant 0 : i32
        %add3A_282 = arith.addi %mul3A_280, %add3A_281 : i32
        %get3A = arith.index_cast %add3A_282 : i32 to index
        %get3A_283 = arith.constant 0 : index
        %get3A_284 = tpu.vector_load %arg6[%get3A, %get3A_283] {strides = array<i32>} : memref<100x16xf32, #tpu.memory_space<vmem>>, vector<1x16xf32>,
        %get3A_285 = vector.shape_cast %get3A_284 : vector<1x16xf32> to vector<16xf32>
        %add3A_286 = arith.addf %scan3A_278, %get3A_285 : vector<16xf32>
        %mul3A_287 = arith.constant 4 : i32
        %mul3A_288 = arith.muli %scan3A_277, %mul3A_287 : i32
        %add3A_289 = arith.constant 1 : i32
        %add3A_290 = arith.addi %mul3A_288, %add3A_289 : i32
        %get3A_291 = arith.index_cast %add3A_290 : i32 to index
        %get3A_292 = arith.constant 0 : index
        %get3A_293 = tpu.vector_load %arg6[%get3A_291, %get3A_292] {strides = array<i32>} : memref<100x16xf32, #tpu.memory_space<vmem>>, vector<1x16xf32>,
        %get3A_294 = vector.shape_cast %get3A_293 : vector<1x16xf32> to vector<16xf32>
        %add3A_295 = arith.addf %add3A_286, %get3A_294 : vector<16xf32>
        %mul3A_296 = arith.constant 4 : i32
        %mul3A_297 = arith.muli %scan3A_277, %mul3A_296 : i32
        %add3A_298 = arith.constant 2 : i32
        %add3A_299 = arith.addi %mul3A_297, %add3A_298 : i32
        %get3A_300 = arith.index_cast %add3A_299 : i32 to index
        %get3A_301 = arith.constant 0 : index
        %get3A_302 = tpu.vector_load %arg6[%get3A_300, %get3A_301] {strides = array<i32>} : memref<100x16xf32, #tpu.memory_space<vmem>>, vector<1x16xf32>,
        %get3A_303 = vector.shape_cast %get3A_302 : vector<1x16xf32> to vector<16xf32>
        %add3A_304 = arith.addf %add3A_295, %get3A_303 : vector<16xf32>
        %mul3A_305 = arith.constant 4 : i32
        %mul3A_306 = arith.muli %scan3A_277, %mul3A_305 : i32
        %add3A_307 = arith.constant 3 : i32
        %add3A_308 = arith.addi %mul3A_306, %add3A_307 : i32
        %get3A_309 = arith.index_cast %add3A_308 : i32 to index
        %get3A_310 = arith.constant 0 : index
        %get3A_311 = tpu.vector_load %arg6[%get3A_309, %get3A_310] {strides = array<i32>} : memref<100x16xf32, #tpu.memory_space<vmem>>, vector<1x16xf32>,
        %get3A_312 = vector.shape_cast %get3A_311 : vector<1x16xf32> to vector<16xf32>
        %add3A_313 = arith.addf %add3A_304, %get3A_312 : vector<16xf32>
        scf.yield %add3A_313 : vector<16xf32>
      }
      %scan3A_83 = arith.constant 25 : i32
      %add3A_84 = arith.constant 8 : i32
      %add3A_85 = arith.addi %add3A_72, %add3A_84 : i32
      %lt3A = arith.constant 256 : i32
      %lt3A_86 = arith.cmpi slt, %add3A_85, %lt3A : i32
      %convert_element_type3A = arith.extui %lt3A_86 : i1 to i32
      %cond3A = arith.constant 0 : i32
      %cond3A_87 = arith.cmpi ne, %convert_element_type3A, %cond3A : i32
      scf.if %cond3A_87 {
        %add3A_277 = arith.constant 8 : i32
        %add3A_278 = arith.addi %add3A_72, %add3A_277 : i32
        %dma_start3A_279 = arith.constant 0 : i32
        %dma_start3A_280 = tpu.memref_slice %arg5[%add3A_278, %dma_start3A_279] : memref<256x100xi32, #tpu.memory_space<vmem>> -> memref<1x100xi32, #tpu.memory_space<vmem>>
        %dma_start3A_281 = tpu.memref_squeeze %dma_start3A_280 : memref<1x100xi32, #tpu.memory_space<vmem>> -> memref<100xi32, #tpu.memory_space<vmem>>
        %dma_start3A_282 = arith.constant 0 : i32
        %dma_start3A_283 = arith.constant 0 : i32
        %dma_start3A_284 = tpu.memref_slice %arg3[%dma_start3A_282, %dma_start3A_283] : memref<1000000x16xf32, #tpu.memory_space<hbm>> -> memref<1000000x16xf32, #tpu.memory_space<hbm>>
        tpu.enqueue_indirect_dma source(%dma_start3A_284 : memref<1000000x16xf32, #tpu.memory_space<hbm>>) target(%arg6 : memref<100x16xf32, #tpu.memory_space<vmem>>) offsets(%dma_start3A_281 : memref<100xi32, #tpu.memory_space<vmem>>) semaphore(%arg15 : memref<!tpu.dma_semaphore, #tpu.memory_space<semaphore_mem>>)
      } else {
      }
      %add3A_88 = arith.constant 1 : i32
      %add3A_89 = arith.addi %mul3A_69, %add3A_88 : i32
      %dma_wait3A_90 = arith.constant 0 : i32
      %dma_wait3A_91 = tpu.memref_slice %arg5[%add3A_89, %dma_wait3A_90] : memref<256x100xi32, #tpu.memory_space<vmem>> -> memref<1x100xi32, #tpu.memory_space<vmem>>
      %dma_wait3A_92 = tpu.memref_squeeze %dma_wait3A_91 : memref<1x100xi32, #tpu.memory_space<vmem>> -> memref<100xi32, #tpu.memory_space<vmem>>
      %dma_wait3A_93 = arith.constant 0 : i32
      %dma_wait3A_94 = arith.constant 0 : i32
      %dma_wait3A_95 = tpu.memref_slice %arg3[%dma_wait3A_93, %dma_wait3A_94] : memref<1000000x16xf32, #tpu.memory_space<hbm>> -> memref<1000000x16xf32, #tpu.memory_space<hbm>>
      tpu.wait_indirect_dma semaphore(%arg16 : memref<!tpu.dma_semaphore, #tpu.memory_space<semaphore_mem>>) src(%dma_wait3A_95 : memref<1000000x16xf32, #tpu.memory_space<hbm>>) dst(%arg7 : memref<100x16xf32, #tpu.memory_space<vmem>>)
      %scan3A_96 = arith.constant 0 : i32
      %scan3A_97 = arith.constant 25 : i32
      %scan3A_98 = arith.addi %scan3A_96, %scan3A_97 : i32
      %scan3A_99 = arith.constant 1 : i32
      %scan3A_100 = scf.for %scan3A_277 = %scan3A_96 to %scan3A_98 step %scan3A_99 iter_args(%scan3A_278 = %scan3A_82) -> (vector<16xf32>)  : i32 {
        %mul3A_279 = arith.constant 4 : i32
        %mul3A_280 = arith.muli %scan3A_277, %mul3A_279 : i32
        %add3A_281 = arith.constant 0 : i32
        %add3A_282 = arith.addi %mul3A_280, %add3A_281 : i32
        %get3A = arith.index_cast %add3A_282 : i32 to index
        %get3A_283 = arith.constant 0 : index
        %get3A_284 = tpu.vector_load %arg7[%get3A, %get3A_283] {strides = array<i32>} : memref<100x16xf32, #tpu.memory_space<vmem>>, vector<1x16xf32>,
        %get3A_285 = vector.shape_cast %get3A_284 : vector<1x16xf32> to vector<16xf32>
        %add3A_286 = arith.addf %scan3A_278, %get3A_285 : vector<16xf32>
        %mul3A_287 = arith.constant 4 : i32
        %mul3A_288 = arith.muli %scan3A_277, %mul3A_287 : i32
        %add3A_289 = arith.constant 1 : i32
        %add3A_290 = arith.addi %mul3A_288, %add3A_289 : i32
        %get3A_291 = arith.index_cast %add3A_290 : i32 to index
        %get3A_292 = arith.constant 0 : index
        %get3A_293 = tpu.vector_load %arg7[%get3A_291, %get3A_292] {strides = array<i32>} : memref<100x16xf32, #tpu.memory_space<vmem>>, vector<1x16xf32>,
        %get3A_294 = vector.shape_cast %get3A_293 : vector<1x16xf32> to vector<16xf32>
        %add3A_295 = arith.addf %add3A_286, %get3A_294 : vector<16xf32>
        %mul3A_296 = arith.constant 4 : i32
        %mul3A_297 = arith.muli %scan3A_277, %mul3A_296 : i32
        %add3A_298 = arith.constant 2 : i32
        %add3A_299 = arith.addi %mul3A_297, %add3A_298 : i32
        %get3A_300 = arith.index_cast %add3A_299 : i32 to index
        %get3A_301 = arith.constant 0 : index
        %get3A_302 = tpu.vector_load %arg7[%get3A_300, %get3A_301] {strides = array<i32>} : memref<100x16xf32, #tpu.memory_space<vmem>>, vector<1x16xf32>,
        %get3A_303 = vector.shape_cast %get3A_302 : vector<1x16xf32> to vector<16xf32>
        %add3A_304 = arith.addf %add3A_295, %get3A_303 : vector<16xf32>
        %mul3A_305 = arith.constant 4 : i32
        %mul3A_306 = arith.muli %scan3A_277, %mul3A_305 : i32
        %add3A_307 = arith.constant 3 : i32
        %add3A_308 = arith.addi %mul3A_306, %add3A_307 : i32
        %get3A_309 = arith.index_cast %add3A_308 : i32 to index
        %get3A_310 = arith.constant 0 : index
        %get3A_311 = tpu.vector_load %arg7[%get3A_309, %get3A_310] {strides = array<i32>} : memref<100x16xf32, #tpu.memory_space<vmem>>, vector<1x16xf32>,
        %get3A_312 = vector.shape_cast %get3A_311 : vector<1x16xf32> to vector<16xf32>
        %add3A_313 = arith.addf %add3A_304, %get3A_312 : vector<16xf32>
        scf.yield %add3A_313 : vector<16xf32>
      }
      %scan3A_101 = arith.constant 25 : i32
      %add3A_102 = arith.constant 8 : i32
      %add3A_103 = arith.addi %add3A_89, %add3A_102 : i32
      %lt3A_104 = arith.constant 256 : i32
      %lt3A_105 = arith.cmpi slt, %add3A_103, %lt3A_104 : i32
      %convert_element_type3A_106 = arith.extui %lt3A_105 : i1 to i32
      %cond3A_107 = arith.constant 0 : i32
      %cond3A_108 = arith.cmpi ne, %convert_element_type3A_106, %cond3A_107 : i32
      scf.if %cond3A_108 {
        %add3A_277 = arith.constant 8 : i32
        %add3A_278 = arith.addi %add3A_89, %add3A_277 : i32
        %dma_start3A_279 = arith.constant 0 : i32
        %dma_start3A_280 = tpu.memref_slice %arg5[%add3A_278, %dma_start3A_279] : memref<256x100xi32, #tpu.memory_space<vmem>> -> memref<1x100xi32, #tpu.memory_space<vmem>>
        %dma_start3A_281 = tpu.memref_squeeze %dma_start3A_280 : memref<1x100xi32, #tpu.memory_space<vmem>> -> memref<100xi32, #tpu.memory_space<vmem>>
        %dma_start3A_282 = arith.constant 0 : i32
        %dma_start3A_283 = arith.constant 0 : i32
        %dma_start3A_284 = tpu.memref_slice %arg3[%dma_start3A_282, %dma_start3A_283] : memref<1000000x16xf32, #tpu.memory_space<hbm>> -> memref<1000000x16xf32, #tpu.memory_space<hbm>>
        tpu.enqueue_indirect_dma source(%dma_start3A_284 : memref<1000000x16xf32, #tpu.memory_space<hbm>>) target(%arg7 : memref<100x16xf32, #tpu.memory_space<vmem>>) offsets(%dma_start3A_281 : memref<100xi32, #tpu.memory_space<vmem>>) semaphore(%arg16 : memref<!tpu.dma_semaphore, #tpu.memory_space<semaphore_mem>>)
      } else {
      }
      %mul3A_109 = arith.constant 4 : i32
      %mul3A_110 = arith.muli %scan3A_66, %mul3A_109 : i32
      %add3A_111 = arith.constant 0 : i32
      %add3A_112 = arith.addi %mul3A_110, %add3A_111 : i32
      %swap3A = arith.index_cast %add3A_112 : i32 to index
      %swap3A_113 = arith.constant 0 : index
      %swap3A_114 = tpu.vector_load %arg14[%swap3A, %swap3A_113] {strides = array<i32>} : memref<128x16xf32, #tpu.memory_space<vmem>>, vector<1x16xf32>,
      %swap3A_115 = vector.shape_cast %swap3A_114 : vector<1x16xf32> to vector<16xf32>
      %swap3A_116 = vector.shape_cast %scan3A_100 : vector<16xf32> to vector<1x16xf32>
      tpu.vector_store %arg14[%swap3A, %swap3A_113], %swap3A_116 {strides = array<i32>} : memref<128x16xf32, #tpu.memory_space<vmem>>, vector<1x16xf32>,
      %broadcast_in_dim3A_117 = arith.constant 0.000000e+00 : f32
      %broadcast_in_dim3A_118 = vector.broadcast %broadcast_in_dim3A_117 : f32 to vector<16xf32>
      %add3A_119 = arith.constant 2 : i32
      %add3A_120 = arith.addi %mul3A_69, %add3A_119 : i32
      %dma_wait3A_121 = arith.constant 0 : i32
      %dma_wait3A_122 = tpu.memref_slice %arg5[%add3A_120, %dma_wait3A_121] : memref<256x100xi32, #tpu.memory_space<vmem>> -> memref<1x100xi32, #tpu.memory_space<vmem>>
      %dma_wait3A_123 = tpu.memref_squeeze %dma_wait3A_122 : memref<1x100xi32, #tpu.memory_space<vmem>> -> memref<100xi32, #tpu.memory_space<vmem>>
      %dma_wait3A_124 = arith.constant 0 : i32
      %dma_wait3A_125 = arith.constant 0 : i32
      %dma_wait3A_126 = tpu.memref_slice %arg3[%dma_wait3A_124, %dma_wait3A_125] : memref<1000000x16xf32, #tpu.memory_space<hbm>> -> memref<1000000x16xf32, #tpu.memory_space<hbm>>
      tpu.wait_indirect_dma semaphore(%arg17 : memref<!tpu.dma_semaphore, #tpu.memory_space<semaphore_mem>>) src(%dma_wait3A_126 : memref<1000000x16xf32, #tpu.memory_space<hbm>>) dst(%arg8 : memref<100x16xf32, #tpu.memory_space<vmem>>)
      %scan3A_127 = arith.constant 0 : i32
      %scan3A_128 = arith.constant 25 : i32
      %scan3A_129 = arith.addi %scan3A_127, %scan3A_128 : i32
      %scan3A_130 = arith.constant 1 : i32
      %scan3A_131 = scf.for %scan3A_277 = %scan3A_127 to %scan3A_129 step %scan3A_130 iter_args(%scan3A_278 = %broadcast_in_dim3A_118) -> (vector<16xf32>)  : i32 {
        %mul3A_279 = arith.constant 4 : i32
        %mul3A_280 = arith.muli %scan3A_277, %mul3A_279 : i32
        %add3A_281 = arith.constant 0 : i32
        %add3A_282 = arith.addi %mul3A_280, %add3A_281 : i32
        %get3A = arith.index_cast %add3A_282 : i32 to index
        %get3A_283 = arith.constant 0 : index
        %get3A_284 = tpu.vector_load %arg8[%get3A, %get3A_283] {strides = array<i32>} : memref<100x16xf32, #tpu.memory_space<vmem>>, vector<1x16xf32>,
        %get3A_285 = vector.shape_cast %get3A_284 : vector<1x16xf32> to vector<16xf32>
        %add3A_286 = arith.addf %scan3A_278, %get3A_285 : vector<16xf32>
        %mul3A_287 = arith.constant 4 : i32
        %mul3A_288 = arith.muli %scan3A_277, %mul3A_287 : i32
        %add3A_289 = arith.constant 1 : i32
        %add3A_290 = arith.addi %mul3A_288, %add3A_289 : i32
        %get3A_291 = arith.index_cast %add3A_290 : i32 to index
        %get3A_292 = arith.constant 0 : index
        %get3A_293 = tpu.vector_load %arg8[%get3A_291, %get3A_292] {strides = array<i32>} : memref<100x16xf32, #tpu.memory_space<vmem>>, vector<1x16xf32>,
        %get3A_294 = vector.shape_cast %get3A_293 : vector<1x16xf32> to vector<16xf32>
        %add3A_295 = arith.addf %add3A_286, %get3A_294 : vector<16xf32>
        %mul3A_296 = arith.constant 4 : i32
        %mul3A_297 = arith.muli %scan3A_277, %mul3A_296 : i32
        %add3A_298 = arith.constant 2 : i32
        %add3A_299 = arith.addi %mul3A_297, %add3A_298 : i32
        %get3A_300 = arith.index_cast %add3A_299 : i32 to index
        %get3A_301 = arith.constant 0 : index
        %get3A_302 = tpu.vector_load %arg8[%get3A_300, %get3A_301] {strides = array<i32>} : memref<100x16xf32, #tpu.memory_space<vmem>>, vector<1x16xf32>,
        %get3A_303 = vector.shape_cast %get3A_302 : vector<1x16xf32> to vector<16xf32>
        %add3A_304 = arith.addf %add3A_295, %get3A_303 : vector<16xf32>
        %mul3A_305 = arith.constant 4 : i32
        %mul3A_306 = arith.muli %scan3A_277, %mul3A_305 : i32
        %add3A_307 = arith.constant 3 : i32
        %add3A_308 = arith.addi %mul3A_306, %add3A_307 : i32
        %get3A_309 = arith.index_cast %add3A_308 : i32 to index
        %get3A_310 = arith.constant 0 : index
        %get3A_311 = tpu.vector_load %arg8[%get3A_309, %get3A_310] {strides = array<i32>} : memref<100x16xf32, #tpu.memory_space<vmem>>, vector<1x16xf32>,
        %get3A_312 = vector.shape_cast %get3A_311 : vector<1x16xf32> to vector<16xf32>
        %add3A_313 = arith.addf %add3A_304, %get3A_312 : vector<16xf32>
        scf.yield %add3A_313 : vector<16xf32>
      }
      %scan3A_132 = arith.constant 25 : i32
      %add3A_133 = arith.constant 8 : i32
      %add3A_134 = arith.addi %add3A_120, %add3A_133 : i32
      %lt3A_135 = arith.constant 256 : i32
      %lt3A_136 = arith.cmpi slt, %add3A_134, %lt3A_135 : i32
      %convert_element_type3A_137 = arith.extui %lt3A_136 : i1 to i32
      %cond3A_138 = arith.constant 0 : i32
      %cond3A_139 = arith.cmpi ne, %convert_element_type3A_137, %cond3A_138 : i32
      scf.if %cond3A_139 {
        %add3A_277 = arith.constant 8 : i32
        %add3A_278 = arith.addi %add3A_120, %add3A_277 : i32
        %dma_start3A_279 = arith.constant 0 : i32
        %dma_start3A_280 = tpu.memref_slice %arg5[%add3A_278, %dma_start3A_279] : memref<256x100xi32, #tpu.memory_space<vmem>> -> memref<1x100xi32, #tpu.memory_space<vmem>>
        %dma_start3A_281 = tpu.memref_squeeze %dma_start3A_280 : memref<1x100xi32, #tpu.memory_space<vmem>> -> memref<100xi32, #tpu.memory_space<vmem>>
        %dma_start3A_282 = arith.constant 0 : i32
        %dma_start3A_283 = arith.constant 0 : i32
        %dma_start3A_284 = tpu.memref_slice %arg3[%dma_start3A_282, %dma_start3A_283] : memref<1000000x16xf32, #tpu.memory_space<hbm>> -> memref<1000000x16xf32, #tpu.memory_space<hbm>>
        tpu.enqueue_indirect_dma source(%dma_start3A_284 : memref<1000000x16xf32, #tpu.memory_space<hbm>>) target(%arg8 : memref<100x16xf32, #tpu.memory_space<vmem>>) offsets(%dma_start3A_281 : memref<100xi32, #tpu.memory_space<vmem>>) semaphore(%arg17 : memref<!tpu.dma_semaphore, #tpu.memory_space<semaphore_mem>>)
      } else {
      }
      %add3A_140 = arith.constant 3 : i32
      %add3A_141 = arith.addi %mul3A_69, %add3A_140 : i32
      %dma_wait3A_142 = arith.constant 0 : i32
      %dma_wait3A_143 = tpu.memref_slice %arg5[%add3A_141, %dma_wait3A_142] : memref<256x100xi32, #tpu.memory_space<vmem>> -> memref<1x100xi32, #tpu.memory_space<vmem>>
      %dma_wait3A_144 = tpu.memref_squeeze %dma_wait3A_143 : memref<1x100xi32, #tpu.memory_space<vmem>> -> memref<100xi32, #tpu.memory_space<vmem>>
      %dma_wait3A_145 = arith.constant 0 : i32
      %dma_wait3A_146 = arith.constant 0 : i32
      %dma_wait3A_147 = tpu.memref_slice %arg3[%dma_wait3A_145, %dma_wait3A_146] : memref<1000000x16xf32, #tpu.memory_space<hbm>> -> memref<1000000x16xf32, #tpu.memory_space<hbm>>
      tpu.wait_indirect_dma semaphore(%arg18 : memref<!tpu.dma_semaphore, #tpu.memory_space<semaphore_mem>>) src(%dma_wait3A_147 : memref<1000000x16xf32, #tpu.memory_space<hbm>>) dst(%arg9 : memref<100x16xf32, #tpu.memory_space<vmem>>)
      %scan3A_148 = arith.constant 0 : i32
      %scan3A_149 = arith.constant 25 : i32
      %scan3A_150 = arith.addi %scan3A_148, %scan3A_149 : i32
      %scan3A_151 = arith.constant 1 : i32
      %scan3A_152 = scf.for %scan3A_277 = %scan3A_148 to %scan3A_150 step %scan3A_151 iter_args(%scan3A_278 = %scan3A_131) -> (vector<16xf32>)  : i32 {
        %mul3A_279 = arith.constant 4 : i32
        %mul3A_280 = arith.muli %scan3A_277, %mul3A_279 : i32
        %add3A_281 = arith.constant 0 : i32
        %add3A_282 = arith.addi %mul3A_280, %add3A_281 : i32
        %get3A = arith.index_cast %add3A_282 : i32 to index
        %get3A_283 = arith.constant 0 : index
        %get3A_284 = tpu.vector_load %arg9[%get3A, %get3A_283] {strides = array<i32>} : memref<100x16xf32, #tpu.memory_space<vmem>>, vector<1x16xf32>,
        %get3A_285 = vector.shape_cast %get3A_284 : vector<1x16xf32> to vector<16xf32>
        %add3A_286 = arith.addf %scan3A_278, %get3A_285 : vector<16xf32>
        %mul3A_287 = arith.constant 4 : i32
        %mul3A_288 = arith.muli %scan3A_277, %mul3A_287 : i32
        %add3A_289 = arith.constant 1 : i32
        %add3A_290 = arith.addi %mul3A_288, %add3A_289 : i32
        %get3A_291 = arith.index_cast %add3A_290 : i32 to index
        %get3A_292 = arith.constant 0 : index
        %get3A_293 = tpu.vector_load %arg9[%get3A_291, %get3A_292] {strides = array<i32>} : memref<100x16xf32, #tpu.memory_space<vmem>>, vector<1x16xf32>,
        %get3A_294 = vector.shape_cast %get3A_293 : vector<1x16xf32> to vector<16xf32>
        %add3A_295 = arith.addf %add3A_286, %get3A_294 : vector<16xf32>
        %mul3A_296 = arith.constant 4 : i32
        %mul3A_297 = arith.muli %scan3A_277, %mul3A_296 : i32
        %add3A_298 = arith.constant 2 : i32
        %add3A_299 = arith.addi %mul3A_297, %add3A_298 : i32
        %get3A_300 = arith.index_cast %add3A_299 : i32 to index
        %get3A_301 = arith.constant 0 : index
        %get3A_302 = tpu.vector_load %arg9[%get3A_300, %get3A_301] {strides = array<i32>} : memref<100x16xf32, #tpu.memory_space<vmem>>, vector<1x16xf32>,
        %get3A_303 = vector.shape_cast %get3A_302 : vector<1x16xf32> to vector<16xf32>
        %add3A_304 = arith.addf %add3A_295, %get3A_303 : vector<16xf32>
        %mul3A_305 = arith.constant 4 : i32
        %mul3A_306 = arith.muli %scan3A_277, %mul3A_305 : i32
        %add3A_307 = arith.constant 3 : i32
        %add3A_308 = arith.addi %mul3A_306, %add3A_307 : i32
        %get3A_309 = arith.index_cast %add3A_308 : i32 to index
        %get3A_310 = arith.constant 0 : index
        %get3A_311 = tpu.vector_load %arg9[%get3A_309, %get3A_310] {strides = array<i32>} : memref<100x16xf32, #tpu.memory_space<vmem>>, vector<1x16xf32>,
        %get3A_312 = vector.shape_cast %get3A_311 : vector<1x16xf32> to vector<16xf32>
        %add3A_313 = arith.addf %add3A_304, %get3A_312 : vector<16xf32>
        scf.yield %add3A_313 : vector<16xf32>
      }
      %scan3A_153 = arith.constant 25 : i32
      %add3A_154 = arith.constant 8 : i32
      %add3A_155 = arith.addi %add3A_141, %add3A_154 : i32
      %lt3A_156 = arith.constant 256 : i32
      %lt3A_157 = arith.cmpi slt, %add3A_155, %lt3A_156 : i32
      %convert_element_type3A_158 = arith.extui %lt3A_157 : i1 to i32
      %cond3A_159 = arith.constant 0 : i32
      %cond3A_160 = arith.cmpi ne, %convert_element_type3A_158, %cond3A_159 : i32
      scf.if %cond3A_160 {
        %add3A_277 = arith.constant 8 : i32
        %add3A_278 = arith.addi %add3A_141, %add3A_277 : i32
        %dma_start3A_279 = arith.constant 0 : i32
        %dma_start3A_280 = tpu.memref_slice %arg5[%add3A_278, %dma_start3A_279] : memref<256x100xi32, #tpu.memory_space<vmem>> -> memref<1x100xi32, #tpu.memory_space<vmem>>
        %dma_start3A_281 = tpu.memref_squeeze %dma_start3A_280 : memref<1x100xi32, #tpu.memory_space<vmem>> -> memref<100xi32, #tpu.memory_space<vmem>>
        %dma_start3A_282 = arith.constant 0 : i32
        %dma_start3A_283 = arith.constant 0 : i32
        %dma_start3A_284 = tpu.memref_slice %arg3[%dma_start3A_282, %dma_start3A_283] : memref<1000000x16xf32, #tpu.memory_space<hbm>> -> memref<1000000x16xf32, #tpu.memory_space<hbm>>
        tpu.enqueue_indirect_dma source(%dma_start3A_284 : memref<1000000x16xf32, #tpu.memory_space<hbm>>) target(%arg9 : memref<100x16xf32, #tpu.memory_space<vmem>>) offsets(%dma_start3A_281 : memref<100xi32, #tpu.memory_space<vmem>>) semaphore(%arg18 : memref<!tpu.dma_semaphore, #tpu.memory_space<semaphore_mem>>)
      } else {
      }
      %mul3A_161 = arith.constant 4 : i32
      %mul3A_162 = arith.muli %scan3A_66, %mul3A_161 : i32
      %add3A_163 = arith.constant 1 : i32
      %add3A_164 = arith.addi %mul3A_162, %add3A_163 : i32
      %swap3A_165 = arith.index_cast %add3A_164 : i32 to index
      %swap3A_166 = arith.constant 0 : index
      %swap3A_167 = tpu.vector_load %arg14[%swap3A_165, %swap3A_166] {strides = array<i32>} : memref<128x16xf32, #tpu.memory_space<vmem>>, vector<1x16xf32>,
      %swap3A_168 = vector.shape_cast %swap3A_167 : vector<1x16xf32> to vector<16xf32>
      %swap3A_169 = vector.shape_cast %scan3A_152 : vector<16xf32> to vector<1x16xf32>
      tpu.vector_store %arg14[%swap3A_165, %swap3A_166], %swap3A_169 {strides = array<i32>} : memref<128x16xf32, #tpu.memory_space<vmem>>, vector<1x16xf32>,
      %broadcast_in_dim3A_170 = arith.constant 0.000000e+00 : f32
      %broadcast_in_dim3A_171 = vector.broadcast %broadcast_in_dim3A_170 : f32 to vector<16xf32>
      %add3A_172 = arith.constant 4 : i32
      %add3A_173 = arith.addi %mul3A_69, %add3A_172 : i32
      %dma_wait3A_174 = arith.constant 0 : i32
      %dma_wait3A_175 = tpu.memref_slice %arg5[%add3A_173, %dma_wait3A_174] : memref<256x100xi32, #tpu.memory_space<vmem>> -> memref<1x100xi32, #tpu.memory_space<vmem>>
      %dma_wait3A_176 = tpu.memref_squeeze %dma_wait3A_175 : memref<1x100xi32, #tpu.memory_space<vmem>> -> memref<100xi32, #tpu.memory_space<vmem>>
      %dma_wait3A_177 = arith.constant 0 : i32
      %dma_wait3A_178 = arith.constant 0 : i32
      %dma_wait3A_179 = tpu.memref_slice %arg3[%dma_wait3A_177, %dma_wait3A_178] : memref<1000000x16xf32, #tpu.memory_space<hbm>> -> memref<1000000x16xf32, #tpu.memory_space<hbm>>
      tpu.wait_indirect_dma semaphore(%arg19 : memref<!tpu.dma_semaphore, #tpu.memory_space<semaphore_mem>>) src(%dma_wait3A_179 : memref<1000000x16xf32, #tpu.memory_space<hbm>>) dst(%arg10 : memref<100x16xf32, #tpu.memory_space<vmem>>)
      %scan3A_180 = arith.constant 0 : i32
      %scan3A_181 = arith.constant 25 : i32
      %scan3A_182 = arith.addi %scan3A_180, %scan3A_181 : i32
      %scan3A_183 = arith.constant 1 : i32
      %scan3A_184 = scf.for %scan3A_277 = %scan3A_180 to %scan3A_182 step %scan3A_183 iter_args(%scan3A_278 = %broadcast_in_dim3A_171) -> (vector<16xf32>)  : i32 {
        %mul3A_279 = arith.constant 4 : i32
        %mul3A_280 = arith.muli %scan3A_277, %mul3A_279 : i32
        %add3A_281 = arith.constant 0 : i32
        %add3A_282 = arith.addi %mul3A_280, %add3A_281 : i32
        %get3A = arith.index_cast %add3A_282 : i32 to index
        %get3A_283 = arith.constant 0 : index
        %get3A_284 = tpu.vector_load %arg10[%get3A, %get3A_283] {strides = array<i32>} : memref<100x16xf32, #tpu.memory_space<vmem>>, vector<1x16xf32>,
        %get3A_285 = vector.shape_cast %get3A_284 : vector<1x16xf32> to vector<16xf32>
        %add3A_286 = arith.addf %scan3A_278, %get3A_285 : vector<16xf32>
        %mul3A_287 = arith.constant 4 : i32
        %mul3A_288 = arith.muli %scan3A_277, %mul3A_287 : i32
        %add3A_289 = arith.constant 1 : i32
        %add3A_290 = arith.addi %mul3A_288, %add3A_289 : i32
        %get3A_291 = arith.index_cast %add3A_290 : i32 to index
        %get3A_292 = arith.constant 0 : index
        %get3A_293 = tpu.vector_load %arg10[%get3A_291, %get3A_292] {strides = array<i32>} : memref<100x16xf32, #tpu.memory_space<vmem>>, vector<1x16xf32>,
        %get3A_294 = vector.shape_cast %get3A_293 : vector<1x16xf32> to vector<16xf32>
        %add3A_295 = arith.addf %add3A_286, %get3A_294 : vector<16xf32>
        %mul3A_296 = arith.constant 4 : i32
        %mul3A_297 = arith.muli %scan3A_277, %mul3A_296 : i32
        %add3A_298 = arith.constant 2 : i32
        %add3A_299 = arith.addi %mul3A_297, %add3A_298 : i32
        %get3A_300 = arith.index_cast %add3A_299 : i32 to index
        %get3A_301 = arith.constant 0 : index
        %get3A_302 = tpu.vector_load %arg10[%get3A_300, %get3A_301] {strides = array<i32>} : memref<100x16xf32, #tpu.memory_space<vmem>>, vector<1x16xf32>,
        %get3A_303 = vector.shape_cast %get3A_302 : vector<1x16xf32> to vector<16xf32>
        %add3A_304 = arith.addf %add3A_295, %get3A_303 : vector<16xf32>
        %mul3A_305 = arith.constant 4 : i32
        %mul3A_306 = arith.muli %scan3A_277, %mul3A_305 : i32
        %add3A_307 = arith.constant 3 : i32
        %add3A_308 = arith.addi %mul3A_306, %add3A_307 : i32
        %get3A_309 = arith.index_cast %add3A_308 : i32 to index
        %get3A_310 = arith.constant 0 : index
        %get3A_311 = tpu.vector_load %arg10[%get3A_309, %get3A_310] {strides = array<i32>} : memref<100x16xf32, #tpu.memory_space<vmem>>, vector<1x16xf32>,
        %get3A_312 = vector.shape_cast %get3A_311 : vector<1x16xf32> to vector<16xf32>
        %add3A_313 = arith.addf %add3A_304, %get3A_312 : vector<16xf32>
        scf.yield %add3A_313 : vector<16xf32>
      }
      %scan3A_185 = arith.constant 25 : i32
      %add3A_186 = arith.constant 8 : i32
      %add3A_187 = arith.addi %add3A_173, %add3A_186 : i32
      %lt3A_188 = arith.constant 256 : i32
      %lt3A_189 = arith.cmpi slt, %add3A_187, %lt3A_188 : i32
      %convert_element_type3A_190 = arith.extui %lt3A_189 : i1 to i32
      %cond3A_191 = arith.constant 0 : i32
      %cond3A_192 = arith.cmpi ne, %convert_element_type3A_190, %cond3A_191 : i32
      scf.if %cond3A_192 {
        %add3A_277 = arith.constant 8 : i32
        %add3A_278 = arith.addi %add3A_173, %add3A_277 : i32
        %dma_start3A_279 = arith.constant 0 : i32
        %dma_start3A_280 = tpu.memref_slice %arg5[%add3A_278, %dma_start3A_279] : memref<256x100xi32, #tpu.memory_space<vmem>> -> memref<1x100xi32, #tpu.memory_space<vmem>>
        %dma_start3A_281 = tpu.memref_squeeze %dma_start3A_280 : memref<1x100xi32, #tpu.memory_space<vmem>> -> memref<100xi32, #tpu.memory_space<vmem>>
        %dma_start3A_282 = arith.constant 0 : i32
        %dma_start3A_283 = arith.constant 0 : i32
        %dma_start3A_284 = tpu.memref_slice %arg3[%dma_start3A_282, %dma_start3A_283] : memref<1000000x16xf32, #tpu.memory_space<hbm>> -> memref<1000000x16xf32, #tpu.memory_space<hbm>>
        tpu.enqueue_indirect_dma source(%dma_start3A_284 : memref<1000000x16xf32, #tpu.memory_space<hbm>>) target(%arg10 : memref<100x16xf32, #tpu.memory_space<vmem>>) offsets(%dma_start3A_281 : memref<100xi32, #tpu.memory_space<vmem>>) semaphore(%arg19 : memref<!tpu.dma_semaphore, #tpu.memory_space<semaphore_mem>>)
      } else {
      }
      %add3A_193 = arith.constant 5 : i32
      %add3A_194 = arith.addi %mul3A_69, %add3A_193 : i32
      %dma_wait3A_195 = arith.constant 0 : i32
      %dma_wait3A_196 = tpu.memref_slice %arg5[%add3A_194, %dma_wait3A_195] : memref<256x100xi32, #tpu.memory_space<vmem>> -> memref<1x100xi32, #tpu.memory_space<vmem>>
      %dma_wait3A_197 = tpu.memref_squeeze %dma_wait3A_196 : memref<1x100xi32, #tpu.memory_space<vmem>> -> memref<100xi32, #tpu.memory_space<vmem>>
      %dma_wait3A_198 = arith.constant 0 : i32
      %dma_wait3A_199 = arith.constant 0 : i32
      %dma_wait3A_200 = tpu.memref_slice %arg3[%dma_wait3A_198, %dma_wait3A_199] : memref<1000000x16xf32, #tpu.memory_space<hbm>> -> memref<1000000x16xf32, #tpu.memory_space<hbm>>
      tpu.wait_indirect_dma semaphore(%arg20 : memref<!tpu.dma_semaphore, #tpu.memory_space<semaphore_mem>>) src(%dma_wait3A_200 : memref<1000000x16xf32, #tpu.memory_space<hbm>>) dst(%arg11 : memref<100x16xf32, #tpu.memory_space<vmem>>)
      %scan3A_201 = arith.constant 0 : i32
      %scan3A_202 = arith.constant 25 : i32
      %scan3A_203 = arith.addi %scan3A_201, %scan3A_202 : i32
      %scan3A_204 = arith.constant 1 : i32
      %scan3A_205 = scf.for %scan3A_277 = %scan3A_201 to %scan3A_203 step %scan3A_204 iter_args(%scan3A_278 = %scan3A_184) -> (vector<16xf32>)  : i32 {
        %mul3A_279 = arith.constant 4 : i32
        %mul3A_280 = arith.muli %scan3A_277, %mul3A_279 : i32
        %add3A_281 = arith.constant 0 : i32
        %add3A_282 = arith.addi %mul3A_280, %add3A_281 : i32
        %get3A = arith.index_cast %add3A_282 : i32 to index
        %get3A_283 = arith.constant 0 : index
        %get3A_284 = tpu.vector_load %arg11[%get3A, %get3A_283] {strides = array<i32>} : memref<100x16xf32, #tpu.memory_space<vmem>>, vector<1x16xf32>,
        %get3A_285 = vector.shape_cast %get3A_284 : vector<1x16xf32> to vector<16xf32>
        %add3A_286 = arith.addf %scan3A_278, %get3A_285 : vector<16xf32>
        %mul3A_287 = arith.constant 4 : i32
        %mul3A_288 = arith.muli %scan3A_277, %mul3A_287 : i32
        %add3A_289 = arith.constant 1 : i32
        %add3A_290 = arith.addi %mul3A_288, %add3A_289 : i32
        %get3A_291 = arith.index_cast %add3A_290 : i32 to index
        %get3A_292 = arith.constant 0 : index
        %get3A_293 = tpu.vector_load %arg11[%get3A_291, %get3A_292] {strides = array<i32>} : memref<100x16xf32, #tpu.memory_space<vmem>>, vector<1x16xf32>,
        %get3A_294 = vector.shape_cast %get3A_293 : vector<1x16xf32> to vector<16xf32>
        %add3A_295 = arith.addf %add3A_286, %get3A_294 : vector<16xf32>
        %mul3A_296 = arith.constant 4 : i32
        %mul3A_297 = arith.muli %scan3A_277, %mul3A_296 : i32
        %add3A_298 = arith.constant 2 : i32
        %add3A_299 = arith.addi %mul3A_297, %add3A_298 : i32
        %get3A_300 = arith.index_cast %add3A_299 : i32 to index
        %get3A_301 = arith.constant 0 : index
        %get3A_302 = tpu.vector_load %arg11[%get3A_300, %get3A_301] {strides = array<i32>} : memref<100x16xf32, #tpu.memory_space<vmem>>, vector<1x16xf32>,
        %get3A_303 = vector.shape_cast %get3A_302 : vector<1x16xf32> to vector<16xf32>
        %add3A_304 = arith.addf %add3A_295, %get3A_303 : vector<16xf32>
        %mul3A_305 = arith.constant 4 : i32
        %mul3A_306 = arith.muli %scan3A_277, %mul3A_305 : i32
        %add3A_307 = arith.constant 3 : i32
        %add3A_308 = arith.addi %mul3A_306, %add3A_307 : i32
        %get3A_309 = arith.index_cast %add3A_308 : i32 to index
        %get3A_310 = arith.constant 0 : index
        %get3A_311 = tpu.vector_load %arg11[%get3A_309, %get3A_310] {strides = array<i32>} : memref<100x16xf32, #tpu.memory_space<vmem>>, vector<1x16xf32>,
        %get3A_312 = vector.shape_cast %get3A_311 : vector<1x16xf32> to vector<16xf32>
        %add3A_313 = arith.addf %add3A_304, %get3A_312 : vector<16xf32>
        scf.yield %add3A_313 : vector<16xf32>
      }
      %scan3A_206 = arith.constant 25 : i32
      %add3A_207 = arith.constant 8 : i32
      %add3A_208 = arith.addi %add3A_194, %add3A_207 : i32
      %lt3A_209 = arith.constant 256 : i32
      %lt3A_210 = arith.cmpi slt, %add3A_208, %lt3A_209 : i32
      %convert_element_type3A_211 = arith.extui %lt3A_210 : i1 to i32
      %cond3A_212 = arith.constant 0 : i32
      %cond3A_213 = arith.cmpi ne, %convert_element_type3A_211, %cond3A_212 : i32
      scf.if %cond3A_213 {
        %add3A_277 = arith.constant 8 : i32
        %add3A_278 = arith.addi %add3A_194, %add3A_277 : i32
        %dma_start3A_279 = arith.constant 0 : i32
        %dma_start3A_280 = tpu.memref_slice %arg5[%add3A_278, %dma_start3A_279] : memref<256x100xi32, #tpu.memory_space<vmem>> -> memref<1x100xi32, #tpu.memory_space<vmem>>
        %dma_start3A_281 = tpu.memref_squeeze %dma_start3A_280 : memref<1x100xi32, #tpu.memory_space<vmem>> -> memref<100xi32, #tpu.memory_space<vmem>>
        %dma_start3A_282 = arith.constant 0 : i32
        %dma_start3A_283 = arith.constant 0 : i32
        %dma_start3A_284 = tpu.memref_slice %arg3[%dma_start3A_282, %dma_start3A_283] : memref<1000000x16xf32, #tpu.memory_space<hbm>> -> memref<1000000x16xf32, #tpu.memory_space<hbm>>
        tpu.enqueue_indirect_dma source(%dma_start3A_284 : memref<1000000x16xf32, #tpu.memory_space<hbm>>) target(%arg11 : memref<100x16xf32, #tpu.memory_space<vmem>>) offsets(%dma_start3A_281 : memref<100xi32, #tpu.memory_space<vmem>>) semaphore(%arg20 : memref<!tpu.dma_semaphore, #tpu.memory_space<semaphore_mem>>)
      } else {
      }
      %mul3A_214 = arith.constant 4 : i32
      %mul3A_215 = arith.muli %scan3A_66, %mul3A_214 : i32
      %add3A_216 = arith.constant 2 : i32
      %add3A_217 = arith.addi %mul3A_215, %add3A_216 : i32
      %swap3A_218 = arith.index_cast %add3A_217 : i32 to index
      %swap3A_219 = arith.constant 0 : index
      %swap3A_220 = tpu.vector_load %arg14[%swap3A_218, %swap3A_219] {strides = array<i32>} : memref<128x16xf32, #tpu.memory_space<vmem>>, vector<1x16xf32>,
      %swap3A_221 = vector.shape_cast %swap3A_220 : vector<1x16xf32> to vector<16xf32>
      %swap3A_222 = vector.shape_cast %scan3A_205 : vector<16xf32> to vector<1x16xf32>
      tpu.vector_store %arg14[%swap3A_218, %swap3A_219], %swap3A_222 {strides = array<i32>} : memref<128x16xf32, #tpu.memory_space<vmem>>, vector<1x16xf32>,
      %broadcast_in_dim3A_223 = arith.constant 0.000000e+00 : f32
      %broadcast_in_dim3A_224 = vector.broadcast %broadcast_in_dim3A_223 : f32 to vector<16xf32>
      %add3A_225 = arith.constant 6 : i32
      %add3A_226 = arith.addi %mul3A_69, %add3A_225 : i32
      %dma_wait3A_227 = arith.constant 0 : i32
      %dma_wait3A_228 = tpu.memref_slice %arg5[%add3A_226, %dma_wait3A_227] : memref<256x100xi32, #tpu.memory_space<vmem>> -> memref<1x100xi32, #tpu.memory_space<vmem>>
      %dma_wait3A_229 = tpu.memref_squeeze %dma_wait3A_228 : memref<1x100xi32, #tpu.memory_space<vmem>> -> memref<100xi32, #tpu.memory_space<vmem>>
      %dma_wait3A_230 = arith.constant 0 : i32
      %dma_wait3A_231 = arith.constant 0 : i32
      %dma_wait3A_232 = tpu.memref_slice %arg3[%dma_wait3A_230, %dma_wait3A_231] : memref<1000000x16xf32, #tpu.memory_space<hbm>> -> memref<1000000x16xf32, #tpu.memory_space<hbm>>
      tpu.wait_indirect_dma semaphore(%arg21 : memref<!tpu.dma_semaphore, #tpu.memory_space<semaphore_mem>>) src(%dma_wait3A_232 : memref<1000000x16xf32, #tpu.memory_space<hbm>>) dst(%arg12 : memref<100x16xf32, #tpu.memory_space<vmem>>)
      %scan3A_233 = arith.constant 0 : i32
      %scan3A_234 = arith.constant 25 : i32
      %scan3A_235 = arith.addi %scan3A_233, %scan3A_234 : i32
      %scan3A_236 = arith.constant 1 : i32
      %scan3A_237 = scf.for %scan3A_277 = %scan3A_233 to %scan3A_235 step %scan3A_236 iter_args(%scan3A_278 = %broadcast_in_dim3A_224) -> (vector<16xf32>)  : i32 {
        %mul3A_279 = arith.constant 4 : i32
        %mul3A_280 = arith.muli %scan3A_277, %mul3A_279 : i32
        %add3A_281 = arith.constant 0 : i32
        %add3A_282 = arith.addi %mul3A_280, %add3A_281 : i32
        %get3A = arith.index_cast %add3A_282 : i32 to index
        %get3A_283 = arith.constant 0 : index
        %get3A_284 = tpu.vector_load %arg12[%get3A, %get3A_283] {strides = array<i32>} : memref<100x16xf32, #tpu.memory_space<vmem>>, vector<1x16xf32>,
        %get3A_285 = vector.shape_cast %get3A_284 : vector<1x16xf32> to vector<16xf32>
        %add3A_286 = arith.addf %scan3A_278, %get3A_285 : vector<16xf32>
        %mul3A_287 = arith.constant 4 : i32
        %mul3A_288 = arith.muli %scan3A_277, %mul3A_287 : i32
        %add3A_289 = arith.constant 1 : i32
        %add3A_290 = arith.addi %mul3A_288, %add3A_289 : i32
        %get3A_291 = arith.index_cast %add3A_290 : i32 to index
        %get3A_292 = arith.constant 0 : index
        %get3A_293 = tpu.vector_load %arg12[%get3A_291, %get3A_292] {strides = array<i32>} : memref<100x16xf32, #tpu.memory_space<vmem>>, vector<1x16xf32>,
        %get3A_294 = vector.shape_cast %get3A_293 : vector<1x16xf32> to vector<16xf32>
        %add3A_295 = arith.addf %add3A_286, %get3A_294 : vector<16xf32>
        %mul3A_296 = arith.constant 4 : i32
        %mul3A_297 = arith.muli %scan3A_277, %mul3A_296 : i32
        %add3A_298 = arith.constant 2 : i32
        %add3A_299 = arith.addi %mul3A_297, %add3A_298 : i32
        %get3A_300 = arith.index_cast %add3A_299 : i32 to index
        %get3A_301 = arith.constant 0 : index
        %get3A_302 = tpu.vector_load %arg12[%get3A_300, %get3A_301] {strides = array<i32>} : memref<100x16xf32, #tpu.memory_space<vmem>>, vector<1x16xf32>,
        %get3A_303 = vector.shape_cast %get3A_302 : vector<1x16xf32> to vector<16xf32>
        %add3A_304 = arith.addf %add3A_295, %get3A_303 : vector<16xf32>
        %mul3A_305 = arith.constant 4 : i32
        %mul3A_306 = arith.muli %scan3A_277, %mul3A_305 : i32
        %add3A_307 = arith.constant 3 : i32
        %add3A_308 = arith.addi %mul3A_306, %add3A_307 : i32
        %get3A_309 = arith.index_cast %add3A_308 : i32 to index
        %get3A_310 = arith.constant 0 : index
        %get3A_311 = tpu.vector_load %arg12[%get3A_309, %get3A_310] {strides = array<i32>} : memref<100x16xf32, #tpu.memory_space<vmem>>, vector<1x16xf32>,
        %get3A_312 = vector.shape_cast %get3A_311 : vector<1x16xf32> to vector<16xf32>
        %add3A_313 = arith.addf %add3A_304, %get3A_312 : vector<16xf32>
        scf.yield %add3A_313 : vector<16xf32>
      }
      %scan3A_238 = arith.constant 25 : i32
      %add3A_239 = arith.constant 8 : i32
      %add3A_240 = arith.addi %add3A_226, %add3A_239 : i32
      %lt3A_241 = arith.constant 256 : i32
      %lt3A_242 = arith.cmpi slt, %add3A_240, %lt3A_241 : i32
      %convert_element_type3A_243 = arith.extui %lt3A_242 : i1 to i32
      %cond3A_244 = arith.constant 0 : i32
      %cond3A_245 = arith.cmpi ne, %convert_element_type3A_243, %cond3A_244 : i32
      scf.if %cond3A_245 {
        %add3A_277 = arith.constant 8 : i32
        %add3A_278 = arith.addi %add3A_226, %add3A_277 : i32
        %dma_start3A_279 = arith.constant 0 : i32
        %dma_start3A_280 = tpu.memref_slice %arg5[%add3A_278, %dma_start3A_279] : memref<256x100xi32, #tpu.memory_space<vmem>> -> memref<1x100xi32, #tpu.memory_space<vmem>>
        %dma_start3A_281 = tpu.memref_squeeze %dma_start3A_280 : memref<1x100xi32, #tpu.memory_space<vmem>> -> memref<100xi32, #tpu.memory_space<vmem>>
        %dma_start3A_282 = arith.constant 0 : i32
        %dma_start3A_283 = arith.constant 0 : i32
        %dma_start3A_284 = tpu.memref_slice %arg3[%dma_start3A_282, %dma_start3A_283] : memref<1000000x16xf32, #tpu.memory_space<hbm>> -> memref<1000000x16xf32, #tpu.memory_space<hbm>>
        tpu.enqueue_indirect_dma source(%dma_start3A_284 : memref<1000000x16xf32, #tpu.memory_space<hbm>>) target(%arg12 : memref<100x16xf32, #tpu.memory_space<vmem>>) offsets(%dma_start3A_281 : memref<100xi32, #tpu.memory_space<vmem>>) semaphore(%arg21 : memref<!tpu.dma_semaphore, #tpu.memory_space<semaphore_mem>>)
      } else {
      }
      %add3A_246 = arith.constant 7 : i32
      %add3A_247 = arith.addi %mul3A_69, %add3A_246 : i32
      %dma_wait3A_248 = arith.constant 0 : i32
      %dma_wait3A_249 = tpu.memref_slice %arg5[%add3A_247, %dma_wait3A_248] : memref<256x100xi32, #tpu.memory_space<vmem>> -> memref<1x100xi32, #tpu.memory_space<vmem>>
      %dma_wait3A_250 = tpu.memref_squeeze %dma_wait3A_249 : memref<1x100xi32, #tpu.memory_space<vmem>> -> memref<100xi32, #tpu.memory_space<vmem>>
      %dma_wait3A_251 = arith.constant 0 : i32
      %dma_wait3A_252 = arith.constant 0 : i32
      %dma_wait3A_253 = tpu.memref_slice %arg3[%dma_wait3A_251, %dma_wait3A_252] : memref<1000000x16xf32, #tpu.memory_space<hbm>> -> memref<1000000x16xf32, #tpu.memory_space<hbm>>
      tpu.wait_indirect_dma semaphore(%arg22 : memref<!tpu.dma_semaphore, #tpu.memory_space<semaphore_mem>>) src(%dma_wait3A_253 : memref<1000000x16xf32, #tpu.memory_space<hbm>>) dst(%arg13 : memref<100x16xf32, #tpu.memory_space<vmem>>)
      %scan3A_254 = arith.constant 0 : i32
      %scan3A_255 = arith.constant 25 : i32
      %scan3A_256 = arith.addi %scan3A_254, %scan3A_255 : i32
      %scan3A_257 = arith.constant 1 : i32
      %scan3A_258 = scf.for %scan3A_277 = %scan3A_254 to %scan3A_256 step %scan3A_257 iter_args(%scan3A_278 = %scan3A_237) -> (vector<16xf32>)  : i32 {
        %mul3A_279 = arith.constant 4 : i32
        %mul3A_280 = arith.muli %scan3A_277, %mul3A_279 : i32
        %add3A_281 = arith.constant 0 : i32
        %add3A_282 = arith.addi %mul3A_280, %add3A_281 : i32
        %get3A = arith.index_cast %add3A_282 : i32 to index
        %get3A_283 = arith.constant 0 : index
        %get3A_284 = tpu.vector_load %arg13[%get3A, %get3A_283] {strides = array<i32>} : memref<100x16xf32, #tpu.memory_space<vmem>>, vector<1x16xf32>,
        %get3A_285 = vector.shape_cast %get3A_284 : vector<1x16xf32> to vector<16xf32>
        %add3A_286 = arith.addf %scan3A_278, %get3A_285 : vector<16xf32>
        %mul3A_287 = arith.constant 4 : i32
        %mul3A_288 = arith.muli %scan3A_277, %mul3A_287 : i32
        %add3A_289 = arith.constant 1 : i32
        %add3A_290 = arith.addi %mul3A_288, %add3A_289 : i32
        %get3A_291 = arith.index_cast %add3A_290 : i32 to index
        %get3A_292 = arith.constant 0 : index
        %get3A_293 = tpu.vector_load %arg13[%get3A_291, %get3A_292] {strides = array<i32>} : memref<100x16xf32, #tpu.memory_space<vmem>>, vector<1x16xf32>,
        %get3A_294 = vector.shape_cast %get3A_293 : vector<1x16xf32> to vector<16xf32>
        %add3A_295 = arith.addf %add3A_286, %get3A_294 : vector<16xf32>
        %mul3A_296 = arith.constant 4 : i32
        %mul3A_297 = arith.muli %scan3A_277, %mul3A_296 : i32
        %add3A_298 = arith.constant 2 : i32
        %add3A_299 = arith.addi %mul3A_297, %add3A_298 : i32
        %get3A_300 = arith.index_cast %add3A_299 : i32 to index
        %get3A_301 = arith.constant 0 : index
        %get3A_302 = tpu.vector_load %arg13[%get3A_300, %get3A_301] {strides = array<i32>} : memref<100x16xf32, #tpu.memory_space<vmem>>, vector<1x16xf32>,
        %get3A_303 = vector.shape_cast %get3A_302 : vector<1x16xf32> to vector<16xf32>
        %add3A_304 = arith.addf %add3A_295, %get3A_303 : vector<16xf32>
        %mul3A_305 = arith.constant 4 : i32
        %mul3A_306 = arith.muli %scan3A_277, %mul3A_305 : i32
        %add3A_307 = arith.constant 3 : i32
        %add3A_308 = arith.addi %mul3A_306, %add3A_307 : i32
        %get3A_309 = arith.index_cast %add3A_308 : i32 to index
        %get3A_310 = arith.constant 0 : index
        %get3A_311 = tpu.vector_load %arg13[%get3A_309, %get3A_310] {strides = array<i32>} : memref<100x16xf32, #tpu.memory_space<vmem>>, vector<1x16xf32>,
        %get3A_312 = vector.shape_cast %get3A_311 : vector<1x16xf32> to vector<16xf32>
        %add3A_313 = arith.addf %add3A_304, %get3A_312 : vector<16xf32>
        scf.yield %add3A_313 : vector<16xf32>
      }
      %scan3A_259 = arith.constant 25 : i32
      %add3A_260 = arith.constant 8 : i32
      %add3A_261 = arith.addi %add3A_247, %add3A_260 : i32
      %lt3A_262 = arith.constant 256 : i32
      %lt3A_263 = arith.cmpi slt, %add3A_261, %lt3A_262 : i32
      %convert_element_type3A_264 = arith.extui %lt3A_263 : i1 to i32
      %cond3A_265 = arith.constant 0 : i32
      %cond3A_266 = arith.cmpi ne, %convert_element_type3A_264, %cond3A_265 : i32
      scf.if %cond3A_266 {
        %add3A_277 = arith.constant 8 : i32
        %add3A_278 = arith.addi %add3A_247, %add3A_277 : i32
        %dma_start3A_279 = arith.constant 0 : i32
        %dma_start3A_280 = tpu.memref_slice %arg5[%add3A_278, %dma_start3A_279] : memref<256x100xi32, #tpu.memory_space<vmem>> -> memref<1x100xi32, #tpu.memory_space<vmem>>
        %dma_start3A_281 = tpu.memref_squeeze %dma_start3A_280 : memref<1x100xi32, #tpu.memory_space<vmem>> -> memref<100xi32, #tpu.memory_space<vmem>>
        %dma_start3A_282 = arith.constant 0 : i32
        %dma_start3A_283 = arith.constant 0 : i32
        %dma_start3A_284 = tpu.memref_slice %arg3[%dma_start3A_282, %dma_start3A_283] : memref<1000000x16xf32, #tpu.memory_space<hbm>> -> memref<1000000x16xf32, #tpu.memory_space<hbm>>
        tpu.enqueue_indirect_dma source(%dma_start3A_284 : memref<1000000x16xf32, #tpu.memory_space<hbm>>) target(%arg13 : memref<100x16xf32, #tpu.memory_space<vmem>>) offsets(%dma_start3A_281 : memref<100xi32, #tpu.memory_space<vmem>>) semaphore(%arg22 : memref<!tpu.dma_semaphore, #tpu.memory_space<semaphore_mem>>)
      } else {
      }
      %mul3A_267 = arith.constant 4 : i32
      %mul3A_268 = arith.muli %scan3A_66, %mul3A_267 : i32
      %add3A_269 = arith.constant 3 : i32
      %add3A_270 = arith.addi %mul3A_268, %add3A_269 : i32
      %swap3A_271 = arith.index_cast %add3A_270 : i32 to index
      %swap3A_272 = arith.constant 0 : index
      %swap3A_273 = tpu.vector_load %arg14[%swap3A_271, %swap3A_272] {strides = array<i32>} : memref<128x16xf32, #tpu.memory_space<vmem>>, vector<1x16xf32>,
      %swap3A_274 = vector.shape_cast %swap3A_273 : vector<1x16xf32> to vector<16xf32>
      %swap3A_275 = vector.shape_cast %scan3A_258 : vector<16xf32> to vector<1x16xf32>
      tpu.vector_store %arg14[%swap3A_271, %swap3A_272], %swap3A_275 {strides = array<i32>} : memref<128x16xf32, #tpu.memory_space<vmem>>, vector<1x16xf32>,
      %scan3A_276 = arith.constant 0 : i32
      scf.yield %scan3A_276 : i32
    }
    %scan3A_63 = arith.constant 32 : i32
    %mul3A_64 = arith.constant 128 : i32
    %mul3A_65 = arith.muli %add3A, %mul3A_64 : i32
    "tpu.region"() ({
      %run_scoped3A = tpu.sem_alloc : memref<!tpu.dma_semaphore, #tpu.memory_space<semaphore_mem>>
      %dma_start3A_66 = arith.constant 0 : i32
      %dma_start3A_67 = tpu.memref_slice %arg4[%mul3A_65, %dma_start3A_66] : memref<4096x16xf32, #tpu.memory_space<hbm>> -> memref<128x16xf32, #tpu.memory_space<hbm>>
      %dma_start3A_68 = arith.constant 0 : i32
      %dma_start3A_69 = tpu.memref_slice %arg4[%mul3A_65, %dma_start3A_68] : memref<4096x16xf32, #tpu.memory_space<hbm>> -> memref<128x16xf32, #tpu.memory_space<hbm>>
      tpu.enqueue_dma source(%arg14 : memref<128x16xf32, #tpu.memory_space<vmem>>) target(%dma_start3A_69 : memref<128x16xf32, #tpu.memory_space<hbm>>) target_semaphore(%run_scoped3A : memref<!tpu.dma_semaphore, #tpu.memory_space<semaphore_mem>>)
      %dma_wait3A = arith.constant 0 : i32
      %dma_wait3A_70 = tpu.memref_slice %arg4[%mul3A_65, %dma_wait3A] : memref<4096x16xf32, #tpu.memory_space<hbm>> -> memref<128x16xf32, #tpu.memory_space<hbm>>
      %dma_wait3A_71 = arith.constant 0 : i32
      %dma_wait3A_72 = tpu.memref_slice %arg4[%mul3A_65, %dma_wait3A_71] : memref<4096x16xf32, #tpu.memory_space<hbm>> -> memref<128x16xf32, #tpu.memory_space<hbm>>
      tpu.wait_dma2 semaphore(%run_scoped3A : memref<!tpu.dma_semaphore, #tpu.memory_space<semaphore_mem>>) src(%arg14 : memref<128x16xf32, #tpu.memory_space<vmem>>) dst(%dma_wait3A_72 : memref<128x16xf32, #tpu.memory_space<hbm>>)
      tpu.yield
    }) : () -> ()
    return
  }
}

module attributes {stable_mosaic.version = 14 : i64} {
  func.func @body(%arg0: i32, %arg1: memref<16x64xf32, #tpu.memory_space<vmem>>, %arg2: memref<64x8192xf32, #tpu.memory_space<vmem>>, %arg3: memref<16001024xf32, #tpu.memory_space<any>>, %arg4: memref<16x8192xf32, #tpu.memory_space<vmem>>, %arg5: memref<!tpu.dma_semaphore, #tpu.memory_space<semaphore_mem>>) attributes {dimension_semantics = [#tpu.dimension_semantics<arbitrary>], iteration_bounds = array<i64: 123>, scalar_prefetch = 0 : i64, scratch_operands = 2 : i64, tpu.core_type = #tpu.core_type<tc>, window_params = [{pipeline_mode = #tpu.pipeline_mode<synchronous>, transform_indices = @transform_0, window_bounds = array<i64: 16, 64>}, {transform_indices = @transform_1, window_bounds = array<i64: 64, 8192>}, {}]} {
    %get3A = arith.constant 0 : index
    %get3A_0 = arith.constant 0 : index
    %get3A_1 = vector.load %arg1[%get3A, %get3A_0] : memref<16x64xf32, #tpu.memory_space<vmem>>, vector<16x64xf32>
    %get3A_2 = arith.constant 0 : index
    %get3A_3 = arith.constant 0 : index
    %get3A_4 = vector.load %arg2[%get3A_2, %get3A_3] : memref<64x8192xf32, #tpu.memory_space<vmem>>, vector<64x8192xf32>
    %dot_general3A = arith.constant dense<0.000000e+00> : vector<16x8192xf32>
    %dot_general3A_5 = tpu.matmul %get3A_1, %get3A_4, %dot_general3A {dimension_numbers = #tpu.dot_dimension_numbers<[1], [0], [0], [1], [0, 0, 1, 1], [], []>, transpose_lhs_hint = false} : vector<16x64xf32>, vector<64x8192xf32>, vector<16x8192xf32> -> vector<16x8192xf32>
    %swap3A = arith.constant 0 : index
    %swap3A_6 = arith.constant 0 : index
    %swap3A_7 = vector.load %arg4[%swap3A, %swap3A_6] : memref<16x8192xf32, #tpu.memory_space<vmem>>, vector<16x8192xf32>
    tpu.vector_store %arg4[%swap3A, %swap3A_6], %dot_general3A_5 {strides = array<i32>} : memref<16x8192xf32, #tpu.memory_space<vmem>>, vector<16x8192xf32>,
    %lt3A = arith.constant 122 : i32
    %lt3A_8 = arith.cmpi slt, %arg0, %lt3A : i32
    %convert_element_type3A = arith.extui %lt3A_8 : i1 to i32
    %cond3A = arith.constant 0 : i32
    %cond3A_9 = arith.cmpi ne, %convert_element_type3A, %cond3A : i32
    scf.if %cond3A_9 {
      %mul3A = arith.constant 8192 : i32
      %mul3A_14 = arith.muli %arg0, %mul3A : i32
      %add3A = arith.constant 0 : i32
      %add3A_15 = arith.addi %add3A, %mul3A_14 : i32
      %mul3A_16 = arith.constant 8192 : i32
      %mul3A_17 = arith.muli %arg0, %mul3A_16 : i32
      %add3A_18 = arith.constant 1000064 : i32
      %add3A_19 = arith.addi %add3A_18, %mul3A_17 : i32
      %mul3A_20 = arith.constant 8192 : i32
      %mul3A_21 = arith.muli %arg0, %mul3A_20 : i32
      %add3A_22 = arith.constant 2000128 : i32
      %add3A_23 = arith.addi %add3A_22, %mul3A_21 : i32
      %mul3A_24 = arith.constant 8192 : i32
      %mul3A_25 = arith.muli %arg0, %mul3A_24 : i32
      %add3A_26 = arith.constant 3000192 : i32
      %add3A_27 = arith.addi %add3A_26, %mul3A_25 : i32
      %mul3A_28 = arith.constant 8192 : i32
      %mul3A_29 = arith.muli %arg0, %mul3A_28 : i32
      %add3A_30 = arith.constant 4000256 : i32
      %add3A_31 = arith.addi %add3A_30, %mul3A_29 : i32
      %mul3A_32 = arith.constant 8192 : i32
      %mul3A_33 = arith.muli %arg0, %mul3A_32 : i32
      %add3A_34 = arith.constant 5000320 : i32
      %add3A_35 = arith.addi %add3A_34, %mul3A_33 : i32
      %mul3A_36 = arith.constant 8192 : i32
      %mul3A_37 = arith.muli %arg0, %mul3A_36 : i32
      %add3A_38 = arith.constant 6000384 : i32
      %add3A_39 = arith.addi %add3A_38, %mul3A_37 : i32
      %mul3A_40 = arith.constant 8192 : i32
      %mul3A_41 = arith.muli %arg0, %mul3A_40 : i32
      %add3A_42 = arith.constant 7000448 : i32
      %add3A_43 = arith.addi %add3A_42, %mul3A_41 : i32
      %mul3A_44 = arith.constant 8192 : i32
      %mul3A_45 = arith.muli %arg0, %mul3A_44 : i32
      %add3A_46 = arith.constant 8000512 : i32
      %add3A_47 = arith.addi %add3A_46, %mul3A_45 : i32
      %mul3A_48 = arith.constant 8192 : i32
      %mul3A_49 = arith.muli %arg0, %mul3A_48 : i32
      %add3A_50 = arith.constant 9000576 : i32
      %add3A_51 = arith.addi %add3A_50, %mul3A_49 : i32
      %mul3A_52 = arith.constant 8192 : i32
      %mul3A_53 = arith.muli %arg0, %mul3A_52 : i32
      %add3A_54 = arith.constant 10000640 : i32
      %add3A_55 = arith.addi %add3A_54, %mul3A_53 : i32
      %mul3A_56 = arith.constant 8192 : i32
      %mul3A_57 = arith.muli %arg0, %mul3A_56 : i32
      %add3A_58 = arith.constant 11000704 : i32
      %add3A_59 = arith.addi %add3A_58, %mul3A_57 : i32
      %mul3A_60 = arith.constant 8192 : i32
      %mul3A_61 = arith.muli %arg0, %mul3A_60 : i32
      %add3A_62 = arith.constant 12000768 : i32
      %add3A_63 = arith.addi %add3A_62, %mul3A_61 : i32
      %mul3A_64 = arith.constant 8192 : i32
      %mul3A_65 = arith.muli %arg0, %mul3A_64 : i32
      %add3A_66 = arith.constant 13000832 : i32
      %add3A_67 = arith.addi %add3A_66, %mul3A_65 : i32
      %mul3A_68 = arith.constant 8192 : i32
      %mul3A_69 = arith.muli %arg0, %mul3A_68 : i32
      %add3A_70 = arith.constant 14000896 : i32
      %add3A_71 = arith.addi %add3A_70, %mul3A_69 : i32
      %mul3A_72 = arith.constant 8192 : i32
      %mul3A_73 = arith.muli %arg0, %mul3A_72 : i32
      %add3A_74 = arith.constant 15000960 : i32
      %add3A_75 = arith.addi %add3A_74, %mul3A_73 : i32
      %dma_start3A = arith.constant 0 : i32
      %dma_start3A_76 = tpu.memref_slice %arg3[%add3A_15] : memref<16001024xf32, #tpu.memory_space<any>> -> memref<8192xf32, #tpu.memory_space<any>>
      %dma_start3A_77 = arith.constant 0 : i32
      %dma_start3A_78 = tpu.memref_slice %arg4[%dma_start3A, %dma_start3A_77] : memref<16x8192xf32, #tpu.memory_space<vmem>> -> memref<1x8192xf32, #tpu.memory_space<vmem>>
      %dma_start3A_79 = tpu.memref_squeeze %dma_start3A_78 : memref<1x8192xf32, #tpu.memory_space<vmem>> -> memref<8192xf32, #tpu.memory_space<vmem>>
      tpu.enqueue_dma source(%dma_start3A_79 : memref<8192xf32, #tpu.memory_space<vmem>>) target(%dma_start3A_76 : memref<8192xf32, #tpu.memory_space<any>>) target_semaphore(%arg5 : memref<!tpu.dma_semaphore, #tpu.memory_space<semaphore_mem>>)
      %dma_start3A_80 = arith.constant 1 : i32
      %dma_start3A_81 = tpu.memref_slice %arg3[%add3A_19] : memref<16001024xf32, #tpu.memory_space<any>> -> memref<8192xf32, #tpu.memory_space<any>>
      %dma_start3A_82 = arith.constant 0 : i32
      %dma_start3A_83 = tpu.memref_slice %arg4[%dma_start3A_80, %dma_start3A_82] : memref<16x8192xf32, #tpu.memory_space<vmem>> -> memref<1x8192xf32, #tpu.memory_space<vmem>>
      %dma_start3A_84 = tpu.memref_squeeze %dma_start3A_83 : memref<1x8192xf32, #tpu.memory_space<vmem>> -> memref<8192xf32, #tpu.memory_space<vmem>>
      tpu.enqueue_dma source(%dma_start3A_84 : memref<8192xf32, #tpu.memory_space<vmem>>) target(%dma_start3A_81 : memref<8192xf32, #tpu.memory_space<any>>) target_semaphore(%arg5 : memref<!tpu.dma_semaphore, #tpu.memory_space<semaphore_mem>>)
      %dma_start3A_85 = arith.constant 2 : i32
      %dma_start3A_86 = tpu.memref_slice %arg3[%add3A_23] : memref<16001024xf32, #tpu.memory_space<any>> -> memref<8192xf32, #tpu.memory_space<any>>
      %dma_start3A_87 = arith.constant 0 : i32
      %dma_start3A_88 = tpu.memref_slice %arg4[%dma_start3A_85, %dma_start3A_87] : memref<16x8192xf32, #tpu.memory_space<vmem>> -> memref<1x8192xf32, #tpu.memory_space<vmem>>
      %dma_start3A_89 = tpu.memref_squeeze %dma_start3A_88 : memref<1x8192xf32, #tpu.memory_space<vmem>> -> memref<8192xf32, #tpu.memory_space<vmem>>
      tpu.enqueue_dma source(%dma_start3A_89 : memref<8192xf32, #tpu.memory_space<vmem>>) target(%dma_start3A_86 : memref<8192xf32, #tpu.memory_space<any>>) target_semaphore(%arg5 : memref<!tpu.dma_semaphore, #tpu.memory_space<semaphore_mem>>)
      %dma_start3A_90 = arith.constant 3 : i32
      %dma_start3A_91 = tpu.memref_slice %arg3[%add3A_27] : memref<16001024xf32, #tpu.memory_space<any>> -> memref<8192xf32, #tpu.memory_space<any>>
      %dma_start3A_92 = arith.constant 0 : i32
      %dma_start3A_93 = tpu.memref_slice %arg4[%dma_start3A_90, %dma_start3A_92] : memref<16x8192xf32, #tpu.memory_space<vmem>> -> memref<1x8192xf32, #tpu.memory_space<vmem>>
      %dma_start3A_94 = tpu.memref_squeeze %dma_start3A_93 : memref<1x8192xf32, #tpu.memory_space<vmem>> -> memref<8192xf32, #tpu.memory_space<vmem>>
      tpu.enqueue_dma source(%dma_start3A_94 : memref<8192xf32, #tpu.memory_space<vmem>>) target(%dma_start3A_91 : memref<8192xf32, #tpu.memory_space<any>>) target_semaphore(%arg5 : memref<!tpu.dma_semaphore, #tpu.memory_space<semaphore_mem>>)
      %dma_start3A_95 = arith.constant 4 : i32
      %dma_start3A_96 = tpu.memref_slice %arg3[%add3A_31] : memref<16001024xf32, #tpu.memory_space<any>> -> memref<8192xf32, #tpu.memory_space<any>>
      %dma_start3A_97 = arith.constant 0 : i32
      %dma_start3A_98 = tpu.memref_slice %arg4[%dma_start3A_95, %dma_start3A_97] : memref<16x8192xf32, #tpu.memory_space<vmem>> -> memref<1x8192xf32, #tpu.memory_space<vmem>>
      %dma_start3A_99 = tpu.memref_squeeze %dma_start3A_98 : memref<1x8192xf32, #tpu.memory_space<vmem>> -> memref<8192xf32, #tpu.memory_space<vmem>>
      tpu.enqueue_dma source(%dma_start3A_99 : memref<8192xf32, #tpu.memory_space<vmem>>) target(%dma_start3A_96 : memref<8192xf32, #tpu.memory_space<any>>) target_semaphore(%arg5 : memref<!tpu.dma_semaphore, #tpu.memory_space<semaphore_mem>>)
      %dma_start3A_100 = arith.constant 5 : i32
      %dma_start3A_101 = tpu.memref_slice %arg3[%add3A_35] : memref<16001024xf32, #tpu.memory_space<any>> -> memref<8192xf32, #tpu.memory_space<any>>
      %dma_start3A_102 = arith.constant 0 : i32
      %dma_start3A_103 = tpu.memref_slice %arg4[%dma_start3A_100, %dma_start3A_102] : memref<16x8192xf32, #tpu.memory_space<vmem>> -> memref<1x8192xf32, #tpu.memory_space<vmem>>
      %dma_start3A_104 = tpu.memref_squeeze %dma_start3A_103 : memref<1x8192xf32, #tpu.memory_space<vmem>> -> memref<8192xf32, #tpu.memory_space<vmem>>
      tpu.enqueue_dma source(%dma_start3A_104 : memref<8192xf32, #tpu.memory_space<vmem>>) target(%dma_start3A_101 : memref<8192xf32, #tpu.memory_space<any>>) target_semaphore(%arg5 : memref<!tpu.dma_semaphore, #tpu.memory_space<semaphore_mem>>)
      %dma_start3A_105 = arith.constant 6 : i32
      %dma_start3A_106 = tpu.memref_slice %arg3[%add3A_39] : memref<16001024xf32, #tpu.memory_space<any>> -> memref<8192xf32, #tpu.memory_space<any>>
      %dma_start3A_107 = arith.constant 0 : i32
      %dma_start3A_108 = tpu.memref_slice %arg4[%dma_start3A_105, %dma_start3A_107] : memref<16x8192xf32, #tpu.memory_space<vmem>> -> memref<1x8192xf32, #tpu.memory_space<vmem>>
      %dma_start3A_109 = tpu.memref_squeeze %dma_start3A_108 : memref<1x8192xf32, #tpu.memory_space<vmem>> -> memref<8192xf32, #tpu.memory_space<vmem>>
      tpu.enqueue_dma source(%dma_start3A_109 : memref<8192xf32, #tpu.memory_space<vmem>>) target(%dma_start3A_106 : memref<8192xf32, #tpu.memory_space<any>>) target_semaphore(%arg5 : memref<!tpu.dma_semaphore, #tpu.memory_space<semaphore_mem>>)
      %dma_start3A_110 = arith.constant 7 : i32
      %dma_start3A_111 = tpu.memref_slice %arg3[%add3A_43] : memref<16001024xf32, #tpu.memory_space<any>> -> memref<8192xf32, #tpu.memory_space<any>>
      %dma_start3A_112 = arith.constant 0 : i32
      %dma_start3A_113 = tpu.memref_slice %arg4[%dma_start3A_110, %dma_start3A_112] : memref<16x8192xf32, #tpu.memory_space<vmem>> -> memref<1x8192xf32, #tpu.memory_space<vmem>>
      %dma_start3A_114 = tpu.memref_squeeze %dma_start3A_113 : memref<1x8192xf32, #tpu.memory_space<vmem>> -> memref<8192xf32, #tpu.memory_space<vmem>>
      tpu.enqueue_dma source(%dma_start3A_114 : memref<8192xf32, #tpu.memory_space<vmem>>) target(%dma_start3A_111 : memref<8192xf32, #tpu.memory_space<any>>) target_semaphore(%arg5 : memref<!tpu.dma_semaphore, #tpu.memory_space<semaphore_mem>>)
      %dma_start3A_115 = arith.constant 8 : i32
      %dma_start3A_116 = tpu.memref_slice %arg3[%add3A_47] : memref<16001024xf32, #tpu.memory_space<any>> -> memref<8192xf32, #tpu.memory_space<any>>
      %dma_start3A_117 = arith.constant 0 : i32
      %dma_start3A_118 = tpu.memref_slice %arg4[%dma_start3A_115, %dma_start3A_117] : memref<16x8192xf32, #tpu.memory_space<vmem>> -> memref<1x8192xf32, #tpu.memory_space<vmem>>
      %dma_start3A_119 = tpu.memref_squeeze %dma_start3A_118 : memref<1x8192xf32, #tpu.memory_space<vmem>> -> memref<8192xf32, #tpu.memory_space<vmem>>
      tpu.enqueue_dma source(%dma_start3A_119 : memref<8192xf32, #tpu.memory_space<vmem>>) target(%dma_start3A_116 : memref<8192xf32, #tpu.memory_space<any>>) target_semaphore(%arg5 : memref<!tpu.dma_semaphore, #tpu.memory_space<semaphore_mem>>)
      %dma_start3A_120 = arith.constant 9 : i32
      %dma_start3A_121 = tpu.memref_slice %arg3[%add3A_51] : memref<16001024xf32, #tpu.memory_space<any>> -> memref<8192xf32, #tpu.memory_space<any>>
      %dma_start3A_122 = arith.constant 0 : i32
      %dma_start3A_123 = tpu.memref_slice %arg4[%dma_start3A_120, %dma_start3A_122] : memref<16x8192xf32, #tpu.memory_space<vmem>> -> memref<1x8192xf32, #tpu.memory_space<vmem>>
      %dma_start3A_124 = tpu.memref_squeeze %dma_start3A_123 : memref<1x8192xf32, #tpu.memory_space<vmem>> -> memref<8192xf32, #tpu.memory_space<vmem>>
      tpu.enqueue_dma source(%dma_start3A_124 : memref<8192xf32, #tpu.memory_space<vmem>>) target(%dma_start3A_121 : memref<8192xf32, #tpu.memory_space<any>>) target_semaphore(%arg5 : memref<!tpu.dma_semaphore, #tpu.memory_space<semaphore_mem>>)
      %dma_start3A_125 = arith.constant 10 : i32
      %dma_start3A_126 = tpu.memref_slice %arg3[%add3A_55] : memref<16001024xf32, #tpu.memory_space<any>> -> memref<8192xf32, #tpu.memory_space<any>>
      %dma_start3A_127 = arith.constant 0 : i32
      %dma_start3A_128 = tpu.memref_slice %arg4[%dma_start3A_125, %dma_start3A_127] : memref<16x8192xf32, #tpu.memory_space<vmem>> -> memref<1x8192xf32, #tpu.memory_space<vmem>>
      %dma_start3A_129 = tpu.memref_squeeze %dma_start3A_128 : memref<1x8192xf32, #tpu.memory_space<vmem>> -> memref<8192xf32, #tpu.memory_space<vmem>>
      tpu.enqueue_dma source(%dma_start3A_129 : memref<8192xf32, #tpu.memory_space<vmem>>) target(%dma_start3A_126 : memref<8192xf32, #tpu.memory_space<any>>) target_semaphore(%arg5 : memref<!tpu.dma_semaphore, #tpu.memory_space<semaphore_mem>>)
      %dma_start3A_130 = arith.constant 11 : i32
      %dma_start3A_131 = tpu.memref_slice %arg3[%add3A_59] : memref<16001024xf32, #tpu.memory_space<any>> -> memref<8192xf32, #tpu.memory_space<any>>
      %dma_start3A_132 = arith.constant 0 : i32
      %dma_start3A_133 = tpu.memref_slice %arg4[%dma_start3A_130, %dma_start3A_132] : memref<16x8192xf32, #tpu.memory_space<vmem>> -> memref<1x8192xf32, #tpu.memory_space<vmem>>
      %dma_start3A_134 = tpu.memref_squeeze %dma_start3A_133 : memref<1x8192xf32, #tpu.memory_space<vmem>> -> memref<8192xf32, #tpu.memory_space<vmem>>
      tpu.enqueue_dma source(%dma_start3A_134 : memref<8192xf32, #tpu.memory_space<vmem>>) target(%dma_start3A_131 : memref<8192xf32, #tpu.memory_space<any>>) target_semaphore(%arg5 : memref<!tpu.dma_semaphore, #tpu.memory_space<semaphore_mem>>)
      %dma_start3A_135 = arith.constant 12 : i32
      %dma_start3A_136 = tpu.memref_slice %arg3[%add3A_63] : memref<16001024xf32, #tpu.memory_space<any>> -> memref<8192xf32, #tpu.memory_space<any>>
      %dma_start3A_137 = arith.constant 0 : i32
      %dma_start3A_138 = tpu.memref_slice %arg4[%dma_start3A_135, %dma_start3A_137] : memref<16x8192xf32, #tpu.memory_space<vmem>> -> memref<1x8192xf32, #tpu.memory_space<vmem>>
      %dma_start3A_139 = tpu.memref_squeeze %dma_start3A_138 : memref<1x8192xf32, #tpu.memory_space<vmem>> -> memref<8192xf32, #tpu.memory_space<vmem>>
      tpu.enqueue_dma source(%dma_start3A_139 : memref<8192xf32, #tpu.memory_space<vmem>>) target(%dma_start3A_136 : memref<8192xf32, #tpu.memory_space<any>>) target_semaphore(%arg5 : memref<!tpu.dma_semaphore, #tpu.memory_space<semaphore_mem>>)
      %dma_start3A_140 = arith.constant 13 : i32
      %dma_start3A_141 = tpu.memref_slice %arg3[%add3A_67] : memref<16001024xf32, #tpu.memory_space<any>> -> memref<8192xf32, #tpu.memory_space<any>>
      %dma_start3A_142 = arith.constant 0 : i32
      %dma_start3A_143 = tpu.memref_slice %arg4[%dma_start3A_140, %dma_start3A_142] : memref<16x8192xf32, #tpu.memory_space<vmem>> -> memref<1x8192xf32, #tpu.memory_space<vmem>>
      %dma_start3A_144 = tpu.memref_squeeze %dma_start3A_143 : memref<1x8192xf32, #tpu.memory_space<vmem>> -> memref<8192xf32, #tpu.memory_space<vmem>>
      tpu.enqueue_dma source(%dma_start3A_144 : memref<8192xf32, #tpu.memory_space<vmem>>) target(%dma_start3A_141 : memref<8192xf32, #tpu.memory_space<any>>) target_semaphore(%arg5 : memref<!tpu.dma_semaphore, #tpu.memory_space<semaphore_mem>>)
      %dma_start3A_145 = arith.constant 14 : i32
      %dma_start3A_146 = tpu.memref_slice %arg3[%add3A_71] : memref<16001024xf32, #tpu.memory_space<any>> -> memref<8192xf32, #tpu.memory_space<any>>
      %dma_start3A_147 = arith.constant 0 : i32
      %dma_start3A_148 = tpu.memref_slice %arg4[%dma_start3A_145, %dma_start3A_147] : memref<16x8192xf32, #tpu.memory_space<vmem>> -> memref<1x8192xf32, #tpu.memory_space<vmem>>
      %dma_start3A_149 = tpu.memref_squeeze %dma_start3A_148 : memref<1x8192xf32, #tpu.memory_space<vmem>> -> memref<8192xf32, #tpu.memory_space<vmem>>
      tpu.enqueue_dma source(%dma_start3A_149 : memref<8192xf32, #tpu.memory_space<vmem>>) target(%dma_start3A_146 : memref<8192xf32, #tpu.memory_space<any>>) target_semaphore(%arg5 : memref<!tpu.dma_semaphore, #tpu.memory_space<semaphore_mem>>)
      %dma_start3A_150 = arith.constant 15 : i32
      %dma_start3A_151 = tpu.memref_slice %arg3[%add3A_75] : memref<16001024xf32, #tpu.memory_space<any>> -> memref<8192xf32, #tpu.memory_space<any>>
      %dma_start3A_152 = arith.constant 0 : i32
      %dma_start3A_153 = tpu.memref_slice %arg4[%dma_start3A_150, %dma_start3A_152] : memref<16x8192xf32, #tpu.memory_space<vmem>> -> memref<1x8192xf32, #tpu.memory_space<vmem>>
      %dma_start3A_154 = tpu.memref_squeeze %dma_start3A_153 : memref<1x8192xf32, #tpu.memory_space<vmem>> -> memref<8192xf32, #tpu.memory_space<vmem>>
      tpu.enqueue_dma source(%dma_start3A_154 : memref<8192xf32, #tpu.memory_space<vmem>>) target(%dma_start3A_151 : memref<8192xf32, #tpu.memory_space<any>>) target_semaphore(%arg5 : memref<!tpu.dma_semaphore, #tpu.memory_space<semaphore_mem>>)
      %dma_wait3A = arith.constant 0 : i32
      %dma_wait3A_155 = tpu.memref_slice %arg3[%add3A_15] : memref<16001024xf32, #tpu.memory_space<any>> -> memref<8192xf32, #tpu.memory_space<any>>
      %dma_wait3A_156 = arith.constant 0 : i32
      %dma_wait3A_157 = tpu.memref_slice %arg4[%dma_wait3A, %dma_wait3A_156] : memref<16x8192xf32, #tpu.memory_space<vmem>> -> memref<1x8192xf32, #tpu.memory_space<vmem>>
      %dma_wait3A_158 = tpu.memref_squeeze %dma_wait3A_157 : memref<1x8192xf32, #tpu.memory_space<vmem>> -> memref<8192xf32, #tpu.memory_space<vmem>>
      tpu.wait_dma2 semaphore(%arg5 : memref<!tpu.dma_semaphore, #tpu.memory_space<semaphore_mem>>) src(%dma_wait3A_158 : memref<8192xf32, #tpu.memory_space<vmem>>) dst(%dma_wait3A_155 : memref<8192xf32, #tpu.memory_space<any>>)
      %dma_wait3A_159 = arith.constant 1 : i32
      %dma_wait3A_160 = tpu.memref_slice %arg3[%add3A_19] : memref<16001024xf32, #tpu.memory_space<any>> -> memref<8192xf32, #tpu.memory_space<any>>
      %dma_wait3A_161 = arith.constant 0 : i32
      %dma_wait3A_162 = tpu.memref_slice %arg4[%dma_wait3A_159, %dma_wait3A_161] : memref<16x8192xf32, #tpu.memory_space<vmem>> -> memref<1x8192xf32, #tpu.memory_space<vmem>>
      %dma_wait3A_163 = tpu.memref_squeeze %dma_wait3A_162 : memref<1x8192xf32, #tpu.memory_space<vmem>> -> memref<8192xf32, #tpu.memory_space<vmem>>
      tpu.wait_dma2 semaphore(%arg5 : memref<!tpu.dma_semaphore, #tpu.memory_space<semaphore_mem>>) src(%dma_wait3A_163 : memref<8192xf32, #tpu.memory_space<vmem>>) dst(%dma_wait3A_160 : memref<8192xf32, #tpu.memory_space<any>>)
      %dma_wait3A_164 = arith.constant 2 : i32
      %dma_wait3A_165 = tpu.memref_slice %arg3[%add3A_23] : memref<16001024xf32, #tpu.memory_space<any>> -> memref<8192xf32, #tpu.memory_space<any>>
      %dma_wait3A_166 = arith.constant 0 : i32
      %dma_wait3A_167 = tpu.memref_slice %arg4[%dma_wait3A_164, %dma_wait3A_166] : memref<16x8192xf32, #tpu.memory_space<vmem>> -> memref<1x8192xf32, #tpu.memory_space<vmem>>
      %dma_wait3A_168 = tpu.memref_squeeze %dma_wait3A_167 : memref<1x8192xf32, #tpu.memory_space<vmem>> -> memref<8192xf32, #tpu.memory_space<vmem>>
      tpu.wait_dma2 semaphore(%arg5 : memref<!tpu.dma_semaphore, #tpu.memory_space<semaphore_mem>>) src(%dma_wait3A_168 : memref<8192xf32, #tpu.memory_space<vmem>>) dst(%dma_wait3A_165 : memref<8192xf32, #tpu.memory_space<any>>)
      %dma_wait3A_169 = arith.constant 3 : i32
      %dma_wait3A_170 = tpu.memref_slice %arg3[%add3A_27] : memref<16001024xf32, #tpu.memory_space<any>> -> memref<8192xf32, #tpu.memory_space<any>>
      %dma_wait3A_171 = arith.constant 0 : i32
      %dma_wait3A_172 = tpu.memref_slice %arg4[%dma_wait3A_169, %dma_wait3A_171] : memref<16x8192xf32, #tpu.memory_space<vmem>> -> memref<1x8192xf32, #tpu.memory_space<vmem>>
      %dma_wait3A_173 = tpu.memref_squeeze %dma_wait3A_172 : memref<1x8192xf32, #tpu.memory_space<vmem>> -> memref<8192xf32, #tpu.memory_space<vmem>>
      tpu.wait_dma2 semaphore(%arg5 : memref<!tpu.dma_semaphore, #tpu.memory_space<semaphore_mem>>) src(%dma_wait3A_173 : memref<8192xf32, #tpu.memory_space<vmem>>) dst(%dma_wait3A_170 : memref<8192xf32, #tpu.memory_space<any>>)
      %dma_wait3A_174 = arith.constant 4 : i32
      %dma_wait3A_175 = tpu.memref_slice %arg3[%add3A_31] : memref<16001024xf32, #tpu.memory_space<any>> -> memref<8192xf32, #tpu.memory_space<any>>
      %dma_wait3A_176 = arith.constant 0 : i32
      %dma_wait3A_177 = tpu.memref_slice %arg4[%dma_wait3A_174, %dma_wait3A_176] : memref<16x8192xf32, #tpu.memory_space<vmem>> -> memref<1x8192xf32, #tpu.memory_space<vmem>>
      %dma_wait3A_178 = tpu.memref_squeeze %dma_wait3A_177 : memref<1x8192xf32, #tpu.memory_space<vmem>> -> memref<8192xf32, #tpu.memory_space<vmem>>
      tpu.wait_dma2 semaphore(%arg5 : memref<!tpu.dma_semaphore, #tpu.memory_space<semaphore_mem>>) src(%dma_wait3A_178 : memref<8192xf32, #tpu.memory_space<vmem>>) dst(%dma_wait3A_175 : memref<8192xf32, #tpu.memory_space<any>>)
      %dma_wait3A_179 = arith.constant 5 : i32
      %dma_wait3A_180 = tpu.memref_slice %arg3[%add3A_35] : memref<16001024xf32, #tpu.memory_space<any>> -> memref<8192xf32, #tpu.memory_space<any>>
      %dma_wait3A_181 = arith.constant 0 : i32
      %dma_wait3A_182 = tpu.memref_slice %arg4[%dma_wait3A_179, %dma_wait3A_181] : memref<16x8192xf32, #tpu.memory_space<vmem>> -> memref<1x8192xf32, #tpu.memory_space<vmem>>
      %dma_wait3A_183 = tpu.memref_squeeze %dma_wait3A_182 : memref<1x8192xf32, #tpu.memory_space<vmem>> -> memref<8192xf32, #tpu.memory_space<vmem>>
      tpu.wait_dma2 semaphore(%arg5 : memref<!tpu.dma_semaphore, #tpu.memory_space<semaphore_mem>>) src(%dma_wait3A_183 : memref<8192xf32, #tpu.memory_space<vmem>>) dst(%dma_wait3A_180 : memref<8192xf32, #tpu.memory_space<any>>)
      %dma_wait3A_184 = arith.constant 6 : i32
      %dma_wait3A_185 = tpu.memref_slice %arg3[%add3A_39] : memref<16001024xf32, #tpu.memory_space<any>> -> memref<8192xf32, #tpu.memory_space<any>>
      %dma_wait3A_186 = arith.constant 0 : i32
      %dma_wait3A_187 = tpu.memref_slice %arg4[%dma_wait3A_184, %dma_wait3A_186] : memref<16x8192xf32, #tpu.memory_space<vmem>> -> memref<1x8192xf32, #tpu.memory_space<vmem>>
      %dma_wait3A_188 = tpu.memref_squeeze %dma_wait3A_187 : memref<1x8192xf32, #tpu.memory_space<vmem>> -> memref<8192xf32, #tpu.memory_space<vmem>>
      tpu.wait_dma2 semaphore(%arg5 : memref<!tpu.dma_semaphore, #tpu.memory_space<semaphore_mem>>) src(%dma_wait3A_188 : memref<8192xf32, #tpu.memory_space<vmem>>) dst(%dma_wait3A_185 : memref<8192xf32, #tpu.memory_space<any>>)
      %dma_wait3A_189 = arith.constant 7 : i32
      %dma_wait3A_190 = tpu.memref_slice %arg3[%add3A_43] : memref<16001024xf32, #tpu.memory_space<any>> -> memref<8192xf32, #tpu.memory_space<any>>
      %dma_wait3A_191 = arith.constant 0 : i32
      %dma_wait3A_192 = tpu.memref_slice %arg4[%dma_wait3A_189, %dma_wait3A_191] : memref<16x8192xf32, #tpu.memory_space<vmem>> -> memref<1x8192xf32, #tpu.memory_space<vmem>>
      %dma_wait3A_193 = tpu.memref_squeeze %dma_wait3A_192 : memref<1x8192xf32, #tpu.memory_space<vmem>> -> memref<8192xf32, #tpu.memory_space<vmem>>
      tpu.wait_dma2 semaphore(%arg5 : memref<!tpu.dma_semaphore, #tpu.memory_space<semaphore_mem>>) src(%dma_wait3A_193 : memref<8192xf32, #tpu.memory_space<vmem>>) dst(%dma_wait3A_190 : memref<8192xf32, #tpu.memory_space<any>>)
      %dma_wait3A_194 = arith.constant 8 : i32
      %dma_wait3A_195 = tpu.memref_slice %arg3[%add3A_47] : memref<16001024xf32, #tpu.memory_space<any>> -> memref<8192xf32, #tpu.memory_space<any>>
      %dma_wait3A_196 = arith.constant 0 : i32
      %dma_wait3A_197 = tpu.memref_slice %arg4[%dma_wait3A_194, %dma_wait3A_196] : memref<16x8192xf32, #tpu.memory_space<vmem>> -> memref<1x8192xf32, #tpu.memory_space<vmem>>
      %dma_wait3A_198 = tpu.memref_squeeze %dma_wait3A_197 : memref<1x8192xf32, #tpu.memory_space<vmem>> -> memref<8192xf32, #tpu.memory_space<vmem>>
      tpu.wait_dma2 semaphore(%arg5 : memref<!tpu.dma_semaphore, #tpu.memory_space<semaphore_mem>>) src(%dma_wait3A_198 : memref<8192xf32, #tpu.memory_space<vmem>>) dst(%dma_wait3A_195 : memref<8192xf32, #tpu.memory_space<any>>)
      %dma_wait3A_199 = arith.constant 9 : i32
      %dma_wait3A_200 = tpu.memref_slice %arg3[%add3A_51] : memref<16001024xf32, #tpu.memory_space<any>> -> memref<8192xf32, #tpu.memory_space<any>>
      %dma_wait3A_201 = arith.constant 0 : i32
      %dma_wait3A_202 = tpu.memref_slice %arg4[%dma_wait3A_199, %dma_wait3A_201] : memref<16x8192xf32, #tpu.memory_space<vmem>> -> memref<1x8192xf32, #tpu.memory_space<vmem>>
      %dma_wait3A_203 = tpu.memref_squeeze %dma_wait3A_202 : memref<1x8192xf32, #tpu.memory_space<vmem>> -> memref<8192xf32, #tpu.memory_space<vmem>>
      tpu.wait_dma2 semaphore(%arg5 : memref<!tpu.dma_semaphore, #tpu.memory_space<semaphore_mem>>) src(%dma_wait3A_203 : memref<8192xf32, #tpu.memory_space<vmem>>) dst(%dma_wait3A_200 : memref<8192xf32, #tpu.memory_space<any>>)
      %dma_wait3A_204 = arith.constant 10 : i32
      %dma_wait3A_205 = tpu.memref_slice %arg3[%add3A_55] : memref<16001024xf32, #tpu.memory_space<any>> -> memref<8192xf32, #tpu.memory_space<any>>
      %dma_wait3A_206 = arith.constant 0 : i32
      %dma_wait3A_207 = tpu.memref_slice %arg4[%dma_wait3A_204, %dma_wait3A_206] : memref<16x8192xf32, #tpu.memory_space<vmem>> -> memref<1x8192xf32, #tpu.memory_space<vmem>>
      %dma_wait3A_208 = tpu.memref_squeeze %dma_wait3A_207 : memref<1x8192xf32, #tpu.memory_space<vmem>> -> memref<8192xf32, #tpu.memory_space<vmem>>
      tpu.wait_dma2 semaphore(%arg5 : memref<!tpu.dma_semaphore, #tpu.memory_space<semaphore_mem>>) src(%dma_wait3A_208 : memref<8192xf32, #tpu.memory_space<vmem>>) dst(%dma_wait3A_205 : memref<8192xf32, #tpu.memory_space<any>>)
      %dma_wait3A_209 = arith.constant 11 : i32
      %dma_wait3A_210 = tpu.memref_slice %arg3[%add3A_59] : memref<16001024xf32, #tpu.memory_space<any>> -> memref<8192xf32, #tpu.memory_space<any>>
      %dma_wait3A_211 = arith.constant 0 : i32
      %dma_wait3A_212 = tpu.memref_slice %arg4[%dma_wait3A_209, %dma_wait3A_211] : memref<16x8192xf32, #tpu.memory_space<vmem>> -> memref<1x8192xf32, #tpu.memory_space<vmem>>
      %dma_wait3A_213 = tpu.memref_squeeze %dma_wait3A_212 : memref<1x8192xf32, #tpu.memory_space<vmem>> -> memref<8192xf32, #tpu.memory_space<vmem>>
      tpu.wait_dma2 semaphore(%arg5 : memref<!tpu.dma_semaphore, #tpu.memory_space<semaphore_mem>>) src(%dma_wait3A_213 : memref<8192xf32, #tpu.memory_space<vmem>>) dst(%dma_wait3A_210 : memref<8192xf32, #tpu.memory_space<any>>)
      %dma_wait3A_214 = arith.constant 12 : i32
      %dma_wait3A_215 = tpu.memref_slice %arg3[%add3A_63] : memref<16001024xf32, #tpu.memory_space<any>> -> memref<8192xf32, #tpu.memory_space<any>>
      %dma_wait3A_216 = arith.constant 0 : i32
      %dma_wait3A_217 = tpu.memref_slice %arg4[%dma_wait3A_214, %dma_wait3A_216] : memref<16x8192xf32, #tpu.memory_space<vmem>> -> memref<1x8192xf32, #tpu.memory_space<vmem>>
      %dma_wait3A_218 = tpu.memref_squeeze %dma_wait3A_217 : memref<1x8192xf32, #tpu.memory_space<vmem>> -> memref<8192xf32, #tpu.memory_space<vmem>>
      tpu.wait_dma2 semaphore(%arg5 : memref<!tpu.dma_semaphore, #tpu.memory_space<semaphore_mem>>) src(%dma_wait3A_218 : memref<8192xf32, #tpu.memory_space<vmem>>) dst(%dma_wait3A_215 : memref<8192xf32, #tpu.memory_space<any>>)
      %dma_wait3A_219 = arith.constant 13 : i32
      %dma_wait3A_220 = tpu.memref_slice %arg3[%add3A_67] : memref<16001024xf32, #tpu.memory_space<any>> -> memref<8192xf32, #tpu.memory_space<any>>
      %dma_wait3A_221 = arith.constant 0 : i32
      %dma_wait3A_222 = tpu.memref_slice %arg4[%dma_wait3A_219, %dma_wait3A_221] : memref<16x8192xf32, #tpu.memory_space<vmem>> -> memref<1x8192xf32, #tpu.memory_space<vmem>>
      %dma_wait3A_223 = tpu.memref_squeeze %dma_wait3A_222 : memref<1x8192xf32, #tpu.memory_space<vmem>> -> memref<8192xf32, #tpu.memory_space<vmem>>
      tpu.wait_dma2 semaphore(%arg5 : memref<!tpu.dma_semaphore, #tpu.memory_space<semaphore_mem>>) src(%dma_wait3A_223 : memref<8192xf32, #tpu.memory_space<vmem>>) dst(%dma_wait3A_220 : memref<8192xf32, #tpu.memory_space<any>>)
      %dma_wait3A_224 = arith.constant 14 : i32
      %dma_wait3A_225 = tpu.memref_slice %arg3[%add3A_71] : memref<16001024xf32, #tpu.memory_space<any>> -> memref<8192xf32, #tpu.memory_space<any>>
      %dma_wait3A_226 = arith.constant 0 : i32
      %dma_wait3A_227 = tpu.memref_slice %arg4[%dma_wait3A_224, %dma_wait3A_226] : memref<16x8192xf32, #tpu.memory_space<vmem>> -> memref<1x8192xf32, #tpu.memory_space<vmem>>
      %dma_wait3A_228 = tpu.memref_squeeze %dma_wait3A_227 : memref<1x8192xf32, #tpu.memory_space<vmem>> -> memref<8192xf32, #tpu.memory_space<vmem>>
      tpu.wait_dma2 semaphore(%arg5 : memref<!tpu.dma_semaphore, #tpu.memory_space<semaphore_mem>>) src(%dma_wait3A_228 : memref<8192xf32, #tpu.memory_space<vmem>>) dst(%dma_wait3A_225 : memref<8192xf32, #tpu.memory_space<any>>)
      %dma_wait3A_229 = arith.constant 15 : i32
      %dma_wait3A_230 = tpu.memref_slice %arg3[%add3A_75] : memref<16001024xf32, #tpu.memory_space<any>> -> memref<8192xf32, #tpu.memory_space<any>>
      %dma_wait3A_231 = arith.constant 0 : i32
      %dma_wait3A_232 = tpu.memref_slice %arg4[%dma_wait3A_229, %dma_wait3A_231] : memref<16x8192xf32, #tpu.memory_space<vmem>> -> memref<1x8192xf32, #tpu.memory_space<vmem>>
      %dma_wait3A_233 = tpu.memref_squeeze %dma_wait3A_232 : memref<1x8192xf32, #tpu.memory_space<vmem>> -> memref<8192xf32, #tpu.memory_space<vmem>>
      tpu.wait_dma2 semaphore(%arg5 : memref<!tpu.dma_semaphore, #tpu.memory_space<semaphore_mem>>) src(%dma_wait3A_233 : memref<8192xf32, #tpu.memory_space<vmem>>) dst(%dma_wait3A_230 : memref<8192xf32, #tpu.memory_space<any>>)
    } else {
    }
    %eq3A = arith.constant 122 : i32
    %eq3A_10 = arith.cmpi eq, %arg0, %eq3A : i32
    %convert_element_type3A_11 = arith.extui %eq3A_10 : i1 to i32
    %cond3A_12 = arith.constant 0 : i32
    %cond3A_13 = arith.cmpi ne, %convert_element_type3A_11, %cond3A_12 : i32
    scf.if %cond3A_13 {
      %mul3A = arith.constant 8192 : i32
      %mul3A_14 = arith.muli %arg0, %mul3A : i32
      %add3A = arith.constant 0 : i32
      %add3A_15 = arith.addi %add3A, %mul3A_14 : i32
      %mul3A_16 = arith.constant 8192 : i32
      %mul3A_17 = arith.muli %arg0, %mul3A_16 : i32
      %add3A_18 = arith.constant 1000064 : i32
      %add3A_19 = arith.addi %add3A_18, %mul3A_17 : i32
      %mul3A_20 = arith.constant 8192 : i32
      %mul3A_21 = arith.muli %arg0, %mul3A_20 : i32
      %add3A_22 = arith.constant 2000128 : i32
      %add3A_23 = arith.addi %add3A_22, %mul3A_21 : i32
      %mul3A_24 = arith.constant 8192 : i32
      %mul3A_25 = arith.muli %arg0, %mul3A_24 : i32
      %add3A_26 = arith.constant 3000192 : i32
      %add3A_27 = arith.addi %add3A_26, %mul3A_25 : i32
      %mul3A_28 = arith.constant 8192 : i32
      %mul3A_29 = arith.muli %arg0, %mul3A_28 : i32
      %add3A_30 = arith.constant 4000256 : i32
      %add3A_31 = arith.addi %add3A_30, %mul3A_29 : i32
      %mul3A_32 = arith.constant 8192 : i32
      %mul3A_33 = arith.muli %arg0, %mul3A_32 : i32
      %add3A_34 = arith.constant 5000320 : i32
      %add3A_35 = arith.addi %add3A_34, %mul3A_33 : i32
      %mul3A_36 = arith.constant 8192 : i32
      %mul3A_37 = arith.muli %arg0, %mul3A_36 : i32
      %add3A_38 = arith.constant 6000384 : i32
      %add3A_39 = arith.addi %add3A_38, %mul3A_37 : i32
      %mul3A_40 = arith.constant 8192 : i32
      %mul3A_41 = arith.muli %arg0, %mul3A_40 : i32
      %add3A_42 = arith.constant 7000448 : i32
      %add3A_43 = arith.addi %add3A_42, %mul3A_41 : i32
      %mul3A_44 = arith.constant 8192 : i32
      %mul3A_45 = arith.muli %arg0, %mul3A_44 : i32
      %add3A_46 = arith.constant 8000512 : i32
      %add3A_47 = arith.addi %add3A_46, %mul3A_45 : i32
      %mul3A_48 = arith.constant 8192 : i32
      %mul3A_49 = arith.muli %arg0, %mul3A_48 : i32
      %add3A_50 = arith.constant 9000576 : i32
      %add3A_51 = arith.addi %add3A_50, %mul3A_49 : i32
      %mul3A_52 = arith.constant 8192 : i32
      %mul3A_53 = arith.muli %arg0, %mul3A_52 : i32
      %add3A_54 = arith.constant 10000640 : i32
      %add3A_55 = arith.addi %add3A_54, %mul3A_53 : i32
      %mul3A_56 = arith.constant 8192 : i32
      %mul3A_57 = arith.muli %arg0, %mul3A_56 : i32
      %add3A_58 = arith.constant 11000704 : i32
      %add3A_59 = arith.addi %add3A_58, %mul3A_57 : i32
      %mul3A_60 = arith.constant 8192 : i32
      %mul3A_61 = arith.muli %arg0, %mul3A_60 : i32
      %add3A_62 = arith.constant 12000768 : i32
      %add3A_63 = arith.addi %add3A_62, %mul3A_61 : i32
      %mul3A_64 = arith.constant 8192 : i32
      %mul3A_65 = arith.muli %arg0, %mul3A_64 : i32
      %add3A_66 = arith.constant 13000832 : i32
      %add3A_67 = arith.addi %add3A_66, %mul3A_65 : i32
      %mul3A_68 = arith.constant 8192 : i32
      %mul3A_69 = arith.muli %arg0, %mul3A_68 : i32
      %add3A_70 = arith.constant 14000896 : i32
      %add3A_71 = arith.addi %add3A_70, %mul3A_69 : i32
      %mul3A_72 = arith.constant 8192 : i32
      %mul3A_73 = arith.muli %arg0, %mul3A_72 : i32
      %add3A_74 = arith.constant 15000960 : i32
      %add3A_75 = arith.addi %add3A_74, %mul3A_73 : i32
      %dma_start3A = arith.constant 0 : i32
      %dma_start3A_76 = tpu.memref_slice %arg3[%add3A_15] : memref<16001024xf32, #tpu.memory_space<any>> -> memref<640xf32, #tpu.memory_space<any>>
      %dma_start3A_77 = arith.constant 0 : i32
      %dma_start3A_78 = tpu.memref_slice %arg4[%dma_start3A, %dma_start3A_77] : memref<16x8192xf32, #tpu.memory_space<vmem>> -> memref<1x640xf32, #tpu.memory_space<vmem>>
      %dma_start3A_79 = tpu.memref_squeeze %dma_start3A_78 : memref<1x640xf32, #tpu.memory_space<vmem>> -> memref<640xf32, #tpu.memory_space<vmem>>
      tpu.enqueue_dma source(%dma_start3A_79 : memref<640xf32, #tpu.memory_space<vmem>>) target(%dma_start3A_76 : memref<640xf32, #tpu.memory_space<any>>) target_semaphore(%arg5 : memref<!tpu.dma_semaphore, #tpu.memory_space<semaphore_mem>>)
      %dma_start3A_80 = arith.constant 1 : i32
      %dma_start3A_81 = tpu.memref_slice %arg3[%add3A_19] : memref<16001024xf32, #tpu.memory_space<any>> -> memref<640xf32, #tpu.memory_space<any>>
      %dma_start3A_82 = arith.constant 0 : i32
      %dma_start3A_83 = tpu.memref_slice %arg4[%dma_start3A_80, %dma_start3A_82] : memref<16x8192xf32, #tpu.memory_space<vmem>> -> memref<1x640xf32, #tpu.memory_space<vmem>>
      %dma_start3A_84 = tpu.memref_squeeze %dma_start3A_83 : memref<1x640xf32, #tpu.memory_space<vmem>> -> memref<640xf32, #tpu.memory_space<vmem>>
      tpu.enqueue_dma source(%dma_start3A_84 : memref<640xf32, #tpu.memory_space<vmem>>) target(%dma_start3A_81 : memref<640xf32, #tpu.memory_space<any>>) target_semaphore(%arg5 : memref<!tpu.dma_semaphore, #tpu.memory_space<semaphore_mem>>)
      %dma_start3A_85 = arith.constant 2 : i32
      %dma_start3A_86 = tpu.memref_slice %arg3[%add3A_23] : memref<16001024xf32, #tpu.memory_space<any>> -> memref<640xf32, #tpu.memory_space<any>>
      %dma_start3A_87 = arith.constant 0 : i32
      %dma_start3A_88 = tpu.memref_slice %arg4[%dma_start3A_85, %dma_start3A_87] : memref<16x8192xf32, #tpu.memory_space<vmem>> -> memref<1x640xf32, #tpu.memory_space<vmem>>
      %dma_start3A_89 = tpu.memref_squeeze %dma_start3A_88 : memref<1x640xf32, #tpu.memory_space<vmem>> -> memref<640xf32, #tpu.memory_space<vmem>>
      tpu.enqueue_dma source(%dma_start3A_89 : memref<640xf32, #tpu.memory_space<vmem>>) target(%dma_start3A_86 : memref<640xf32, #tpu.memory_space<any>>) target_semaphore(%arg5 : memref<!tpu.dma_semaphore, #tpu.memory_space<semaphore_mem>>)
      %dma_start3A_90 = arith.constant 3 : i32
      %dma_start3A_91 = tpu.memref_slice %arg3[%add3A_27] : memref<16001024xf32, #tpu.memory_space<any>> -> memref<640xf32, #tpu.memory_space<any>>
      %dma_start3A_92 = arith.constant 0 : i32
      %dma_start3A_93 = tpu.memref_slice %arg4[%dma_start3A_90, %dma_start3A_92] : memref<16x8192xf32, #tpu.memory_space<vmem>> -> memref<1x640xf32, #tpu.memory_space<vmem>>
      %dma_start3A_94 = tpu.memref_squeeze %dma_start3A_93 : memref<1x640xf32, #tpu.memory_space<vmem>> -> memref<640xf32, #tpu.memory_space<vmem>>
      tpu.enqueue_dma source(%dma_start3A_94 : memref<640xf32, #tpu.memory_space<vmem>>) target(%dma_start3A_91 : memref<640xf32, #tpu.memory_space<any>>) target_semaphore(%arg5 : memref<!tpu.dma_semaphore, #tpu.memory_space<semaphore_mem>>)
      %dma_start3A_95 = arith.constant 4 : i32
      %dma_start3A_96 = tpu.memref_slice %arg3[%add3A_31] : memref<16001024xf32, #tpu.memory_space<any>> -> memref<640xf32, #tpu.memory_space<any>>
      %dma_start3A_97 = arith.constant 0 : i32
      %dma_start3A_98 = tpu.memref_slice %arg4[%dma_start3A_95, %dma_start3A_97] : memref<16x8192xf32, #tpu.memory_space<vmem>> -> memref<1x640xf32, #tpu.memory_space<vmem>>
      %dma_start3A_99 = tpu.memref_squeeze %dma_start3A_98 : memref<1x640xf32, #tpu.memory_space<vmem>> -> memref<640xf32, #tpu.memory_space<vmem>>
      tpu.enqueue_dma source(%dma_start3A_99 : memref<640xf32, #tpu.memory_space<vmem>>) target(%dma_start3A_96 : memref<640xf32, #tpu.memory_space<any>>) target_semaphore(%arg5 : memref<!tpu.dma_semaphore, #tpu.memory_space<semaphore_mem>>)
      %dma_start3A_100 = arith.constant 5 : i32
      %dma_start3A_101 = tpu.memref_slice %arg3[%add3A_35] : memref<16001024xf32, #tpu.memory_space<any>> -> memref<640xf32, #tpu.memory_space<any>>
      %dma_start3A_102 = arith.constant 0 : i32
      %dma_start3A_103 = tpu.memref_slice %arg4[%dma_start3A_100, %dma_start3A_102] : memref<16x8192xf32, #tpu.memory_space<vmem>> -> memref<1x640xf32, #tpu.memory_space<vmem>>
      %dma_start3A_104 = tpu.memref_squeeze %dma_start3A_103 : memref<1x640xf32, #tpu.memory_space<vmem>> -> memref<640xf32, #tpu.memory_space<vmem>>
      tpu.enqueue_dma source(%dma_start3A_104 : memref<640xf32, #tpu.memory_space<vmem>>) target(%dma_start3A_101 : memref<640xf32, #tpu.memory_space<any>>) target_semaphore(%arg5 : memref<!tpu.dma_semaphore, #tpu.memory_space<semaphore_mem>>)
      %dma_start3A_105 = arith.constant 6 : i32
      %dma_start3A_106 = tpu.memref_slice %arg3[%add3A_39] : memref<16001024xf32, #tpu.memory_space<any>> -> memref<640xf32, #tpu.memory_space<any>>
      %dma_start3A_107 = arith.constant 0 : i32
      %dma_start3A_108 = tpu.memref_slice %arg4[%dma_start3A_105, %dma_start3A_107] : memref<16x8192xf32, #tpu.memory_space<vmem>> -> memref<1x640xf32, #tpu.memory_space<vmem>>
      %dma_start3A_109 = tpu.memref_squeeze %dma_start3A_108 : memref<1x640xf32, #tpu.memory_space<vmem>> -> memref<640xf32, #tpu.memory_space<vmem>>
      tpu.enqueue_dma source(%dma_start3A_109 : memref<640xf32, #tpu.memory_space<vmem>>) target(%dma_start3A_106 : memref<640xf32, #tpu.memory_space<any>>) target_semaphore(%arg5 : memref<!tpu.dma_semaphore, #tpu.memory_space<semaphore_mem>>)
      %dma_start3A_110 = arith.constant 7 : i32
      %dma_start3A_111 = tpu.memref_slice %arg3[%add3A_43] : memref<16001024xf32, #tpu.memory_space<any>> -> memref<640xf32, #tpu.memory_space<any>>
      %dma_start3A_112 = arith.constant 0 : i32
      %dma_start3A_113 = tpu.memref_slice %arg4[%dma_start3A_110, %dma_start3A_112] : memref<16x8192xf32, #tpu.memory_space<vmem>> -> memref<1x640xf32, #tpu.memory_space<vmem>>
      %dma_start3A_114 = tpu.memref_squeeze %dma_start3A_113 : memref<1x640xf32, #tpu.memory_space<vmem>> -> memref<640xf32, #tpu.memory_space<vmem>>
      tpu.enqueue_dma source(%dma_start3A_114 : memref<640xf32, #tpu.memory_space<vmem>>) target(%dma_start3A_111 : memref<640xf32, #tpu.memory_space<any>>) target_semaphore(%arg5 : memref<!tpu.dma_semaphore, #tpu.memory_space<semaphore_mem>>)
      %dma_start3A_115 = arith.constant 8 : i32
      %dma_start3A_116 = tpu.memref_slice %arg3[%add3A_47] : memref<16001024xf32, #tpu.memory_space<any>> -> memref<640xf32, #tpu.memory_space<any>>
      %dma_start3A_117 = arith.constant 0 : i32
      %dma_start3A_118 = tpu.memref_slice %arg4[%dma_start3A_115, %dma_start3A_117] : memref<16x8192xf32, #tpu.memory_space<vmem>> -> memref<1x640xf32, #tpu.memory_space<vmem>>
      %dma_start3A_119 = tpu.memref_squeeze %dma_start3A_118 : memref<1x640xf32, #tpu.memory_space<vmem>> -> memref<640xf32, #tpu.memory_space<vmem>>
      tpu.enqueue_dma source(%dma_start3A_119 : memref<640xf32, #tpu.memory_space<vmem>>) target(%dma_start3A_116 : memref<640xf32, #tpu.memory_space<any>>) target_semaphore(%arg5 : memref<!tpu.dma_semaphore, #tpu.memory_space<semaphore_mem>>)
      %dma_start3A_120 = arith.constant 9 : i32
      %dma_start3A_121 = tpu.memref_slice %arg3[%add3A_51] : memref<16001024xf32, #tpu.memory_space<any>> -> memref<640xf32, #tpu.memory_space<any>>
      %dma_start3A_122 = arith.constant 0 : i32
      %dma_start3A_123 = tpu.memref_slice %arg4[%dma_start3A_120, %dma_start3A_122] : memref<16x8192xf32, #tpu.memory_space<vmem>> -> memref<1x640xf32, #tpu.memory_space<vmem>>
      %dma_start3A_124 = tpu.memref_squeeze %dma_start3A_123 : memref<1x640xf32, #tpu.memory_space<vmem>> -> memref<640xf32, #tpu.memory_space<vmem>>
      tpu.enqueue_dma source(%dma_start3A_124 : memref<640xf32, #tpu.memory_space<vmem>>) target(%dma_start3A_121 : memref<640xf32, #tpu.memory_space<any>>) target_semaphore(%arg5 : memref<!tpu.dma_semaphore, #tpu.memory_space<semaphore_mem>>)
      %dma_start3A_125 = arith.constant 10 : i32
      %dma_start3A_126 = tpu.memref_slice %arg3[%add3A_55] : memref<16001024xf32, #tpu.memory_space<any>> -> memref<640xf32, #tpu.memory_space<any>>
      %dma_start3A_127 = arith.constant 0 : i32
      %dma_start3A_128 = tpu.memref_slice %arg4[%dma_start3A_125, %dma_start3A_127] : memref<16x8192xf32, #tpu.memory_space<vmem>> -> memref<1x640xf32, #tpu.memory_space<vmem>>
      %dma_start3A_129 = tpu.memref_squeeze %dma_start3A_128 : memref<1x640xf32, #tpu.memory_space<vmem>> -> memref<640xf32, #tpu.memory_space<vmem>>
      tpu.enqueue_dma source(%dma_start3A_129 : memref<640xf32, #tpu.memory_space<vmem>>) target(%dma_start3A_126 : memref<640xf32, #tpu.memory_space<any>>) target_semaphore(%arg5 : memref<!tpu.dma_semaphore, #tpu.memory_space<semaphore_mem>>)
      %dma_start3A_130 = arith.constant 11 : i32
      %dma_start3A_131 = tpu.memref_slice %arg3[%add3A_59] : memref<16001024xf32, #tpu.memory_space<any>> -> memref<640xf32, #tpu.memory_space<any>>
      %dma_start3A_132 = arith.constant 0 : i32
      %dma_start3A_133 = tpu.memref_slice %arg4[%dma_start3A_130, %dma_start3A_132] : memref<16x8192xf32, #tpu.memory_space<vmem>> -> memref<1x640xf32, #tpu.memory_space<vmem>>
      %dma_start3A_134 = tpu.memref_squeeze %dma_start3A_133 : memref<1x640xf32, #tpu.memory_space<vmem>> -> memref<640xf32, #tpu.memory_space<vmem>>
      tpu.enqueue_dma source(%dma_start3A_134 : memref<640xf32, #tpu.memory_space<vmem>>) target(%dma_start3A_131 : memref<640xf32, #tpu.memory_space<any>>) target_semaphore(%arg5 : memref<!tpu.dma_semaphore, #tpu.memory_space<semaphore_mem>>)
      %dma_start3A_135 = arith.constant 12 : i32
      %dma_start3A_136 = tpu.memref_slice %arg3[%add3A_63] : memref<16001024xf32, #tpu.memory_space<any>> -> memref<640xf32, #tpu.memory_space<any>>
      %dma_start3A_137 = arith.constant 0 : i32
      %dma_start3A_138 = tpu.memref_slice %arg4[%dma_start3A_135, %dma_start3A_137] : memref<16x8192xf32, #tpu.memory_space<vmem>> -> memref<1x640xf32, #tpu.memory_space<vmem>>
      %dma_start3A_139 = tpu.memref_squeeze %dma_start3A_138 : memref<1x640xf32, #tpu.memory_space<vmem>> -> memref<640xf32, #tpu.memory_space<vmem>>
      tpu.enqueue_dma source(%dma_start3A_139 : memref<640xf32, #tpu.memory_space<vmem>>) target(%dma_start3A_136 : memref<640xf32, #tpu.memory_space<any>>) target_semaphore(%arg5 : memref<!tpu.dma_semaphore, #tpu.memory_space<semaphore_mem>>)
      %dma_start3A_140 = arith.constant 13 : i32
      %dma_start3A_141 = tpu.memref_slice %arg3[%add3A_67] : memref<16001024xf32, #tpu.memory_space<any>> -> memref<640xf32, #tpu.memory_space<any>>
      %dma_start3A_142 = arith.constant 0 : i32
      %dma_start3A_143 = tpu.memref_slice %arg4[%dma_start3A_140, %dma_start3A_142] : memref<16x8192xf32, #tpu.memory_space<vmem>> -> memref<1x640xf32, #tpu.memory_space<vmem>>
      %dma_start3A_144 = tpu.memref_squeeze %dma_start3A_143 : memref<1x640xf32, #tpu.memory_space<vmem>> -> memref<640xf32, #tpu.memory_space<vmem>>
      tpu.enqueue_dma source(%dma_start3A_144 : memref<640xf32, #tpu.memory_space<vmem>>) target(%dma_start3A_141 : memref<640xf32, #tpu.memory_space<any>>) target_semaphore(%arg5 : memref<!tpu.dma_semaphore, #tpu.memory_space<semaphore_mem>>)
      %dma_start3A_145 = arith.constant 14 : i32
      %dma_start3A_146 = tpu.memref_slice %arg3[%add3A_71] : memref<16001024xf32, #tpu.memory_space<any>> -> memref<640xf32, #tpu.memory_space<any>>
      %dma_start3A_147 = arith.constant 0 : i32
      %dma_start3A_148 = tpu.memref_slice %arg4[%dma_start3A_145, %dma_start3A_147] : memref<16x8192xf32, #tpu.memory_space<vmem>> -> memref<1x640xf32, #tpu.memory_space<vmem>>
      %dma_start3A_149 = tpu.memref_squeeze %dma_start3A_148 : memref<1x640xf32, #tpu.memory_space<vmem>> -> memref<640xf32, #tpu.memory_space<vmem>>
      tpu.enqueue_dma source(%dma_start3A_149 : memref<640xf32, #tpu.memory_space<vmem>>) target(%dma_start3A_146 : memref<640xf32, #tpu.memory_space<any>>) target_semaphore(%arg5 : memref<!tpu.dma_semaphore, #tpu.memory_space<semaphore_mem>>)
      %dma_start3A_150 = arith.constant 15 : i32
      %dma_start3A_151 = tpu.memref_slice %arg3[%add3A_75] : memref<16001024xf32, #tpu.memory_space<any>> -> memref<640xf32, #tpu.memory_space<any>>
      %dma_start3A_152 = arith.constant 0 : i32
      %dma_start3A_153 = tpu.memref_slice %arg4[%dma_start3A_150, %dma_start3A_152] : memref<16x8192xf32, #tpu.memory_space<vmem>> -> memref<1x640xf32, #tpu.memory_space<vmem>>
      %dma_start3A_154 = tpu.memref_squeeze %dma_start3A_153 : memref<1x640xf32, #tpu.memory_space<vmem>> -> memref<640xf32, #tpu.memory_space<vmem>>
      tpu.enqueue_dma source(%dma_start3A_154 : memref<640xf32, #tpu.memory_space<vmem>>) target(%dma_start3A_151 : memref<640xf32, #tpu.memory_space<any>>) target_semaphore(%arg5 : memref<!tpu.dma_semaphore, #tpu.memory_space<semaphore_mem>>)
      %dma_wait3A = arith.constant 0 : i32
      %dma_wait3A_155 = tpu.memref_slice %arg3[%add3A_15] : memref<16001024xf32, #tpu.memory_space<any>> -> memref<640xf32, #tpu.memory_space<any>>
      %dma_wait3A_156 = arith.constant 0 : i32
      %dma_wait3A_157 = tpu.memref_slice %arg4[%dma_wait3A, %dma_wait3A_156] : memref<16x8192xf32, #tpu.memory_space<vmem>> -> memref<1x640xf32, #tpu.memory_space<vmem>>
      %dma_wait3A_158 = tpu.memref_squeeze %dma_wait3A_157 : memref<1x640xf32, #tpu.memory_space<vmem>> -> memref<640xf32, #tpu.memory_space<vmem>>
      tpu.wait_dma2 semaphore(%arg5 : memref<!tpu.dma_semaphore, #tpu.memory_space<semaphore_mem>>) src(%dma_wait3A_158 : memref<640xf32, #tpu.memory_space<vmem>>) dst(%dma_wait3A_155 : memref<640xf32, #tpu.memory_space<any>>)
      %dma_wait3A_159 = arith.constant 1 : i32
      %dma_wait3A_160 = tpu.memref_slice %arg3[%add3A_19] : memref<16001024xf32, #tpu.memory_space<any>> -> memref<640xf32, #tpu.memory_space<any>>
      %dma_wait3A_161 = arith.constant 0 : i32
      %dma_wait3A_162 = tpu.memref_slice %arg4[%dma_wait3A_159, %dma_wait3A_161] : memref<16x8192xf32, #tpu.memory_space<vmem>> -> memref<1x640xf32, #tpu.memory_space<vmem>>
      %dma_wait3A_163 = tpu.memref_squeeze %dma_wait3A_162 : memref<1x640xf32, #tpu.memory_space<vmem>> -> memref<640xf32, #tpu.memory_space<vmem>>
      tpu.wait_dma2 semaphore(%arg5 : memref<!tpu.dma_semaphore, #tpu.memory_space<semaphore_mem>>) src(%dma_wait3A_163 : memref<640xf32, #tpu.memory_space<vmem>>) dst(%dma_wait3A_160 : memref<640xf32, #tpu.memory_space<any>>)
      %dma_wait3A_164 = arith.constant 2 : i32
      %dma_wait3A_165 = tpu.memref_slice %arg3[%add3A_23] : memref<16001024xf32, #tpu.memory_space<any>> -> memref<640xf32, #tpu.memory_space<any>>
      %dma_wait3A_166 = arith.constant 0 : i32
      %dma_wait3A_167 = tpu.memref_slice %arg4[%dma_wait3A_164, %dma_wait3A_166] : memref<16x8192xf32, #tpu.memory_space<vmem>> -> memref<1x640xf32, #tpu.memory_space<vmem>>
      %dma_wait3A_168 = tpu.memref_squeeze %dma_wait3A_167 : memref<1x640xf32, #tpu.memory_space<vmem>> -> memref<640xf32, #tpu.memory_space<vmem>>
      tpu.wait_dma2 semaphore(%arg5 : memref<!tpu.dma_semaphore, #tpu.memory_space<semaphore_mem>>) src(%dma_wait3A_168 : memref<640xf32, #tpu.memory_space<vmem>>) dst(%dma_wait3A_165 : memref<640xf32, #tpu.memory_space<any>>)
      %dma_wait3A_169 = arith.constant 3 : i32
      %dma_wait3A_170 = tpu.memref_slice %arg3[%add3A_27] : memref<16001024xf32, #tpu.memory_space<any>> -> memref<640xf32, #tpu.memory_space<any>>
      %dma_wait3A_171 = arith.constant 0 : i32
      %dma_wait3A_172 = tpu.memref_slice %arg4[%dma_wait3A_169, %dma_wait3A_171] : memref<16x8192xf32, #tpu.memory_space<vmem>> -> memref<1x640xf32, #tpu.memory_space<vmem>>
      %dma_wait3A_173 = tpu.memref_squeeze %dma_wait3A_172 : memref<1x640xf32, #tpu.memory_space<vmem>> -> memref<640xf32, #tpu.memory_space<vmem>>
      tpu.wait_dma2 semaphore(%arg5 : memref<!tpu.dma_semaphore, #tpu.memory_space<semaphore_mem>>) src(%dma_wait3A_173 : memref<640xf32, #tpu.memory_space<vmem>>) dst(%dma_wait3A_170 : memref<640xf32, #tpu.memory_space<any>>)
      %dma_wait3A_174 = arith.constant 4 : i32
      %dma_wait3A_175 = tpu.memref_slice %arg3[%add3A_31] : memref<16001024xf32, #tpu.memory_space<any>> -> memref<640xf32, #tpu.memory_space<any>>
      %dma_wait3A_176 = arith.constant 0 : i32
      %dma_wait3A_177 = tpu.memref_slice %arg4[%dma_wait3A_174, %dma_wait3A_176] : memref<16x8192xf32, #tpu.memory_space<vmem>> -> memref<1x640xf32, #tpu.memory_space<vmem>>
      %dma_wait3A_178 = tpu.memref_squeeze %dma_wait3A_177 : memref<1x640xf32, #tpu.memory_space<vmem>> -> memref<640xf32, #tpu.memory_space<vmem>>
      tpu.wait_dma2 semaphore(%arg5 : memref<!tpu.dma_semaphore, #tpu.memory_space<semaphore_mem>>) src(%dma_wait3A_178 : memref<640xf32, #tpu.memory_space<vmem>>) dst(%dma_wait3A_175 : memref<640xf32, #tpu.memory_space<any>>)
      %dma_wait3A_179 = arith.constant 5 : i32
      %dma_wait3A_180 = tpu.memref_slice %arg3[%add3A_35] : memref<16001024xf32, #tpu.memory_space<any>> -> memref<640xf32, #tpu.memory_space<any>>
      %dma_wait3A_181 = arith.constant 0 : i32
      %dma_wait3A_182 = tpu.memref_slice %arg4[%dma_wait3A_179, %dma_wait3A_181] : memref<16x8192xf32, #tpu.memory_space<vmem>> -> memref<1x640xf32, #tpu.memory_space<vmem>>
      %dma_wait3A_183 = tpu.memref_squeeze %dma_wait3A_182 : memref<1x640xf32, #tpu.memory_space<vmem>> -> memref<640xf32, #tpu.memory_space<vmem>>
      tpu.wait_dma2 semaphore(%arg5 : memref<!tpu.dma_semaphore, #tpu.memory_space<semaphore_mem>>) src(%dma_wait3A_183 : memref<640xf32, #tpu.memory_space<vmem>>) dst(%dma_wait3A_180 : memref<640xf32, #tpu.memory_space<any>>)
      %dma_wait3A_184 = arith.constant 6 : i32
      %dma_wait3A_185 = tpu.memref_slice %arg3[%add3A_39] : memref<16001024xf32, #tpu.memory_space<any>> -> memref<640xf32, #tpu.memory_space<any>>
      %dma_wait3A_186 = arith.constant 0 : i32
      %dma_wait3A_187 = tpu.memref_slice %arg4[%dma_wait3A_184, %dma_wait3A_186] : memref<16x8192xf32, #tpu.memory_space<vmem>> -> memref<1x640xf32, #tpu.memory_space<vmem>>
      %dma_wait3A_188 = tpu.memref_squeeze %dma_wait3A_187 : memref<1x640xf32, #tpu.memory_space<vmem>> -> memref<640xf32, #tpu.memory_space<vmem>>
      tpu.wait_dma2 semaphore(%arg5 : memref<!tpu.dma_semaphore, #tpu.memory_space<semaphore_mem>>) src(%dma_wait3A_188 : memref<640xf32, #tpu.memory_space<vmem>>) dst(%dma_wait3A_185 : memref<640xf32, #tpu.memory_space<any>>)
      %dma_wait3A_189 = arith.constant 7 : i32
      %dma_wait3A_190 = tpu.memref_slice %arg3[%add3A_43] : memref<16001024xf32, #tpu.memory_space<any>> -> memref<640xf32, #tpu.memory_space<any>>
      %dma_wait3A_191 = arith.constant 0 : i32
      %dma_wait3A_192 = tpu.memref_slice %arg4[%dma_wait3A_189, %dma_wait3A_191] : memref<16x8192xf32, #tpu.memory_space<vmem>> -> memref<1x640xf32, #tpu.memory_space<vmem>>
      %dma_wait3A_193 = tpu.memref_squeeze %dma_wait3A_192 : memref<1x640xf32, #tpu.memory_space<vmem>> -> memref<640xf32, #tpu.memory_space<vmem>>
      tpu.wait_dma2 semaphore(%arg5 : memref<!tpu.dma_semaphore, #tpu.memory_space<semaphore_mem>>) src(%dma_wait3A_193 : memref<640xf32, #tpu.memory_space<vmem>>) dst(%dma_wait3A_190 : memref<640xf32, #tpu.memory_space<any>>)
      %dma_wait3A_194 = arith.constant 8 : i32
      %dma_wait3A_195 = tpu.memref_slice %arg3[%add3A_47] : memref<16001024xf32, #tpu.memory_space<any>> -> memref<640xf32, #tpu.memory_space<any>>
      %dma_wait3A_196 = arith.constant 0 : i32
      %dma_wait3A_197 = tpu.memref_slice %arg4[%dma_wait3A_194, %dma_wait3A_196] : memref<16x8192xf32, #tpu.memory_space<vmem>> -> memref<1x640xf32, #tpu.memory_space<vmem>>
      %dma_wait3A_198 = tpu.memref_squeeze %dma_wait3A_197 : memref<1x640xf32, #tpu.memory_space<vmem>> -> memref<640xf32, #tpu.memory_space<vmem>>
      tpu.wait_dma2 semaphore(%arg5 : memref<!tpu.dma_semaphore, #tpu.memory_space<semaphore_mem>>) src(%dma_wait3A_198 : memref<640xf32, #tpu.memory_space<vmem>>) dst(%dma_wait3A_195 : memref<640xf32, #tpu.memory_space<any>>)
      %dma_wait3A_199 = arith.constant 9 : i32
      %dma_wait3A_200 = tpu.memref_slice %arg3[%add3A_51] : memref<16001024xf32, #tpu.memory_space<any>> -> memref<640xf32, #tpu.memory_space<any>>
      %dma_wait3A_201 = arith.constant 0 : i32
      %dma_wait3A_202 = tpu.memref_slice %arg4[%dma_wait3A_199, %dma_wait3A_201] : memref<16x8192xf32, #tpu.memory_space<vmem>> -> memref<1x640xf32, #tpu.memory_space<vmem>>
      %dma_wait3A_203 = tpu.memref_squeeze %dma_wait3A_202 : memref<1x640xf32, #tpu.memory_space<vmem>> -> memref<640xf32, #tpu.memory_space<vmem>>
      tpu.wait_dma2 semaphore(%arg5 : memref<!tpu.dma_semaphore, #tpu.memory_space<semaphore_mem>>) src(%dma_wait3A_203 : memref<640xf32, #tpu.memory_space<vmem>>) dst(%dma_wait3A_200 : memref<640xf32, #tpu.memory_space<any>>)
      %dma_wait3A_204 = arith.constant 10 : i32
      %dma_wait3A_205 = tpu.memref_slice %arg3[%add3A_55] : memref<16001024xf32, #tpu.memory_space<any>> -> memref<640xf32, #tpu.memory_space<any>>
      %dma_wait3A_206 = arith.constant 0 : i32
      %dma_wait3A_207 = tpu.memref_slice %arg4[%dma_wait3A_204, %dma_wait3A_206] : memref<16x8192xf32, #tpu.memory_space<vmem>> -> memref<1x640xf32, #tpu.memory_space<vmem>>
      %dma_wait3A_208 = tpu.memref_squeeze %dma_wait3A_207 : memref<1x640xf32, #tpu.memory_space<vmem>> -> memref<640xf32, #tpu.memory_space<vmem>>
      tpu.wait_dma2 semaphore(%arg5 : memref<!tpu.dma_semaphore, #tpu.memory_space<semaphore_mem>>) src(%dma_wait3A_208 : memref<640xf32, #tpu.memory_space<vmem>>) dst(%dma_wait3A_205 : memref<640xf32, #tpu.memory_space<any>>)
      %dma_wait3A_209 = arith.constant 11 : i32
      %dma_wait3A_210 = tpu.memref_slice %arg3[%add3A_59] : memref<16001024xf32, #tpu.memory_space<any>> -> memref<640xf32, #tpu.memory_space<any>>
      %dma_wait3A_211 = arith.constant 0 : i32
      %dma_wait3A_212 = tpu.memref_slice %arg4[%dma_wait3A_209, %dma_wait3A_211] : memref<16x8192xf32, #tpu.memory_space<vmem>> -> memref<1x640xf32, #tpu.memory_space<vmem>>
      %dma_wait3A_213 = tpu.memref_squeeze %dma_wait3A_212 : memref<1x640xf32, #tpu.memory_space<vmem>> -> memref<640xf32, #tpu.memory_space<vmem>>
      tpu.wait_dma2 semaphore(%arg5 : memref<!tpu.dma_semaphore, #tpu.memory_space<semaphore_mem>>) src(%dma_wait3A_213 : memref<640xf32, #tpu.memory_space<vmem>>) dst(%dma_wait3A_210 : memref<640xf32, #tpu.memory_space<any>>)
      %dma_wait3A_214 = arith.constant 12 : i32
      %dma_wait3A_215 = tpu.memref_slice %arg3[%add3A_63] : memref<16001024xf32, #tpu.memory_space<any>> -> memref<640xf32, #tpu.memory_space<any>>
      %dma_wait3A_216 = arith.constant 0 : i32
      %dma_wait3A_217 = tpu.memref_slice %arg4[%dma_wait3A_214, %dma_wait3A_216] : memref<16x8192xf32, #tpu.memory_space<vmem>> -> memref<1x640xf32, #tpu.memory_space<vmem>>
      %dma_wait3A_218 = tpu.memref_squeeze %dma_wait3A_217 : memref<1x640xf32, #tpu.memory_space<vmem>> -> memref<640xf32, #tpu.memory_space<vmem>>
      tpu.wait_dma2 semaphore(%arg5 : memref<!tpu.dma_semaphore, #tpu.memory_space<semaphore_mem>>) src(%dma_wait3A_218 : memref<640xf32, #tpu.memory_space<vmem>>) dst(%dma_wait3A_215 : memref<640xf32, #tpu.memory_space<any>>)
      %dma_wait3A_219 = arith.constant 13 : i32
      %dma_wait3A_220 = tpu.memref_slice %arg3[%add3A_67] : memref<16001024xf32, #tpu.memory_space<any>> -> memref<640xf32, #tpu.memory_space<any>>
      %dma_wait3A_221 = arith.constant 0 : i32
      %dma_wait3A_222 = tpu.memref_slice %arg4[%dma_wait3A_219, %dma_wait3A_221] : memref<16x8192xf32, #tpu.memory_space<vmem>> -> memref<1x640xf32, #tpu.memory_space<vmem>>
      %dma_wait3A_223 = tpu.memref_squeeze %dma_wait3A_222 : memref<1x640xf32, #tpu.memory_space<vmem>> -> memref<640xf32, #tpu.memory_space<vmem>>
      tpu.wait_dma2 semaphore(%arg5 : memref<!tpu.dma_semaphore, #tpu.memory_space<semaphore_mem>>) src(%dma_wait3A_223 : memref<640xf32, #tpu.memory_space<vmem>>) dst(%dma_wait3A_220 : memref<640xf32, #tpu.memory_space<any>>)
      %dma_wait3A_224 = arith.constant 14 : i32
      %dma_wait3A_225 = tpu.memref_slice %arg3[%add3A_71] : memref<16001024xf32, #tpu.memory_space<any>> -> memref<640xf32, #tpu.memory_space<any>>
      %dma_wait3A_226 = arith.constant 0 : i32
      %dma_wait3A_227 = tpu.memref_slice %arg4[%dma_wait3A_224, %dma_wait3A_226] : memref<16x8192xf32, #tpu.memory_space<vmem>> -> memref<1x640xf32, #tpu.memory_space<vmem>>
      %dma_wait3A_228 = tpu.memref_squeeze %dma_wait3A_227 : memref<1x640xf32, #tpu.memory_space<vmem>> -> memref<640xf32, #tpu.memory_space<vmem>>
      tpu.wait_dma2 semaphore(%arg5 : memref<!tpu.dma_semaphore, #tpu.memory_space<semaphore_mem>>) src(%dma_wait3A_228 : memref<640xf32, #tpu.memory_space<vmem>>) dst(%dma_wait3A_225 : memref<640xf32, #tpu.memory_space<any>>)
      %dma_wait3A_229 = arith.constant 15 : i32
      %dma_wait3A_230 = tpu.memref_slice %arg3[%add3A_75] : memref<16001024xf32, #tpu.memory_space<any>> -> memref<640xf32, #tpu.memory_space<any>>
      %dma_wait3A_231 = arith.constant 0 : i32
      %dma_wait3A_232 = tpu.memref_slice %arg4[%dma_wait3A_229, %dma_wait3A_231] : memref<16x8192xf32, #tpu.memory_space<vmem>> -> memref<1x640xf32, #tpu.memory_space<vmem>>
      %dma_wait3A_233 = tpu.memref_squeeze %dma_wait3A_232 : memref<1x640xf32, #tpu.memory_space<vmem>> -> memref<640xf32, #tpu.memory_space<vmem>>
      tpu.wait_dma2 semaphore(%arg5 : memref<!tpu.dma_semaphore, #tpu.memory_space<semaphore_mem>>) src(%dma_wait3A_233 : memref<640xf32, #tpu.memory_space<vmem>>) dst(%dma_wait3A_230 : memref<640xf32, #tpu.memory_space<any>>)
    } else {
    }
    return
  }
  func.func @transform_0(%arg0: i32) -> (i32, i32) {
    %c0_i32 = arith.constant 0 : i32
    %c0_i32_0 = arith.constant 0 : i32
    %c0_i32_1 = arith.constant 0 : i32
    return %c0_i32, %c0_i32_0 : i32, i32
  }
  func.func @transform_1(%arg0: i32) -> (i32, i32) {
    %c0_i32 = arith.constant 0 : i32
    %c0_i32_0 = arith.constant 0 : i32
    return %c0_i32, %arg0 : i32, i32
  }
}

module attributes {stable_mosaic.version = 14 : i64} {
  func.func @body(%arg0: memref<4096x16xf32, #tpu.memory_space<vmem>>, %arg1: memref<1x16xf32, #tpu.memory_space<vmem>>, %arg2: memref<4096x10xf32, #tpu.memory_space<vmem>>) attributes {dimension_semantics = [], scalar_prefetch = 0 : i64, scratch_operands = 0 : i64, tpu.core_type = #tpu.core_type<tc>} {
    %get3A = arith.constant 0 : index
    %get3A_0 = arith.constant 0 : index
    %get3A_1 = vector.load %arg0[%get3A, %get3A_0] : memref<4096x16xf32, #tpu.memory_space<vmem>>, vector<4096x16xf32>
    %slice3A = vector.extract_strided_slice %get3A_1 {offsets = [0, 0], sizes = [4096, 10], strides = [1, 1]} : vector<4096x16xf32> to vector<4096x10xf32>
    %mul3A = arith.constant 5.000000e-03 : f32
    %mul3A_2 = vector.broadcast %mul3A : f32 to vector<4096x10xf32>
    %mul3A_3 = arith.mulf %slice3A, %mul3A_2 : vector<4096x10xf32>
    %get3A_4 = arith.constant 0 : index
    %get3A_5 = arith.constant 0 : index
    %get3A_6 = vector.load %arg1[%get3A_4, %get3A_5] : memref<1x16xf32, #tpu.memory_space<vmem>>, vector<1x16xf32>
    %slice3A_7 = vector.extract_strided_slice %get3A_6 {offsets = [0, 0], sizes = [1, 10], strides = [1, 1]} : vector<1x16xf32> to vector<1x10xf32>
    %add3A = vector.broadcast %slice3A_7 : vector<1x10xf32> to vector<4096x10xf32>
    %add3A_8 = arith.addf %mul3A_3, %add3A : vector<4096x10xf32>
    %reduce_max3A = arith.constant dense<0xFF800000> : vector<4096xf32>
    %reduce_max3A_9 = vector.multi_reduction <maximumf>, %add3A_8, %reduce_max3A [1] : vector<4096x10xf32> to vector<4096xf32>
    %broadcast_in_dim3A = vector.shape_cast %reduce_max3A_9 : vector<4096xf32> to vector<4096x1xf32>
    %sub3A = vector.broadcast %broadcast_in_dim3A : vector<4096x1xf32> to vector<4096x10xf32>
    %sub3A_10 = arith.subf %add3A_8, %sub3A : vector<4096x10xf32>
    %exp3A = math.exp %sub3A_10 : vector<4096x10xf32>
    %reduce_sum3A = arith.constant dense<0.000000e+00> : vector<4096xf32>
    %reduce_sum3A_11 = vector.multi_reduction <add>, %exp3A, %reduce_sum3A [1] : vector<4096x10xf32> to vector<4096xf32>
    %broadcast_in_dim3A_12 = vector.shape_cast %reduce_sum3A_11 : vector<4096xf32> to vector<4096x1xf32>
    %log3A = math.log %broadcast_in_dim3A_12 : vector<4096x1xf32>
    %add3A_13 = arith.addf %log3A, %broadcast_in_dim3A : vector<4096x1xf32>
    %sub3A_14 = vector.broadcast %add3A_13 : vector<4096x1xf32> to vector<4096x10xf32>
    %sub3A_15 = arith.subf %add3A_8, %sub3A_14 : vector<4096x10xf32>
    %swap3A = arith.constant 0 : index
    %swap3A_16 = arith.constant 0 : index
    %swap3A_17 = vector.load %arg2[%swap3A, %swap3A_16] : memref<4096x10xf32, #tpu.memory_space<vmem>>, vector<4096x10xf32>
    tpu.vector_store %arg2[%swap3A, %swap3A_16], %sub3A_15 {strides = array<i32>} : memref<4096x10xf32, #tpu.memory_space<vmem>>, vector<4096x10xf32>,
    return
  }
}

</mosaic_0001>

<sc_bundles>
// kernel: kernel.6.cloned.1.call-start
scs
__scs_entry_jumppad:
0x0: {  	(pc) =	sbr.rel $0x88, $3  }
0x1: {  	(tag) =	ssettag $0x0;
	lr =	simm.s32 $0x1  }
0x2: {  	[smem:$0x3F9D] =	sst lr;
	_ =	strace $0xD0000000  }
0x3: {  	_ = 	snop  }
0x4: {  	_ = 	snop  }
0x5: {  	_ = 	snop  }
0x6: {  	_ = 	snop  }
0x7: {  	_ = 	snop  }
__scs_overlays_trampoline_lowered:
0x8: {  	[smem:$0x3FAC] =	sst s0  }
0x9: {  	[smem:$0x3FAD] =	sst s1  }
0xa: {  	[smem:$0x3FAE] =	sst s2  }
0xb: {  	[smem:$0x3FAF] =	sst s3  }
0xc: {  	[smem:$0x3FB0] =	sst s4  }
0xd: {  	[smem:$0x3FB1] =	sst s5  }
0xe: {  	[smem:$0x3FB2] =	sst s6  }
0xf: {  	[smem:$0x3FB3] =	sst s7  }
0x10: {  	[smem:$0x3FB4] =	sst s8  }
0x11: {  	[smem:$0x3FB5] =	sst s9;
	s0 =	simm.s32 @!p0 $0x0  }
0x12: {  	s1 =	sld [smem:$0x3F9B];
	s0 =	simm.s32 @p0 $0x1  }
0x13: {  	[smem:$0x3FB6] =	sst s0;
	s0 =	simm.s32 @!p1 $0x0  }
0x14: {  	s2 =	sld [smem:$0x3F9A];
	s0 =	simm.s32 @p1 $0x1  }
0x15: {  	[smem:$0x3FB7] =	sst s0;
	s0 =	simm.s32 @!p2 $0x0  }
0x16: {  	s3 =	sld [smem:$0x3FDB];
	s0 =	simm.s32 @p2 $0x1  }
0x17: {  	s4 =	simm.s32 $0x1BF5;
	[smem:$0x3FB9] =	sst s0  }
0x18: {  	s0 =	sld [smem:$0x3F9C];
	_ =	swait.ge [sflag:s4], $0x0  }
0x19: {  	s7 =	sld [smem:$0x3F9D]  }
0x1a: {  	s8 =	sadd.s32 $0xFFFFE003, lr  }
0x1b: {  	s9 =	sadd.s32 $0xFFFFFEF7, lr;
	s5 =	simm.s32 $0xFFFFFFFF;
	p2 =	slt.u32 s8, $0xFFFFF086  }
0x1c: {  	p1 =	slt.u32 s9, $0xF7A;
	s5 =	simm.s32 @!p2 $0x0  }
0x1d: {  	s5 =	simm.s32 @p1 $0x1;
	p0 =	seq.s32 s7, s2  }
0x1e: {  	s7 =	smul.u32 @!p0 $0xF7A, s2;
	p2 =	seq.s32 @!p0 s5, $0x0  }
0x1f: {  	s9 =	smul.u32 $0xF7A, s1;
	s8 =	simm.s32 @!p0 $0x1BF5;
	p2 =	por !p2, p0  }
0x20: {  	[sflag:s8] =	ssyncset.s32 @!p0 $0xFFFFF086;
	s6 =	sadd.s32 @!p0 s3, s7;
	s7 =	simm.s32 @!p0 $0x108  }
0x21: {  	s3 =	sadd.s32 s3, s9;
	s6 =	sadd.s32 @!p0 $0x88, s6;
	s7 =	simm.s32 @p2 $0x1082  }
0x22: {  	[simem:s7], [sflag:s8] =	dma.local @!p0 [hbm:s6], $0xF7A  }
0x23: {  	s9 =	sor.u32 $0xD0000000, s2;
	s6 =	simm.s32 $0x108;
	_ =	swait.ge @!p0 [sflag:s8], $0x0  }
0x24: {  	s3 =	sadd.s32 $0x88, s3;
	s6 =	simm.s32 @!p1 $0x1082;
	[sflag:s4] =	ssyncset.s32 $0xFFFFF086  }
0x25: {  	[simem:s6], [sflag:s4] =	dma.local [hbm:s3], $0xF7A  }
0x26: {  	[smem:$0x3F9D] =	sst s1;
	(tag) =	ssettag s2;
	_ =	strace s9  }
0x27: {  	s1 =	sld [smem:$0x3FAD]  }
0x28: {  	s2 =	sld [smem:$0x3FAE]  }
0x29: {  	s4 =	sld [smem:$0x3FB0]  }
0x2a: {  	p0 =	seq.s32 s5, $0x0;
	s5 =	sld [smem:$0x3FB1]  }
0x2b: {  	s6 =	sld [smem:$0x3FB2]  }
0x2c: {  	s7 =	sld [smem:$0x3FB3]  }
0x2d: {  	s3 =	simm.s32 $0x108;
	s8 =	sld [smem:$0x3FB4]  }
0x2e: {  	s3 =	simm.s32 @!p0 $0x1082;
	s9 =	sld [smem:$0x3FB5]  }
0x2f: {  	lr =	sadd.s32 s0, s3;
	s0 =	sld [smem:$0x3FAC]  }
0x30: {  	s3 =	sld [smem:$0x3FAF]  }
0x31: {  	[smem:$0x3FB8] =	sst s10  }
0x32: {  	s10 =	sld [smem:$0x3FB6];
	_ =	sdelay $0x3  }
0x33: {  	p0 =	seq.s32 s10, $0x1;
	s10 =	sld [smem:$0x3FB8];
	_ =	sdelay $0x3  }
0x34: {  	[smem:$0x3FB8] =	sst s10  }
0x35: {  	s10 =	sld [smem:$0x3FB7];
	_ =	sdelay $0x3  }
0x36: {  	p1 =	seq.s32 s10, $0x1;
	s10 =	sld [smem:$0x3FB8];
	_ =	sdelay $0x3  }
0x37: {  	[smem:$0x3FB8] =	sst s10  }
0x38: {  	s10 =	sld [smem:$0x3FB9]  }
0x39: {  	_ = 	snop;
	(pc) =	sbr.ind lr, $3  }
0x3a: {  	_ = 	snop  }
0x3b: {  	_ = 	snop  }
0x3c: {  	p2 =	seq.s32 s10, $0x1;
	s10 =	sld [smem:$0x3FB8]  }
0x3d: {  	_ =	shalt  }
0x3e: {  	_ =	shalt  }
0x3f: {  	_ =	shalt  }
0x40: {  	_ =	shalt  }
0x41: {  	_ =	shalt  }
0x42: {  	_ =	shalt  }
0x43: {  	_ =	shalt  }
0x44: {  	_ =	shalt  }
0x45: {  	_ =	shalt  }
0x46: {  	_ =	shalt  }
0x47: {  	_ =	shalt  }
0x48: {  	_ =	shalt  }
0x49: {  	_ =	shalt  }
0x4a: {  	_ =	shalt  }
0x4b: {  	_ =	shalt  }
0x4c: {  	_ =	shalt  }
0x4d: {  	_ =	shalt  }
0x4e: {  	_ =	shalt  }
0x4f: {  	_ =	shalt  }
0x50: {  	_ =	shalt  }
0x51: {  	_ =	shalt  }
0x52: {  	_ =	shalt  }
0x53: {  	_ =	shalt  }
0x54: {  	_ =	shalt  }
0x55: {  	_ =	shalt  }
0x56: {  	_ =	shalt  }
0x57: {  	_ =	shalt  }
0x58: {  	_ =	shalt  }
0x59: {  	_ =	shalt  }
0x5a: {  	_ =	shalt  }
0x5b: {  	_ =	shalt  }
0x5c: {  	_ =	shalt  }
0x5d: {  	_ =	shalt  }
0x5e: {  	_ =	shalt  }
0x5f: {  	_ =	shalt  }
0x60: {  	_ =	shalt  }
0x61: {  	_ =	shalt  }
0x62: {  	_ =	shalt  }
0x63: {  	_ =	shalt  }
0x64: {  	_ =	shalt  }
0x65: {  	_ =	shalt  }
0x66: {  	_ =	shalt  }
0x67: {  	_ =	shalt  }
0x68: {  	_ =	shalt  }
0x69: {  	_ =	shalt  }
0x6a: {  	_ =	shalt  }
0x6b: {  	_ =	shalt  }
0x6c: {  	_ =	shalt  }
0x6d: {  	_ =	shalt  }
0x6e: {  	_ =	shalt  }
0x6f: {  	_ =	shalt  }
0x70: {  	_ =	shalt  }
0x71: {  	_ =	shalt  }
0x72: {  	_ =	shalt  }
0x73: {  	_ =	shalt  }
0x74: {  	_ =	shalt  }
0x75: {  	_ =	shalt  }
0x76: {  	_ =	shalt  }
0x77: {  	_ =	shalt  }
0x78: {  	_ =	shalt  }
0x79: {  	_ =	shalt  }
0x7a: {  	_ =	shalt  }
0x7b: {  	_ =	shalt  }
0x7c: {  	_ =	shalt  }
0x7d: {  	_ =	shalt  }
0x7e: {  	_ =	shalt  }
0x7f: {  	_ =	shalt  }
0x80: {  	_ =	shalt  }
0x81: {  	_ =	shalt  }
0x82: {  	_ =	shalt  }
0x83: {  	_ =	shalt  }
0x84: {  	_ =	shalt  }
0x85: {  	_ =	shalt  }
0x86: {  	_ =	shalt  }
0x87: {  	_ =	shalt  }
.Lfunc_end0:
.L_simem_size_0:
called_computation_lowered:
.L_overlay_start_0:
0x88: {  	s2 =	sld [smem:$0x3FD9]  }
0x89: {  	s3 =	sld [smem:$0x3FFE];
	_ =	sdelay $0x1  }
0x8a: {  	s1 =	srdreg.scid  }
0x8b: {  	s0 =	sand.u32 $0x1, s1  }
0x8c: {  	s16 =	sshll.u32 s0, $0xA;
	s2 =	sadd.s32 s3, s2  }
0x8d: {  	s2 =	sadd.s32 s2, s16  }
0x8e: {  	[smem:$0x3FC4] =	sst s2  }
0x8f: {  	_ = 	snop  }
0x90: {  	(tm) =	ssettm $0x1  }
0x91: {  	s17 =	sld [smem:$0x3FFB];
	_ =	sdelay $0x3  }
0x92: {  	_ =	strace s17  }
0x93: {  	s2 =	sld [smem:$0x3FFC];
	_ =	sdelay $0x3  }
0x94: {  	_ =	strace s2  }
0x95: {  	s2 =	sld [smem:$0x3FFD];
	_ =	sdelay $0x3  }
0x96: {  	_ =	strace s2  }
0x97: {  	_ =	strace $0x8FFFFFFF  }
0x98: {  	s18 =	sld [smem:$0x3FDB];
	_ =	sdelay $0x1  }
0x99: {  	s19 =	simm.s32 $_scs_section_size  }
0x9a: {  	s4 =	simm.s32 $_size__tile_overlayer_lowered;
	s5 =	simm.s32 $_tile_overlayer_lowered  }
0x9b: {  	s22 =	simm.s32 $0x1BFF;
	s21 =	sshll.u32 s5, $0x1;
	s2 =	sadd.s32 s19, s18  }
0x9c: {  	s6 =	simm.s32 $0x0;
	s20 =	sshll.u32 s4, $0x1;
	s4 =	sadd.s32 s21, s2  }
0x9d: {  	[timem:s6], [sflag:s22] =	dma.local [hbm:s4], s20  }
0x9e: {  	_ =	swait.ge [sflag:s22], s20  }
0x9f: {  	s3 =	ssub.s32 $0x0, s20;
	[sflag:s22] =	ssyncset.done $0x0  }
0xa0: {  	[sflag:s22] =	ssyncadd.s32 s3;
	_ =	sdelay $0x1  }
0xa1: {  	s23 =	simm.s32 $0x1B8B  }
0xa2: {  	_ =	swait.ge [sflag:s23], $0x1  }
0xa3: {  	[sflag:s23] =	ssyncset.done $0x0  }
0xa4: {  	s25 =	simm.s32 $0x1B8E;
	s24 =	sld [smem:$0x3FFE];
	[sflag:s23] =	ssyncadd.s32 $0xFFFFFFFF  }
0xa5: {  	s26 =	simm.s32 $execute0_lowered;
	[smem:$0x3FD2] =	sst s25  }
0xa6: {  	s4 =	sshll.u32 s26, $0x1;
	_ =	strace $0x80000046;
	[dreg:$0x1] =	wrdreg $0xFFFFFFFF  }
0xa7: {  	s28 =	simm.s32 $_size_execute0_lowered;
	s2 =	sadd.s32 s2, s4;
	[dreg:$0x0] =	wrdreg $0x0  }
0xa8: {  	s4 =	sshll.u32 s28, $0x1;
	[dreg:$0x2] =	wrdreg s2  }
0xa9: {  	[dreg:$0x3] =	wrdreg s4  }
0xaa: {  	[dreg:$0x4] =	wrdreg $0xC0  }
0xab: {  	_ =	task [dreg:s6], $0x5FFFF  }
0xac: {  	[dreg:$0x1] =	wrdreg $0xFFFFFFFF  }
0xad: {  	[dreg:$0x0] =	wrdreg $0x60  }
0xae: {  	[dreg:$0x2] =	wrdreg s24  }
0xaf: {  	[dreg:$0x3] =	wrdreg $0x9  }
0xb0: {  	_ =	task.clear_ibuf [dreg:s6], $0x4FFFF;
	_ =	strace $0x90000046  }
0xb1: {  	s29 =	simm.s32 $0x9;
	_ =	strace $0x80000048  }
0xb2: {  	_ =	swait.ge [sflag:s29], $0x1  }
0xb3: {  	[sflag:s29] =	ssyncadd.s32 $0xFFFFFFFF  }
0xb4: {  	_ =	strace $0x90000048  }
0xb5: {  	_ =	sfence  }
0xb6: {  	s30 =	sld [smem:$0x0];
	_ =	sdelay $0x2  }
0xb7: {  	s31 =	sshll.u32 s1, $0xD;
	s1 =	sshrl.u32 s1, $0x2  }
0xb8: {  	s3 =	sand.u32 $0x4000, s31;
	s1 =	sadd.s32 s1, s30  }
0xb9: {  	s0 =	sor.u32 s3, s0;
	s1 =	sshll.u32 s1, $0x11  }
0xba: {  	s0 =	sor.u32 s1, s0  }
0xbb: {  	s0 =	sadd.s32 $0x8F2B, s0  }
0xbc: {  	[sflag:s0] =	ssyncadd.remote.s32 $0x1  }
0xbd: {  	_ =	sfence.sel $0xFFFF  }
0xbe: {  	[dreg:$0x0] =	wrdreg $0xFFFFFFFF;
	(pc) =	sbr.abs _section_cstart, $3  }
0xbf: {  	[dreg:$0x1] =	wrdreg $0xFFFFFFFF  }
0xc0: {  	_ =	task.clear_ibuf [dreg:s6], $0x2FFFF;
	_ =	strace $0x9FFFFFFF  }
0xc1: {  	(tm) =	ssettm $0x7FFFFFFF  }
tec
execute0_lowered:
.L_overlay_start_1:
0x0: {  	(tag) =	ssettag $0x1  }
0x1: {  	s0 =	srdreg.scid  }
0x2: {  	s1 =	stileid.u32;
	s5 =	rddreg [dreg:$0x0];
	s3 =	simm.s32 $0x0  }
0x3: {  	s29 =	simm.s32 $0x1;
	s0 =	sand.u32 $0x1, s0;
	s1 =	sshll.u32 s1, $0x1  }
0x4: {  	s30 =	simm.s32 $0xC800;
	s31 =	simm.s32 $0x4;
	s2 =	sor.u32 s0, s1  }
0x5: {  	s23 =	simm.s32 $0x0;
	s0 =	ssub.s32 $0x2, s0;
	s1 =	smul.u32 $0x640, s2  }
0x6: {  	[smem:$0x7FF] =	sst s3;
	s4 =	sadd.s32 $0xC00, s5;
	s28 =	sshrl.u32 s0, $0x1  }
0x7: {  	s5 =	sadd.s32 $0x1E9200, s5;
	s0 =	ssub.s32 s0, s28;
	s1 =	sshrl.u32 s1, $0x3  }
0x8: {  	v0 =	vlaneseq.u32;
	_ =	strace $0x80000047;
	s22 =	smax.u32 s0, $0x1;
	s6 =	sadd.s32 s4, s1  }
0x9: {  	v0 =	vmul.u32 $0x18, v0;
	s1 =	sadd.s32 $0x1E850, s6;
	s25 =	sadd.s32 $0x3D0A0, s6;
	s26 =	sadd.s32 $0x5B8F0, s6  }
0xa: {  	s10 =	sadd.s32 $0x7A140, s6;
	s11 =	sadd.s32 $0x98990, s6;
	s12 =	sadd.s32 $0xB71E0, s6  }
.Ltmp0:
0xb: {  	v1 =	vor.u32 $0x1, v0;
	v2 =	vor.u32 $0x2, v0;
	v3 =	vor.u32 $0x3, v0;
	s13 =	sadd.s32 $0xD5A30, s6;
	s14 =	sadd.s32 $0xF4280, s6;
	(pc) =	sbr.rel .LBB2_1-.Ltmp0, $4  }
0xc: {  	v4 =	vor.u32 $0x4, v0;
	v5 =	vor.u32 $0x5, v0;
	v6 =	vor.u32 $0x6, v0;
	s0 =	simm.s32 $0x3;
	s15 =	sadd.s32 $0x112AD0, s6;
	s16 =	sadd.s32 $0x131320, s6  }
0xd: {  	v7 =	vor.u32 $0x7, v0;
	v9 =	vadd.s32 $0x9, v0;
	v10 =	vadd.s32 $0xA, v0;
	s17 =	sadd.s32 $0x14FB70, s6;
	s18 =	sadd.s32 $0x16E3C0, s6;
	[dreg:$0x2] =	wrdreg s1  }
0xe: {  	v8 =	vadd.s32 $0x8, v0;
	v11 =	vadd.s32 $0xB, v0;
	v12 =	vadd.s32 $0xC, v0;
	s19 =	sadd.s32 $0x18CC10, s6;
	s20 =	sadd.s32 $0x1AB460, s6;
	[dreg:$0x3] =	wrdreg s25  }
0xf: {  	v13 =	vadd.s32 $0xD, v0;
	v14 =	vadd.s32 $0xE, v0;
	v15 =	vadd.s32 $0xF, v0;
	s21 =	sadd.s32 $0x1C9CB0, s6;
	[dreg:$0x4] =	wrdreg s26;
	s1 =	simm.s32 $0x2  }
.LBB2_16:
0x10: {  	s23 =	sadd.s32 $0x1, s23  }
0x11: {  	p0 =	sne.s32 s23, s22  }
.Ltmp1:
0x12: {  	_ = 	snop;
	(pc) =	sbr.rel @!p0 .LBB2_17-.Ltmp1, $1  }
0x13: {  	_ =	sdelay $0x3  }
.LBB2_1:
0x14: {  	[tilespmem:s3], [sflag:$0x1] =	stream.linear.gather [hbm4b:s6+s3], $0x640, $0x38;
	[tilespmem:$0x15E00] =	vst v63  }
0x15: {  	s7 =	rddreg [dreg:$0x2];
	s8 =	simm.s32 $0x640  }
0x16: {  	[tilespmem:s8], [sflag:$0x1] =	stream.linear.gather [hbm4b:s7+s3], $0x640, $0x38;
	[tilespmem:$0x15E00] =	vst v63  }
0x17: {  	s24 =	rddreg [dreg:$0x3];
	s25 =	simm.s32 $0xC80  }
0x18: {  	[tilespmem:s25], [sflag:$0x1] =	stream.linear.gather [hbm4b:s24+s3], $0x640, $0x38;
	[tilespmem:$0x15E00] =	vst v63  }
0x19: {  	s26 =	rddreg [dreg:$0x4];
	s28 =	simm.s32 $0x12C0  }
0x1a: {  	[tilespmem:s28], [sflag:$0x1] =	stream.linear.gather [hbm4b:s26+s3], $0x640, $0x38;
	[tilespmem:$0x15E00] =	vst v63  }
0x1b: {  	s8 =	simm.s32 $0x1900  }
0x1c: {  	[tilespmem:s8], [sflag:$0x1] =	stream.linear.gather [hbm4b:s10+s3], $0x640, $0x38;
	[tilespmem:$0x15E00] =	vst v63  }
0x1d: {  	s9 =	simm.s32 $0x1F40  }
0x1e: {  	[tilespmem:s9], [sflag:$0x1] =	stream.linear.gather [hbm4b:s11+s3], $0x640, $0x38;
	[tilespmem:$0x15E00] =	vst v63  }
0x1f: {  	s24 =	simm.s32 $0x2580  }
0x20: {  	[tilespmem:s24], [sflag:$0x1] =	stream.linear.gather [hbm4b:s12+s3], $0x640, $0x38;
	[tilespmem:$0x15E00] =	vst v63  }
0x21: {  	s25 =	simm.s32 $0x2BC0  }
0x22: {  	[tilespmem:s25], [sflag:$0x1] =	stream.linear.gather [hbm4b:s13+s3], $0x640, $0x38;
	[tilespmem:$0x15E00] =	vst v63  }
0x23: {  	s26 =	simm.s32 $0x3200  }
0x24: {  	[tilespmem:s26], [sflag:$0x1] =	stream.linear.gather [hbm4b:s14+s3], $0x640, $0x38;
	[tilespmem:$0x15E00] =	vst v63  }
0x25: {  	s28 =	simm.s32 $0x3840  }
0x26: {  	[tilespmem:s28], [sflag:$0x1] =	stream.linear.gather [hbm4b:s15+s3], $0x640, $0x38;
	[tilespmem:$0x15E00] =	vst v63  }
0x27: {  	s8 =	simm.s32 $0x3E80  }
0x28: {  	[tilespmem:s8], [sflag:$0x1] =	stream.linear.gather [hbm4b:s16+s3], $0x640, $0x38;
	[tilespmem:$0x15E00] =	vst v63  }
0x29: {  	s9 =	simm.s32 $0x44C0  }
0x2a: {  	[tilespmem:s9], [sflag:$0x1] =	stream.linear.gather [hbm4b:s17+s3], $0x640, $0x38;
	[tilespmem:$0x15E00] =	vst v63  }
0x2b: {  	s24 =	simm.s32 $0x4B00  }
0x2c: {  	[tilespmem:s24], [sflag:$0x1] =	stream.linear.gather [hbm4b:s18+s3], $0x640, $0x38;
	[tilespmem:$0x15E00] =	vst v63  }
0x2d: {  	s25 =	simm.s32 $0x5140  }
0x2e: {  	[tilespmem:s25], [sflag:$0x1] =	stream.linear.gather [hbm4b:s19+s3], $0x640, $0x38;
	[tilespmem:$0x15E00] =	vst v63  }
.Ltmp2:
0x2f: {  	_ = 	snop;
	(pc) =	sbr.rel .LBB2_2-.Ltmp2, $4  }
0x30: {  	s26 =	simm.s32 $0x5780  }
0x31: {  	[tilespmem:s26], [sflag:$0x1] =	stream.linear.gather [hbm4b:s20+s3], $0x640, $0x38;
	[tilespmem:$0x15E00] =	vst v63  }
0x32: {  	s28 =	simm.s32 $0x5DC0;
	s24 =	simm.s32 $0x0  }
0x33: {  	[tilespmem:s28], [sflag:$0x1] =	stream.linear.gather [hbm4b:s21+s3], $0x640, $0x38;
	[tilespmem:$0x15E00] =	vst v63  }
.LBB2_8:
0x34: {  	[hbm4b:s28+s3] =	stream.linear.scatter [tilespmem:s8], [sflag:$0x3], $0x10, $0x38;
	[tilespmem:$0x15E00] =	vst v63  }
0x35: {  	_ =	swait.ge [sflag:s0], $0x6400  }
0x36: {  	[sflag:s0] =	ssyncset.done $0x0  }
0x37: {  	[sflag:s0] =	ssyncadd.s32 $0xFFFF9C00  }
.LBB2_15:
0x38: {  	s24 =	sadd.s32 $0x1, s24  }
0x39: {  	p0 =	sne.s32 s24, $0x14  }
.Ltmp3:
0x3a: {  	_ = 	snop;
	(pc) =	sbr.rel @!p0 .LBB2_16-.Ltmp3, $1  }
0x3b: {  	_ =	sdelay $0x3  }
.LBB2_2:
0x3c: {  	s7 =	sand.u32 $0x1, s24  }
0x3d: {  	p0 =	seq.s32 s7, $0x0  }
.Ltmp4:
0x3e: {  	_ = 	snop;
	(pc) =	sbr.rel @!p0 .LBB2_3-.Ltmp4, $3  }
0x3f: {  	_ =	sdelay $0x1  }
0x40: {  	s28 =	sshll.u32 s24, $0x5  }
0x41: {  	s25 =	sor.u32 s2, s28  }
0x42: {  	p0 =	slt.u32 s25, $0x271  }
.Ltmp5:
0x43: {  	_ = 	snop;
	(pc) =	sbr.rel @!p0 .LBB2_15-.Ltmp5, $1  }
0x44: {  	_ =	sdelay $0x3  }
0x45: {  	s7 =	sor.u32 $0x20, s25  }
0x46: {  	p0 =	sgt.u32 s7, $0x270  }
0x47: {  	s7 =	smul.u32 @!p0 $0x640, s7;
	_ =	sdelay $0x1  }
0x48: {  	s7 =	sshrl.u32 @!p0 s7, $0x3  }
0x49: {  	s8 =	simm.s32 @!p0 $0x0;
	s26 =	simm.s32 @!p0 $0x6400;
	s7 =	sadd.s32 @!p0 s4, s7  }
0x4a: {  	[tilespmem:s26], [sflag:$0x2] =	stream.linear.gather @!p0 [hbm4b:s7+s8], $0x640, $0x38;
	[tilespmem:$0x15E00] =	vst v63  }
0x4b: {  	s28 =	simm.s32 @!p0 $0x6A40;
	s26 =	sadd.s32 @!p0 $0x1E850, s7  }
0x4c: {  	[tilespmem:s28], [sflag:$0x2] =	stream.linear.gather @!p0 [hbm4b:s26+s8], $0x640, $0x38;
	[tilespmem:$0x15E00] =	vst v63  }
0x4d: {  	s26 =	sadd.s32 @!p0 $0x3D0A0, s7;
	s28 =	simm.s32 @!p0 $0x7080  }
0x4e: {  	[tilespmem:s28], [sflag:$0x2] =	stream.linear.gather @!p0 [hbm4b:s26+s8], $0x640, $0x38;
	[tilespmem:$0x15E00] =	vst v63  }
0x4f: {  	s26 =	sadd.s32 @!p0 $0x5B8F0, s7;
	s28 =	simm.s32 @!p0 $0x76C0  }
0x50: {  	[tilespmem:s28], [sflag:$0x2] =	stream.linear.gather @!p0 [hbm4b:s26+s8], $0x640, $0x38;
	[tilespmem:$0x15E00] =	vst v63  }
0x51: {  	s26 =	sadd.s32 @!p0 $0x7A140, s7;
	s28 =	simm.s32 @!p0 $0x7D00  }
0x52: {  	[tilespmem:s28], [sflag:$0x2] =	stream.linear.gather @!p0 [hbm4b:s26+s8], $0x640, $0x38;
	[tilespmem:$0x15E00] =	vst v63  }
0x53: {  	s26 =	sadd.s32 @!p0 $0x98990, s7;
	s28 =	simm.s32 @!p0 $0x8340  }
0x54: {  	[tilespmem:s28], [sflag:$0x2] =	stream.linear.gather @!p0 [hbm4b:s26+s8], $0x640, $0x38;
	[tilespmem:$0x15E00] =	vst v63  }
0x55: {  	s26 =	sadd.s32 @!p0 $0xB71E0, s7;
	s28 =	simm.s32 @!p0 $0x8980  }
0x56: {  	[tilespmem:s28], [sflag:$0x2] =	stream.linear.gather @!p0 [hbm4b:s26+s8], $0x640, $0x38;
	[tilespmem:$0x15E00] =	vst v63  }
0x57: {  	s26 =	sadd.s32 @!p0 $0xD5A30, s7;
	s28 =	simm.s32 @!p0 $0x8FC0  }
0x58: {  	[tilespmem:s28], [sflag:$0x2] =	stream.linear.gather @!p0 [hbm4b:s26+s8], $0x640, $0x38;
	[tilespmem:$0x15E00] =	vst v63  }
0x59: {  	s26 =	sadd.s32 @!p0 $0xF4280, s7;
	s28 =	simm.s32 @!p0 $0x9600  }
0x5a: {  	[tilespmem:s28], [sflag:$0x2] =	stream.linear.gather @!p0 [hbm4b:s26+s8], $0x640, $0x38;
	[tilespmem:$0x15E00] =	vst v63  }
0x5b: {  	s26 =	sadd.s32 @!p0 $0x112AD0, s7;
	s28 =	simm.s32 @!p0 $0x9C40  }
0x5c: {  	[tilespmem:s28], [sflag:$0x2] =	stream.linear.gather @!p0 [hbm4b:s26+s8], $0x640, $0x38;
	[tilespmem:$0x15E00] =	vst v63  }
0x5d: {  	s26 =	sadd.s32 @!p0 $0x131320, s7;
	s28 =	simm.s32 @!p0 $0xA280  }
0x5e: {  	[tilespmem:s28], [sflag:$0x2] =	stream.linear.gather @!p0 [hbm4b:s26+s8], $0x640, $0x38;
	[tilespmem:$0x15E00] =	vst v63  }
0x5f: {  	s26 =	sadd.s32 @!p0 $0x14FB70, s7;
	s28 =	simm.s32 @!p0 $0xA8C0  }
0x60: {  	[tilespmem:s28], [sflag:$0x2] =	stream.linear.gather @!p0 [hbm4b:s26+s8], $0x640, $0x38;
	[tilespmem:$0x15E00] =	vst v63  }
0x61: {  	s26 =	sadd.s32 @!p0 $0x16E3C0, s7;
	s28 =	simm.s32 @!p0 $0xAF00  }
0x62: {  	[tilespmem:s28], [sflag:$0x2] =	stream.linear.gather @!p0 [hbm4b:s26+s8], $0x640, $0x38;
	[tilespmem:$0x15E00] =	vst v63  }
0x63: {  	s26 =	sadd.s32 @!p0 $0x18CC10, s7;
	s28 =	simm.s32 @!p0 $0xB540  }
0x64: {  	[tilespmem:s28], [sflag:$0x2] =	stream.linear.gather @!p0 [hbm4b:s26+s8], $0x640, $0x38;
	[tilespmem:$0x15E00] =	vst v63  }
0x65: {  	s26 =	sadd.s32 @!p0 $0x1AB460, s7;
	s28 =	simm.s32 @!p0 $0xBB80  }
0x66: {  	[tilespmem:s28], [sflag:$0x2] =	stream.linear.gather @!p0 [hbm4b:s26+s8], $0x640, $0x38;
	[tilespmem:$0x15E00] =	vst v63  }
0x67: {  	s7 =	sadd.s32 @!p0 $0x1C9CB0, s7;
	s26 =	simm.s32 @!p0 $0xC1C0  }
0x68: {  	[tilespmem:s26], [sflag:$0x2] =	stream.linear.gather @!p0 [hbm4b:s7+s8], $0x640, $0x38;
	[tilespmem:$0x15E00] =	vst v63  }
0x69: {  	_ =	swait.ge [sflag:s29], $0x640  }
0x6a: {  	[sflag:s29] =	ssyncset.done $0x0  }
0x6b: {  	[sflag:s29] =	ssyncadd.s32 $0xFFFFF9C0  }
0x6c: {  	_ =	swait.ge [sflag:s29], $0x640  }
0x6d: {  	[sflag:s29] =	ssyncset.done $0x0  }
0x6e: {  	[sflag:s29] =	ssyncadd.s32 $0xFFFFF9C0  }
0x6f: {  	_ =	swait.ge [sflag:s29], $0x640  }
0x70: {  	[sflag:s29] =	ssyncset.done $0x0  }
0x71: {  	[sflag:s29] =	ssyncadd.s32 $0xFFFFF9C0  }
0x72: {  	_ =	swait.ge [sflag:s29], $0x640  }
0x73: {  	[sflag:s29] =	ssyncset.done $0x0  }
0x74: {  	[sflag:s29] =	ssyncadd.s32 $0xFFFFF9C0  }
0x75: {  	_ =	swait.ge [sflag:s29], $0x640  }
0x76: {  	[sflag:s29] =	ssyncset.done $0x0  }
0x77: {  	[sflag:s29] =	ssyncadd.s32 $0xFFFFF9C0  }
0x78: {  	_ =	swait.ge [sflag:s29], $0x640  }
0x79: {  	[sflag:s29] =	ssyncset.done $0x0  }
0x7a: {  	[sflag:s29] =	ssyncadd.s32 $0xFFFFF9C0  }
0x7b: {  	_ =	swait.ge [sflag:s29], $0x640  }
0x7c: {  	[sflag:s29] =	ssyncset.done $0x0  }
0x7d: {  	[sflag:s29] =	ssyncadd.s32 $0xFFFFF9C0  }
0x7e: {  	_ =	swait.ge [sflag:s29], $0x640  }
0x7f: {  	[sflag:s29] =	ssyncset.done $0x0  }
0x80: {  	[sflag:s29] =	ssyncadd.s32 $0xFFFFF9C0  }
0x81: {  	_ =	swait.ge [sflag:s29], $0x640  }
0x82: {  	[sflag:s29] =	ssyncset.done $0x0  }
0x83: {  	[sflag:s29] =	ssyncadd.s32 $0xFFFFF9C0  }
0x84: {  	_ =	swait.ge [sflag:s29], $0x640  }
0x85: {  	[sflag:s29] =	ssyncset.done $0x0  }
0x86: {  	[sflag:s29] =	ssyncadd.s32 $0xFFFFF9C0  }
0x87: {  	_ =	swait.ge [sflag:s29], $0x640  }
0x88: {  	[sflag:s29] =	ssyncset.done $0x0  }
0x89: {  	[sflag:s29] =	ssyncadd.s32 $0xFFFFF9C0  }
0x8a: {  	_ =	swait.ge [sflag:s29], $0x640  }
0x8b: {  	[sflag:s29] =	ssyncset.done $0x0  }
0x8c: {  	[sflag:s29] =	ssyncadd.s32 $0xFFFFF9C0  }
0x8d: {  	_ =	swait.ge [sflag:s29], $0x640  }
0x8e: {  	[sflag:s29] =	ssyncset.done $0x0  }
0x8f: {  	[sflag:s29] =	ssyncadd.s32 $0xFFFFF9C0  }
0x90: {  	_ =	swait.ge [sflag:s29], $0x640  }
0x91: {  	[sflag:s29] =	ssyncset.done $0x0  }
0x92: {  	[sflag:s29] =	ssyncadd.s32 $0xFFFFF9C0  }
0x93: {  	s9 =	simm.s32 $0x0;
	_ =	swait.ge [sflag:s29], $0x640  }
0x94: {  	v16 =	vmov s9;
	[sflag:s29] =	ssyncset.done $0x0  }
0x95: {  	v16 =	vmul.u32 $0x18, v16;
	[sflag:s29] =	ssyncadd.s32 $0xFFFFF9C0  }
0x96: {  	_ =	swait.ge [sflag:s29], $0x640  }
0x97: {  	v16 =	vbroadcast v16, $0x0;
	[sflag:s29] =	ssyncset.done $0x0  }
0x98: {  	s7 =	simm.s32 $0x0;
	[sflag:s29] =	ssyncadd.s32 $0xFFFFF9C0  }
0x99: {  	v18 =	vor.u32 v0, v16;
	v17 =	vld [tilespmem:s7+$0x0];
	_ =	sdelay $0x4  }
0x9a: {  	[tilespmem:v18+s30+$0x0] =	vst.idx.msk $0xffff, v17  }
0x9b: {  	v18 =	vor.u32 v1, v16;
	v17 =	vld [tilespmem:s7+$0x640];
	_ =	sdelay $0x4  }
0x9c: {  	[tilespmem:v18+s30+$0x0] =	vst.idx.msk $0xffff, v17  }
0x9d: {  	v18 =	vor.u32 v2, v16;
	v17 =	vld [tilespmem:s7+$0xC80];
	_ =	sdelay $0x4  }
0x9e: {  	[tilespmem:v18+s30+$0x0] =	vst.idx.msk $0xffff, v17  }
0x9f: {  	v18 =	vor.u32 v3, v16;
	v17 =	vld [tilespmem:s7+$0x12C0];
	_ =	sdelay $0x4  }
0xa0: {  	[tilespmem:v18+s30+$0x0] =	vst.idx.msk $0xffff, v17  }
0xa1: {  	v18 =	vor.u32 v4, v16;
	v17 =	vld [tilespmem:s7+$0x1900];
	_ =	sdelay $0x4  }
0xa2: {  	[tilespmem:v18+s30+$0x0] =	vst.idx.msk $0xffff, v17  }
0xa3: {  	v18 =	vor.u32 v5, v16;
	v17 =	vld [tilespmem:s7+$0x1F40];
	_ =	sdelay $0x4  }
0xa4: {  	[tilespmem:v18+s30+$0x0] =	vst.idx.msk $0xffff, v17  }
0xa5: {  	v18 =	vor.u32 v6, v16;
	v17 =	vld [tilespmem:s7+$0x2580];
	_ =	sdelay $0x4  }
0xa6: {  	[tilespmem:v18+s30+$0x0] =	vst.idx.msk $0xffff, v17  }
0xa7: {  	v18 =	vor.u32 v7, v16;
	v17 =	vld [tilespmem:s7+$0x2BC0];
	_ =	sdelay $0x4  }
0xa8: {  	[tilespmem:v18+s30+$0x0] =	vst.idx.msk $0xffff, v17  }
0xa9: {  	v18 =	vor.u32 v8, v16;
	v17 =	vld [tilespmem:s7+$0x3200];
	_ =	sdelay $0x4  }
0xaa: {  	[tilespmem:v18+s30+$0x0] =	vst.idx.msk $0xffff, v17  }
0xab: {  	v18 =	vor.u32 v9, v16;
	v17 =	vld [tilespmem:s7+$0x3840];
	_ =	sdelay $0x4  }
0xac: {  	[tilespmem:v18+s30+$0x0] =	vst.idx.msk $0xffff, v17  }
0xad: {  	v18 =	vor.u32 v10, v16;
	v17 =	vld [tilespmem:s7+$0x3E80];
	_ =	sdelay $0x4  }
0xae: {  	[tilespmem:v18+s30+$0x0] =	vst.idx.msk $0xffff, v17  }
0xaf: {  	v18 =	vor.u32 v11, v16;
	v17 =	vld [tilespmem:s7+$0x44C0];
	_ =	sdelay $0x4  }
0xb0: {  	[tilespmem:v18+s30+$0x0] =	vst.idx.msk $0xffff, v17  }
0xb1: {  	v18 =	vor.u32 v12, v16;
	v17 =	vld [tilespmem:s7+$0x4B00];
	_ =	sdelay $0x4  }
0xb2: {  	[tilespmem:v18+s30+$0x0] =	vst.idx.msk $0xffff, v17  }
0xb3: {  	v18 =	vor.u32 v13, v16;
	v17 =	vld [tilespmem:s7+$0x5140];
	_ =	sdelay $0x4  }
0xb4: {  	[tilespmem:v18+s30+$0x0] =	vst.idx.msk $0xffff, v17  }
0xb5: {  	v18 =	vor.u32 v14, v16;
	v17 =	vld [tilespmem:s7+$0x5780];
	_ =	sdelay $0x4  }
0xb6: {  	[tilespmem:v18+s30+$0x0] =	vst.idx.msk $0xffff, v17  }
0xb7: {  	s26 =	simm.s32 $0x10;
	v16 =	vor.u32 v15, v16;
	v17 =	vld [tilespmem:s7+$0x5DC0]  }
0xb8: {  	v18 =	vmov s26  }
0xb9: {  	v18 =	vmul.u32 $0x18, v18;
	_ =	sdelay $0x1  }
0xba: {  	v18 =	vbroadcast v18, $0x0  }
0xbb: {  	[tilespmem:v16+s30+$0x0] =	vst.idx.msk $0xffff, v17  }
0xbc: {  	v17 =	vadd.s32 v0, v18;
	v16 =	vld [tilespmem:s7+$0x10];
	_ =	sdelay $0x4  }
0xbd: {  	[tilespmem:v17+s30+$0x0] =	vst.idx.msk $0xffff, v16  }
0xbe: {  	v17 =	vadd.s32 v1, v18;
	v16 =	vld [tilespmem:s7+$0x650];
	_ =	sdelay $0x4  }
0xbf: {  	[tilespmem:v17+s30+$0x0] =	vst.idx.msk $0xffff, v16  }
0xc0: {  	v17 =	vadd.s32 v2, v18;
	v16 =	vld [tilespmem:s7+$0xC90];
	_ =	sdelay $0x4  }
0xc1: {  	[tilespmem:v17+s30+$0x0] =	vst.idx.msk $0xffff, v16  }
0xc2: {  	v17 =	vadd.s32 v3, v18;
	v16 =	vld [tilespmem:s7+$0x12D0];
	_ =	sdelay $0x4  }
0xc3: {  	[tilespmem:v17+s30+$0x0] =	vst.idx.msk $0xffff, v16  }
0xc4: {  	v17 =	vadd.s32 v4, v18;
	v16 =	vld [tilespmem:s7+$0x1910];
	_ =	sdelay $0x4  }
0xc5: {  	[tilespmem:v17+s30+$0x0] =	vst.idx.msk $0xffff, v16  }
0xc6: {  	v17 =	vadd.s32 v5, v18;
	v16 =	vld [tilespmem:s7+$0x1F50];
	_ =	sdelay $0x4  }
0xc7: {  	[tilespmem:v17+s30+$0x0] =	vst.idx.msk $0xffff, v16  }
0xc8: {  	v17 =	vadd.s32 v6, v18;
	v16 =	vld [tilespmem:s7+$0x2590];
	_ =	sdelay $0x4  }
0xc9: {  	[tilespmem:v17+s30+$0x0] =	vst.idx.msk $0xffff, v16  }
0xca: {  	v17 =	vadd.s32 v7, v18;
	v16 =	vld [tilespmem:s7+$0x2BD0];
	_ =	sdelay $0x4  }
0xcb: {  	[tilespmem:v17+s30+$0x0] =	vst.idx.msk $0xffff, v16  }
0xcc: {  	v17 =	vadd.s32 v8, v18;
	v16 =	vld [tilespmem:s7+$0x3210];
	_ =	sdelay $0x4  }
0xcd: {  	[tilespmem:v17+s30+$0x0] =	vst.idx.msk $0xffff, v16  }
0xce: {  	v17 =	vadd.s32 v9, v18;
	v16 =	vld [tilespmem:s7+$0x3850];
	_ =	sdelay $0x4  }
0xcf: {  	[tilespmem:v17+s30+$0x0] =	vst.idx.msk $0xffff, v16  }
0xd0: {  	v17 =	vadd.s32 v10, v18;
	v16 =	vld [tilespmem:s7+$0x3E90];
	_ =	sdelay $0x4  }
0xd1: {  	[tilespmem:v17+s30+$0x0] =	vst.idx.msk $0xffff, v16  }
0xd2: {  	v17 =	vadd.s32 v11, v18;
	v16 =	vld [tilespmem:s7+$0x44D0];
	_ =	sdelay $0x4  }
0xd3: {  	[tilespmem:v17+s30+$0x0] =	vst.idx.msk $0xffff, v16  }
0xd4: {  	v17 =	vadd.s32 v12, v18;
	v16 =	vld [tilespmem:s7+$0x4B10];
	_ =	sdelay $0x4  }
0xd5: {  	[tilespmem:v17+s30+$0x0] =	vst.idx.msk $0xffff, v16  }
0xd6: {  	v17 =	vadd.s32 v13, v18;
	v16 =	vld [tilespmem:s7+$0x5150];
	_ =	sdelay $0x4  }
0xd7: {  	[tilespmem:v17+s30+$0x0] =	vst.idx.msk $0xffff, v16  }
0xd8: {  	v17 =	vadd.s32 v14, v18;
	v16 =	vld [tilespmem:s7+$0x5790];
	_ =	sdelay $0x4  }
0xd9: {  	[tilespmem:v17+s30+$0x0] =	vst.idx.msk $0xffff, v16  }
0xda: {  	s9 =	simm.s32 $0x20;
	v17 =	vadd.s32 v15, v18;
	v16 =	vld [tilespmem:s7+$0x5DD0]  }
0xdb: {  	v18 =	vmov s9  }
0xdc: {  	v18 =	vmul.u32 $0x18, v18;
	_ =	sdelay $0x1  }
0xdd: {  	v18 =	vbroadcast v18, $0x0  }
0xde: {  	[tilespmem:v17+s30+$0x0] =	vst.idx.msk $0xffff, v16  }
0xdf: {  	v17 =	vadd.s32 v0, v18;
	v16 =	vld [tilespmem:s7+$0x20];
	_ =	sdelay $0x4  }
0xe0: {  	[tilespmem:v17+s30+$0x0] =	vst.idx.msk $0xffff, v16  }
0xe1: {  	v17 =	vadd.s32 v1, v18;
	v16 =	vld [tilespmem:s7+$0x660];
	_ =	sdelay $0x4  }
0xe2: {  	[tilespmem:v17+s30+$0x0] =	vst.idx.msk $0xffff, v16  }
0xe3: {  	v17 =	vadd.s32 v2, v18;
	v16 =	vld [tilespmem:s7+$0xCA0];
	_ =	sdelay $0x4  }
0xe4: {  	[tilespmem:v17+s30+$0x0] =	vst.idx.msk $0xffff, v16  }
0xe5: {  	v17 =	vadd.s32 v3, v18;
	v16 =	vld [tilespmem:s7+$0x12E0];
	_ =	sdelay $0x4  }
0xe6: {  	[tilespmem:v17+s30+$0x0] =	vst.idx.msk $0xffff, v16  }
0xe7: {  	v17 =	vadd.s32 v4, v18;
	v16 =	vld [tilespmem:s7+$0x1920];
	_ =	sdelay $0x4  }
0xe8: {  	[tilespmem:v17+s30+$0x0] =	vst.idx.msk $0xffff, v16  }
0xe9: {  	v17 =	vadd.s32 v5, v18;
	v16 =	vld [tilespmem:s7+$0x1F60];
	_ =	sdelay $0x4  }
0xea: {  	[tilespmem:v17+s30+$0x0] =	vst.idx.msk $0xffff, v16  }
0xeb: {  	v17 =	vadd.s32 v6, v18;
	v16 =	vld [tilespmem:s7+$0x25A0];
	_ =	sdelay $0x4  }
0xec: {  	[tilespmem:v17+s30+$0x0] =	vst.idx.msk $0xffff, v16  }
0xed: {  	v17 =	vadd.s32 v7, v18;
	v16 =	vld [tilespmem:s7+$0x2BE0];
	_ =	sdelay $0x4  }
0xee: {  	[tilespmem:v17+s30+$0x0] =	vst.idx.msk $0xffff, v16  }
0xef: {  	v17 =	vadd.s32 v8, v18;
	v16 =	vld [tilespmem:s7+$0x3220];
	_ =	sdelay $0x4  }
0xf0: {  	[tilespmem:v17+s30+$0x0] =	vst.idx.msk $0xffff, v16  }
0xf1: {  	v17 =	vadd.s32 v9, v18;
	v16 =	vld [tilespmem:s7+$0x3860];
	_ =	sdelay $0x4  }
0xf2: {  	[tilespmem:v17+s30+$0x0] =	vst.idx.msk $0xffff, v16  }
0xf3: {  	v17 =	vadd.s32 v10, v18;
	v16 =	vld [tilespmem:s7+$0x3EA0];
	_ =	sdelay $0x4  }
0xf4: {  	[tilespmem:v17+s30+$0x0] =	vst.idx.msk $0xffff, v16  }
0xf5: {  	v17 =	vadd.s32 v11, v18;
	v16 =	vld [tilespmem:s7+$0x44E0];
	_ =	sdelay $0x4  }
0xf6: {  	[tilespmem:v17+s30+$0x0] =	vst.idx.msk $0xffff, v16  }
0xf7: {  	v17 =	vadd.s32 v12, v18;
	v16 =	vld [tilespmem:s7+$0x4B20];
	_ =	sdelay $0x4  }
0xf8: {  	[tilespmem:v17+s30+$0x0] =	vst.idx.msk $0xffff, v16  }
0xf9: {  	v17 =	vadd.s32 v13, v18;
	v16 =	vld [tilespmem:s7+$0x5160];
	_ =	sdelay $0x4  }
0xfa: {  	[tilespmem:v17+s30+$0x0] =	vst.idx.msk $0xffff, v16  }
0xfb: {  	v17 =	vadd.s32 v14, v18;
	v16 =	vld [tilespmem:s7+$0x57A0];
	_ =	sdelay $0x4  }
0xfc: {  	[tilespmem:v17+s30+$0x0] =	vst.idx.msk $0xffff, v16  }
0xfd: {  	s26 =	simm.s32 $0x30;
	v17 =	vadd.s32 v15, v18;
	v16 =	vld [tilespmem:s7+$0x5DE0]  }
0xfe: {  	v18 =	vmov s26  }
0xff: {  	v18 =	vmul.u32 $0x18, v18;
	_ =	sdelay $0x1  }
0x100: {  	v18 =	vbroadcast v18, $0x0  }
0x101: {  	[tilespmem:v17+s30+$0x0] =	vst.idx.msk $0xffff, v16  }
0x102: {  	v17 =	vadd.s32 v0, v18;
	v16 =	vld [tilespmem:s7+$0x30];
	_ =	sdelay $0x4  }
0x103: {  	[tilespmem:v17+s30+$0x0] =	vst.idx.msk $0xffff, v16  }
0x104: {  	v17 =	vadd.s32 v1, v18;
	v16 =	vld [tilespmem:s7+$0x670];
	_ =	sdelay $0x4  }
0x105: {  	[tilespmem:v17+s30+$0x0] =	vst.idx.msk $0xffff, v16  }
0x106: {  	v17 =	vadd.s32 v2, v18;
	v16 =	vld [tilespmem:s7+$0xCB0];
	_ =	sdelay $0x4  }
0x107: {  	[tilespmem:v17+s30+$0x0] =	vst.idx.msk $0xffff, v16  }
0x108: {  	v17 =	vadd.s32 v3, v18;
	v16 =	vld [tilespmem:s7+$0x12F0];
	_ =	sdelay $0x4  }
0x109: {  	[tilespmem:v17+s30+$0x0] =	vst.idx.msk $0xffff, v16  }
0x10a: {  	v17 =	vadd.s32 v4, v18;
	v16 =	vld [tilespmem:s7+$0x1930];
	_ =	sdelay $0x4  }
0x10b: {  	[tilespmem:v17+s30+$0x0] =	vst.idx.msk $0xffff, v16  }
0x10c: {  	v17 =	vadd.s32 v5, v18;
	v16 =	vld [tilespmem:s7+$0x1F70];
	_ =	sdelay $0x4  }
0x10d: {  	[tilespmem:v17+s30+$0x0] =	vst.idx.msk $0xffff, v16  }
0x10e: {  	v17 =	vadd.s32 v6, v18;
	v16 =	vld [tilespmem:s7+$0x25B0];
	_ =	sdelay $0x4  }
0x10f: {  	[tilespmem:v17+s30+$0x0] =	vst.idx.msk $0xffff, v16  }
0x110: {  	v17 =	vadd.s32 v7, v18;
	v16 =	vld [tilespmem:s7+$0x2BF0];
	_ =	sdelay $0x4  }
0x111: {  	[tilespmem:v17+s30+$0x0] =	vst.idx.msk $0xffff, v16  }
0x112: {  	v17 =	vadd.s32 v8, v18;
	v16 =	vld [tilespmem:s7+$0x3230];
	_ =	sdelay $0x4  }
0x113: {  	[tilespmem:v17+s30+$0x0] =	vst.idx.msk $0xffff, v16  }
0x114: {  	v17 =	vadd.s32 v9, v18;
	v16 =	vld [tilespmem:s7+$0x3870];
	_ =	sdelay $0x4  }
0x115: {  	[tilespmem:v17+s30+$0x0] =	vst.idx.msk $0xffff, v16  }
0x116: {  	v17 =	vadd.s32 v10, v18;
	v16 =	vld [tilespmem:s7+$0x3EB0];
	_ =	sdelay $0x4  }
0x117: {  	[tilespmem:v17+s30+$0x0] =	vst.idx.msk $0xffff, v16  }
0x118: {  	v17 =	vadd.s32 v11, v18;
	v16 =	vld [tilespmem:s7+$0x44F0];
	_ =	sdelay $0x4  }
0x119: {  	[tilespmem:v17+s30+$0x0] =	vst.idx.msk $0xffff, v16  }
0x11a: {  	v17 =	vadd.s32 v12, v18;
	v16 =	vld [tilespmem:s7+$0x4B30];
	_ =	sdelay $0x4  }
0x11b: {  	[tilespmem:v17+s30+$0x0] =	vst.idx.msk $0xffff, v16  }
0x11c: {  	v17 =	vadd.s32 v13, v18;
	v16 =	vld [tilespmem:s7+$0x5170];
	_ =	sdelay $0x4  }
0x11d: {  	[tilespmem:v17+s30+$0x0] =	vst.idx.msk $0xffff, v16  }
0x11e: {  	v17 =	vadd.s32 v14, v18;
	v16 =	vld [tilespmem:s7+$0x57B0];
	_ =	sdelay $0x4  }
0x11f: {  	[tilespmem:v17+s30+$0x0] =	vst.idx.msk $0xffff, v16  }
0x120: {  	s26 =	simm.s32 $0x40;
	v18 =	vadd.s32 v15, v18;
	v17 =	vld [tilespmem:s7+$0x5DF0]  }
0x121: {  	s28 =	simm.s32 $0x100;
	v16 =	vmov s26;
	s7 =	simm.s32 $0x200  }
.LBB2_11:
0x122: {  	p0 =	sne.s32 s7, $0x1800;
	v16 =	vmul.u32 $0x18, v16;
	_ =	sdelay $0x1  }
0x123: {  	v16 =	vbroadcast v16, $0x0  }
0x124: {  	s8 =	sshra.s32 s28, $0x2;
	s28 =	smov.u32 s7;
	[tilespmem:v18+s30+$0x0] =	vst.idx.msk $0xffff, v17  }
0x125: {  	v17 =	vld [tilespmem:s8+$0x0];
	v18 =	vor.u32 v0, v16;
	_ =	sdelay $0x4  }
0x126: {  	[tilespmem:v18+s30+$0x0] =	vst.idx.msk $0xffff, v17  }
0x127: {  	v18 =	vor.u32 v1, v16;
	v17 =	vld [tilespmem:s8+$0x640];
	_ =	sdelay $0x4  }
0x128: {  	[tilespmem:v18+s30+$0x0] =	vst.idx.msk $0xffff, v17  }
0x129: {  	v18 =	vor.u32 v2, v16;
	v17 =	vld [tilespmem:s8+$0xC80];
	_ =	sdelay $0x4  }
0x12a: {  	[tilespmem:v18+s30+$0x0] =	vst.idx.msk $0xffff, v17  }
0x12b: {  	v18 =	vor.u32 v3, v16;
	v17 =	vld [tilespmem:s8+$0x12C0];
	_ =	sdelay $0x4  }
0x12c: {  	[tilespmem:v18+s30+$0x0] =	vst.idx.msk $0xffff, v17  }
0x12d: {  	v18 =	vor.u32 v4, v16;
	v17 =	vld [tilespmem:s8+$0x1900];
	_ =	sdelay $0x4  }
0x12e: {  	[tilespmem:v18+s30+$0x0] =	vst.idx.msk $0xffff, v17  }
0x12f: {  	v18 =	vor.u32 v5, v16;
	v17 =	vld [tilespmem:s8+$0x1F40];
	_ =	sdelay $0x4  }
0x130: {  	[tilespmem:v18+s30+$0x0] =	vst.idx.msk $0xffff, v17  }
0x131: {  	v18 =	vor.u32 v6, v16;
	v17 =	vld [tilespmem:s8+$0x2580];
	_ =	sdelay $0x4  }
0x132: {  	[tilespmem:v18+s30+$0x0] =	vst.idx.msk $0xffff, v17  }
0x133: {  	v18 =	vor.u32 v7, v16;
	v17 =	vld [tilespmem:s8+$0x2BC0];
	_ =	sdelay $0x4  }
0x134: {  	[tilespmem:v18+s30+$0x0] =	vst.idx.msk $0xffff, v17  }
0x135: {  	v18 =	vor.u32 v8, v16;
	v17 =	vld [tilespmem:s8+$0x3200];
	_ =	sdelay $0x4  }
0x136: {  	[tilespmem:v18+s30+$0x0] =	vst.idx.msk $0xffff, v17  }
0x137: {  	v18 =	vor.u32 v9, v16;
	v17 =	vld [tilespmem:s8+$0x3840];
	_ =	sdelay $0x4  }
0x138: {  	[tilespmem:v18+s30+$0x0] =	vst.idx.msk $0xffff, v17  }
0x139: {  	v18 =	vor.u32 v10, v16;
	v17 =	vld [tilespmem:s8+$0x3E80];
	_ =	sdelay $0x4  }
0x13a: {  	[tilespmem:v18+s30+$0x0] =	vst.idx.msk $0xffff, v17  }
0x13b: {  	v18 =	vor.u32 v11, v16;
	v17 =	vld [tilespmem:s8+$0x44C0];
	_ =	sdelay $0x4  }
0x13c: {  	[tilespmem:v18+s30+$0x0] =	vst.idx.msk $0xffff, v17  }
0x13d: {  	v18 =	vor.u32 v12, v16;
	v17 =	vld [tilespmem:s8+$0x4B00];
	_ =	sdelay $0x4  }
0x13e: {  	[tilespmem:v18+s30+$0x0] =	vst.idx.msk $0xffff, v17  }
0x13f: {  	v18 =	vor.u32 v13, v16;
	v17 =	vld [tilespmem:s8+$0x5140];
	_ =	sdelay $0x4  }
0x140: {  	[tilespmem:v18+s30+$0x0] =	vst.idx.msk $0xffff, v17  }
0x141: {  	v18 =	vor.u32 v14, v16;
	v17 =	vld [tilespmem:s8+$0x5780];
	_ =	sdelay $0x4  }
0x142: {  	[tilespmem:v18+s30+$0x0] =	vst.idx.msk $0xffff, v17  }
0x143: {  	s9 =	sadd.s32 $0x10, s26;
	v18 =	vor.u32 v15, v16;
	v17 =	vld [tilespmem:s8+$0x5DC0]  }
0x144: {  	v16 =	vmov s9  }
0x145: {  	v16 =	vmul.u32 $0x18, v16;
	_ =	sdelay $0x1  }
0x146: {  	v16 =	vbroadcast v16, $0x0  }
0x147: {  	[tilespmem:v18+s30+$0x0] =	vst.idx.msk $0xffff, v17  }
0x148: {  	v18 =	vadd.s32 v0, v16;
	v17 =	vld [tilespmem:s8+$0x10];
	_ =	sdelay $0x4  }
0x149: {  	[tilespmem:v18+s30+$0x0] =	vst.idx.msk $0xffff, v17  }
0x14a: {  	v18 =	vadd.s32 v1, v16;
	v17 =	vld [tilespmem:s8+$0x650];
	_ =	sdelay $0x4  }
0x14b: {  	[tilespmem:v18+s30+$0x0] =	vst.idx.msk $0xffff, v17  }
0x14c: {  	v18 =	vadd.s32 v2, v16;
	v17 =	vld [tilespmem:s8+$0xC90];
	_ =	sdelay $0x4  }
0x14d: {  	[tilespmem:v18+s30+$0x0] =	vst.idx.msk $0xffff, v17  }
0x14e: {  	v18 =	vadd.s32 v3, v16;
	v17 =	vld [tilespmem:s8+$0x12D0];
	_ =	sdelay $0x4  }
0x14f: {  	[tilespmem:v18+s30+$0x0] =	vst.idx.msk $0xffff, v17  }
0x150: {  	v18 =	vadd.s32 v4, v16;
	v17 =	vld [tilespmem:s8+$0x1910];
	_ =	sdelay $0x4  }
0x151: {  	[tilespmem:v18+s30+$0x0] =	vst.idx.msk $0xffff, v17  }
0x152: {  	v18 =	vadd.s32 v5, v16;
	v17 =	vld [tilespmem:s8+$0x1F50];
	_ =	sdelay $0x4  }
0x153: {  	[tilespmem:v18+s30+$0x0] =	vst.idx.msk $0xffff, v17  }
0x154: {  	v18 =	vadd.s32 v6, v16;
	v17 =	vld [tilespmem:s8+$0x2590];
	_ =	sdelay $0x4  }
0x155: {  	[tilespmem:v18+s30+$0x0] =	vst.idx.msk $0xffff, v17  }
0x156: {  	v18 =	vadd.s32 v7, v16;
	v17 =	vld [tilespmem:s8+$0x2BD0];
	_ =	sdelay $0x4  }
0x157: {  	[tilespmem:v18+s30+$0x0] =	vst.idx.msk $0xffff, v17  }
0x158: {  	v18 =	vadd.s32 v8, v16;
	v17 =	vld [tilespmem:s8+$0x3210];
	_ =	sdelay $0x4  }
0x159: {  	[tilespmem:v18+s30+$0x0] =	vst.idx.msk $0xffff, v17  }
0x15a: {  	v18 =	vadd.s32 v9, v16;
	v17 =	vld [tilespmem:s8+$0x3850];
	_ =	sdelay $0x4  }
0x15b: {  	[tilespmem:v18+s30+$0x0] =	vst.idx.msk $0xffff, v17  }
0x15c: {  	v18 =	vadd.s32 v10, v16;
	v17 =	vld [tilespmem:s8+$0x3E90];
	_ =	sdelay $0x4  }
0x15d: {  	[tilespmem:v18+s30+$0x0] =	vst.idx.msk $0xffff, v17  }
0x15e: {  	v18 =	vadd.s32 v11, v16;
	v17 =	vld [tilespmem:s8+$0x44D0];
	_ =	sdelay $0x4  }
0x15f: {  	[tilespmem:v18+s30+$0x0] =	vst.idx.msk $0xffff, v17  }
0x160: {  	v18 =	vadd.s32 v12, v16;
	v17 =	vld [tilespmem:s8+$0x4B10];
	_ =	sdelay $0x4  }
0x161: {  	[tilespmem:v18+s30+$0x0] =	vst.idx.msk $0xffff, v17  }
0x162: {  	v18 =	vadd.s32 v13, v16;
	v17 =	vld [tilespmem:s8+$0x5150];
	_ =	sdelay $0x4  }
0x163: {  	[tilespmem:v18+s30+$0x0] =	vst.idx.msk $0xffff, v17  }
0x164: {  	v18 =	vadd.s32 v14, v16;
	v17 =	vld [tilespmem:s8+$0x5790];
	_ =	sdelay $0x4  }
0x165: {  	[tilespmem:v18+s30+$0x0] =	vst.idx.msk $0xffff, v17  }
0x166: {  	s9 =	sadd.s32 $0x20, s26;
	v18 =	vadd.s32 v15, v16;
	v17 =	vld [tilespmem:s8+$0x5DD0]  }
0x167: {  	v16 =	vmov s9  }
0x168: {  	v16 =	vmul.u32 $0x18, v16;
	_ =	sdelay $0x1  }
0x169: {  	v16 =	vbroadcast v16, $0x0  }
0x16a: {  	[tilespmem:v18+s30+$0x0] =	vst.idx.msk $0xffff, v17  }
0x16b: {  	v18 =	vadd.s32 v0, v16;
	v17 =	vld [tilespmem:s8+$0x20];
	_ =	sdelay $0x4  }
0x16c: {  	[tilespmem:v18+s30+$0x0] =	vst.idx.msk $0xffff, v17  }
0x16d: {  	v18 =	vadd.s32 v1, v16;
	v17 =	vld [tilespmem:s8+$0x660];
	_ =	sdelay $0x4  }
0x16e: {  	[tilespmem:v18+s30+$0x0] =	vst.idx.msk $0xffff, v17  }
0x16f: {  	v18 =	vadd.s32 v2, v16;
	v17 =	vld [tilespmem:s8+$0xCA0];
	_ =	sdelay $0x4  }
0x170: {  	[tilespmem:v18+s30+$0x0] =	vst.idx.msk $0xffff, v17  }
0x171: {  	v18 =	vadd.s32 v3, v16;
	v17 =	vld [tilespmem:s8+$0x12E0];
	_ =	sdelay $0x4  }
0x172: {  	[tilespmem:v18+s30+$0x0] =	vst.idx.msk $0xffff, v17  }
0x173: {  	v18 =	vadd.s32 v4, v16;
	v17 =	vld [tilespmem:s8+$0x1920];
	_ =	sdelay $0x4  }
0x174: {  	[tilespmem:v18+s30+$0x0] =	vst.idx.msk $0xffff, v17  }
0x175: {  	v18 =	vadd.s32 v5, v16;
	v17 =	vld [tilespmem:s8+$0x1F60];
	_ =	sdelay $0x4  }
0x176: {  	[tilespmem:v18+s30+$0x0] =	vst.idx.msk $0xffff, v17  }
0x177: {  	v18 =	vadd.s32 v6, v16;
	v17 =	vld [tilespmem:s8+$0x25A0];
	_ =	sdelay $0x4  }
0x178: {  	[tilespmem:v18+s30+$0x0] =	vst.idx.msk $0xffff, v17  }
0x179: {  	v18 =	vadd.s32 v7, v16;
	v17 =	vld [tilespmem:s8+$0x2BE0];
	_ =	sdelay $0x4  }
0x17a: {  	[tilespmem:v18+s30+$0x0] =	vst.idx.msk $0xffff, v17  }
0x17b: {  	v18 =	vadd.s32 v8, v16;
	v17 =	vld [tilespmem:s8+$0x3220];
	_ =	sdelay $0x4  }
0x17c: {  	[tilespmem:v18+s30+$0x0] =	vst.idx.msk $0xffff, v17  }
0x17d: {  	v18 =	vadd.s32 v9, v16;
	v17 =	vld [tilespmem:s8+$0x3860];
	_ =	sdelay $0x4  }
0x17e: {  	[tilespmem:v18+s30+$0x0] =	vst.idx.msk $0xffff, v17  }
0x17f: {  	v18 =	vadd.s32 v10, v16;
	v17 =	vld [tilespmem:s8+$0x3EA0];
	_ =	sdelay $0x4  }
0x180: {  	[tilespmem:v18+s30+$0x0] =	vst.idx.msk $0xffff, v17  }
0x181: {  	v18 =	vadd.s32 v11, v16;
	v17 =	vld [tilespmem:s8+$0x44E0];
	_ =	sdelay $0x4  }
0x182: {  	[tilespmem:v18+s30+$0x0] =	vst.idx.msk $0xffff, v17  }
0x183: {  	v18 =	vadd.s32 v12, v16;
	v17 =	vld [tilespmem:s8+$0x4B20];
	_ =	sdelay $0x4  }
0x184: {  	[tilespmem:v18+s30+$0x0] =	vst.idx.msk $0xffff, v17  }
0x185: {  	v18 =	vadd.s32 v13, v16;
	v17 =	vld [tilespmem:s8+$0x5160];
	_ =	sdelay $0x4  }
0x186: {  	[tilespmem:v18+s30+$0x0] =	vst.idx.msk $0xffff, v17  }
0x187: {  	v18 =	vadd.s32 v14, v16;
	v17 =	vld [tilespmem:s8+$0x57A0];
	_ =	sdelay $0x4  }
0x188: {  	[tilespmem:v18+s30+$0x0] =	vst.idx.msk $0xffff, v17  }
0x189: {  	s9 =	sadd.s32 $0x30, s26;
	v18 =	vadd.s32 v15, v16;
	v17 =	vld [tilespmem:s8+$0x5DE0]  }
0x18a: {  	v16 =	vmov s9  }
0x18b: {  	v16 =	vmul.u32 $0x18, v16;
	_ =	sdelay $0x1  }
0x18c: {  	v16 =	vbroadcast v16, $0x0  }
0x18d: {  	[tilespmem:v18+s30+$0x0] =	vst.idx.msk $0xffff, v17  }
0x18e: {  	v18 =	vadd.s32 v0, v16;
	v17 =	vld [tilespmem:s8+$0x30];
	_ =	sdelay $0x4  }
0x18f: {  	[tilespmem:v18+s30+$0x0] =	vst.idx.msk $0xffff, v17  }
0x190: {  	v18 =	vadd.s32 v1, v16;
	v17 =	vld [tilespmem:s8+$0x670];
	_ =	sdelay $0x4  }
0x191: {  	[tilespmem:v18+s30+$0x0] =	vst.idx.msk $0xffff, v17  }
0x192: {  	v18 =	vadd.s32 v2, v16;
	v17 =	vld [tilespmem:s8+$0xCB0];
	_ =	sdelay $0x4  }
0x193: {  	[tilespmem:v18+s30+$0x0] =	vst.idx.msk $0xffff, v17  }
0x194: {  	v18 =	vadd.s32 v3, v16;
	v17 =	vld [tilespmem:s8+$0x12F0];
	_ =	sdelay $0x4  }
0x195: {  	[tilespmem:v18+s30+$0x0] =	vst.idx.msk $0xffff, v17  }
0x196: {  	v18 =	vadd.s32 v4, v16;
	v17 =	vld [tilespmem:s8+$0x1930];
	_ =	sdelay $0x4  }
0x197: {  	[tilespmem:v18+s30+$0x0] =	vst.idx.msk $0xffff, v17  }
0x198: {  	v18 =	vadd.s32 v5, v16;
	v17 =	vld [tilespmem:s8+$0x1F70];
	_ =	sdelay $0x4  }
0x199: {  	[tilespmem:v18+s30+$0x0] =	vst.idx.msk $0xffff, v17  }
0x19a: {  	v18 =	vadd.s32 v6, v16;
	v17 =	vld [tilespmem:s8+$0x25B0];
	_ =	sdelay $0x4  }
0x19b: {  	[tilespmem:v18+s30+$0x0] =	vst.idx.msk $0xffff, v17  }
0x19c: {  	v18 =	vadd.s32 v7, v16;
	v17 =	vld [tilespmem:s8+$0x2BF0];
	_ =	sdelay $0x4  }
0x19d: {  	[tilespmem:v18+s30+$0x0] =	vst.idx.msk $0xffff, v17  }
0x19e: {  	v18 =	vadd.s32 v8, v16;
	v17 =	vld [tilespmem:s8+$0x3230];
	_ =	sdelay $0x4  }
0x19f: {  	[tilespmem:v18+s30+$0x0] =	vst.idx.msk $0xffff, v17  }
0x1a0: {  	v18 =	vadd.s32 v9, v16;
	v17 =	vld [tilespmem:s8+$0x3870];
	_ =	sdelay $0x4  }
0x1a1: {  	[tilespmem:v18+s30+$0x0] =	vst.idx.msk $0xffff, v17  }
0x1a2: {  	v18 =	vadd.s32 v10, v16;
	v17 =	vld [tilespmem:s8+$0x3EB0];
	_ =	sdelay $0x4  }
0x1a3: {  	[tilespmem:v18+s30+$0x0] =	vst.idx.msk $0xffff, v17  }
0x1a4: {  	v18 =	vadd.s32 v11, v16;
	v17 =	vld [tilespmem:s8+$0x44F0];
	_ =	sdelay $0x4  }
0x1a5: {  	[tilespmem:v18+s30+$0x0] =	vst.idx.msk $0xffff, v17  }
0x1a6: {  	v18 =	vadd.s32 v12, v16;
	v17 =	vld [tilespmem:s8+$0x4B30];
	_ =	sdelay $0x4  }
0x1a7: {  	[tilespmem:v18+s30+$0x0] =	vst.idx.msk $0xffff, v17  }
0x1a8: {  	v18 =	vadd.s32 v13, v16;
	v17 =	vld [tilespmem:s8+$0x5170];
	_ =	sdelay $0x4  }
0x1a9: {  	[tilespmem:v18+s30+$0x0] =	vst.idx.msk $0xffff, v17  }
0x1aa: {  	v18 =	vadd.s32 v14, v16;
	v17 =	vld [tilespmem:s8+$0x57B0];
	_ =	sdelay $0x2  }
.Ltmp6:
0x1ab: {  	(pc) =	sbr.rel @p0 .LBB2_11-.Ltmp6, $4  }
0x1ac: {  	_ = 	snop  }
0x1ad: {  	[tilespmem:v18+s30+$0x0] =	vst.idx.msk $0xffff, v17  }
0x1ae: {  	s26 =	sadd.s32 $0x40, s26;
	v18 =	vadd.s32 v15, v16;
	v17 =	vld [tilespmem:s8+$0x5DF0]  }
0x1af: {  	s7 =	sadd.s32 $0x100, s7;
	v16 =	vmov s26  }
0x1b0: {  	_ = 	snop  }
0x1b1: {  	v16 =	vmul.u32 $0x18, v16;
	_ =	sdelay $0x1  }
0x1b2: {  	v16 =	vbroadcast v16, $0x0  }
0x1b3: {  	s7 =	sshra.s32 s28, $0x2;
	[tilespmem:v18+s30+$0x0] =	vst.idx.msk $0xffff, v17  }
0x1b4: {  	v17 =	vld [tilespmem:s7+$0x0];
	v46 =	vor.u32 v0, v16;
	_ =	sdelay $0x4  }
0x1b5: {  	[tilespmem:v46+s30+$0x0] =	vst.idx.msk $0xffff, v17  }
0x1b6: {  	v47 =	vor.u32 v1, v16;
	v17 =	vld [tilespmem:s7+$0x640];
	_ =	sdelay $0x4  }
0x1b7: {  	[tilespmem:v47+s30+$0x0] =	vst.idx.msk $0xffff, v17  }
0x1b8: {  	v48 =	vor.u32 v2, v16;
	v17 =	vld [tilespmem:s7+$0xC80];
	_ =	sdelay $0x4  }
0x1b9: {  	[tilespmem:v48+s30+$0x0] =	vst.idx.msk $0xffff, v17  }
0x1ba: {  	v49 =	vor.u32 v3, v16;
	v17 =	vld [tilespmem:s7+$0x12C0];
	_ =	sdelay $0x4  }
0x1bb: {  	[tilespmem:v49+s30+$0x0] =	vst.idx.msk $0xffff, v17  }
0x1bc: {  	v50 =	vor.u32 v4, v16;
	v17 =	vld [tilespmem:s7+$0x1900];
	_ =	sdelay $0x4  }
0x1bd: {  	[tilespmem:v50+s30+$0x0] =	vst.idx.msk $0xffff, v17  }
0x1be: {  	v51 =	vor.u32 v5, v16;
	v17 =	vld [tilespmem:s7+$0x1F40];
	_ =	sdelay $0x4  }
0x1bf: {  	[tilespmem:v51+s30+$0x0] =	vst.idx.msk $0xffff, v17  }
0x1c0: {  	v52 =	vor.u32 v6, v16;
	v17 =	vld [tilespmem:s7+$0x2580];
	_ =	sdelay $0x4  }
0x1c1: {  	[tilespmem:v52+s30+$0x0] =	vst.idx.msk $0xffff, v17  }
0x1c2: {  	v53 =	vor.u32 v7, v16;
	v17 =	vld [tilespmem:s7+$0x2BC0];
	_ =	sdelay $0x4  }
0x1c3: {  	[tilespmem:v53+s30+$0x0] =	vst.idx.msk $0xffff, v17  }
0x1c4: {  	v54 =	vor.u32 v8, v16;
	v17 =	vld [tilespmem:s7+$0x3200];
	_ =	sdelay $0x4  }
0x1c5: {  	[tilespmem:v54+s30+$0x0] =	vst.idx.msk $0xffff, v17  }
0x1c6: {  	v55 =	vor.u32 v9, v16;
	v17 =	vld [tilespmem:s7+$0x3840];
	_ =	sdelay $0x4  }
0x1c7: {  	[tilespmem:v55+s30+$0x0] =	vst.idx.msk $0xffff, v17  }
0x1c8: {  	v56 =	vor.u32 v10, v16;
	v17 =	vld [tilespmem:s7+$0x3E80];
	_ =	sdelay $0x4  }
0x1c9: {  	[tilespmem:v56+s30+$0x0] =	vst.idx.msk $0xffff, v17  }
0x1ca: {  	v57 =	vor.u32 v11, v16;
	v17 =	vld [tilespmem:s7+$0x44C0];
	_ =	sdelay $0x4  }
0x1cb: {  	[tilespmem:v57+s30+$0x0] =	vst.idx.msk $0xffff, v17  }
0x1cc: {  	v58 =	vor.u32 v12, v16;
	v17 =	vld [tilespmem:s7+$0x4B00];
	_ =	sdelay $0x4  }
0x1cd: {  	[tilespmem:v58+s30+$0x0] =	vst.idx.msk $0xffff, v17  }
0x1ce: {  	v59 =	vor.u32 v13, v16;
	v17 =	vld [tilespmem:s7+$0x5140];
	_ =	sdelay $0x4  }
0x1cf: {  	[tilespmem:v59+s30+$0x0] =	vst.idx.msk $0xffff, v17  }
0x1d0: {  	v60 =	vor.u32 v14, v16;
	v17 =	vld [tilespmem:s7+$0x5780];
	_ =	sdelay $0x4  }
0x1d1: {  	[tilespmem:v60+s30+$0x0] =	vst.idx.msk $0xffff, v17  }
0x1d2: {  	s8 =	sadd.s32 $0x10, s26;
	v16 =	vor.u32 v15, v16;
	v17 =	vld [tilespmem:s7+$0x5DC0]  }
0x1d3: {  	v61 =	vmov s8  }
0x1d4: {  	v18 =	vmul.u32 $0x18, v61;
	_ =	sdelay $0x1  }
0x1d5: {  	v18 =	vbroadcast v18, $0x0  }
0x1d6: {  	[tilespmem:v16+s30+$0x0] =	vst.idx.msk $0xffff, v17  }
0x1d7: {  	v17 =	vadd.s32 v0, v18;
	v16 =	vld [tilespmem:s7+$0x10];
	_ =	sdelay $0x4  }
0x1d8: {  	[tilespmem:v17+s30+$0x0] =	vst.idx.msk $0xffff, v16  }
0x1d9: {  	v17 =	vadd.s32 v1, v18;
	v16 =	vld [tilespmem:s7+$0x650];
	_ =	sdelay $0x4  }
0x1da: {  	[tilespmem:v17+s30+$0x0] =	vst.idx.msk $0xffff, v16  }
0x1db: {  	v17 =	vadd.s32 v2, v18;
	v16 =	vld [tilespmem:s7+$0xC90];
	_ =	sdelay $0x4  }
0x1dc: {  	[tilespmem:v17+s30+$0x0] =	vst.idx.msk $0xffff, v16  }
0x1dd: {  	v17 =	vadd.s32 v3, v18;
	v16 =	vld [tilespmem:s7+$0x12D0];
	_ =	sdelay $0x4  }
0x1de: {  	[tilespmem:v17+s30+$0x0] =	vst.idx.msk $0xffff, v16  }
0x1df: {  	v17 =	vadd.s32 v4, v18;
	v16 =	vld [tilespmem:s7+$0x1910];
	_ =	sdelay $0x4  }
0x1e0: {  	[tilespmem:v17+s30+$0x0] =	vst.idx.msk $0xffff, v16  }
0x1e1: {  	v17 =	vadd.s32 v5, v18;
	v16 =	vld [tilespmem:s7+$0x1F50];
	_ =	sdelay $0x4  }
0x1e2: {  	[tilespmem:v17+s30+$0x0] =	vst.idx.msk $0xffff, v16  }
0x1e3: {  	v17 =	vadd.s32 v6, v18;
	v16 =	vld [tilespmem:s7+$0x2590];
	_ =	sdelay $0x4  }
0x1e4: {  	[tilespmem:v17+s30+$0x0] =	vst.idx.msk $0xffff, v16  }
0x1e5: {  	v17 =	vadd.s32 v7, v18;
	v16 =	vld [tilespmem:s7+$0x2BD0];
	_ =	sdelay $0x4  }
0x1e6: {  	[tilespmem:v17+s30+$0x0] =	vst.idx.msk $0xffff, v16  }
0x1e7: {  	v17 =	vadd.s32 v8, v18;
	v16 =	vld [tilespmem:s7+$0x3210];
	_ =	sdelay $0x4  }
0x1e8: {  	[tilespmem:v17+s30+$0x0] =	vst.idx.msk $0xffff, v16  }
0x1e9: {  	v17 =	vadd.s32 v9, v18;
	v16 =	vld [tilespmem:s7+$0x3850];
	_ =	sdelay $0x4  }
0x1ea: {  	[tilespmem:v17+s30+$0x0] =	vst.idx.msk $0xffff, v16  }
0x1eb: {  	v17 =	vadd.s32 v10, v18;
	v16 =	vld [tilespmem:s7+$0x3E90];
	_ =	sdelay $0x4  }
0x1ec: {  	[tilespmem:v17+s30+$0x0] =	vst.idx.msk $0xffff, v16  }
0x1ed: {  	v17 =	vadd.s32 v11, v18;
	v16 =	vld [tilespmem:s7+$0x44D0];
	_ =	sdelay $0x4  }
0x1ee: {  	[tilespmem:v17+s30+$0x0] =	vst.idx.msk $0xffff, v16  }
0x1ef: {  	v17 =	vadd.s32 v12, v18;
	v16 =	vld [tilespmem:s7+$0x4B10];
	_ =	sdelay $0x4  }
0x1f0: {  	[tilespmem:v17+s30+$0x0] =	vst.idx.msk $0xffff, v16  }
0x1f1: {  	v17 =	vadd.s32 v13, v18;
	v16 =	vld [tilespmem:s7+$0x5150];
	_ =	sdelay $0x4  }
0x1f2: {  	[tilespmem:v17+s30+$0x0] =	vst.idx.msk $0xffff, v16  }
0x1f3: {  	v17 =	vadd.s32 v14, v18;
	v16 =	vld [tilespmem:s7+$0x5790];
	_ =	sdelay $0x4  }
0x1f4: {  	[tilespmem:v17+s30+$0x0] =	vst.idx.msk $0xffff, v16  }
0x1f5: {  	s9 =	sadd.s32 $0x20, s26;
	v17 =	vadd.s32 v15, v18;
	v16 =	vld [tilespmem:s7+$0x5DD0]  }
0x1f6: {  	v62 =	vmov s9  }
0x1f7: {  	v18 =	vmul.u32 $0x18, v62;
	_ =	sdelay $0x1  }
0x1f8: {  	v18 =	vbroadcast v18, $0x0  }
0x1f9: {  	[tilespmem:v17+s30+$0x0] =	vst.idx.msk $0xffff, v16  }
0x1fa: {  	v17 =	vadd.s32 v0, v18;
	v16 =	vld [tilespmem:s7+$0x20];
	_ =	sdelay $0x4  }
0x1fb: {  	[tilespmem:v17+s30+$0x0] =	vst.idx.msk $0xffff, v16  }
0x1fc: {  	v17 =	vadd.s32 v1, v18;
	v16 =	vld [tilespmem:s7+$0x660];
	_ =	sdelay $0x4  }
0x1fd: {  	[tilespmem:v17+s30+$0x0] =	vst.idx.msk $0xffff, v16  }
0x1fe: {  	v17 =	vadd.s32 v2, v18;
	v16 =	vld [tilespmem:s7+$0xCA0];
	_ =	sdelay $0x4  }
0x1ff: {  	[tilespmem:v17+s30+$0x0] =	vst.idx.msk $0xffff, v16  }
0x200: {  	v17 =	vadd.s32 v3, v18;
	v16 =	vld [tilespmem:s7+$0x12E0];
	_ =	sdelay $0x4  }
0x201: {  	[tilespmem:v17+s30+$0x0] =	vst.idx.msk $0xffff, v16  }
0x202: {  	v17 =	vadd.s32 v4, v18;
	v16 =	vld [tilespmem:s7+$0x1920];
	_ =	sdelay $0x4  }
0x203: {  	[tilespmem:v17+s30+$0x0] =	vst.idx.msk $0xffff, v16  }
0x204: {  	v17 =	vadd.s32 v5, v18;
	v16 =	vld [tilespmem:s7+$0x1F60];
	_ =	sdelay $0x4  }
0x205: {  	[tilespmem:v17+s30+$0x0] =	vst.idx.msk $0xffff, v16  }
0x206: {  	v17 =	vadd.s32 v6, v18;
	v16 =	vld [tilespmem:s7+$0x25A0];
	_ =	sdelay $0x4  }
0x207: {  	[tilespmem:v17+s30+$0x0] =	vst.idx.msk $0xffff, v16  }
0x208: {  	v17 =	vadd.s32 v7, v18;
	v16 =	vld [tilespmem:s7+$0x2BE0];
	_ =	sdelay $0x4  }
0x209: {  	[tilespmem:v17+s30+$0x0] =	vst.idx.msk $0xffff, v16  }
0x20a: {  	v17 =	vadd.s32 v8, v18;
	v16 =	vld [tilespmem:s7+$0x3220];
	_ =	sdelay $0x4  }
0x20b: {  	[tilespmem:v17+s30+$0x0] =	vst.idx.msk $0xffff, v16  }
0x20c: {  	v17 =	vadd.s32 v9, v18;
	v16 =	vld [tilespmem:s7+$0x3860];
	_ =	sdelay $0x4  }
0x20d: {  	[tilespmem:v17+s30+$0x0] =	vst.idx.msk $0xffff, v16  }
0x20e: {  	v17 =	vadd.s32 v10, v18;
	v16 =	vld [tilespmem:s7+$0x3EA0];
	_ =	sdelay $0x4  }
0x20f: {  	[tilespmem:v17+s30+$0x0] =	vst.idx.msk $0xffff, v16  }
0x210: {  	v17 =	vadd.s32 v11, v18;
	v16 =	vld [tilespmem:s7+$0x44E0];
	_ =	sdelay $0x4  }
0x211: {  	[tilespmem:v17+s30+$0x0] =	vst.idx.msk $0xffff, v16  }
0x212: {  	v17 =	vadd.s32 v12, v18;
	v16 =	vld [tilespmem:s7+$0x4B20];
	_ =	sdelay $0x4  }
0x213: {  	[tilespmem:v17+s30+$0x0] =	vst.idx.msk $0xffff, v16  }
0x214: {  	v17 =	vadd.s32 v13, v18;
	v16 =	vld [tilespmem:s7+$0x5160];
	_ =	sdelay $0x4  }
0x215: {  	[tilespmem:v17+s30+$0x0] =	vst.idx.msk $0xffff, v16  }
0x216: {  	v17 =	vadd.s32 v14, v18;
	v16 =	vld [tilespmem:s7+$0x57A0];
	_ =	sdelay $0x4  }
0x217: {  	[tilespmem:v17+s30+$0x0] =	vst.idx.msk $0xffff, v16  }
0x218: {  	s9 =	sadd.s32 $0x30, s26;
	v17 =	vadd.s32 v15, v18;
	v16 =	vld [tilespmem:s7+$0x5DE0]  }
0x219: {  	v63 =	vmov s9  }
0x21a: {  	v18 =	vmul.u32 $0x18, v63;
	_ =	sdelay $0x1  }
0x21b: {  	v18 =	vbroadcast v18, $0x0  }
0x21c: {  	[tilespmem:v17+s30+$0x0] =	vst.idx.msk $0xffff, v16  }
0x21d: {  	v17 =	vadd.s32 v0, v18;
	v16 =	vld [tilespmem:s7+$0x30];
	_ =	sdelay $0x4  }
0x21e: {  	[tilespmem:v17+s30+$0x0] =	vst.idx.msk $0xffff, v16  }
0x21f: {  	v17 =	vadd.s32 v1, v18;
	v16 =	vld [tilespmem:s7+$0x670];
	_ =	sdelay $0x4  }
0x220: {  	[tilespmem:v17+s30+$0x0] =	vst.idx.msk $0xffff, v16  }
0x221: {  	v17 =	vadd.s32 v2, v18;
	v16 =	vld [tilespmem:s7+$0xCB0];
	_ =	sdelay $0x4  }
0x222: {  	[tilespmem:v17+s30+$0x0] =	vst.idx.msk $0xffff, v16  }
0x223: {  	v17 =	vadd.s32 v3, v18;
	v16 =	vld [tilespmem:s7+$0x12F0];
	_ =	sdelay $0x4  }
0x224: {  	[tilespmem:v17+s30+$0x0] =	vst.idx.msk $0xffff, v16  }
0x225: {  	v17 =	vadd.s32 v4, v18;
	v16 =	vld [tilespmem:s7+$0x1930];
	_ =	sdelay $0x4  }
0x226: {  	[tilespmem:v17+s30+$0x0] =	vst.idx.msk $0xffff, v16  }
0x227: {  	v17 =	vadd.s32 v5, v18;
	v16 =	vld [tilespmem:s7+$0x1F70];
	_ =	sdelay $0x4  }
0x228: {  	[tilespmem:v17+s30+$0x0] =	vst.idx.msk $0xffff, v16  }
0x229: {  	v17 =	vadd.s32 v6, v18;
	v16 =	vld [tilespmem:s7+$0x25B0];
	_ =	sdelay $0x4  }
0x22a: {  	[tilespmem:v17+s30+$0x0] =	vst.idx.msk $0xffff, v16  }
0x22b: {  	v17 =	vadd.s32 v7, v18;
	v16 =	vld [tilespmem:s7+$0x2BF0];
	_ =	sdelay $0x4  }
0x22c: {  	[tilespmem:v17+s30+$0x0] =	vst.idx.msk $0xffff, v16  }
0x22d: {  	v17 =	vadd.s32 v8, v18;
	v16 =	vld [tilespmem:s7+$0x3230];
	_ =	sdelay $0x4  }
0x22e: {  	[tilespmem:v17+s30+$0x0] =	vst.idx.msk $0xffff, v16  }
0x22f: {  	v17 =	vadd.s32 v9, v18;
	v16 =	vld [tilespmem:s7+$0x3870];
	_ =	sdelay $0x4  }
0x230: {  	[tilespmem:v17+s30+$0x0] =	vst.idx.msk $0xffff, v16  }
0x231: {  	v17 =	vadd.s32 v10, v18;
	v16 =	vld [tilespmem:s7+$0x3EB0];
	_ =	sdelay $0x4  }
0x232: {  	[tilespmem:v17+s30+$0x0] =	vst.idx.msk $0xffff, v16  }
0x233: {  	v17 =	vadd.s32 v11, v18;
	v16 =	vld [tilespmem:s7+$0x44F0];
	_ =	sdelay $0x4  }
0x234: {  	[tilespmem:v17+s30+$0x0] =	vst.idx.msk $0xffff, v16  }
0x235: {  	v17 =	vadd.s32 v12, v18;
	v16 =	vld [tilespmem:s7+$0x4B30];
	_ =	sdelay $0x4  }
0x236: {  	[tilespmem:v17+s30+$0x0] =	vst.idx.msk $0xffff, v16  }
0x237: {  	v17 =	vadd.s32 v13, v18;
	v16 =	vld [tilespmem:s7+$0x5170];
	_ =	sdelay $0x4  }
0x238: {  	[tilespmem:v17+s30+$0x0] =	vst.idx.msk $0xffff, v16  }
0x239: {  	v17 =	vadd.s32 v14, v18;
	v16 =	vld [tilespmem:s7+$0x57B0];
	_ =	sdelay $0x4  }
0x23a: {  	[tilespmem:v17+s30+$0x0] =	vst.idx.msk $0xffff, v16  }
0x23b: {  	v17 =	vadd.s32 v15, v18;
	v16 =	vld [tilespmem:s7+$0x5DF0];
	_ =	sdelay $0x1  }
0x23c: {  	s26 =	smul.u32 $0xC80, s25;
	_ =	sdelay $0x1  }
0x23d: {  	s8 =	simm.s32 $0xC800;
	s7 =	sadd.s32 s5, s26  }
0x23e: {  	s25 =	simm.s32 $0x2;
	s26 =	simm.s32 $0xC818;
	s28 =	sadd.s32 $0x0, s7;
	[tilespmem:v17+s30+$0x0] =	vst.idx.msk $0xffff, v16  }
.LBB2_13:
0x23f: {  	[hbm4b:s28+s3] =	stream.linear.scatter [tilespmem:s8], [sflag:$0x4], $0x10, $0x38;
	[tilespmem:$0x15E00] =	vst v63  }
0x240: {  	s9 =	smov.u32 s25;
	s8 =	smov.u32 s26;
	p0 =	sne.s32 s25, $0xC7E  }
.Ltmp7:
0x241: {  	s25 =	sadd.s32 $0x2, s25;
	(pc) =	sbr.rel @p0 .LBB2_13-.Ltmp7, $2  }
0x242: {  	_ =	sdelay $0x2  }
0x243: {  	s26 =	sadd.s32 $0x18, s26;
	s28 =	sadd.s32 s9, s7  }
.Ltmp8:
0x244: {  	(pc) =	sbr.rel .LBB2_15-.Ltmp8, $4  }
0x245: {  	[hbm4b:s28+s3] =	stream.linear.scatter [tilespmem:s8], [sflag:$0x4], $0x10, $0x38;
	[tilespmem:$0x15E00] =	vst v63  }
0x246: {  	_ =	swait.ge [sflag:s31], $0x6400  }
0x247: {  	[sflag:s31] =	ssyncset.done $0x0  }
0x248: {  	[sflag:s31] =	ssyncadd.s32 $0xFFFF9C00  }
.LBB2_3:
0x249: {  	p0 =	slt.u32 s25, $0x271  }
.Ltmp9:
0x24a: {  	_ = 	snop;
	(pc) =	sbr.rel @!p0 .LBB2_15-.Ltmp9, $1  }
0x24b: {  	_ =	sdelay $0x3  }
0x24c: {  	p0 =	sgt.u32 s25, $0x250  }
0x24d: {  	s7 =	smul.u32 @!p0 $0x640, s25;
	_ =	sdelay $0x1  }
0x24e: {  	s7 =	sshrl.u32 @!p0 s7, $0x3  }
0x24f: {  	s7 =	sadd.s32 @!p0 s4, s7  }
0x250: {  	s9 =	simm.s32 @!p0 $0x0;
	s8 =	sadd.s32 @!p0 $0x1900, s7  }
0x251: {  	[tilespmem:s9], [sflag:$0x1] =	stream.linear.gather @!p0 [hbm4b:s8+s9], $0x640, $0x38;
	[tilespmem:$0x15E00] =	vst v63  }
0x252: {  	s26 =	simm.s32 @!p0 $0x640;
	s8 =	sadd.s32 @!p0 $0x20150, s7  }
0x253: {  	[tilespmem:s26], [sflag:$0x1] =	stream.linear.gather @!p0 [hbm4b:s8+s9], $0x640, $0x38;
	[tilespmem:$0x15E00] =	vst v63  }
0x254: {  	s8 =	sadd.s32 @!p0 $0x3E9A0, s7;
	s26 =	simm.s32 @!p0 $0xC80  }
0x255: {  	[tilespmem:s26], [sflag:$0x1] =	stream.linear.gather @!p0 [hbm4b:s8+s9], $0x640, $0x38;
	[tilespmem:$0x15E00] =	vst v63  }
0x256: {  	s8 =	sadd.s32 @!p0 $0x5D1F0, s7;
	s26 =	simm.s32 @!p0 $0x12C0  }
0x257: {  	[tilespmem:s26], [sflag:$0x1] =	stream.linear.gather @!p0 [hbm4b:s8+s9], $0x640, $0x38;
	[tilespmem:$0x15E00] =	vst v63  }
0x258: {  	s8 =	sadd.s32 @!p0 $0x7BA40, s7;
	s26 =	simm.s32 @!p0 $0x1900  }
0x259: {  	[tilespmem:s26], [sflag:$0x1] =	stream.linear.gather @!p0 [hbm4b:s8+s9], $0x640, $0x38;
	[tilespmem:$0x15E00] =	vst v63  }
0x25a: {  	s8 =	sadd.s32 @!p0 $0x9A290, s7;
	s26 =	simm.s32 @!p0 $0x1F40  }
0x25b: {  	[tilespmem:s26], [sflag:$0x1] =	stream.linear.gather @!p0 [hbm4b:s8+s9], $0x640, $0x38;
	[tilespmem:$0x15E00] =	vst v63  }
0x25c: {  	s8 =	sadd.s32 @!p0 $0xB8AE0, s7;
	s26 =	simm.s32 @!p0 $0x2580  }
0x25d: {  	[tilespmem:s26], [sflag:$0x1] =	stream.linear.gather @!p0 [hbm4b:s8+s9], $0x640, $0x38;
	[tilespmem:$0x15E00] =	vst v63  }
0x25e: {  	s8 =	sadd.s32 @!p0 $0xD7330, s7;
	s26 =	simm.s32 @!p0 $0x2BC0  }
0x25f: {  	[tilespmem:s26], [sflag:$0x1] =	stream.linear.gather @!p0 [hbm4b:s8+s9], $0x640, $0x38;
	[tilespmem:$0x15E00] =	vst v63  }
0x260: {  	s8 =	sadd.s32 @!p0 $0xF5B80, s7;
	s26 =	simm.s32 @!p0 $0x3200  }
0x261: {  	[tilespmem:s26], [sflag:$0x1] =	stream.linear.gather @!p0 [hbm4b:s8+s9], $0x640, $0x38;
	[tilespmem:$0x15E00] =	vst v63  }
0x262: {  	s8 =	sadd.s32 @!p0 $0x1143D0, s7;
	s26 =	simm.s32 @!p0 $0x3840  }
0x263: {  	[tilespmem:s26], [sflag:$0x1] =	stream.linear.gather @!p0 [hbm4b:s8+s9], $0x640, $0x38;
	[tilespmem:$0x15E00] =	vst v63  }
0x264: {  	s8 =	sadd.s32 @!p0 $0x132C20, s7;
	s26 =	simm.s32 @!p0 $0x3E80  }
0x265: {  	[tilespmem:s26], [sflag:$0x1] =	stream.linear.gather @!p0 [hbm4b:s8+s9], $0x640, $0x38;
	[tilespmem:$0x15E00] =	vst v63  }
0x266: {  	s8 =	sadd.s32 @!p0 $0x151470, s7;
	s26 =	simm.s32 @!p0 $0x44C0  }
0x267: {  	[tilespmem:s26], [sflag:$0x1] =	stream.linear.gather @!p0 [hbm4b:s8+s9], $0x640, $0x38;
	[tilespmem:$0x15E00] =	vst v63  }
0x268: {  	s8 =	sadd.s32 @!p0 $0x16FCC0, s7;
	s26 =	simm.s32 @!p0 $0x4B00  }
0x269: {  	[tilespmem:s26], [sflag:$0x1] =	stream.linear.gather @!p0 [hbm4b:s8+s9], $0x640, $0x38;
	[tilespmem:$0x15E00] =	vst v63  }
0x26a: {  	s8 =	sadd.s32 @!p0 $0x18E510, s7;
	s26 =	simm.s32 @!p0 $0x5140  }
0x26b: {  	[tilespmem:s26], [sflag:$0x1] =	stream.linear.gather @!p0 [hbm4b:s8+s9], $0x640, $0x38;
	[tilespmem:$0x15E00] =	vst v63  }
0x26c: {  	s8 =	sadd.s32 @!p0 $0x1ACD60, s7;
	s26 =	simm.s32 @!p0 $0x5780  }
0x26d: {  	[tilespmem:s26], [sflag:$0x1] =	stream.linear.gather @!p0 [hbm4b:s8+s9], $0x640, $0x38;
	[tilespmem:$0x15E00] =	vst v63  }
0x26e: {  	s7 =	sadd.s32 @!p0 $0x1CB5B0, s7;
	s8 =	simm.s32 @!p0 $0x5DC0  }
0x26f: {  	[tilespmem:s8], [sflag:$0x1] =	stream.linear.gather @!p0 [hbm4b:s7+s9], $0x640, $0x38;
	[tilespmem:$0x15E00] =	vst v63  }
0x270: {  	_ =	swait.ge [sflag:s1], $0x640  }
0x271: {  	[sflag:s1] =	ssyncset.done $0x0  }
0x272: {  	[sflag:s1] =	ssyncadd.s32 $0xFFFFF9C0  }
0x273: {  	_ =	swait.ge [sflag:s1], $0x640  }
0x274: {  	[sflag:s1] =	ssyncset.done $0x0  }
0x275: {  	[sflag:s1] =	ssyncadd.s32 $0xFFFFF9C0  }
0x276: {  	_ =	swait.ge [sflag:s1], $0x640  }
0x277: {  	[sflag:s1] =	ssyncset.done $0x0  }
0x278: {  	[sflag:s1] =	ssyncadd.s32 $0xFFFFF9C0  }
0x279: {  	_ =	swait.ge [sflag:s1], $0x640  }
0x27a: {  	[sflag:s1] =	ssyncset.done $0x0  }
0x27b: {  	[sflag:s1] =	ssyncadd.s32 $0xFFFFF9C0  }
0x27c: {  	_ =	swait.ge [sflag:s1], $0x640  }
0x27d: {  	[sflag:s1] =	ssyncset.done $0x0  }
0x27e: {  	[sflag:s1] =	ssyncadd.s32 $0xFFFFF9C0  }
0x27f: {  	_ =	swait.ge [sflag:s1], $0x640  }
0x280: {  	[sflag:s1] =	ssyncset.done $0x0  }
0x281: {  	[sflag:s1] =	ssyncadd.s32 $0xFFFFF9C0  }
0x282: {  	_ =	swait.ge [sflag:s1], $0x640  }
0x283: {  	[sflag:s1] =	ssyncset.done $0x0  }
0x284: {  	[sflag:s1] =	ssyncadd.s32 $0xFFFFF9C0  }
0x285: {  	_ =	swait.ge [sflag:s1], $0x640  }
0x286: {  	[sflag:s1] =	ssyncset.done $0x0  }
0x287: {  	[sflag:s1] =	ssyncadd.s32 $0xFFFFF9C0  }
0x288: {  	_ =	swait.ge [sflag:s1], $0x640  }
0x289: {  	[sflag:s1] =	ssyncset.done $0x0  }
0x28a: {  	[sflag:s1] =	ssyncadd.s32 $0xFFFFF9C0  }
0x28b: {  	_ =	swait.ge [sflag:s1], $0x640  }
0x28c: {  	[sflag:s1] =	ssyncset.done $0x0  }
0x28d: {  	[sflag:s1] =	ssyncadd.s32 $0xFFFFF9C0  }
0x28e: {  	_ =	swait.ge [sflag:s1], $0x640  }
0x28f: {  	[sflag:s1] =	ssyncset.done $0x0  }
0x290: {  	[sflag:s1] =	ssyncadd.s32 $0xFFFFF9C0  }
0x291: {  	_ =	swait.ge [sflag:s1], $0x640  }
0x292: {  	[sflag:s1] =	ssyncset.done $0x0  }
0x293: {  	[sflag:s1] =	ssyncadd.s32 $0xFFFFF9C0  }
0x294: {  	_ =	swait.ge [sflag:s1], $0x640  }
0x295: {  	[sflag:s1] =	ssyncset.done $0x0  }
0x296: {  	[sflag:s1] =	ssyncadd.s32 $0xFFFFF9C0  }
0x297: {  	_ =	swait.ge [sflag:s1], $0x640  }
0x298: {  	[sflag:s1] =	ssyncset.done $0x0  }
0x299: {  	[sflag:s1] =	ssyncadd.s32 $0xFFFFF9C0  }
0x29a: {  	s9 =	simm.s32 $0x0;
	_ =	swait.ge [sflag:s1], $0x640  }
0x29b: {  	v16 =	vmov s9;
	[sflag:s1] =	ssyncset.done $0x0  }
0x29c: {  	v16 =	vmul.u32 $0x18, v16;
	[sflag:s1] =	ssyncadd.s32 $0xFFFFF9C0  }
0x29d: {  	_ =	swait.ge [sflag:s1], $0x640  }
0x29e: {  	v16 =	vbroadcast v16, $0x0;
	[sflag:s1] =	ssyncset.done $0x0  }
0x29f: {  	s7 =	simm.s32 $0x0;
	[sflag:s1] =	ssyncadd.s32 $0xFFFFF9C0  }
0x2a0: {  	v18 =	vor.u32 v0, v16;
	v17 =	vld [tilespmem:s7+$0x6400];
	_ =	sdelay $0x4  }
0x2a1: {  	[tilespmem:v18+s30+$0x0] =	vst.idx.msk $0xffff, v17  }
0x2a2: {  	v18 =	vor.u32 v1, v16;
	v17 =	vld [tilespmem:s7+$0x6A40];
	_ =	sdelay $0x4  }
0x2a3: {  	[tilespmem:v18+s30+$0x0] =	vst.idx.msk $0xffff, v17  }
0x2a4: {  	v18 =	vor.u32 v2, v16;
	v17 =	vld [tilespmem:s7+$0x7080];
	_ =	sdelay $0x4  }
0x2a5: {  	[tilespmem:v18+s30+$0x0] =	vst.idx.msk $0xffff, v17  }
0x2a6: {  	v18 =	vor.u32 v3, v16;
	v17 =	vld [tilespmem:s7+$0x76C0];
	_ =	sdelay $0x4  }
0x2a7: {  	[tilespmem:v18+s30+$0x0] =	vst.idx.msk $0xffff, v17  }
0x2a8: {  	v18 =	vor.u32 v4, v16;
	v17 =	vld [tilespmem:s7+$0x7D00];
	_ =	sdelay $0x4  }
0x2a9: {  	[tilespmem:v18+s30+$0x0] =	vst.idx.msk $0xffff, v17  }
0x2aa: {  	v18 =	vor.u32 v5, v16;
	v17 =	vld [tilespmem:s7+$0x8340];
	_ =	sdelay $0x4  }
0x2ab: {  	[tilespmem:v18+s30+$0x0] =	vst.idx.msk $0xffff, v17  }
0x2ac: {  	v18 =	vor.u32 v6, v16;
	v17 =	vld [tilespmem:s7+$0x8980];
	_ =	sdelay $0x4  }
0x2ad: {  	[tilespmem:v18+s30+$0x0] =	vst.idx.msk $0xffff, v17  }
0x2ae: {  	v18 =	vor.u32 v7, v16;
	v17 =	vld [tilespmem:s7+$0x8FC0];
	_ =	sdelay $0x4  }
0x2af: {  	[tilespmem:v18+s30+$0x0] =	vst.idx.msk $0xffff, v17  }
0x2b0: {  	v18 =	vor.u32 v8, v16;
	v17 =	vld [tilespmem:s7+$0x9600];
	_ =	sdelay $0x4  }
0x2b1: {  	[tilespmem:v18+s30+$0x0] =	vst.idx.msk $0xffff, v17  }
0x2b2: {  	v18 =	vor.u32 v9, v16;
	v17 =	vld [tilespmem:s7+$0x9C40];
	_ =	sdelay $0x4  }
0x2b3: {  	[tilespmem:v18+s30+$0x0] =	vst.idx.msk $0xffff, v17  }
0x2b4: {  	v18 =	vor.u32 v10, v16;
	v17 =	vld [tilespmem:s7+$0xA280];
	_ =	sdelay $0x4  }
0x2b5: {  	[tilespmem:v18+s30+$0x0] =	vst.idx.msk $0xffff, v17  }
0x2b6: {  	v18 =	vor.u32 v11, v16;
	v17 =	vld [tilespmem:s7+$0xA8C0];
	_ =	sdelay $0x4  }
0x2b7: {  	[tilespmem:v18+s30+$0x0] =	vst.idx.msk $0xffff, v17  }
0x2b8: {  	v18 =	vor.u32 v12, v16;
	v17 =	vld [tilespmem:s7+$0xAF00];
	_ =	sdelay $0x4  }
0x2b9: {  	[tilespmem:v18+s30+$0x0] =	vst.idx.msk $0xffff, v17  }
0x2ba: {  	v18 =	vor.u32 v13, v16;
	v17 =	vld [tilespmem:s7+$0xB540];
	_ =	sdelay $0x4  }
0x2bb: {  	[tilespmem:v18+s30+$0x0] =	vst.idx.msk $0xffff, v17  }
0x2bc: {  	v18 =	vor.u32 v14, v16;
	v17 =	vld [tilespmem:s7+$0xBB80];
	_ =	sdelay $0x4  }
0x2bd: {  	[tilespmem:v18+s30+$0x0] =	vst.idx.msk $0xffff, v17  }
0x2be: {  	s26 =	simm.s32 $0x10;
	v16 =	vor.u32 v15, v16;
	v17 =	vld [tilespmem:s7+$0xC1C0]  }
0x2bf: {  	v18 =	vmov s26  }
0x2c0: {  	v18 =	vmul.u32 $0x18, v18;
	_ =	sdelay $0x1  }
0x2c1: {  	v18 =	vbroadcast v18, $0x0  }
0x2c2: {  	[tilespmem:v16+s30+$0x0] =	vst.idx.msk $0xffff, v17  }
0x2c3: {  	v17 =	vadd.s32 v0, v18;
	v16 =	vld [tilespmem:s7+$0x6410];
	_ =	sdelay $0x4  }
0x2c4: {  	[tilespmem:v17+s30+$0x0] =	vst.idx.msk $0xffff, v16  }
0x2c5: {  	v17 =	vadd.s32 v1, v18;
	v16 =	vld [tilespmem:s7+$0x6A50];
	_ =	sdelay $0x4  }
0x2c6: {  	[tilespmem:v17+s30+$0x0] =	vst.idx.msk $0xffff, v16  }
0x2c7: {  	v17 =	vadd.s32 v2, v18;
	v16 =	vld [tilespmem:s7+$0x7090];
	_ =	sdelay $0x4  }
0x2c8: {  	[tilespmem:v17+s30+$0x0] =	vst.idx.msk $0xffff, v16  }
0x2c9: {  	v17 =	vadd.s32 v3, v18;
	v16 =	vld [tilespmem:s7+$0x76D0];
	_ =	sdelay $0x4  }
0x2ca: {  	[tilespmem:v17+s30+$0x0] =	vst.idx.msk $0xffff, v16  }
0x2cb: {  	v17 =	vadd.s32 v4, v18;
	v16 =	vld [tilespmem:s7+$0x7D10];
	_ =	sdelay $0x4  }
0x2cc: {  	[tilespmem:v17+s30+$0x0] =	vst.idx.msk $0xffff, v16  }
0x2cd: {  	v17 =	vadd.s32 v5, v18;
	v16 =	vld [tilespmem:s7+$0x8350];
	_ =	sdelay $0x4  }
0x2ce: {  	[tilespmem:v17+s30+$0x0] =	vst.idx.msk $0xffff, v16  }
0x2cf: {  	v17 =	vadd.s32 v6, v18;
	v16 =	vld [tilespmem:s7+$0x8990];
	_ =	sdelay $0x4  }
0x2d0: {  	[tilespmem:v17+s30+$0x0] =	vst.idx.msk $0xffff, v16  }
0x2d1: {  	v17 =	vadd.s32 v7, v18;
	v16 =	vld [tilespmem:s7+$0x8FD0];
	_ =	sdelay $0x4  }
0x2d2: {  	[tilespmem:v17+s30+$0x0] =	vst.idx.msk $0xffff, v16  }
0x2d3: {  	v17 =	vadd.s32 v8, v18;
	v16 =	vld [tilespmem:s7+$0x9610];
	_ =	sdelay $0x4  }
0x2d4: {  	[tilespmem:v17+s30+$0x0] =	vst.idx.msk $0xffff, v16  }
0x2d5: {  	v17 =	vadd.s32 v9, v18;
	v16 =	vld [tilespmem:s7+$0x9C50];
	_ =	sdelay $0x4  }
0x2d6: {  	[tilespmem:v17+s30+$0x0] =	vst.idx.msk $0xffff, v16  }
0x2d7: {  	v17 =	vadd.s32 v10, v18;
	v16 =	vld [tilespmem:s7+$0xA290];
	_ =	sdelay $0x4  }
0x2d8: {  	[tilespmem:v17+s30+$0x0] =	vst.idx.msk $0xffff, v16  }
0x2d9: {  	v17 =	vadd.s32 v11, v18;
	v16 =	vld [tilespmem:s7+$0xA8D0];
	_ =	sdelay $0x4  }
0x2da: {  	[tilespmem:v17+s30+$0x0] =	vst.idx.msk $0xffff, v16  }
0x2db: {  	v17 =	vadd.s32 v12, v18;
	v16 =	vld [tilespmem:s7+$0xAF10];
	_ =	sdelay $0x4  }
0x2dc: {  	[tilespmem:v17+s30+$0x0] =	vst.idx.msk $0xffff, v16  }
0x2dd: {  	v17 =	vadd.s32 v13, v18;
	v16 =	vld [tilespmem:s7+$0xB550];
	_ =	sdelay $0x4  }
0x2de: {  	[tilespmem:v17+s30+$0x0] =	vst.idx.msk $0xffff, v16  }
0x2df: {  	v17 =	vadd.s32 v14, v18;
	v16 =	vld [tilespmem:s7+$0xBB90];
	_ =	sdelay $0x4  }
0x2e0: {  	[tilespmem:v17+s30+$0x0] =	vst.idx.msk $0xffff, v16  }
0x2e1: {  	s9 =	simm.s32 $0x20;
	v17 =	vadd.s32 v15, v18;
	v16 =	vld [tilespmem:s7+$0xC1D0]  }
0x2e2: {  	v18 =	vmov s9  }
0x2e3: {  	v18 =	vmul.u32 $0x18, v18;
	_ =	sdelay $0x1  }
0x2e4: {  	v18 =	vbroadcast v18, $0x0  }
0x2e5: {  	[tilespmem:v17+s30+$0x0] =	vst.idx.msk $0xffff, v16  }
0x2e6: {  	v17 =	vadd.s32 v0, v18;
	v16 =	vld [tilespmem:s7+$0x6420];
	_ =	sdelay $0x4  }
0x2e7: {  	[tilespmem:v17+s30+$0x0] =	vst.idx.msk $0xffff, v16  }
0x2e8: {  	v17 =	vadd.s32 v1, v18;
	v16 =	vld [tilespmem:s7+$0x6A60];
	_ =	sdelay $0x4  }
0x2e9: {  	[tilespmem:v17+s30+$0x0] =	vst.idx.msk $0xffff, v16  }
0x2ea: {  	v17 =	vadd.s32 v2, v18;
	v16 =	vld [tilespmem:s7+$0x70A0];
	_ =	sdelay $0x4  }
0x2eb: {  	[tilespmem:v17+s30+$0x0] =	vst.idx.msk $0xffff, v16  }
0x2ec: {  	v17 =	vadd.s32 v3, v18;
	v16 =	vld [tilespmem:s7+$0x76E0];
	_ =	sdelay $0x4  }
0x2ed: {  	[tilespmem:v17+s30+$0x0] =	vst.idx.msk $0xffff, v16  }
0x2ee: {  	v17 =	vadd.s32 v4, v18;
	v16 =	vld [tilespmem:s7+$0x7D20];
	_ =	sdelay $0x4  }
0x2ef: {  	[tilespmem:v17+s30+$0x0] =	vst.idx.msk $0xffff, v16  }
0x2f0: {  	v17 =	vadd.s32 v5, v18;
	v16 =	vld [tilespmem:s7+$0x8360];
	_ =	sdelay $0x4  }
0x2f1: {  	[tilespmem:v17+s30+$0x0] =	vst.idx.msk $0xffff, v16  }
0x2f2: {  	v17 =	vadd.s32 v6, v18;
	v16 =	vld [tilespmem:s7+$0x89A0];
	_ =	sdelay $0x4  }
0x2f3: {  	[tilespmem:v17+s30+$0x0] =	vst.idx.msk $0xffff, v16  }
0x2f4: {  	v17 =	vadd.s32 v7, v18;
	v16 =	vld [tilespmem:s7+$0x8FE0];
	_ =	sdelay $0x4  }
0x2f5: {  	[tilespmem:v17+s30+$0x0] =	vst.idx.msk $0xffff, v16  }
0x2f6: {  	v17 =	vadd.s32 v8, v18;
	v16 =	vld [tilespmem:s7+$0x9620];
	_ =	sdelay $0x4  }
0x2f7: {  	[tilespmem:v17+s30+$0x0] =	vst.idx.msk $0xffff, v16  }
0x2f8: {  	v17 =	vadd.s32 v9, v18;
	v16 =	vld [tilespmem:s7+$0x9C60];
	_ =	sdelay $0x4  }
0x2f9: {  	[tilespmem:v17+s30+$0x0] =	vst.idx.msk $0xffff, v16  }
0x2fa: {  	v17 =	vadd.s32 v10, v18;
	v16 =	vld [tilespmem:s7+$0xA2A0];
	_ =	sdelay $0x4  }
0x2fb: {  	[tilespmem:v17+s30+$0x0] =	vst.idx.msk $0xffff, v16  }
0x2fc: {  	v17 =	vadd.s32 v11, v18;
	v16 =	vld [tilespmem:s7+$0xA8E0];
	_ =	sdelay $0x4  }
0x2fd: {  	[tilespmem:v17+s30+$0x0] =	vst.idx.msk $0xffff, v16  }
0x2fe: {  	v17 =	vadd.s32 v12, v18;
	v16 =	vld [tilespmem:s7+$0xAF20];
	_ =	sdelay $0x4  }
0x2ff: {  	[tilespmem:v17+s30+$0x0] =	vst.idx.msk $0xffff, v16  }
0x300: {  	v17 =	vadd.s32 v13, v18;
	v16 =	vld [tilespmem:s7+$0xB560];
	_ =	sdelay $0x4  }
0x301: {  	[tilespmem:v17+s30+$0x0] =	vst.idx.msk $0xffff, v16  }
0x302: {  	v17 =	vadd.s32 v14, v18;
	v16 =	vld [tilespmem:s7+$0xBBA0];
	_ =	sdelay $0x4  }
0x303: {  	[tilespmem:v17+s30+$0x0] =	vst.idx.msk $0xffff, v16  }
0x304: {  	s26 =	simm.s32 $0x30;
	v17 =	vadd.s32 v15, v18;
	v16 =	vld [tilespmem:s7+$0xC1E0]  }
0x305: {  	v18 =	vmov s26  }
0x306: {  	v18 =	vmul.u32 $0x18, v18;
	_ =	sdelay $0x1  }
0x307: {  	v18 =	vbroadcast v18, $0x0  }
0x308: {  	[tilespmem:v17+s30+$0x0] =	vst.idx.msk $0xffff, v16  }
0x309: {  	v17 =	vadd.s32 v0, v18;
	v16 =	vld [tilespmem:s7+$0x6430];
	_ =	sdelay $0x4  }
0x30a: {  	[tilespmem:v17+s30+$0x0] =	vst.idx.msk $0xffff, v16  }
0x30b: {  	v17 =	vadd.s32 v1, v18;
	v16 =	vld [tilespmem:s7+$0x6A70];
	_ =	sdelay $0x4  }
0x30c: {  	[tilespmem:v17+s30+$0x0] =	vst.idx.msk $0xffff, v16  }
0x30d: {  	v17 =	vadd.s32 v2, v18;
	v16 =	vld [tilespmem:s7+$0x70B0];
	_ =	sdelay $0x4  }
0x30e: {  	[tilespmem:v17+s30+$0x0] =	vst.idx.msk $0xffff, v16  }
0x30f: {  	v17 =	vadd.s32 v3, v18;
	v16 =	vld [tilespmem:s7+$0x76F0];
	_ =	sdelay $0x4  }
0x310: {  	[tilespmem:v17+s30+$0x0] =	vst.idx.msk $0xffff, v16  }
0x311: {  	v17 =	vadd.s32 v4, v18;
	v16 =	vld [tilespmem:s7+$0x7D30];
	_ =	sdelay $0x4  }
0x312: {  	[tilespmem:v17+s30+$0x0] =	vst.idx.msk $0xffff, v16  }
0x313: {  	v17 =	vadd.s32 v5, v18;
	v16 =	vld [tilespmem:s7+$0x8370];
	_ =	sdelay $0x4  }
0x314: {  	[tilespmem:v17+s30+$0x0] =	vst.idx.msk $0xffff, v16  }
0x315: {  	v17 =	vadd.s32 v6, v18;
	v16 =	vld [tilespmem:s7+$0x89B0];
	_ =	sdelay $0x4  }
0x316: {  	[tilespmem:v17+s30+$0x0] =	vst.idx.msk $0xffff, v16  }
0x317: {  	v17 =	vadd.s32 v7, v18;
	v16 =	vld [tilespmem:s7+$0x8FF0];
	_ =	sdelay $0x4  }
0x318: {  	[tilespmem:v17+s30+$0x0] =	vst.idx.msk $0xffff, v16  }
0x319: {  	v17 =	vadd.s32 v8, v18;
	v16 =	vld [tilespmem:s7+$0x9630];
	_ =	sdelay $0x4  }
0x31a: {  	[tilespmem:v17+s30+$0x0] =	vst.idx.msk $0xffff, v16  }
0x31b: {  	v17 =	vadd.s32 v9, v18;
	v16 =	vld [tilespmem:s7+$0x9C70];
	_ =	sdelay $0x4  }
0x31c: {  	[tilespmem:v17+s30+$0x0] =	vst.idx.msk $0xffff, v16  }
0x31d: {  	v17 =	vadd.s32 v10, v18;
	v16 =	vld [tilespmem:s7+$0xA2B0];
	_ =	sdelay $0x4  }
0x31e: {  	[tilespmem:v17+s30+$0x0] =	vst.idx.msk $0xffff, v16  }
0x31f: {  	v17 =	vadd.s32 v11, v18;
	v16 =	vld [tilespmem:s7+$0xA8F0];
	_ =	sdelay $0x4  }
0x320: {  	[tilespmem:v17+s30+$0x0] =	vst.idx.msk $0xffff, v16  }
0x321: {  	v17 =	vadd.s32 v12, v18;
	v16 =	vld [tilespmem:s7+$0xAF30];
	_ =	sdelay $0x4  }
0x322: {  	[tilespmem:v17+s30+$0x0] =	vst.idx.msk $0xffff, v16  }
0x323: {  	v17 =	vadd.s32 v13, v18;
	v16 =	vld [tilespmem:s7+$0xB570];
	_ =	sdelay $0x4  }
0x324: {  	[tilespmem:v17+s30+$0x0] =	vst.idx.msk $0xffff, v16  }
0x325: {  	v17 =	vadd.s32 v14, v18;
	v16 =	vld [tilespmem:s7+$0xBBB0];
	_ =	sdelay $0x4  }
0x326: {  	[tilespmem:v17+s30+$0x0] =	vst.idx.msk $0xffff, v16  }
0x327: {  	s26 =	simm.s32 $0x40;
	v18 =	vadd.s32 v15, v18;
	v17 =	vld [tilespmem:s7+$0xC1F0]  }
0x328: {  	s28 =	simm.s32 $0x100;
	v16 =	vmov s26;
	s7 =	simm.s32 $0x200  }
.LBB2_5:
0x329: {  	p0 =	sne.s32 s7, $0x1800;
	v16 =	vmul.u32 $0x18, v16;
	_ =	sdelay $0x1  }
0x32a: {  	v16 =	vbroadcast v16, $0x0  }
0x32b: {  	s8 =	sshra.s32 s28, $0x2;
	s28 =	smov.u32 s7;
	[tilespmem:v18+s30+$0x0] =	vst.idx.msk $0xffff, v17  }
0x32c: {  	v17 =	vld [tilespmem:s8+$0x6400];
	v18 =	vor.u32 v0, v16;
	_ =	sdelay $0x4  }
0x32d: {  	[tilespmem:v18+s30+$0x0] =	vst.idx.msk $0xffff, v17  }
0x32e: {  	v18 =	vor.u32 v1, v16;
	v17 =	vld [tilespmem:s8+$0x6A40];
	_ =	sdelay $0x4  }
0x32f: {  	[tilespmem:v18+s30+$0x0] =	vst.idx.msk $0xffff, v17  }
0x330: {  	v18 =	vor.u32 v2, v16;
	v17 =	vld [tilespmem:s8+$0x7080];
	_ =	sdelay $0x4  }
0x331: {  	[tilespmem:v18+s30+$0x0] =	vst.idx.msk $0xffff, v17  }
0x332: {  	v18 =	vor.u32 v3, v16;
	v17 =	vld [tilespmem:s8+$0x76C0];
	_ =	sdelay $0x4  }
0x333: {  	[tilespmem:v18+s30+$0x0] =	vst.idx.msk $0xffff, v17  }
0x334: {  	v18 =	vor.u32 v4, v16;
	v17 =	vld [tilespmem:s8+$0x7D00];
	_ =	sdelay $0x4  }
0x335: {  	[tilespmem:v18+s30+$0x0] =	vst.idx.msk $0xffff, v17  }
0x336: {  	v18 =	vor.u32 v5, v16;
	v17 =	vld [tilespmem:s8+$0x8340];
	_ =	sdelay $0x4  }
0x337: {  	[tilespmem:v18+s30+$0x0] =	vst.idx.msk $0xffff, v17  }
0x338: {  	v18 =	vor.u32 v6, v16;
	v17 =	vld [tilespmem:s8+$0x8980];
	_ =	sdelay $0x4  }
0x339: {  	[tilespmem:v18+s30+$0x0] =	vst.idx.msk $0xffff, v17  }
0x33a: {  	v18 =	vor.u32 v7, v16;
	v17 =	vld [tilespmem:s8+$0x8FC0];
	_ =	sdelay $0x4  }
0x33b: {  	[tilespmem:v18+s30+$0x0] =	vst.idx.msk $0xffff, v17  }
0x33c: {  	v18 =	vor.u32 v8, v16;
	v17 =	vld [tilespmem:s8+$0x9600];
	_ =	sdelay $0x4  }
0x33d: {  	[tilespmem:v18+s30+$0x0] =	vst.idx.msk $0xffff, v17  }
0x33e: {  	v18 =	vor.u32 v9, v16;
	v17 =	vld [tilespmem:s8+$0x9C40];
	_ =	sdelay $0x4  }
0x33f: {  	[tilespmem:v18+s30+$0x0] =	vst.idx.msk $0xffff, v17  }
0x340: {  	v18 =	vor.u32 v10, v16;
	v17 =	vld [tilespmem:s8+$0xA280];
	_ =	sdelay $0x4  }
0x341: {  	[tilespmem:v18+s30+$0x0] =	vst.idx.msk $0xffff, v17  }
0x342: {  	v18 =	vor.u32 v11, v16;
	v17 =	vld [tilespmem:s8+$0xA8C0];
	_ =	sdelay $0x4  }
0x343: {  	[tilespmem:v18+s30+$0x0] =	vst.idx.msk $0xffff, v17  }
0x344: {  	v18 =	vor.u32 v12, v16;
	v17 =	vld [tilespmem:s8+$0xAF00];
	_ =	sdelay $0x4  }
0x345: {  	[tilespmem:v18+s30+$0x0] =	vst.idx.msk $0xffff, v17  }
0x346: {  	v18 =	vor.u32 v13, v16;
	v17 =	vld [tilespmem:s8+$0xB540];
	_ =	sdelay $0x4  }
0x347: {  	[tilespmem:v18+s30+$0x0] =	vst.idx.msk $0xffff, v17  }
0x348: {  	v18 =	vor.u32 v14, v16;
	v17 =	vld [tilespmem:s8+$0xBB80];
	_ =	sdelay $0x4  }
0x349: {  	[tilespmem:v18+s30+$0x0] =	vst.idx.msk $0xffff, v17  }
0x34a: {  	s9 =	sadd.s32 $0x10, s26;
	v18 =	vor.u32 v15, v16;
	v17 =	vld [tilespmem:s8+$0xC1C0]  }
0x34b: {  	v16 =	vmov s9  }
0x34c: {  	v16 =	vmul.u32 $0x18, v16;
	_ =	sdelay $0x1  }
0x34d: {  	v16 =	vbroadcast v16, $0x0  }
0x34e: {  	[tilespmem:v18+s30+$0x0] =	vst.idx.msk $0xffff, v17  }
0x34f: {  	v18 =	vadd.s32 v0, v16;
	v17 =	vld [tilespmem:s8+$0x6410];
	_ =	sdelay $0x4  }
0x350: {  	[tilespmem:v18+s30+$0x0] =	vst.idx.msk $0xffff, v17  }
0x351: {  	v18 =	vadd.s32 v1, v16;
	v17 =	vld [tilespmem:s8+$0x6A50];
	_ =	sdelay $0x4  }
0x352: {  	[tilespmem:v18+s30+$0x0] =	vst.idx.msk $0xffff, v17  }
0x353: {  	v18 =	vadd.s32 v2, v16;
	v17 =	vld [tilespmem:s8+$0x7090];
	_ =	sdelay $0x4  }
0x354: {  	[tilespmem:v18+s30+$0x0] =	vst.idx.msk $0xffff, v17  }
0x355: {  	v18 =	vadd.s32 v3, v16;
	v17 =	vld [tilespmem:s8+$0x76D0];
	_ =	sdelay $0x4  }
0x356: {  	[tilespmem:v18+s30+$0x0] =	vst.idx.msk $0xffff, v17  }
0x357: {  	v18 =	vadd.s32 v4, v16;
	v17 =	vld [tilespmem:s8+$0x7D10];
	_ =	sdelay $0x4  }
0x358: {  	[tilespmem:v18+s30+$0x0] =	vst.idx.msk $0xffff, v17  }
0x359: {  	v18 =	vadd.s32 v5, v16;
	v17 =	vld [tilespmem:s8+$0x8350];
	_ =	sdelay $0x4  }
0x35a: {  	[tilespmem:v18+s30+$0x0] =	vst.idx.msk $0xffff, v17  }
0x35b: {  	v18 =	vadd.s32 v6, v16;
	v17 =	vld [tilespmem:s8+$0x8990];
	_ =	sdelay $0x4  }
0x35c: {  	[tilespmem:v18+s30+$0x0] =	vst.idx.msk $0xffff, v17  }
0x35d: {  	v18 =	vadd.s32 v7, v16;
	v17 =	vld [tilespmem:s8+$0x8FD0];
	_ =	sdelay $0x4  }
0x35e: {  	[tilespmem:v18+s30+$0x0] =	vst.idx.msk $0xffff, v17  }
0x35f: {  	v18 =	vadd.s32 v8, v16;
	v17 =	vld [tilespmem:s8+$0x9610];
	_ =	sdelay $0x4  }
0x360: {  	[tilespmem:v18+s30+$0x0] =	vst.idx.msk $0xffff, v17  }
0x361: {  	v18 =	vadd.s32 v9, v16;
	v17 =	vld [tilespmem:s8+$0x9C50];
	_ =	sdelay $0x4  }
0x362: {  	[tilespmem:v18+s30+$0x0] =	vst.idx.msk $0xffff, v17  }
0x363: {  	v18 =	vadd.s32 v10, v16;
	v17 =	vld [tilespmem:s8+$0xA290];
	_ =	sdelay $0x4  }
0x364: {  	[tilespmem:v18+s30+$0x0] =	vst.idx.msk $0xffff, v17  }
0x365: {  	v18 =	vadd.s32 v11, v16;
	v17 =	vld [tilespmem:s8+$0xA8D0];
	_ =	sdelay $0x4  }
0x366: {  	[tilespmem:v18+s30+$0x0] =	vst.idx.msk $0xffff, v17  }
0x367: {  	v18 =	vadd.s32 v12, v16;
	v17 =	vld [tilespmem:s8+$0xAF10];
	_ =	sdelay $0x4  }
0x368: {  	[tilespmem:v18+s30+$0x0] =	vst.idx.msk $0xffff, v17  }
0x369: {  	v18 =	vadd.s32 v13, v16;
	v17 =	vld [tilespmem:s8+$0xB550];
	_ =	sdelay $0x4  }
0x36a: {  	[tilespmem:v18+s30+$0x0] =	vst.idx.msk $0xffff, v17  }
0x36b: {  	v18 =	vadd.s32 v14, v16;
	v17 =	vld [tilespmem:s8+$0xBB90];
	_ =	sdelay $0x4  }
0x36c: {  	[tilespmem:v18+s30+$0x0] =	vst.idx.msk $0xffff, v17  }
0x36d: {  	s9 =	sadd.s32 $0x20, s26;
	v18 =	vadd.s32 v15, v16;
	v17 =	vld [tilespmem:s8+$0xC1D0]  }
0x36e: {  	v16 =	vmov s9  }
0x36f: {  	v16 =	vmul.u32 $0x18, v16;
	_ =	sdelay $0x1  }
0x370: {  	v16 =	vbroadcast v16, $0x0  }
0x371: {  	[tilespmem:v18+s30+$0x0] =	vst.idx.msk $0xffff, v17  }
0x372: {  	v18 =	vadd.s32 v0, v16;
	v17 =	vld [tilespmem:s8+$0x6420];
	_ =	sdelay $0x4  }
0x373: {  	[tilespmem:v18+s30+$0x0] =	vst.idx.msk $0xffff, v17  }
0x374: {  	v18 =	vadd.s32 v1, v16;
	v17 =	vld [tilespmem:s8+$0x6A60];
	_ =	sdelay $0x4  }
0x375: {  	[tilespmem:v18+s30+$0x0] =	vst.idx.msk $0xffff, v17  }
0x376: {  	v18 =	vadd.s32 v2, v16;
	v17 =	vld [tilespmem:s8+$0x70A0];
	_ =	sdelay $0x4  }
0x377: {  	[tilespmem:v18+s30+$0x0] =	vst.idx.msk $0xffff, v17  }
0x378: {  	v18 =	vadd.s32 v3, v16;
	v17 =	vld [tilespmem:s8+$0x76E0];
	_ =	sdelay $0x4  }
0x379: {  	[tilespmem:v18+s30+$0x0] =	vst.idx.msk $0xffff, v17  }
0x37a: {  	v18 =	vadd.s32 v4, v16;
	v17 =	vld [tilespmem:s8+$0x7D20];
	_ =	sdelay $0x4  }
0x37b: {  	[tilespmem:v18+s30+$0x0] =	vst.idx.msk $0xffff, v17  }
0x37c: {  	v18 =	vadd.s32 v5, v16;
	v17 =	vld [tilespmem:s8+$0x8360];
	_ =	sdelay $0x4  }
0x37d: {  	[tilespmem:v18+s30+$0x0] =	vst.idx.msk $0xffff, v17  }
0x37e: {  	v18 =	vadd.s32 v6, v16;
	v17 =	vld [tilespmem:s8+$0x89A0];
	_ =	sdelay $0x4  }
0x37f: {  	[tilespmem:v18+s30+$0x0] =	vst.idx.msk $0xffff, v17  }
0x380: {  	v18 =	vadd.s32 v7, v16;
	v17 =	vld [tilespmem:s8+$0x8FE0];
	_ =	sdelay $0x4  }
0x381: {  	[tilespmem:v18+s30+$0x0] =	vst.idx.msk $0xffff, v17  }
0x382: {  	v18 =	vadd.s32 v8, v16;
	v17 =	vld [tilespmem:s8+$0x9620];
	_ =	sdelay $0x4  }
0x383: {  	[tilespmem:v18+s30+$0x0] =	vst.idx.msk $0xffff, v17  }
0x384: {  	v18 =	vadd.s32 v9, v16;
	v17 =	vld [tilespmem:s8+$0x9C60];
	_ =	sdelay $0x4  }
0x385: {  	[tilespmem:v18+s30+$0x0] =	vst.idx.msk $0xffff, v17  }
0x386: {  	v18 =	vadd.s32 v10, v16;
	v17 =	vld [tilespmem:s8+$0xA2A0];
	_ =	sdelay $0x4  }
0x387: {  	[tilespmem:v18+s30+$0x0] =	vst.idx.msk $0xffff, v17  }
0x388: {  	v18 =	vadd.s32 v11, v16;
	v17 =	vld [tilespmem:s8+$0xA8E0];
	_ =	sdelay $0x4  }
0x389: {  	[tilespmem:v18+s30+$0x0] =	vst.idx.msk $0xffff, v17  }
0x38a: {  	v18 =	vadd.s32 v12, v16;
	v17 =	vld [tilespmem:s8+$0xAF20];
	_ =	sdelay $0x4  }
0x38b: {  	[tilespmem:v18+s30+$0x0] =	vst.idx.msk $0xffff, v17  }
0x38c: {  	v18 =	vadd.s32 v13, v16;
	v17 =	vld [tilespmem:s8+$0xB560];
	_ =	sdelay $0x4  }
0x38d: {  	[tilespmem:v18+s30+$0x0] =	vst.idx.msk $0xffff, v17  }
0x38e: {  	v18 =	vadd.s32 v14, v16;
	v17 =	vld [tilespmem:s8+$0xBBA0];
	_ =	sdelay $0x4  }
0x38f: {  	[tilespmem:v18+s30+$0x0] =	vst.idx.msk $0xffff, v17  }
0x390: {  	s9 =	sadd.s32 $0x30, s26;
	v18 =	vadd.s32 v15, v16;
	v17 =	vld [tilespmem:s8+$0xC1E0]  }
0x391: {  	v16 =	vmov s9  }
0x392: {  	v16 =	vmul.u32 $0x18, v16;
	_ =	sdelay $0x1  }
0x393: {  	v16 =	vbroadcast v16, $0x0  }
0x394: {  	[tilespmem:v18+s30+$0x0] =	vst.idx.msk $0xffff, v17  }
0x395: {  	v18 =	vadd.s32 v0, v16;
	v17 =	vld [tilespmem:s8+$0x6430];
	_ =	sdelay $0x4  }
0x396: {  	[tilespmem:v18+s30+$0x0] =	vst.idx.msk $0xffff, v17  }
0x397: {  	v18 =	vadd.s32 v1, v16;
	v17 =	vld [tilespmem:s8+$0x6A70];
	_ =	sdelay $0x4  }
0x398: {  	[tilespmem:v18+s30+$0x0] =	vst.idx.msk $0xffff, v17  }
0x399: {  	v18 =	vadd.s32 v2, v16;
	v17 =	vld [tilespmem:s8+$0x70B0];
	_ =	sdelay $0x4  }
0x39a: {  	[tilespmem:v18+s30+$0x0] =	vst.idx.msk $0xffff, v17  }
0x39b: {  	v18 =	vadd.s32 v3, v16;
	v17 =	vld [tilespmem:s8+$0x76F0];
	_ =	sdelay $0x4  }
0x39c: {  	[tilespmem:v18+s30+$0x0] =	vst.idx.msk $0xffff, v17  }
0x39d: {  	v18 =	vadd.s32 v4, v16;
	v17 =	vld [tilespmem:s8+$0x7D30];
	_ =	sdelay $0x4  }
0x39e: {  	[tilespmem:v18+s30+$0x0] =	vst.idx.msk $0xffff, v17  }
0x39f: {  	v18 =	vadd.s32 v5, v16;
	v17 =	vld [tilespmem:s8+$0x8370];
	_ =	sdelay $0x4  }
0x3a0: {  	[tilespmem:v18+s30+$0x0] =	vst.idx.msk $0xffff, v17  }
0x3a1: {  	v18 =	vadd.s32 v6, v16;
	v17 =	vld [tilespmem:s8+$0x89B0];
	_ =	sdelay $0x4  }
0x3a2: {  	[tilespmem:v18+s30+$0x0] =	vst.idx.msk $0xffff, v17  }
0x3a3: {  	v18 =	vadd.s32 v7, v16;
	v17 =	vld [tilespmem:s8+$0x8FF0];
	_ =	sdelay $0x4  }
0x3a4: {  	[tilespmem:v18+s30+$0x0] =	vst.idx.msk $0xffff, v17  }
0x3a5: {  	v18 =	vadd.s32 v8, v16;
	v17 =	vld [tilespmem:s8+$0x9630];
	_ =	sdelay $0x4  }
0x3a6: {  	[tilespmem:v18+s30+$0x0] =	vst.idx.msk $0xffff, v17  }
0x3a7: {  	v18 =	vadd.s32 v9, v16;
	v17 =	vld [tilespmem:s8+$0x9C70];
	_ =	sdelay $0x4  }
0x3a8: {  	[tilespmem:v18+s30+$0x0] =	vst.idx.msk $0xffff, v17  }
0x3a9: {  	v18 =	vadd.s32 v10, v16;
	v17 =	vld [tilespmem:s8+$0xA2B0];
	_ =	sdelay $0x4  }
0x3aa: {  	[tilespmem:v18+s30+$0x0] =	vst.idx.msk $0xffff, v17  }
0x3ab: {  	v18 =	vadd.s32 v11, v16;
	v17 =	vld [tilespmem:s8+$0xA8F0];
	_ =	sdelay $0x4  }
0x3ac: {  	[tilespmem:v18+s30+$0x0] =	vst.idx.msk $0xffff, v17  }
0x3ad: {  	v18 =	vadd.s32 v12, v16;
	v17 =	vld [tilespmem:s8+$0xAF30];
	_ =	sdelay $0x4  }
0x3ae: {  	[tilespmem:v18+s30+$0x0] =	vst.idx.msk $0xffff, v17  }
0x3af: {  	v18 =	vadd.s32 v13, v16;
	v17 =	vld [tilespmem:s8+$0xB570];
	_ =	sdelay $0x4  }
0x3b0: {  	[tilespmem:v18+s30+$0x0] =	vst.idx.msk $0xffff, v17  }
0x3b1: {  	v18 =	vadd.s32 v14, v16;
	v17 =	vld [tilespmem:s8+$0xBBB0];
	_ =	sdelay $0x2  }
.Ltmp10:
0x3b2: {  	(pc) =	sbr.rel @p0 .LBB2_5-.Ltmp10, $4  }
0x3b3: {  	_ = 	snop  }
0x3b4: {  	[tilespmem:v18+s30+$0x0] =	vst.idx.msk $0xffff, v17  }
0x3b5: {  	s26 =	sadd.s32 $0x40, s26;
	v18 =	vadd.s32 v15, v16;
	v17 =	vld [tilespmem:s8+$0xC1F0]  }
0x3b6: {  	s7 =	sadd.s32 $0x100, s7;
	v16 =	vmov s26  }
0x3b7: {  	_ = 	snop  }
0x3b8: {  	v16 =	vmul.u32 $0x18, v16;
	_ =	sdelay $0x1  }
0x3b9: {  	v16 =	vbroadcast v16, $0x0  }
0x3ba: {  	s7 =	sshra.s32 s28, $0x2;
	[tilespmem:v18+s30+$0x0] =	vst.idx.msk $0xffff, v17  }
0x3bb: {  	v17 =	vld [tilespmem:s7+$0x6400];
	v46 =	vor.u32 v0, v16;
	_ =	sdelay $0x4  }
0x3bc: {  	[tilespmem:v46+s30+$0x0] =	vst.idx.msk $0xffff, v17  }
0x3bd: {  	v47 =	vor.u32 v1, v16;
	v17 =	vld [tilespmem:s7+$0x6A40];
	_ =	sdelay $0x4  }
0x3be: {  	[tilespmem:v47+s30+$0x0] =	vst.idx.msk $0xffff, v17  }
0x3bf: {  	v48 =	vor.u32 v2, v16;
	v17 =	vld [tilespmem:s7+$0x7080];
	_ =	sdelay $0x4  }
0x3c0: {  	[tilespmem:v48+s30+$0x0] =	vst.idx.msk $0xffff, v17  }
0x3c1: {  	v49 =	vor.u32 v3, v16;
	v17 =	vld [tilespmem:s7+$0x76C0];
	_ =	sdelay $0x4  }
0x3c2: {  	[tilespmem:v49+s30+$0x0] =	vst.idx.msk $0xffff, v17  }
0x3c3: {  	v50 =	vor.u32 v4, v16;
	v17 =	vld [tilespmem:s7+$0x7D00];
	_ =	sdelay $0x4  }
0x3c4: {  	[tilespmem:v50+s30+$0x0] =	vst.idx.msk $0xffff, v17  }
0x3c5: {  	v51 =	vor.u32 v5, v16;
	v17 =	vld [tilespmem:s7+$0x8340];
	_ =	sdelay $0x4  }
0x3c6: {  	[tilespmem:v51+s30+$0x0] =	vst.idx.msk $0xffff, v17  }
0x3c7: {  	v52 =	vor.u32 v6, v16;
	v17 =	vld [tilespmem:s7+$0x8980];
	_ =	sdelay $0x4  }
0x3c8: {  	[tilespmem:v52+s30+$0x0] =	vst.idx.msk $0xffff, v17  }
0x3c9: {  	v53 =	vor.u32 v7, v16;
	v17 =	vld [tilespmem:s7+$0x8FC0];
	_ =	sdelay $0x4  }
0x3ca: {  	[tilespmem:v53+s30+$0x0] =	vst.idx.msk $0xffff, v17  }
0x3cb: {  	v54 =	vor.u32 v8, v16;
	v17 =	vld [tilespmem:s7+$0x9600];
	_ =	sdelay $0x4  }
0x3cc: {  	[tilespmem:v54+s30+$0x0] =	vst.idx.msk $0xffff, v17  }
0x3cd: {  	v55 =	vor.u32 v9, v16;
	v17 =	vld [tilespmem:s7+$0x9C40];
	_ =	sdelay $0x4  }
0x3ce: {  	[tilespmem:v55+s30+$0x0] =	vst.idx.msk $0xffff, v17  }
0x3cf: {  	v56 =	vor.u32 v10, v16;
	v17 =	vld [tilespmem:s7+$0xA280];
	_ =	sdelay $0x4  }
0x3d0: {  	[tilespmem:v56+s30+$0x0] =	vst.idx.msk $0xffff, v17  }
0x3d1: {  	v57 =	vor.u32 v11, v16;
	v17 =	vld [tilespmem:s7+$0xA8C0];
	_ =	sdelay $0x4  }
0x3d2: {  	[tilespmem:v57+s30+$0x0] =	vst.idx.msk $0xffff, v17  }
0x3d3: {  	v58 =	vor.u32 v12, v16;
	v17 =	vld [tilespmem:s7+$0xAF00];
	_ =	sdelay $0x4  }
0x3d4: {  	[tilespmem:v58+s30+$0x0] =	vst.idx.msk $0xffff, v17  }
0x3d5: {  	v59 =	vor.u32 v13, v16;
	v17 =	vld [tilespmem:s7+$0xB540];
	_ =	sdelay $0x4  }
0x3d6: {  	[tilespmem:v59+s30+$0x0] =	vst.idx.msk $0xffff, v17  }
0x3d7: {  	v60 =	vor.u32 v14, v16;
	v17 =	vld [tilespmem:s7+$0xBB80];
	_ =	sdelay $0x4  }
0x3d8: {  	[tilespmem:v60+s30+$0x0] =	vst.idx.msk $0xffff, v17  }
0x3d9: {  	s8 =	sadd.s32 $0x10, s26;
	v16 =	vor.u32 v15, v16;
	v17 =	vld [tilespmem:s7+$0xC1C0]  }
0x3da: {  	v61 =	vmov s8  }
0x3db: {  	v18 =	vmul.u32 $0x18, v61;
	_ =	sdelay $0x1  }
0x3dc: {  	v18 =	vbroadcast v18, $0x0  }
0x3dd: {  	[tilespmem:v16+s30+$0x0] =	vst.idx.msk $0xffff, v17  }
0x3de: {  	v17 =	vadd.s32 v0, v18;
	v16 =	vld [tilespmem:s7+$0x6410];
	_ =	sdelay $0x4  }
0x3df: {  	[tilespmem:v17+s30+$0x0] =	vst.idx.msk $0xffff, v16  }
0x3e0: {  	v17 =	vadd.s32 v1, v18;
	v16 =	vld [tilespmem:s7+$0x6A50];
	_ =	sdelay $0x4  }
0x3e1: {  	[tilespmem:v17+s30+$0x0] =	vst.idx.msk $0xffff, v16  }
0x3e2: {  	v17 =	vadd.s32 v2, v18;
	v16 =	vld [tilespmem:s7+$0x7090];
	_ =	sdelay $0x4  }
0x3e3: {  	[tilespmem:v17+s30+$0x0] =	vst.idx.msk $0xffff, v16  }
0x3e4: {  	v17 =	vadd.s32 v3, v18;
	v16 =	vld [tilespmem:s7+$0x76D0];
	_ =	sdelay $0x4  }
0x3e5: {  	[tilespmem:v17+s30+$0x0] =	vst.idx.msk $0xffff, v16  }
0x3e6: {  	v17 =	vadd.s32 v4, v18;
	v16 =	vld [tilespmem:s7+$0x7D10];
	_ =	sdelay $0x4  }
0x3e7: {  	[tilespmem:v17+s30+$0x0] =	vst.idx.msk $0xffff, v16  }
0x3e8: {  	v17 =	vadd.s32 v5, v18;
	v16 =	vld [tilespmem:s7+$0x8350];
	_ =	sdelay $0x4  }
0x3e9: {  	[tilespmem:v17+s30+$0x0] =	vst.idx.msk $0xffff, v16  }
0x3ea: {  	v17 =	vadd.s32 v6, v18;
	v16 =	vld [tilespmem:s7+$0x8990];
	_ =	sdelay $0x4  }
0x3eb: {  	[tilespmem:v17+s30+$0x0] =	vst.idx.msk $0xffff, v16  }
0x3ec: {  	v17 =	vadd.s32 v7, v18;
	v16 =	vld [tilespmem:s7+$0x8FD0];
	_ =	sdelay $0x4  }
0x3ed: {  	[tilespmem:v17+s30+$0x0] =	vst.idx.msk $0xffff, v16  }
0x3ee: {  	v17 =	vadd.s32 v8, v18;
	v16 =	vld [tilespmem:s7+$0x9610];
	_ =	sdelay $0x4  }
0x3ef: {  	[tilespmem:v17+s30+$0x0] =	vst.idx.msk $0xffff, v16  }
0x3f0: {  	v17 =	vadd.s32 v9, v18;
	v16 =	vld [tilespmem:s7+$0x9C50];
	_ =	sdelay $0x4  }
0x3f1: {  	[tilespmem:v17+s30+$0x0] =	vst.idx.msk $0xffff, v16  }
0x3f2: {  	v17 =	vadd.s32 v10, v18;
	v16 =	vld [tilespmem:s7+$0xA290];
	_ =	sdelay $0x4  }
0x3f3: {  	[tilespmem:v17+s30+$0x0] =	vst.idx.msk $0xffff, v16  }
0x3f4: {  	v17 =	vadd.s32 v11, v18;
	v16 =	vld [tilespmem:s7+$0xA8D0];
	_ =	sdelay $0x4  }
0x3f5: {  	[tilespmem:v17+s30+$0x0] =	vst.idx.msk $0xffff, v16  }
0x3f6: {  	v17 =	vadd.s32 v12, v18;
	v16 =	vld [tilespmem:s7+$0xAF10];
	_ =	sdelay $0x4  }
0x3f7: {  	[tilespmem:v17+s30+$0x0] =	vst.idx.msk $0xffff, v16  }
0x3f8: {  	v17 =	vadd.s32 v13, v18;
	v16 =	vld [tilespmem:s7+$0xB550];
	_ =	sdelay $0x4  }
0x3f9: {  	[tilespmem:v17+s30+$0x0] =	vst.idx.msk $0xffff, v16  }
0x3fa: {  	v17 =	vadd.s32 v14, v18;
	v16 =	vld [tilespmem:s7+$0xBB90];
	_ =	sdelay $0x4  }
0x3fb: {  	[tilespmem:v17+s30+$0x0] =	vst.idx.msk $0xffff, v16  }
0x3fc: {  	s9 =	sadd.s32 $0x20, s26;
	v17 =	vadd.s32 v15, v18;
	v16 =	vld [tilespmem:s7+$0xC1D0]  }
0x3fd: {  	v62 =	vmov s9  }
0x3fe: {  	v18 =	vmul.u32 $0x18, v62;
	_ =	sdelay $0x1  }
0x3ff: {  	v18 =	vbroadcast v18, $0x0  }
0x400: {  	[tilespmem:v17+s30+$0x0] =	vst.idx.msk $0xffff, v16  }
0x401: {  	v17 =	vadd.s32 v0, v18;
	v16 =	vld [tilespmem:s7+$0x6420];
	_ =	sdelay $0x4  }
0x402: {  	[tilespmem:v17+s30+$0x0] =	vst.idx.msk $0xffff, v16  }
0x403: {  	v17 =	vadd.s32 v1, v18;
	v16 =	vld [tilespmem:s7+$0x6A60];
	_ =	sdelay $0x4  }
0x404: {  	[tilespmem:v17+s30+$0x0] =	vst.idx.msk $0xffff, v16  }
0x405: {  	v17 =	vadd.s32 v2, v18;
	v16 =	vld [tilespmem:s7+$0x70A0];
	_ =	sdelay $0x4  }
0x406: {  	[tilespmem:v17+s30+$0x0] =	vst.idx.msk $0xffff, v16  }
0x407: {  	v17 =	vadd.s32 v3, v18;
	v16 =	vld [tilespmem:s7+$0x76E0];
	_ =	sdelay $0x4  }
0x408: {  	[tilespmem:v17+s30+$0x0] =	vst.idx.msk $0xffff, v16  }
0x409: {  	v17 =	vadd.s32 v4, v18;
	v16 =	vld [tilespmem:s7+$0x7D20];
	_ =	sdelay $0x4  }
0x40a: {  	[tilespmem:v17+s30+$0x0] =	vst.idx.msk $0xffff, v16  }
0x40b: {  	v17 =	vadd.s32 v5, v18;
	v16 =	vld [tilespmem:s7+$0x8360];
	_ =	sdelay $0x4  }
0x40c: {  	[tilespmem:v17+s30+$0x0] =	vst.idx.msk $0xffff, v16  }
0x40d: {  	v17 =	vadd.s32 v6, v18;
	v16 =	vld [tilespmem:s7+$0x89A0];
	_ =	sdelay $0x4  }
0x40e: {  	[tilespmem:v17+s30+$0x0] =	vst.idx.msk $0xffff, v16  }
0x40f: {  	v17 =	vadd.s32 v7, v18;
	v16 =	vld [tilespmem:s7+$0x8FE0];
	_ =	sdelay $0x4  }
0x410: {  	[tilespmem:v17+s30+$0x0] =	vst.idx.msk $0xffff, v16  }
0x411: {  	v17 =	vadd.s32 v8, v18;
	v16 =	vld [tilespmem:s7+$0x9620];
	_ =	sdelay $0x4  }
0x412: {  	[tilespmem:v17+s30+$0x0] =	vst.idx.msk $0xffff, v16  }
0x413: {  	v17 =	vadd.s32 v9, v18;
	v16 =	vld [tilespmem:s7+$0x9C60];
	_ =	sdelay $0x4  }
0x414: {  	[tilespmem:v17+s30+$0x0] =	vst.idx.msk $0xffff, v16  }
0x415: {  	v17 =	vadd.s32 v10, v18;
	v16 =	vld [tilespmem:s7+$0xA2A0];
	_ =	sdelay $0x4  }
0x416: {  	[tilespmem:v17+s30+$0x0] =	vst.idx.msk $0xffff, v16  }
0x417: {  	v17 =	vadd.s32 v11, v18;
	v16 =	vld [tilespmem:s7+$0xA8E0];
	_ =	sdelay $0x4  }
0x418: {  	[tilespmem:v17+s30+$0x0] =	vst.idx.msk $0xffff, v16  }
0x419: {  	v17 =	vadd.s32 v12, v18;
	v16 =	vld [tilespmem:s7+$0xAF20];
	_ =	sdelay $0x4  }
0x41a: {  	[tilespmem:v17+s30+$0x0] =	vst.idx.msk $0xffff, v16  }
0x41b: {  	v17 =	vadd.s32 v13, v18;
	v16 =	vld [tilespmem:s7+$0xB560];
	_ =	sdelay $0x4  }
0x41c: {  	[tilespmem:v17+s30+$0x0] =	vst.idx.msk $0xffff, v16  }
0x41d: {  	v17 =	vadd.s32 v14, v18;
	v16 =	vld [tilespmem:s7+$0xBBA0];
	_ =	sdelay $0x4  }
0x41e: {  	[tilespmem:v17+s30+$0x0] =	vst.idx.msk $0xffff, v16  }
0x41f: {  	s9 =	sadd.s32 $0x30, s26;
	v17 =	vadd.s32 v15, v18;
	v16 =	vld [tilespmem:s7+$0xC1E0]  }
0x420: {  	v63 =	vmov s9  }
0x421: {  	v18 =	vmul.u32 $0x18, v63;
	_ =	sdelay $0x1  }
0x422: {  	v18 =	vbroadcast v18, $0x0  }
0x423: {  	[tilespmem:v17+s30+$0x0] =	vst.idx.msk $0xffff, v16  }
0x424: {  	v17 =	vadd.s32 v0, v18;
	v16 =	vld [tilespmem:s7+$0x6430];
	_ =	sdelay $0x4  }
0x425: {  	[tilespmem:v17+s30+$0x0] =	vst.idx.msk $0xffff, v16  }
0x426: {  	v17 =	vadd.s32 v1, v18;
	v16 =	vld [tilespmem:s7+$0x6A70];
	_ =	sdelay $0x4  }
0x427: {  	[tilespmem:v17+s30+$0x0] =	vst.idx.msk $0xffff, v16  }
0x428: {  	v17 =	vadd.s32 v2, v18;
	v16 =	vld [tilespmem:s7+$0x70B0];
	_ =	sdelay $0x4  }
0x429: {  	[tilespmem:v17+s30+$0x0] =	vst.idx.msk $0xffff, v16  }
0x42a: {  	v17 =	vadd.s32 v3, v18;
	v16 =	vld [tilespmem:s7+$0x76F0];
	_ =	sdelay $0x4  }
0x42b: {  	[tilespmem:v17+s30+$0x0] =	vst.idx.msk $0xffff, v16  }
0x42c: {  	v17 =	vadd.s32 v4, v18;
	v16 =	vld [tilespmem:s7+$0x7D30];
	_ =	sdelay $0x4  }
0x42d: {  	[tilespmem:v17+s30+$0x0] =	vst.idx.msk $0xffff, v16  }
0x42e: {  	v17 =	vadd.s32 v5, v18;
	v16 =	vld [tilespmem:s7+$0x8370];
	_ =	sdelay $0x4  }
0x42f: {  	[tilespmem:v17+s30+$0x0] =	vst.idx.msk $0xffff, v16  }
0x430: {  	v17 =	vadd.s32 v6, v18;
	v16 =	vld [tilespmem:s7+$0x89B0];
	_ =	sdelay $0x4  }
0x431: {  	[tilespmem:v17+s30+$0x0] =	vst.idx.msk $0xffff, v16  }
0x432: {  	v17 =	vadd.s32 v7, v18;
	v16 =	vld [tilespmem:s7+$0x8FF0];
	_ =	sdelay $0x4  }
0x433: {  	[tilespmem:v17+s30+$0x0] =	vst.idx.msk $0xffff, v16  }
0x434: {  	v17 =	vadd.s32 v8, v18;
	v16 =	vld [tilespmem:s7+$0x9630];
	_ =	sdelay $0x4  }
0x435: {  	[tilespmem:v17+s30+$0x0] =	vst.idx.msk $0xffff, v16  }
0x436: {  	v17 =	vadd.s32 v9, v18;
	v16 =	vld [tilespmem:s7+$0x9C70];
	_ =	sdelay $0x4  }
0x437: {  	[tilespmem:v17+s30+$0x0] =	vst.idx.msk $0xffff, v16  }
0x438: {  	v17 =	vadd.s32 v10, v18;
	v16 =	vld [tilespmem:s7+$0xA2B0];
	_ =	sdelay $0x4  }
0x439: {  	[tilespmem:v17+s30+$0x0] =	vst.idx.msk $0xffff, v16  }
0x43a: {  	v17 =	vadd.s32 v11, v18;
	v16 =	vld [tilespmem:s7+$0xA8F0];
	_ =	sdelay $0x4  }
0x43b: {  	[tilespmem:v17+s30+$0x0] =	vst.idx.msk $0xffff, v16  }
0x43c: {  	v17 =	vadd.s32 v12, v18;
	v16 =	vld [tilespmem:s7+$0xAF30];
	_ =	sdelay $0x4  }
0x43d: {  	[tilespmem:v17+s30+$0x0] =	vst.idx.msk $0xffff, v16  }
0x43e: {  	v17 =	vadd.s32 v13, v18;
	v16 =	vld [tilespmem:s7+$0xB570];
	_ =	sdelay $0x4  }
0x43f: {  	[tilespmem:v17+s30+$0x0] =	vst.idx.msk $0xffff, v16  }
0x440: {  	v17 =	vadd.s32 v14, v18;
	v16 =	vld [tilespmem:s7+$0xBBB0];
	_ =	sdelay $0x4  }
0x441: {  	[tilespmem:v17+s30+$0x0] =	vst.idx.msk $0xffff, v16  }
0x442: {  	v17 =	vadd.s32 v15, v18;
	v16 =	vld [tilespmem:s7+$0xC1F0];
	_ =	sdelay $0x1  }
0x443: {  	s26 =	smul.u32 $0xC80, s25;
	_ =	sdelay $0x1  }
0x444: {  	s8 =	simm.s32 $0xC800;
	s7 =	sadd.s32 s5, s26  }
0x445: {  	s25 =	simm.s32 $0x2;
	s26 =	simm.s32 $0xC818;
	s28 =	sadd.s32 $0x0, s7;
	[tilespmem:v17+s30+$0x0] =	vst.idx.msk $0xffff, v16  }
.LBB2_7:
0x446: {  	[hbm4b:s28+s3] =	stream.linear.scatter [tilespmem:s8], [sflag:$0x3], $0x10, $0x38;
	[tilespmem:$0x15E00] =	vst v63  }
0x447: {  	s9 =	smov.u32 s25;
	s8 =	smov.u32 s26;
	p0 =	sne.s32 s25, $0xC7E  }
.Ltmp11:
0x448: {  	s25 =	sadd.s32 $0x2, s25;
	(pc) =	sbr.rel @p0 .LBB2_7-.Ltmp11, $2  }
0x449: {  	_ =	sdelay $0x2  }
0x44a: {  	s26 =	sadd.s32 $0x18, s26;
	s28 =	sadd.s32 s9, s7  }
.Ltmp12:
0x44b: {  	_ = 	snop;
	(pc) =	sbr.rel .LBB2_8-.Ltmp12, $1  }
0x44c: {  	_ =	sdelay $0x3  }
.LBB2_17:
0x44d: {  	_ =	sfence.sel $0x180000  }
0x44e: {  	[bflag:$0x0] =	sbarrier.arrive $0xFFFF  }
0x44f: {  	_ =	strace $0x90000047  }
0x450: {  	s0 =	stileid.u32;
	[bflag:$0x2] =	sbarrier.arrive $0xFFFF  }
0x451: {  	p0 =	sne.s32 s0, $0x0;
	s0 =	rddreg [dreg:$0x1]  }
0x452: {  	s0 =	sadd.s32 @!p0 $0x100000, s0  }
0x453: {  	[sflag:s0] =	ssyncadd.tile.s32 @!p0 $0x1;
	_ =	shalt  }
.Lfunc_end2:
_tile_overlayer_lowered:
.L_overlay_start_2:
0x454: {  	(tag) =	ssettag $0x2  }
0x455: {  	s0 =	rddreg [dreg:$0x0];
	s2 =	stileid.u32  }
0x456: {  	s1 =	rddreg [dreg:$0x1];
	p0 =	sne.s32 s2, $0x0  }
0x457: {  	s3 =	rddreg [dreg:$0x2];
	[bflag:$0x3] =	sbarrier.arrive $0xFFFF;
	s2 =	simm.s32 @!p0 $0x1C03  }
0x458: {  	[timem:s3], [sflag:s2] =	dma.local @!p0 [hbm:s0], s1  }
0x459: {  	s0 =	simm.s32 @!p0 $0x3  }
0x45a: {  	_ =	swait.ge @!p0 [sflag:s0], s1  }
0x45b: {  	s1 =	ssub.s32 @!p0 $0x0, s1;
	[sflag:s0] =	ssyncset.done @!p0 $0x0  }
0x45c: {  	[sflag:s0] =	ssyncadd.s32 @!p0 s1  }
0x45d: {  	[bflag:$0x3] =	sbarrier.arrive $0xFFFF  }
0x45e: {  	_ =	shalt  }

// kernel: kernel.9.cloned.1.call-start
scs
__scs_entry_jumppad:
0x0: {  	(pc) =	sbr.rel $0x88, $3  }
0x1: {  	(tag) =	ssettag $0x0;
	lr =	simm.s32 $0x1  }
0x2: {  	[smem:$0x3F9D] =	sst lr;
	_ =	strace $0xD0000000  }
0x3: {  	_ = 	snop  }
0x4: {  	_ = 	snop  }
0x5: {  	_ = 	snop  }
0x6: {  	_ = 	snop  }
0x7: {  	_ = 	snop  }
__scs_overlays_trampoline_lowered:
0x8: {  	[smem:$0x3FAC] =	sst s0  }
0x9: {  	[smem:$0x3FAD] =	sst s1  }
0xa: {  	[smem:$0x3FAE] =	sst s2  }
0xb: {  	[smem:$0x3FAF] =	sst s3  }
0xc: {  	[smem:$0x3FB0] =	sst s4  }
0xd: {  	[smem:$0x3FB1] =	sst s5  }
0xe: {  	[smem:$0x3FB2] =	sst s6  }
0xf: {  	[smem:$0x3FB3] =	sst s7  }
0x10: {  	[smem:$0x3FB4] =	sst s8  }
0x11: {  	[smem:$0x3FB5] =	sst s9;
	s0 =	simm.s32 @!p0 $0x0  }
0x12: {  	s1 =	sld [smem:$0x3F9B];
	s0 =	simm.s32 @p0 $0x1  }
0x13: {  	[smem:$0x3FB6] =	sst s0;
	s0 =	simm.s32 @!p1 $0x0  }
0x14: {  	s2 =	sld [smem:$0x3F9A];
	s0 =	simm.s32 @p1 $0x1  }
0x15: {  	[smem:$0x3FB7] =	sst s0;
	s0 =	simm.s32 @!p2 $0x0  }
0x16: {  	s3 =	sld [smem:$0x3FDB];
	s0 =	simm.s32 @p2 $0x1  }
0x17: {  	s4 =	simm.s32 $0x1BF5;
	[smem:$0x3FB9] =	sst s0  }
0x18: {  	s0 =	sld [smem:$0x3F9C];
	_ =	swait.ge [sflag:s4], $0x0  }
0x19: {  	s7 =	sld [smem:$0x3F9D]  }
0x1a: {  	s8 =	sadd.s32 $0xFFFFE003, lr  }
0x1b: {  	s9 =	sadd.s32 $0xFFFFFEF7, lr;
	s5 =	simm.s32 $0xFFFFFFFF;
	p2 =	slt.u32 s8, $0xFFFFF086  }
0x1c: {  	p1 =	slt.u32 s9, $0xF7A;
	s5 =	simm.s32 @!p2 $0x0  }
0x1d: {  	s5 =	simm.s32 @p1 $0x1;
	p0 =	seq.s32 s7, s2  }
0x1e: {  	s7 =	smul.u32 @!p0 $0xF7A, s2;
	p2 =	seq.s32 @!p0 s5, $0x0  }
0x1f: {  	s9 =	smul.u32 $0xF7A, s1;
	s8 =	simm.s32 @!p0 $0x1BF5;
	p2 =	por !p2, p0  }
0x20: {  	[sflag:s8] =	ssyncset.s32 @!p0 $0xFFFFF086;
	s6 =	sadd.s32 @!p0 s3, s7;
	s7 =	simm.s32 @!p0 $0x108  }
0x21: {  	s3 =	sadd.s32 s3, s9;
	s6 =	sadd.s32 @!p0 $0x88, s6;
	s7 =	simm.s32 @p2 $0x1082  }
0x22: {  	[simem:s7], [sflag:s8] =	dma.local @!p0 [hbm:s6], $0xF7A  }
0x23: {  	s9 =	sor.u32 $0xD0000000, s2;
	s6 =	simm.s32 $0x108;
	_ =	swait.ge @!p0 [sflag:s8], $0x0  }
0x24: {  	s3 =	sadd.s32 $0x88, s3;
	s6 =	simm.s32 @!p1 $0x1082;
	[sflag:s4] =	ssyncset.s32 $0xFFFFF086  }
0x25: {  	[simem:s6], [sflag:s4] =	dma.local [hbm:s3], $0xF7A  }
0x26: {  	[smem:$0x3F9D] =	sst s1;
	(tag) =	ssettag s2;
	_ =	strace s9  }
0x27: {  	s1 =	sld [smem:$0x3FAD]  }
0x28: {  	s2 =	sld [smem:$0x3FAE]  }
0x29: {  	s4 =	sld [smem:$0x3FB0]  }
0x2a: {  	p0 =	seq.s32 s5, $0x0;
	s5 =	sld [smem:$0x3FB1]  }
0x2b: {  	s6 =	sld [smem:$0x3FB2]  }
0x2c: {  	s7 =	sld [smem:$0x3FB3]  }
0x2d: {  	s3 =	simm.s32 $0x108;
	s8 =	sld [smem:$0x3FB4]  }
0x2e: {  	s3 =	simm.s32 @!p0 $0x1082;
	s9 =	sld [smem:$0x3FB5]  }
0x2f: {  	lr =	sadd.s32 s0, s3;
	s0 =	sld [smem:$0x3FAC]  }
0x30: {  	s3 =	sld [smem:$0x3FAF]  }
0x31: {  	[smem:$0x3FB8] =	sst s10  }
0x32: {  	s10 =	sld [smem:$0x3FB6];
	_ =	sdelay $0x3  }
0x33: {  	p0 =	seq.s32 s10, $0x1;
	s10 =	sld [smem:$0x3FB8];
	_ =	sdelay $0x3  }
0x34: {  	[smem:$0x3FB8] =	sst s10  }
0x35: {  	s10 =	sld [smem:$0x3FB7];
	_ =	sdelay $0x3  }
0x36: {  	p1 =	seq.s32 s10, $0x1;
	s10 =	sld [smem:$0x3FB8];
	_ =	sdelay $0x3  }
0x37: {  	[smem:$0x3FB8] =	sst s10  }
0x38: {  	s10 =	sld [smem:$0x3FB9]  }
0x39: {  	_ = 	snop;
	(pc) =	sbr.ind lr, $3  }
0x3a: {  	_ = 	snop  }
0x3b: {  	_ = 	snop  }
0x3c: {  	p2 =	seq.s32 s10, $0x1;
	s10 =	sld [smem:$0x3FB8]  }
0x3d: {  	_ =	shalt  }
0x3e: {  	_ =	shalt  }
0x3f: {  	_ =	shalt  }
0x40: {  	_ =	shalt  }
0x41: {  	_ =	shalt  }
0x42: {  	_ =	shalt  }
0x43: {  	_ =	shalt  }
0x44: {  	_ =	shalt  }
0x45: {  	_ =	shalt  }
0x46: {  	_ =	shalt  }
0x47: {  	_ =	shalt  }
0x48: {  	_ =	shalt  }
0x49: {  	_ =	shalt  }
0x4a: {  	_ =	shalt  }
0x4b: {  	_ =	shalt  }
0x4c: {  	_ =	shalt  }
0x4d: {  	_ =	shalt  }
0x4e: {  	_ =	shalt  }
0x4f: {  	_ =	shalt  }
0x50: {  	_ =	shalt  }
0x51: {  	_ =	shalt  }
0x52: {  	_ =	shalt  }
0x53: {  	_ =	shalt  }
0x54: {  	_ =	shalt  }
0x55: {  	_ =	shalt  }
0x56: {  	_ =	shalt  }
0x57: {  	_ =	shalt  }
0x58: {  	_ =	shalt  }
0x59: {  	_ =	shalt  }
0x5a: {  	_ =	shalt  }
0x5b: {  	_ =	shalt  }
0x5c: {  	_ =	shalt  }
0x5d: {  	_ =	shalt  }
0x5e: {  	_ =	shalt  }
0x5f: {  	_ =	shalt  }
0x60: {  	_ =	shalt  }
0x61: {  	_ =	shalt  }
0x62: {  	_ =	shalt  }
0x63: {  	_ =	shalt  }
0x64: {  	_ =	shalt  }
0x65: {  	_ =	shalt  }
0x66: {  	_ =	shalt  }
0x67: {  	_ =	shalt  }
0x68: {  	_ =	shalt  }
0x69: {  	_ =	shalt  }
0x6a: {  	_ =	shalt  }
0x6b: {  	_ =	shalt  }
0x6c: {  	_ =	shalt  }
0x6d: {  	_ =	shalt  }
0x6e: {  	_ =	shalt  }
0x6f: {  	_ =	shalt  }
0x70: {  	_ =	shalt  }
0x71: {  	_ =	shalt  }
0x72: {  	_ =	shalt  }
0x73: {  	_ =	shalt  }
0x74: {  	_ =	shalt  }
0x75: {  	_ =	shalt  }
0x76: {  	_ =	shalt  }
0x77: {  	_ =	shalt  }
0x78: {  	_ =	shalt  }
0x79: {  	_ =	shalt  }
0x7a: {  	_ =	shalt  }
0x7b: {  	_ =	shalt  }
0x7c: {  	_ =	shalt  }
0x7d: {  	_ =	shalt  }
0x7e: {  	_ =	shalt  }
0x7f: {  	_ =	shalt  }
0x80: {  	_ =	shalt  }
0x81: {  	_ =	shalt  }
0x82: {  	_ =	shalt  }
0x83: {  	_ =	shalt  }
0x84: {  	_ =	shalt  }
0x85: {  	_ =	shalt  }
0x86: {  	_ =	shalt  }
0x87: {  	_ =	shalt  }
.Lfunc_end0:
.L_simem_size_0:
called_computation.1_lowered:
.L_overlay_start_0:
0x88: {  	s2 =	sld [smem:$0x3FD9]  }
0x89: {  	s3 =	sld [smem:$0x3FFE];
	_ =	sdelay $0x1  }
0x8a: {  	s1 =	srdreg.scid  }
0x8b: {  	s0 =	sand.u32 $0x1, s1  }
0x8c: {  	s17 =	sshll.u32 s0, $0xA;
	s2 =	sadd.s32 s3, s2  }
0x8d: {  	s2 =	sadd.s32 s2, s17  }
0x8e: {  	[smem:$0x3FC4] =	sst s2  }
0x8f: {  	_ = 	snop  }
0x90: {  	s2 =	sld [smem:$0x3FD0];
	(tm) =	ssettm $0x1  }
0x91: {  	s18 =	sld [smem:$0x3FFB];
	_ =	sdelay $0x3  }
0x92: {  	_ =	strace s18  }
0x93: {  	s3 =	sld [smem:$0x3FFC];
	_ =	sdelay $0x3  }
0x94: {  	_ =	strace s3  }
0x95: {  	s3 =	sld [smem:$0x3FFD];
	_ =	sdelay $0x3  }
0x96: {  	_ =	strace s3  }
0x97: {  	_ =	strace $0x8FFFFFFF  }
0x98: {  	s19 =	sld [smem:$0x3FDB];
	_ =	sdelay $0x1  }
0x99: {  	s4 =	simm.s32 $_scs_section_size  }
0x9a: {  	s5 =	simm.s32 $_size__tile_overlayer_lowered;
	s6 =	simm.s32 $_tile_overlayer_lowered  }
0x9b: {  	s22 =	simm.s32 $0x1BFF;
	s21 =	sshll.u32 s6, $0x1;
	s3 =	sadd.s32 s4, s19  }
0x9c: {  	s7 =	simm.s32 $0x0;
	s20 =	sshll.u32 s5, $0x1;
	s5 =	sadd.s32 s21, s3  }
0x9d: {  	[timem:s7], [sflag:s22] =	dma.local [hbm:s5], s20  }
0x9e: {  	_ =	swait.ge [sflag:s22], s20  }
0x9f: {  	s4 =	ssub.s32 $0x0, s20;
	[sflag:s22] =	ssyncset.done $0x0  }
0xa0: {  	[sflag:s22] =	ssyncadd.s32 s4;
	_ =	sdelay $0x1  }
0xa1: {  	s23 =	simm.s32 $0x1B8B  }
0xa2: {  	_ =	swait.ge [sflag:s23], $0x1  }
0xa3: {  	[sflag:s23] =	ssyncset.done $0x0  }
0xa4: {  	s25 =	simm.s32 $0x1B8E;
	s24 =	sld [smem:$0x3FFE];
	[sflag:s23] =	ssyncadd.s32 $0xFFFFFFFF  }
0xa5: {  	s26 =	simm.s32 $execute0_lowered;
	[smem:$0x3FD2] =	sst s25  }
0xa6: {  	s5 =	sshll.u32 s26, $0x1;
	_ =	strace $0x80000049;
	[dreg:$0x1] =	wrdreg $0xFFFFFFFF  }
0xa7: {  	s28 =	simm.s32 $_size_execute0_lowered;
	s3 =	sadd.s32 s3, s5;
	[dreg:$0x0] =	wrdreg $0x0  }
0xa8: {  	s5 =	sshll.u32 s28, $0x1;
	[dreg:$0x2] =	wrdreg s3  }
0xa9: {  	[dreg:$0x3] =	wrdreg s5  }
0xaa: {  	[dreg:$0x4] =	wrdreg $0xC0  }
0xab: {  	_ =	task [dreg:s7], $0x5FFFF  }
0xac: {  	[dreg:$0x1] =	wrdreg $0xFFFFFFFF  }
0xad: {  	[dreg:$0x0] =	wrdreg $0x60  }
0xae: {  	[dreg:$0x2] =	wrdreg s24  }
0xaf: {  	[dreg:$0x3] =	wrdreg s2  }
0xb0: {  	[dreg:$0x4] =	wrdreg $0x9  }
0xb1: {  	_ =	task.clear_ibuf [dreg:s7], $0x5FFFF;
	_ =	strace $0x90000049  }
0xb2: {  	s29 =	simm.s32 $0x9;
	_ =	strace $0x8000004B  }
0xb3: {  	_ =	swait.ge [sflag:s29], $0x1  }
0xb4: {  	[sflag:s29] =	ssyncadd.s32 $0xFFFFFFFF  }
0xb5: {  	_ =	strace $0x9000004B  }
0xb6: {  	_ =	sfence  }
0xb7: {  	s30 =	sld [smem:$0x0];
	_ =	sdelay $0x2  }
0xb8: {  	s31 =	sshll.u32 s1, $0xD;
	s1 =	sshrl.u32 s1, $0x2  }
0xb9: {  	s3 =	sand.u32 $0x4000, s31;
	s1 =	sadd.s32 s1, s30  }
0xba: {  	s0 =	sor.u32 s3, s0;
	s1 =	sshll.u32 s1, $0x11  }
0xbb: {  	s0 =	sor.u32 s1, s0  }
0xbc: {  	s0 =	sadd.s32 $0x8F2B, s0  }
0xbd: {  	[sflag:s0] =	ssyncadd.remote.s32 $0x1  }
0xbe: {  	_ =	sfence.sel $0xFFFF  }
0xbf: {  	[dreg:$0x0] =	wrdreg $0xFFFFFFFF;
	(pc) =	sbr.abs _section_cstart, $3  }
0xc0: {  	[dreg:$0x1] =	wrdreg $0xFFFFFFFF  }
0xc1: {  	_ =	task.clear_ibuf [dreg:s7], $0x2FFFF;
	_ =	strace $0x9FFFFFFF  }
0xc2: {  	(tm) =	ssettm $0x7FFFFFFF  }
0xc3: {  	_ =	shalt  }
tec
execute0_lowered:
.L_overlay_start_1:
0x0: {  	(tag) =	ssettag $0x1  }
0x1: {  	s0 =	srdreg.scid;
	s1 =	rddreg [dreg:$0x0]  }
0x2: {  	s2 =	stileid.u32;
	s5 =	rddreg [dreg:$0x1];
	s8 =	simm.s32 $0x64  }
0x3: {  	s16 =	simm.s32 $0x1A0;
	s17 =	simm.s32 $0x8100;
	s18 =	simm.s32 $0x208  }
0x4: {  	s19 =	simm.s32 $0x8740;
	s20 =	simm.s32 $0x270;
	s21 =	simm.s32 $0x8D80  }
0x5: {  	s22 =	simm.s32 $0x2D8;
	s23 =	simm.s32 $0x93C0;
	s24 =	simm.s32 $0x1  }
0x6: {  	s25 =	simm.s32 $0x2;
	s28 =	simm.s32 $0x4;
	s29 =	simm.s32 $0x5  }
0x7: {  	s30 =	simm.s32 $0x6;
	s0 =	sand.u32 $0x1, s0;
	s2 =	sshll.u32 s2, $0x1  }
0x8: {  	s31 =	simm.s32 $0x7;
	s9 =	simm.s32 $0x0;
	s4 =	sor.u32 s0, s2  }
0x9: {  	s2 =	simm.s32 $0x0;
	s0 =	ssub.s32 $0x2, s0;
	s3 =	smul.u32 $0xD00, s4  }
.Ltmp0:
0xa: {  	[smem:$0x7FF] =	sst s2;
	s7 =	sshrl.u32 s0, $0x1;
	(pc) =	sbr.rel .LBB2_1-.Ltmp0, $4  }
0xb: {  	s26 =	sshll.u32 s4, $0x8;
	_ =	strace $0x8000004A;
	s0 =	ssub.s32 s0, s7  }
0xc: {  	s5 =	sadd.s32 s5, s26;
	s7 =	simm.s32 $0x9;
	s26 =	simm.s32 $0x3  }
0xd: {  	s6 =	sadd.s32 s3, s1;
	s3 =	sadd.s32 $0x1E9200, s1;
	s1 =	simm.s32 $0x8  }
0xe: {  	s4 =	sadd.s32 $0x3D1800, s6;
	s6 =	smax.u32 s0, $0x1;
	s0 =	simm.s32 $0x9A00  }
.LBB2_20:
0xf: {  	s9 =	sadd.s32 $0x1, s9  }
0x10: {  	p0 =	sne.s32 s9, s6  }
.Ltmp1:
0x11: {  	[tilespmem:s11+$0x9A30] =	vst v0;
	(pc) =	sbr.rel @!p0 .LBB2_21-.Ltmp1, $4  }
0x12: {  	[hbm4b:s5+s2] =	stream.linear.scatter [tilespmem:s0], [sflag:$0x9], $0x800, $0x38;
	[tilespmem:$0xA200] =	vst v63  }
0x13: {  	_ =	swait.ge [sflag:s7], $0x800  }
0x14: {  	[sflag:s7] =	ssyncset.done $0x0  }
0x15: {  	[sflag:s7] =	ssyncadd.s32 $0xFFFFF800  }
.LBB2_1:
0x16: {  	[tilespmem:s2], [sflag:$0x9] =	stream.linear.gather [hbm4b:s4+s2], $0x6800, $0x38;
	[tilespmem:$0xA200] =	vst v63  }
0x17: {  	_ =	swait.ge [sflag:s7], $0x6800  }
0x18: {  	[sflag:s7] =	ssyncset.done $0x0  }
0x19: {  	s10 =	simm.s32 $0x6800;
	[sflag:s7] =	ssyncadd.s32 $0xFFFF9800  }
0x1a: {  	[tilespmem:s10], [sflag:$0x1] =	stream.indirect.gather [hbm4b:s3+s8], $0x10, s2, s8, $0xb8;
	[tilespmem:$0xA200] =	vst v63  }
0x1b: {  	s15 =	simm.s32 $0x68;
	s11 =	simm.s32 $0x6E40  }
0x1c: {  	[tilespmem:s11], [sflag:$0x2] =	stream.indirect.gather [hbm4b:s3+s8], $0x10, s15, s8, $0xb8;
	[tilespmem:$0xA200] =	vst v63  }
0x1d: {  	s12 =	simm.s32 $0xD0;
	s13 =	simm.s32 $0x7480  }
0x1e: {  	[tilespmem:s13], [sflag:$0x3] =	stream.indirect.gather [hbm4b:s3+s8], $0x10, s12, s8, $0xb8;
	[tilespmem:$0xA200] =	vst v63  }
0x1f: {  	s14 =	simm.s32 $0x138;
	s15 =	simm.s32 $0x7AC0  }
0x20: {  	[tilespmem:s15], [sflag:$0x4] =	stream.indirect.gather [hbm4b:s3+s8], $0x10, s14, s8, $0xb8;
	[tilespmem:$0xA200] =	vst v63  }
0x21: {  	_ = 	snop  }
0x22: {  	[tilespmem:s17], [sflag:$0x5] =	stream.indirect.gather [hbm4b:s3+s8], $0x10, s16, s8, $0xb8;
	[tilespmem:$0xA200] =	vst v63  }
0x23: {  	_ = 	snop  }
0x24: {  	[tilespmem:s19], [sflag:$0x6] =	stream.indirect.gather [hbm4b:s3+s8], $0x10, s18, s8, $0xb8;
	[tilespmem:$0xA200] =	vst v63  }
0x25: {  	_ = 	snop  }
0x26: {  	[tilespmem:s21], [sflag:$0x7] =	stream.indirect.gather [hbm4b:s3+s8], $0x10, s20, s8, $0xb8;
	[tilespmem:$0xA200] =	vst v63  }
0x27: {  	s10 =	simm.s32 $0x0  }
0x28: {  	[tilespmem:s23], [sflag:$0x8] =	stream.indirect.gather [hbm4b:s3+s8], $0x10, s22, s8, $0xb8;
	[tilespmem:$0xA200] =	vst v63  }
.LBB2_2:
0x29: {  	_ =	swait.ge [sflag:s24], $0x640  }
0x2a: {  	[sflag:s24] =	ssyncset.done $0x0  }
0x2b: {  	s11 =	simm.s32 $0x0;
	[sflag:s24] =	ssyncadd.s32 $0xFFFFF9C0  }
0x2c: {  	v0 =	vld [tilespmem:s11+$0x6800];
	_ =	sdelay $0x2  }
0x2d: {  	v2 =	vld [tilespmem:s11+$0x6810]  }
0x2e: {  	v1 =	vimm.f32 $0.0e+00  }
0x2f: {  	v3 =	vadd.f32 v0, v1;
	v1 =	vld [tilespmem:s11+$0x6820];
	_ =	sdelay $0x1  }
0x30: {  	v0 =	vld [tilespmem:s11+$0x6830]  }
0x31: {  	s12 =	simm.s32 $0x200;
	s11 =	simm.s32 $0x40;
	v2 =	vadd.f32 v2, v3  }
.LBB2_3:
0x32: {  	p0 =	sne.s32 s12, $0x1800;
	v3 =	vld [tilespmem:s11+$0x6800]  }
0x33: {  	v1 =	vadd.f32 v1, v2  }
0x34: {  	v2 =	vld [tilespmem:s11+$0x6810]  }
.Ltmp2:
0x35: {  	v0 =	vadd.f32 v0, v1;
	(pc) =	sbr.rel @p0 .LBB2_3-.Ltmp2, $4  }
0x36: {  	v1 =	vld [tilespmem:s11+$0x6820]  }
0x37: {  	v3 =	vadd.f32 v3, v0  }
0x38: {  	v0 =	vld [tilespmem:s11+$0x6830]  }
0x39: {  	s11 =	sshra.s32 s12, $0x2;
	s12 =	sadd.s32 $0x100, s12;
	v2 =	vadd.f32 v2, v3  }
0x3a: {  	p0 =	seq.s32 s10, $0x1F  }
0x3b: {  	v3 =	vld [tilespmem:s11+$0x6800];
	s12 =	smul.u32 @!p0 $0xD00, s10  }
0x3c: {  	v4 =	vld [tilespmem:s11+$0x6820];
	v1 =	vadd.f32 v1, v2  }
0x3d: {  	v2 =	vld [tilespmem:s11+$0x6810];
	s12 =	sshra.s32 @!p0 s12, $0x2  }
0x3e: {  	s13 =	simm.s32 @!p0 $0x64;
	s14 =	simm.s32 @!p0 $0x6800;
	v0 =	vadd.f32 v0, v1;
	v1 =	vld [tilespmem:s11+$0x6830];
	s11 =	sadd.s32 @!p0 $0x340, s12  }
0x3f: {  	[tilespmem:s14], [sflag:$0x1] =	stream.indirect.gather @!p0 [hbm4b:s3+s13], $0x10, s11, s13, $0xb8;
	[tilespmem:$0xA200] =	vst v63  }
0x40: {  	v0 =	vadd.f32 v3, v0;
	_ =	swait.ge [sflag:s25], $0x640  }
0x41: {  	[sflag:s25] =	ssyncset.done $0x0  }
0x42: {  	s15 =	simm.s32 $0x0;
	v0 =	vadd.f32 v2, v0;
	[sflag:s25] =	ssyncadd.s32 $0xFFFFF9C0  }
0x43: {  	v2 =	vld [tilespmem:s15+$0x6E40]  }
0x44: {  	v0 =	vadd.f32 v4, v0  }
0x45: {  	v3 =	vld [tilespmem:s15+$0x6E50]  }
0x46: {  	v0 =	vadd.f32 v1, v0  }
0x47: {  	v1 =	vld [tilespmem:s15+$0x6E60]  }
0x48: {  	v2 =	vadd.f32 v2, v0  }
0x49: {  	v0 =	vld [tilespmem:s15+$0x6E70]  }
0x4a: {  	s11 =	simm.s32 $0x40;
	s13 =	simm.s32 $0x200;
	v2 =	vadd.f32 v3, v2  }
.LBB2_5:
0x4b: {  	p1 =	sne.s32 s13, $0x1800;
	v3 =	vld [tilespmem:s11+$0x6E40]  }
0x4c: {  	v1 =	vadd.f32 v1, v2  }
0x4d: {  	v2 =	vld [tilespmem:s11+$0x6E50]  }
.Ltmp3:
0x4e: {  	v0 =	vadd.f32 v0, v1;
	(pc) =	sbr.rel @p1 .LBB2_5-.Ltmp3, $4  }
0x4f: {  	v1 =	vld [tilespmem:s11+$0x6E60]  }
0x50: {  	v3 =	vadd.f32 v3, v0  }
0x51: {  	v0 =	vld [tilespmem:s11+$0x6E70]  }
0x52: {  	s11 =	sshra.s32 s13, $0x2;
	s13 =	sadd.s32 $0x100, s13;
	v2 =	vadd.f32 v2, v3  }
0x53: {  	v3 =	vld [tilespmem:s11+$0x6E40]  }
0x54: {  	v1 =	vadd.f32 v1, v2  }
0x55: {  	v2 =	vld [tilespmem:s11+$0x6E50]  }
0x56: {  	v0 =	vadd.f32 v0, v1  }
0x57: {  	v1 =	vld [tilespmem:s11+$0x6E60]  }
0x58: {  	v0 =	vadd.f32 v3, v0  }
0x59: {  	v3 =	vld [tilespmem:s11+$0x6E70]  }
0x5a: {  	v0 =	vadd.f32 v2, v0;
	_ =	sdelay $0x1  }
0x5b: {  	s13 =	simm.s32 @!p0 $0x64;
	s14 =	simm.s32 @!p0 $0x6E40;
	s11 =	sadd.s32 @!p0 $0x3A8, s12;
	v0 =	vadd.f32 v1, v0  }
0x5c: {  	[tilespmem:s14], [sflag:$0x2] =	stream.indirect.gather @!p0 [hbm4b:s3+s13], $0x10, s11, s13, $0xb8;
	[tilespmem:$0xA200] =	vst v63  }
0x5d: {  	s14 =	sshll.u32 s10, $0x6;
	v0 =	vadd.f32 v3, v0  }
0x5e: {  	s11 =	sand.u32 $0x3FFFFFC0, s14  }
0x5f: {  	[tilespmem:s11+$0x9A00] =	vst v0  }
0x60: {  	_ =	swait.ge [sflag:s26], $0x640  }
0x61: {  	[sflag:s26] =	ssyncset.done $0x0  }
0x62: {  	s15 =	simm.s32 $0x0;
	[sflag:s26] =	ssyncadd.s32 $0xFFFFF9C0  }
0x63: {  	v0 =	vld [tilespmem:s15+$0x7480];
	_ =	sdelay $0x2  }
0x64: {  	v2 =	vld [tilespmem:s15+$0x7490]  }
0x65: {  	v1 =	vimm.f32 $0.0e+00  }
0x66: {  	v3 =	vadd.f32 v0, v1;
	v1 =	vld [tilespmem:s15+$0x74A0];
	_ =	sdelay $0x1  }
0x67: {  	v0 =	vld [tilespmem:s15+$0x74B0]  }
0x68: {  	s13 =	simm.s32 $0x40;
	s14 =	simm.s32 $0x200;
	v2 =	vadd.f32 v2, v3  }
.LBB2_7:
0x69: {  	p1 =	sne.s32 s14, $0x1800;
	v3 =	vld [tilespmem:s13+$0x7480]  }
0x6a: {  	v1 =	vadd.f32 v1, v2  }
0x6b: {  	v2 =	vld [tilespmem:s13+$0x7490]  }
.Ltmp4:
0x6c: {  	v0 =	vadd.f32 v0, v1;
	(pc) =	sbr.rel @p1 .LBB2_7-.Ltmp4, $4  }
0x6d: {  	v1 =	vld [tilespmem:s13+$0x74A0]  }
0x6e: {  	v3 =	vadd.f32 v3, v0  }
0x6f: {  	v0 =	vld [tilespmem:s13+$0x74B0]  }
0x70: {  	s13 =	sshra.s32 s14, $0x2;
	s14 =	sadd.s32 $0x100, s14;
	v2 =	vadd.f32 v2, v3  }
0x71: {  	v3 =	vld [tilespmem:s13+$0x7480]  }
0x72: {  	v4 =	vld [tilespmem:s13+$0x74A0];
	v1 =	vadd.f32 v1, v2  }
0x73: {  	v2 =	vld [tilespmem:s13+$0x7490]  }
0x74: {  	s14 =	simm.s32 @!p0 $0x64;
	s15 =	simm.s32 @!p0 $0x7480;
	v0 =	vadd.f32 v0, v1;
	v1 =	vld [tilespmem:s13+$0x74B0];
	s13 =	sadd.s32 @!p0 $0x410, s12  }
0x75: {  	[tilespmem:s15], [sflag:$0x3] =	stream.indirect.gather @!p0 [hbm4b:s3+s14], $0x10, s13, s14, $0xb8;
	[tilespmem:$0xA200] =	vst v63  }
0x76: {  	v0 =	vadd.f32 v3, v0;
	_ =	swait.ge [sflag:s28], $0x640  }
0x77: {  	[sflag:s28] =	ssyncset.done $0x0  }
0x78: {  	s15 =	simm.s32 $0x0;
	v0 =	vadd.f32 v2, v0;
	[sflag:s28] =	ssyncadd.s32 $0xFFFFF9C0  }
0x79: {  	v2 =	vld [tilespmem:s15+$0x7AC0]  }
0x7a: {  	v0 =	vadd.f32 v4, v0  }
0x7b: {  	v3 =	vld [tilespmem:s15+$0x7AD0]  }
0x7c: {  	v0 =	vadd.f32 v1, v0  }
0x7d: {  	v1 =	vld [tilespmem:s15+$0x7AE0]  }
0x7e: {  	v2 =	vadd.f32 v2, v0  }
0x7f: {  	v0 =	vld [tilespmem:s15+$0x7AF0]  }
0x80: {  	s13 =	simm.s32 $0x40;
	s14 =	simm.s32 $0x200;
	v2 =	vadd.f32 v3, v2  }
.LBB2_9:
0x81: {  	p1 =	sne.s32 s14, $0x1800;
	v3 =	vld [tilespmem:s13+$0x7AC0]  }
0x82: {  	v1 =	vadd.f32 v1, v2  }
0x83: {  	v2 =	vld [tilespmem:s13+$0x7AD0]  }
.Ltmp5:
0x84: {  	v0 =	vadd.f32 v0, v1;
	(pc) =	sbr.rel @p1 .LBB2_9-.Ltmp5, $4  }
0x85: {  	v1 =	vld [tilespmem:s13+$0x7AE0]  }
0x86: {  	v3 =	vadd.f32 v3, v0  }
0x87: {  	v0 =	vld [tilespmem:s13+$0x7AF0]  }
0x88: {  	s13 =	sshra.s32 s14, $0x2;
	s14 =	sadd.s32 $0x100, s14;
	v2 =	vadd.f32 v2, v3  }
0x89: {  	v3 =	vld [tilespmem:s13+$0x7AC0]  }
0x8a: {  	v1 =	vadd.f32 v1, v2  }
0x8b: {  	v2 =	vld [tilespmem:s13+$0x7AD0]  }
0x8c: {  	v0 =	vadd.f32 v0, v1  }
0x8d: {  	v1 =	vld [tilespmem:s13+$0x7AE0]  }
0x8e: {  	v0 =	vadd.f32 v3, v0  }
0x8f: {  	v3 =	vld [tilespmem:s13+$0x7AF0]  }
0x90: {  	v0 =	vadd.f32 v2, v0;
	_ =	sdelay $0x1  }
0x91: {  	v0 =	vadd.f32 v1, v0;
	_ =	sdelay $0x1  }
0x92: {  	s14 =	simm.s32 @!p0 $0x64;
	s15 =	simm.s32 @!p0 $0x7AC0;
	s13 =	sadd.s32 @!p0 $0x478, s12;
	v0 =	vadd.f32 v3, v0  }
0x93: {  	[tilespmem:s15], [sflag:$0x4] =	stream.indirect.gather @!p0 [hbm4b:s3+s14], $0x10, s13, s14, $0xb8;
	[tilespmem:$0xA200] =	vst v63  }
0x94: {  	[tilespmem:s11+$0x9A10] =	vst v0  }
0x95: {  	_ =	swait.ge [sflag:s29], $0x640  }
0x96: {  	[sflag:s29] =	ssyncset.done $0x0  }
0x97: {  	s15 =	simm.s32 $0x0;
	[sflag:s29] =	ssyncadd.s32 $0xFFFFF9C0  }
0x98: {  	v0 =	vld [tilespmem:s15+$0x8100];
	_ =	sdelay $0x2  }
0x99: {  	v2 =	vld [tilespmem:s15+$0x8110]  }
0x9a: {  	v1 =	vimm.f32 $0.0e+00  }
0x9b: {  	v3 =	vadd.f32 v0, v1;
	v1 =	vld [tilespmem:s15+$0x8120];
	_ =	sdelay $0x1  }
0x9c: {  	v0 =	vld [tilespmem:s15+$0x8130]  }
0x9d: {  	s13 =	simm.s32 $0x40;
	s14 =	simm.s32 $0x200;
	v2 =	vadd.f32 v2, v3  }
.LBB2_11:
0x9e: {  	p1 =	sne.s32 s14, $0x1800;
	v3 =	vld [tilespmem:s13+$0x8100]  }
0x9f: {  	v1 =	vadd.f32 v1, v2  }
0xa0: {  	v2 =	vld [tilespmem:s13+$0x8110]  }
.Ltmp6:
0xa1: {  	v0 =	vadd.f32 v0, v1;
	(pc) =	sbr.rel @p1 .LBB2_11-.Ltmp6, $4  }
0xa2: {  	v1 =	vld [tilespmem:s13+$0x8120]  }
0xa3: {  	v3 =	vadd.f32 v3, v0  }
0xa4: {  	v0 =	vld [tilespmem:s13+$0x8130]  }
0xa5: {  	s13 =	sshra.s32 s14, $0x2;
	s14 =	sadd.s32 $0x100, s14;
	v2 =	vadd.f32 v2, v3  }
0xa6: {  	v3 =	vld [tilespmem:s13+$0x8100]  }
0xa7: {  	v4 =	vld [tilespmem:s13+$0x8120];
	v1 =	vadd.f32 v1, v2  }
0xa8: {  	v2 =	vld [tilespmem:s13+$0x8110]  }
0xa9: {  	s14 =	simm.s32 @!p0 $0x64;
	s15 =	simm.s32 @!p0 $0x8100;
	v0 =	vadd.f32 v0, v1;
	v1 =	vld [tilespmem:s13+$0x8130];
	s13 =	sadd.s32 @!p0 $0x4E0, s12  }
0xaa: {  	[tilespmem:s15], [sflag:$0x5] =	stream.indirect.gather @!p0 [hbm4b:s3+s14], $0x10, s13, s14, $0xb8;
	[tilespmem:$0xA200] =	vst v63  }
0xab: {  	v0 =	vadd.f32 v3, v0;
	_ =	swait.ge [sflag:s30], $0x640  }
0xac: {  	[sflag:s30] =	ssyncset.done $0x0  }
0xad: {  	s15 =	simm.s32 $0x0;
	v0 =	vadd.f32 v2, v0;
	[sflag:s30] =	ssyncadd.s32 $0xFFFFF9C0  }
0xae: {  	v2 =	vld [tilespmem:s15+$0x8740]  }
0xaf: {  	v0 =	vadd.f32 v4, v0  }
0xb0: {  	v3 =	vld [tilespmem:s15+$0x8750]  }
0xb1: {  	v0 =	vadd.f32 v1, v0  }
0xb2: {  	v1 =	vld [tilespmem:s15+$0x8760]  }
0xb3: {  	v2 =	vadd.f32 v2, v0  }
0xb4: {  	v0 =	vld [tilespmem:s15+$0x8770]  }
0xb5: {  	s13 =	simm.s32 $0x40;
	s14 =	simm.s32 $0x200;
	v2 =	vadd.f32 v3, v2  }
.LBB2_13:
0xb6: {  	p1 =	sne.s32 s14, $0x1800;
	v3 =	vld [tilespmem:s13+$0x8740]  }
0xb7: {  	v1 =	vadd.f32 v1, v2  }
0xb8: {  	v2 =	vld [tilespmem:s13+$0x8750]  }
.Ltmp7:
0xb9: {  	v0 =	vadd.f32 v0, v1;
	(pc) =	sbr.rel @p1 .LBB2_13-.Ltmp7, $4  }
0xba: {  	v1 =	vld [tilespmem:s13+$0x8760]  }
0xbb: {  	v3 =	vadd.f32 v3, v0  }
0xbc: {  	v0 =	vld [tilespmem:s13+$0x8770]  }
0xbd: {  	s13 =	sshra.s32 s14, $0x2;
	s14 =	sadd.s32 $0x100, s14;
	v2 =	vadd.f32 v2, v3  }
0xbe: {  	v3 =	vld [tilespmem:s13+$0x8740]  }
0xbf: {  	v1 =	vadd.f32 v1, v2  }
0xc0: {  	v2 =	vld [tilespmem:s13+$0x8750]  }
0xc1: {  	v0 =	vadd.f32 v0, v1  }
0xc2: {  	v1 =	vld [tilespmem:s13+$0x8760]  }
0xc3: {  	v0 =	vadd.f32 v3, v0  }
0xc4: {  	v3 =	vld [tilespmem:s13+$0x8770]  }
0xc5: {  	v0 =	vadd.f32 v2, v0;
	_ =	sdelay $0x1  }
0xc6: {  	v0 =	vadd.f32 v1, v0;
	_ =	sdelay $0x1  }
0xc7: {  	s14 =	simm.s32 @!p0 $0x64;
	s15 =	simm.s32 @!p0 $0x8740;
	s13 =	sadd.s32 @!p0 $0x548, s12;
	v0 =	vadd.f32 v3, v0  }
0xc8: {  	[tilespmem:s15], [sflag:$0x6] =	stream.indirect.gather @!p0 [hbm4b:s3+s14], $0x10, s13, s14, $0xb8;
	[tilespmem:$0xA200] =	vst v63  }
0xc9: {  	[tilespmem:s11+$0x9A20] =	vst v0  }
0xca: {  	_ =	swait.ge [sflag:s31], $0x640  }
0xcb: {  	[sflag:s31] =	ssyncset.done $0x0  }
0xcc: {  	s15 =	simm.s32 $0x0;
	[sflag:s31] =	ssyncadd.s32 $0xFFFFF9C0  }
0xcd: {  	v0 =	vld [tilespmem:s15+$0x8D80];
	_ =	sdelay $0x2  }
0xce: {  	v2 =	vld [tilespmem:s15+$0x8D90]  }
0xcf: {  	v1 =	vimm.f32 $0.0e+00  }
0xd0: {  	v3 =	vadd.f32 v0, v1;
	v1 =	vld [tilespmem:s15+$0x8DA0];
	_ =	sdelay $0x1  }
0xd1: {  	v0 =	vld [tilespmem:s15+$0x8DB0]  }
0xd2: {  	s13 =	simm.s32 $0x40;
	s14 =	simm.s32 $0x200;
	v2 =	vadd.f32 v2, v3  }
.LBB2_15:
0xd3: {  	p1 =	sne.s32 s14, $0x1800;
	v3 =	vld [tilespmem:s13+$0x8D80]  }
0xd4: {  	v1 =	vadd.f32 v1, v2  }
0xd5: {  	v2 =	vld [tilespmem:s13+$0x8D90]  }
.Ltmp8:
0xd6: {  	v0 =	vadd.f32 v0, v1;
	(pc) =	sbr.rel @p1 .LBB2_15-.Ltmp8, $4  }
0xd7: {  	v1 =	vld [tilespmem:s13+$0x8DA0]  }
0xd8: {  	v3 =	vadd.f32 v3, v0  }
0xd9: {  	v0 =	vld [tilespmem:s13+$0x8DB0]  }
0xda: {  	s13 =	sshra.s32 s14, $0x2;
	s14 =	sadd.s32 $0x100, s14;
	v2 =	vadd.f32 v2, v3  }
0xdb: {  	v3 =	vld [tilespmem:s13+$0x8D80]  }
0xdc: {  	v4 =	vld [tilespmem:s13+$0x8DA0];
	v1 =	vadd.f32 v1, v2  }
0xdd: {  	v2 =	vld [tilespmem:s13+$0x8D90]  }
0xde: {  	s12 =	sadd.s32 @!p0 $0x5B0, s12;
	s14 =	simm.s32 @!p0 $0x8D80;
	v0 =	vadd.f32 v0, v1;
	v1 =	vld [tilespmem:s13+$0x8DB0];
	s13 =	simm.s32 @!p0 $0x64  }
0xdf: {  	[tilespmem:s14], [sflag:$0x7] =	stream.indirect.gather @!p0 [hbm4b:s3+s13], $0x10, s12, s13, $0xb8;
	[tilespmem:$0xA200] =	vst v63  }
0xe0: {  	v0 =	vadd.f32 v3, v0;
	_ =	swait.ge [sflag:s1], $0x640  }
0xe1: {  	[sflag:s1] =	ssyncset.done $0x0  }
0xe2: {  	s15 =	simm.s32 $0x0;
	v0 =	vadd.f32 v2, v0;
	[sflag:s1] =	ssyncadd.s32 $0xFFFFF9C0  }
0xe3: {  	v2 =	vld [tilespmem:s15+$0x93C0]  }
0xe4: {  	v0 =	vadd.f32 v4, v0  }
0xe5: {  	v3 =	vld [tilespmem:s15+$0x93D0]  }
0xe6: {  	v0 =	vadd.f32 v1, v0  }
0xe7: {  	v1 =	vld [tilespmem:s15+$0x93E0]  }
0xe8: {  	v2 =	vadd.f32 v2, v0  }
0xe9: {  	v0 =	vld [tilespmem:s15+$0x93F0]  }
0xea: {  	s12 =	simm.s32 $0x40;
	s13 =	simm.s32 $0x200;
	v2 =	vadd.f32 v3, v2  }
.LBB2_17:
0xeb: {  	p1 =	sne.s32 s13, $0x1800;
	v3 =	vld [tilespmem:s12+$0x93C0]  }
0xec: {  	v1 =	vadd.f32 v1, v2  }
0xed: {  	v2 =	vld [tilespmem:s12+$0x93D0]  }
.Ltmp9:
0xee: {  	v0 =	vadd.f32 v0, v1;
	(pc) =	sbr.rel @p1 .LBB2_17-.Ltmp9, $4  }
0xef: {  	v1 =	vld [tilespmem:s12+$0x93E0]  }
0xf0: {  	v3 =	vadd.f32 v3, v0  }
0xf1: {  	v0 =	vld [tilespmem:s12+$0x93F0]  }
0xf2: {  	s12 =	sshra.s32 s13, $0x2;
	s13 =	sadd.s32 $0x100, s13;
	v2 =	vadd.f32 v2, v3  }
0xf3: {  	v3 =	vld [tilespmem:s12+$0x93C0]  }
0xf4: {  	v1 =	vadd.f32 v1, v2  }
0xf5: {  	v2 =	vld [tilespmem:s12+$0x93D0]  }
0xf6: {  	v0 =	vadd.f32 v0, v1  }
0xf7: {  	v1 =	vld [tilespmem:s12+$0x93E0]  }
0xf8: {  	v0 =	vadd.f32 v3, v0  }
0xf9: {  	v3 =	vld [tilespmem:s12+$0x93F0]  }
.Ltmp10:
0xfa: {  	v0 =	vadd.f32 v2, v0;
	(pc) =	sbr.rel @p0 .LBB2_20-.Ltmp10, $3  }
0xfb: {  	_ = 	snop  }
0xfc: {  	v0 =	vadd.f32 v1, v0;
	_ =	sdelay $0x1  }
0xfd: {  	v0 =	vadd.f32 v3, v0  }
0xfe: {  	s12 =	smul.u32 $0xD00, s10  }
.Ltmp11:
0xff: {  	_ = 	snop;
	(pc) =	sbr.rel .LBB2_2-.Ltmp11, $4  }
0x100: {  	s12 =	sshra.s32 s12, $0x2  }
0x101: {  	s12 =	sadd.s32 $0x618, s12  }
0x102: {  	[tilespmem:s23], [sflag:$0x8] =	stream.indirect.gather [hbm4b:s3+s8], $0x10, s12, s8, $0xb8;
	[tilespmem:$0xA200] =	vst v63  }
0x103: {  	s10 =	sadd.s32 $0x1, s10;
	[tilespmem:s11+$0x9A30] =	vst v0  }
.LBB2_21:
0x104: {  	_ =	sfence.sel $0x180000  }
0x105: {  	[bflag:$0x0] =	sbarrier.arrive $0xFFFF  }
0x106: {  	_ =	strace $0x9000004A  }
0x107: {  	s0 =	stileid.u32;
	[bflag:$0x2] =	sbarrier.arrive $0xFFFF  }
0x108: {  	p0 =	sne.s32 s0, $0x0;
	s0 =	rddreg [dreg:$0x2]  }
0x109: {  	s0 =	sadd.s32 @!p0 $0x100000, s0  }
0x10a: {  	[sflag:s0] =	ssyncadd.tile.s32 @!p0 $0x1;
	_ =	shalt  }
.Lfunc_end2:
_tile_overlayer_lowered:
.L_overlay_start_2:
0x10b: {  	(tag) =	ssettag $0x2  }
0x10c: {  	s0 =	rddreg [dreg:$0x0];
	s2 =	stileid.u32  }
0x10d: {  	s1 =	rddreg [dreg:$0x1];
	p0 =	sne.s32 s2, $0x0  }
0x10e: {  	s3 =	rddreg [dreg:$0x2];
	[bflag:$0x3] =	sbarrier.arrive $0xFFFF;
	s2 =	simm.s32 @!p0 $0x1C09  }
0x10f: {  	[timem:s3], [sflag:s2] =	dma.local @!p0 [hbm:s0], s1  }
0x110: {  	s0 =	simm.s32 @!p0 $0x9  }
0x111: {  	_ =	swait.ge @!p0 [sflag:s0], s1  }
0x112: {  	s1 =	ssub.s32 @!p0 $0x0, s1;
	[sflag:s0] =	ssyncset.done @!p0 $0x0  }
0x113: {  	[sflag:s0] =	ssyncadd.s32 @!p0 s1  }
0x114: {  	[bflag:$0x3] =	sbarrier.arrive $0xFFFF  }
0x115: {  	_ =	shalt  }

</sc_bundles>
